<compile_context>
chip_gen: v7x
topology: tpu7x:2x2x1
jax: 0.10.2.dev20260603
libtpu: 0.0.44.dev20260713+nightly
codegen_flags: <defaults>
</compile_context>

<pallas_src>
import functools

import jax
import jax.numpy as jnp
from jax import lax
from jax.experimental import pallas as pl
from jax.experimental.pallas import tpu as pltpu
from jax.experimental.pallas import tpu_sc as plsc

N_NODES = 10000
N_PAD = 10240
N_HEADS = 8
NC, NS = 2, 16
NW = NC * NS
EK = 128
NB = 82
T_EDGES = EK * NB
E_PAD = NW * T_EDGES

_f32 = jnp.float32
_vec_mesh = plsc.VectorSubcoreMesh(core_axis_name="c", subcore_axis_name="s")
_sc_params = pltpu.CompilerParams(use_tc_tiling_on_sc=False)



def _dense1_body(x_ref, w_ref, ms_ref, md_ref, ha_ref, hb_ref, as_ref, ad_ref):
    h = jnp.dot(x_ref[...], w_ref[...], preferred_element_type=_f32)
    ha_ref[...] = h[:, :128]
    hb_ref[...] = h[:, 128:]
    a_s = jnp.dot(h, ms_ref[...], preferred_element_type=_f32)
    a_d = jnp.dot(h, md_ref[...], preferred_element_type=_f32)
    as_ref[...] = jnp.concatenate([a_s, a_s], axis=1)
    ad_ref[...] = jnp.concatenate([a_d, a_d], axis=1)


def _dense1(x, W1, M1s, M1d):
    R = 2000
    return pl.pallas_call(
        _dense1_body,
        grid=(N_NODES // R,),
        in_specs=[pl.BlockSpec((R, 128), lambda i: (i, 0)),
                  pl.BlockSpec((128, 256), lambda i: (0, 0)),
                  pl.BlockSpec((256, N_HEADS), lambda i: (0, 0)),
                  pl.BlockSpec((256, N_HEADS), lambda i: (0, 0))],
        out_specs=[pl.BlockSpec((R, 128), lambda i: (i, 0)),
                   pl.BlockSpec((R, 128), lambda i: (i, 0)),
                   pl.BlockSpec((R, 16), lambda i: (i, 0)),
                   pl.BlockSpec((R, 16), lambda i: (i, 0))],
        out_shape=[jax.ShapeDtypeStruct((N_NODES, 128), _f32),
                   jax.ShapeDtypeStruct((N_NODES, 128), _f32),
                   jax.ShapeDtypeStruct((N_NODES, 16), _f32),
                   jax.ShapeDtypeStruct((N_NODES, 16), _f32)],
    )(x, W1, M1s, M1d)


def _dense2_body(pa_ref, pb_ref, b1a_ref, b1b_ref, w2a_ref, w2b_ref,
                 ms_ref, md_ref, h2_ref, as_ref, ad_ref):
    va = pa_ref[0] + pa_ref[1] + b1a_ref[...]
    vb = pb_ref[0] + pb_ref[1] + b1b_ref[...]
    fa = jnp.where(va > 0, va, jnp.exp(va) - 1.0)
    fb = jnp.where(vb > 0, vb, jnp.exp(vb) - 1.0)
    h2 = (jnp.dot(fa, w2a_ref[...], preferred_element_type=_f32)
          + jnp.dot(fb, w2b_ref[...], preferred_element_type=_f32))
    h2_ref[...] = h2
    a_s = jnp.dot(h2, ms_ref[...], preferred_element_type=_f32)
    a_d = jnp.dot(h2, md_ref[...], preferred_element_type=_f32)
    as_ref[...] = jnp.concatenate([a_s, a_s], axis=1)
    ad_ref[...] = jnp.concatenate([a_d, a_d], axis=1)


def _dense2(partsA, partsB, b1a, b1b, W2a, W2b, M2s, M2d):
    R = 2048
    return pl.pallas_call(
        _dense2_body,
        grid=(N_PAD // R,),
        in_specs=[pl.BlockSpec((NC, R, 128), lambda i: (0, i, 0)),
                  pl.BlockSpec((NC, R, 128), lambda i: (0, i, 0)),
                  pl.BlockSpec((1, 128), lambda i: (0, 0)),
                  pl.BlockSpec((1, 128), lambda i: (0, 0)),
                  pl.BlockSpec((128, 128), lambda i: (0, 0)),
                  pl.BlockSpec((128, 128), lambda i: (0, 0)),
                  pl.BlockSpec((128, N_HEADS), lambda i: (0, 0)),
                  pl.BlockSpec((128, N_HEADS), lambda i: (0, 0))],
        out_specs=[pl.BlockSpec((R, 128), lambda i: (i, 0)),
                   pl.BlockSpec((R, 16), lambda i: (i, 0)),
                   pl.BlockSpec((R, 16), lambda i: (i, 0))],
        out_shape=[jax.ShapeDtypeStruct((N_PAD, 128), _f32),
                   jax.ShapeDtypeStruct((N_PAD, 16), _f32),
                   jax.ShapeDtypeStruct((N_PAD, 16), _f32)],
    )(partsA, partsB, b1a, b1b, W2a, W2b, M2s, M2d)


def _dcomb_body(p_ref, o_ref):
    o_ref[...] = p_ref[0] + p_ref[1] + 1e-16


def _dcomb(dpart):
    R = 2048
    return pl.pallas_call(
        _dcomb_body,
        grid=(N_PAD // R,),
        in_specs=[pl.BlockSpec((NC, R, 16), lambda i: (0, i, 0))],
        out_specs=pl.BlockSpec((R, 16), lambda i: (i, 0)),
        out_shape=jax.ShapeDtypeStruct((N_PAD, 16), _f32),
    )(dpart)


def _dense3_body(p_ref, b2_ref, o_ref):
    o_ref[...] = p_ref[0] + p_ref[1] + b2_ref[...]


def _dense3(parts, b2):
    R = 2048
    return pl.pallas_call(
        _dense3_body,
        grid=(N_PAD // R,),
        in_specs=[pl.BlockSpec((NC, R, 128), lambda i: (0, i, 0)),
                  pl.BlockSpec((1, 128), lambda i: (0, 0))],
        out_specs=pl.BlockSpec((R, 128), lambda i: (i, 0)),
        out_shape=jax.ShapeDtypeStruct((N_PAD, 128), _f32),
    )(parts, b2)



def _edge_w_body(asrc_hbm, adst_hbm, src_hbm, dst_hbm, zer_hbm,
                 w_hbm, dpart_hbm,
                 isrc0, idst0, as0, ad0, w0, sem0,
                 isrc1, idst1, as1, ad1, w1, sem1,
                 den_sp):
    c = lax.axis_index("c")
    s = lax.axis_index("s")
    tid = c * NS + s
    bufs = ((isrc0, idst0, as0, ad0, w0, sem0),
            (isrc1, idst1, as1, ad1, w1, sem1))
    pltpu.sync_copy(zer_hbm.at[pl.ds(0, 640)], den_sp.at[pl.ds(s * 640, 640)])
    plsc.subcore_barrier()

    def issue(b, p):
        isrc_v, idst_v, as_v, ad_v, _, sem = bufs[p]
        e0 = tid * T_EDGES + b * EK
        pltpu.sync_copy(src_hbm.at[pl.ds(e0, EK)], isrc_v)
        pltpu.sync_copy(dst_hbm.at[pl.ds(e0, EK)], idst_v)
        pltpu.async_copy(asrc_hbm.at[isrc_v], as_v, sem)
        pltpu.async_copy(adst_hbm.at[idst_v], ad_v, sem)

    def process(b, p):
        isrc_v, idst_v, as_v, ad_v, w_v, sem = bufs[p]
        e0 = tid * T_EDGES + b * EK
        pltpu.make_async_copy(asrc_hbm.at[isrc_v], as_v, sem).wait()
        pltpu.make_async_copy(adst_hbm.at[idst_v], ad_v, sem).wait()

        @plsc.parallel_loop(0, EK, unroll=4)
        def _edges(i):
            v = as_v[i, :] + ad_v[i, :]
            v = jnp.where(v > 0, v, 0.2 * v)
            w_v[i, :] = jnp.exp(v)

        pltpu.sync_copy(w_v, w_hbm.at[pl.ds(e0, EK)])
        pltpu.sync_copy(w_v, den_sp.at[idst_v], add=True)

    issue(0, 0)

    @pl.loop(0, NB // 2)
    def _pairs(g):
        issue(2 * g + 1, 1)
        process(2 * g, 0)

        @pl.when(2 * g + 2 < NB)
        def _():
            issue(2 * g + 2, 0)

        process(2 * g + 1, 1)

    plsc.subcore_barrier()

    @pl.when(s == 0)
    def _():
        pltpu.sync_copy(den_sp, dpart_hbm.at[c])


def _edge_w(asrc, adst, src, dst, zer16):
    ebuf = [pltpu.VMEM((EK,), jnp.int32),
            pltpu.VMEM((EK,), jnp.int32),
            pltpu.VMEM((EK, 16), _f32),
            pltpu.VMEM((EK, 16), _f32),
            pltpu.VMEM((EK, 16), _f32),
            pltpu.SemaphoreType.DMA]
    f = pl.kernel(
        _edge_w_body,
        out_type=(jax.ShapeDtypeStruct((E_PAD, 16), _f32),
                  jax.ShapeDtypeStruct((NC, N_PAD, 16), _f32)),
        mesh=_vec_mesh,
        scratch_types=ebuf + ebuf + [pltpu.VMEM_SHARED((N_PAD, 16), _f32)],
        compiler_params=_sc_params,
    )
    return f(asrc, adst, src, dst, zer16)


def _edge_msg_body(hoff, cph, store_att,
                   h_hbm, src_hbm, dst_hbm, w_hbm, dc_hbm, zer_hbm,
                   *rest):
    if store_att:
        att_hbm, opart_hbm = rest[0], rest[1]
        rest = rest[2:]
    else:
        att_hbm, opart_hbm = None, rest[0]
        rest = rest[1:]
    (isrc0, idst0, w0, dc0, h0, sem0,
     isrc1, idst1, w1, dc1, h1, sem1,
     att_v, out_sp) = rest
    c = lax.axis_index("c")
    s = lax.axis_index("s")
    tid = c * NS + s
    bufs = ((isrc0, idst0, w0, dc0, h0, sem0),
            (isrc1, idst1, w1, dc1, h1, sem1))
    pltpu.sync_copy(zer_hbm.at[pl.ds(0, 640)], out_sp.at[pl.ds(s * 640, 640)])
    plsc.subcore_barrier()

    def issue(b, p):
        isrc_v, idst_v, w_v, dc_v, h_v, sem = bufs[p]
        e0 = tid * T_EDGES + b * EK
        pltpu.async_copy(w_hbm.at[pl.ds(e0, EK)], w_v, sem)
        pltpu.sync_copy(src_hbm.at[pl.ds(e0, EK)], isrc_v)
        pltpu.sync_copy(dst_hbm.at[pl.ds(e0, EK)], idst_v)
        pltpu.async_copy(dc_hbm.at[idst_v], dc_v, sem)
        pltpu.async_copy(h_hbm.at[isrc_v], h_v, sem)

    def process(b, p):
        isrc_v, idst_v, w_v, dc_v, h_v, sem = bufs[p]
        e0 = tid * T_EDGES + b * EK
        pltpu.make_async_copy(w_hbm.at[pl.ds(e0, EK)], w_v, sem).wait()
        pltpu.make_async_copy(dc_hbm.at[idst_v], dc_v, sem).wait()
        pltpu.make_async_copy(h_hbm.at[isrc_v], h_v, sem).wait()

        @plsc.parallel_loop(0, EK, unroll=4)
        def _edges(i):
            att = w_v[i, :] / dc_v[i, :]
            if store_att:
                att_v[i, :] = att
            for j in range(8):
                sc = att[hoff + j // cph]
                h_v[i, pl.ds(j * 16, 16)] = h_v[i, pl.ds(j * 16, 16)] * sc

        if store_att:
            pltpu.sync_copy(att_v, att_hbm.at[pl.ds(e0, EK)])
        pltpu.sync_copy(h_v, out_sp.at[idst_v], add=True)

    issue(0, 0)

    @pl.loop(0, NB // 2)
    def _pairs(g):
        issue(2 * g + 1, 1)
        process(2 * g, 0)

        @pl.when(2 * g + 2 < NB)
        def _():
            issue(2 * g + 2, 0)

        process(2 * g + 1, 1)

    plsc.subcore_barrier()

    @pl.when(s == 0)
    def _():
        pltpu.sync_copy(out_sp, opart_hbm.at[c])


def _edge_msg(hoff, cph, store_att, h_tab, src, dst, w, dc, zer128):
    if store_att:
        otype = (jax.ShapeDtypeStruct((E_PAD, 16), _f32),
                 jax.ShapeDtypeStruct((NC, N_PAD, 128), _f32))
    else:
        otype = (jax.ShapeDtypeStruct((NC, N_PAD, 128), _f32),)
    ebuf = [pltpu.VMEM((EK,), jnp.int32),
            pltpu.VMEM((EK,), jnp.int32),
            pltpu.VMEM((EK, 16), _f32),
            pltpu.VMEM((EK, 16), _f32),
            pltpu.VMEM((EK, 128), _f32),
            pltpu.SemaphoreType.DMA]
    f = pl.kernel(
        functools.partial(_edge_msg_body, hoff, cph, store_att),
        out_type=otype,
        mesh=_vec_mesh,
        scratch_types=ebuf + ebuf + [pltpu.VMEM((EK, 16), _f32),
                                     pltpu.VMEM_SHARED((N_PAD, 128), _f32)],
        compiler_params=_sc_params,
    )
    return f(h_tab, src, dst, w, dc, zer128)



def _blockdiag(att):
    h, csz = att.shape
    eye = jnp.eye(h, dtype=_f32)
    return (att[:, :, None] * eye[:, None, :]).reshape(h * csz, h)


def kernel(x, edge_index, edge_attr, W1, att_src1, att_dst1, bias1,
           W2, att_src2, att_dst2, bias2):
    n = N_NODES
    loop = jnp.arange(n, dtype=edge_index.dtype)
    ei = jnp.concatenate([edge_index, jnp.stack([loop, loop], axis=0)], axis=1)
    etot = ei.shape[1]
    pad = E_PAD - etot
    src_p = jnp.concatenate([ei[0], jnp.zeros((pad,), jnp.int32)])
    pad_dst = N_NODES + (jnp.arange(pad, dtype=jnp.int32) % (N_PAD - N_NODES))
    dst_p = jnp.concatenate([ei[1], pad_dst])

    M1s, M1d = _blockdiag(att_src1), _blockdiag(att_dst1)
    M2s, M2d = _blockdiag(att_src2), _blockdiag(att_dst2)

    zer16 = jnp.zeros((640, 16), _f32)
    zer128 = jnp.zeros((640, 128), _f32)

    hA, hB, as1, ad1 = _dense1(x, W1, M1s, M1d)
    as1p = jnp.pad(as1, ((0, N_PAD - n), (0, 0)))
    ad1p = jnp.pad(ad1, ((0, N_PAD - n), (0, 0)))

    w1, dpart1 = _edge_w(as1p, ad1p, src_p, dst_p, zer16)
    dc1 = _dcomb(dpart1)
    opartA, = _edge_msg(0, 2, False, hA, src_p, dst_p, w1, dc1, zer128)
    opartB, = _edge_msg(4, 2, False, hB, src_p, dst_p, w1, dc1, zer128)

    h2t, as2, ad2 = _dense2(opartA, opartB,
                            bias1[:128].reshape(1, 128), bias1[128:].reshape(1, 128),
                            W2[:128], W2[128:], M2s, M2d)

    w2, dpart2 = _edge_w(as2, ad2, src_p, dst_p, zer16)
    dc2 = _dcomb(dpart2)
    att2, opart2 = _edge_msg(0, 1, True, h2t, src_p, dst_p, w2, dc2, zer128)

    out2 = _dense3(opart2, bias2.reshape(1, 128))
    return out2[:n], att2[:etot, :8]

# --- scband reference (transcript-rebuilt; emitter-appended) ---
"""Pipeline reference for scband-gnn-29008209117881 (READ-ONLY COPY).

The authoritative reference and input builder live on the scoring server;
editing this copy changes nothing except your own understanding.
"""

import jax, jax.numpy as jnp
import numpy as np

N = 10000
E = 320000
D_IN = 128
H = 8
C1 = 32
C2 = 16
D_EDGE = 16


def gat_layer(x, src, dst, W, att_src, att_dst, bias, n_nodes):
    # PyG GATConv semantics (edge_dim=None -> edge_attr ignored), concat=True,
    # negative_slope=0.2, add_self_loops handled by caller.
    Hh, C = att_src.shape
    h = (x @ W).reshape(n_nodes, Hh, C)
    a_src = jnp.sum(h * att_src[None, :, :], axis=-1)  # [N, H]
    a_dst = jnp.sum(h * att_dst[None, :, :], axis=-1)  # [N, H]
    alpha = a_src[src] + a_dst[dst]                    # [E, H]
    alpha = jnp.where(alpha > 0, alpha, 0.2 * alpha)   # leaky_relu(0.2)
    amax = jax.ops.segment_max(alpha, dst, num_segments=n_nodes)
    amax = jnp.where(jnp.isfinite(amax), amax, 0.0)
    ex = jnp.exp(alpha - amax[dst])
    denom = jax.ops.segment_sum(ex, dst, num_segments=n_nodes)
    att = ex / (denom[dst] + 1e-16)                    # softmax over incoming edges per dst
    msg = h[src] * att[:, :, None]                     # [E, H, C]
    out = jax.ops.segment_sum(msg, dst, num_segments=n_nodes)
    return out.reshape(n_nodes, Hh * C) + bias, att


def setup_inputs(seed: int = 0) -> dict:
    key = jax.random.key(seed)
    ks = jax.random.split(key, 12)
    x = jax.random.normal(ks[0], (N, D_IN), dtype=jnp.float32)
    edge_index = jax.random.randint(ks[1], (2, E), 0, N, dtype=jnp.int32)
    edge_attr = jax.random.normal(ks[2], (E, D_EDGE), dtype=jnp.float32)
    W1 = jax.random.normal(ks[3], (D_IN, H * C1), dtype=jnp.float32) * 0.05
    att_src1 = jax.random.normal(ks[4], (H, C1), dtype=jnp.float32) * 0.05
    att_dst1 = jax.random.normal(ks[5], (H, C1), dtype=jnp.float32) * 0.05
    bias1 = jnp.zeros((H * C1,), dtype=jnp.float32)
    W2 = jax.random.normal(ks[6], (H * C1, H * C2), dtype=jnp.float32) * 0.05
    att_src2 = jax.random.normal(ks[7], (H, C2), dtype=jnp.float32) * 0.05
    att_dst2 = jax.random.normal(ks[8], (H, C2), dtype=jnp.float32) * 0.05
    bias2 = jnp.zeros((H * C2,), dtype=jnp.float32)
    return {"x": x, "edge_index": edge_index, "edge_attr": edge_attr,
            "W1": W1, "att_src1": att_src1, "att_dst1": att_dst1, "bias1": bias1,
            "W2": W2, "att_src2": att_src2, "att_dst2": att_dst2, "bias2": bias2}


def reference(x, edge_index, edge_attr, W1, att_src1, att_dst1, bias1, W2, att_src2, att_dst2, bias2):
    n = x.shape[0]
    # add_self_loops=True (PyG default)
    loop = jnp.arange(n, dtype=edge_index.dtype)
    ei = jnp.concatenate([edge_index, jnp.stack([loop, loop], axis=0)], axis=1)
    src, dst = ei[0], ei[1]
    # NOTE: GATConv was constructed without edge_dim, so PyG ignores edge_attr.
    h1, _ = gat_layer(x, src, dst, W1, att_src1, att_dst1, bias1, n)
    h1 = jax.nn.elu(h1)
    h2, alpha = gat_layer(h1, src, dst, W2, att_src2, att_dst2, bias2, n)
    return h2, alpha

if __name__ == "__main__":
    import jax
    _d = setup_inputs()
    print(jax.jit(kernel)(*tuple(_d.values())))

</pallas_src>

<mosaic_0001>
#map = affine_map<(d0, d1) -> (0, 0)>
#map1 = affine_map<(d0, d1) -> (0)>
#map2 = affine_map<(d0, d1) -> (0, 0, 0)>
module attributes {stable_mosaic.version = 14 : i64} {
  func.func @_edge_msg_body(%arg0: i32, %arg1: i32, %arg2: memref<10000x128xf32, #tpu.memory_space<hbm>>, %arg3: memref<335872xi32, #tpu.memory_space<hbm>>, %arg4: memref<335872xi32, #tpu.memory_space<hbm>>, %arg5: memref<335872x16xf32, #tpu.memory_space<hbm>>, %arg6: memref<10240x16xf32, #tpu.memory_space<hbm>>, %arg7: memref<640x128xf32, #tpu.memory_space<hbm>>, %arg8: memref<2x10240x128xf32, #tpu.memory_space<hbm>>, %arg9: memref<128xi32, #tpu.memory_space<vmem>>, %arg10: memref<128xi32, #tpu.memory_space<vmem>>, %arg11: memref<128x16xf32, #tpu.memory_space<vmem>>, %arg12: memref<128x16xf32, #tpu.memory_space<vmem>>, %arg13: memref<128x128xf32, #tpu.memory_space<vmem>>, %arg14: memref<!tpu.dma_semaphore, #tpu.memory_space<semaphore_mem>>, %arg15: memref<128xi32, #tpu.memory_space<vmem>>, %arg16: memref<128xi32, #tpu.memory_space<vmem>>, %arg17: memref<128x16xf32, #tpu.memory_space<vmem>>, %arg18: memref<128x16xf32, #tpu.memory_space<vmem>>, %arg19: memref<128x128xf32, #tpu.memory_space<vmem>>, %arg20: memref<!tpu.dma_semaphore, #tpu.memory_space<semaphore_mem>>, %arg21: memref<128x16xf32, #tpu.memory_space<vmem>>, %arg22: memref<10240x128xf32, #tpu.memory_space<vmem_shared>>) attributes {dimension_semantics = [#tpu.dimension_semantics<core_parallel>, #tpu.dimension_semantics<subcore_parallel>], iteration_bounds = array<i64: 2, 16>, scalar_prefetch = 0 : i64, scratch_operands = 14 : i64, tpu.core_type = #tpu.core_type<sc_vector_subcore>, window_params = [{transform_indices = #map}, {transform_indices = #map1}, {transform_indices = #map1}, {transform_indices = #map}, {transform_indices = #map}, {transform_indices = #map}, {transform_indices = #map2}]} {
    %mul3A = arith.constant 16 : i32
    %mul3A_0 = arith.muli %arg0, %mul3A : i32
    %add3A = arith.addi %mul3A_0, %arg1 : i32
    %mul3A_1 = arith.constant 640 : i32
    %mul3A_2 = arith.muli %arg1, %mul3A_1 : i32
    "tpu.region"() ({
      %run_scoped3A = tpu.sem_alloc : memref<!tpu.dma_semaphore, #tpu.memory_space<semaphore_mem>>
      %dma_start3A_23 = arith.constant 0 : i32
      %dma_start3A_24 = tpu.memref_slice %arg22[%mul3A_2, %dma_start3A_23] : memref<10240x128xf32, #tpu.memory_space<vmem_shared>> -> memref<640x128xf32, #tpu.memory_space<vmem_shared>>
      %dma_start3A_25 = arith.constant 0 : i32
      %dma_start3A_26 = arith.constant 0 : i32
      %dma_start3A_27 = tpu.memref_slice %arg7[%dma_start3A_25, %dma_start3A_26] : memref<640x128xf32, #tpu.memory_space<hbm>> -> memref<640x128xf32, #tpu.memory_space<hbm>>
      tpu.enqueue_dma source(%dma_start3A_27 : memref<640x128xf32, #tpu.memory_space<hbm>>) target(%dma_start3A_24 : memref<640x128xf32, #tpu.memory_space<vmem_shared>>) target_semaphore(%run_scoped3A : memref<!tpu.dma_semaphore, #tpu.memory_space<semaphore_mem>>)
      %dma_wait3A = arith.constant 0 : i32
      %dma_wait3A_28 = tpu.memref_slice %arg22[%mul3A_2, %dma_wait3A] : memref<10240x128xf32, #tpu.memory_space<vmem_shared>> -> memref<640x128xf32, #tpu.memory_space<vmem_shared>>
      %dma_wait3A_29 = arith.constant 0 : i32
      %dma_wait3A_30 = arith.constant 0 : i32
      %dma_wait3A_31 = tpu.memref_slice %arg7[%dma_wait3A_29, %dma_wait3A_30] : memref<640x128xf32, #tpu.memory_space<hbm>> -> memref<640x128xf32, #tpu.memory_space<hbm>>
      tpu.wait_dma2 semaphore(%run_scoped3A : memref<!tpu.dma_semaphore, #tpu.memory_space<semaphore_mem>>) src(%dma_wait3A_31 : memref<640x128xf32, #tpu.memory_space<hbm>>) dst(%dma_wait3A_28 : memref<640x128xf32, #tpu.memory_space<vmem_shared>>)
      tpu.yield
    }) : () -> ()
    %barrier3A = arith.constant 0 : index
    tpu.barrier barrier_id(%barrier3A)
    %mul3A_3 = arith.constant 10496 : i32
    %mul3A_4 = arith.muli %add3A, %mul3A_3 : i32
    %add3A_5 = arith.constant 0 : i32
    %add3A_6 = arith.addi %mul3A_4, %add3A_5 : i32
    %dma_start3A = arith.constant 0 : i32
    %dma_start3A_7 = tpu.memref_slice %arg5[%add3A_6, %dma_start3A] : memref<335872x16xf32, #tpu.memory_space<hbm>> -> memref<128x16xf32, #tpu.memory_space<hbm>>
    %dma_start3A_8 = arith.constant 0 : i32
    %dma_start3A_9 = tpu.memref_slice %arg5[%add3A_6, %dma_start3A_8] : memref<335872x16xf32, #tpu.memory_space<hbm>> -> memref<128x16xf32, #tpu.memory_space<hbm>>
    tpu.enqueue_dma source(%dma_start3A_9 : memref<128x16xf32, #tpu.memory_space<hbm>>) target(%arg11 : memref<128x16xf32, #tpu.memory_space<vmem>>) target_semaphore(%arg14 : memref<!tpu.dma_semaphore, #tpu.memory_space<semaphore_mem>>)
    "tpu.region"() ({
      %run_scoped3A = tpu.sem_alloc : memref<!tpu.dma_semaphore, #tpu.memory_space<semaphore_mem>>
      %dma_start3A_23 = tpu.memref_slice %arg3[%add3A_6] : memref<335872xi32, #tpu.memory_space<hbm>> -> memref<128xi32, #tpu.memory_space<hbm>>
      %dma_start3A_24 = tpu.memref_slice %arg3[%add3A_6] : memref<335872xi32, #tpu.memory_space<hbm>> -> memref<128xi32, #tpu.memory_space<hbm>>
      tpu.enqueue_dma source(%dma_start3A_24 : memref<128xi32, #tpu.memory_space<hbm>>) target(%arg9 : memref<128xi32, #tpu.memory_space<vmem>>) target_semaphore(%run_scoped3A : memref<!tpu.dma_semaphore, #tpu.memory_space<semaphore_mem>>)
      %dma_wait3A = tpu.memref_slice %arg3[%add3A_6] : memref<335872xi32, #tpu.memory_space<hbm>> -> memref<128xi32, #tpu.memory_space<hbm>>
      %dma_wait3A_25 = tpu.memref_slice %arg3[%add3A_6] : memref<335872xi32, #tpu.memory_space<hbm>> -> memref<128xi32, #tpu.memory_space<hbm>>
      tpu.wait_dma2 semaphore(%run_scoped3A : memref<!tpu.dma_semaphore, #tpu.memory_space<semaphore_mem>>) src(%dma_wait3A_25 : memref<128xi32, #tpu.memory_space<hbm>>) dst(%arg9 : memref<128xi32, #tpu.memory_space<vmem>>)
      tpu.yield
    }) : () -> ()
    "tpu.region"() ({
      %run_scoped3A = tpu.sem_alloc : memref<!tpu.dma_semaphore, #tpu.memory_space<semaphore_mem>>
      %dma_start3A_23 = tpu.memref_slice %arg4[%add3A_6] : memref<335872xi32, #tpu.memory_space<hbm>> -> memref<128xi32, #tpu.memory_space<hbm>>
      %dma_start3A_24 = tpu.memref_slice %arg4[%add3A_6] : memref<335872xi32, #tpu.memory_space<hbm>> -> memref<128xi32, #tpu.memory_space<hbm>>
      tpu.enqueue_dma source(%dma_start3A_24 : memref<128xi32, #tpu.memory_space<hbm>>) target(%arg10 : memref<128xi32, #tpu.memory_space<vmem>>) target_semaphore(%run_scoped3A : memref<!tpu.dma_semaphore, #tpu.memory_space<semaphore_mem>>)
      %dma_wait3A = tpu.memref_slice %arg4[%add3A_6] : memref<335872xi32, #tpu.memory_space<hbm>> -> memref<128xi32, #tpu.memory_space<hbm>>
      %dma_wait3A_25 = tpu.memref_slice %arg4[%add3A_6] : memref<335872xi32, #tpu.memory_space<hbm>> -> memref<128xi32, #tpu.memory_space<hbm>>
      tpu.wait_dma2 semaphore(%run_scoped3A : memref<!tpu.dma_semaphore, #tpu.memory_space<semaphore_mem>>) src(%dma_wait3A_25 : memref<128xi32, #tpu.memory_space<hbm>>) dst(%arg10 : memref<128xi32, #tpu.memory_space<vmem>>)
      tpu.yield
    }) : () -> ()
    %dma_start3A_10 = arith.constant 0 : i32
    %dma_start3A_11 = arith.constant 0 : i32
    %dma_start3A_12 = tpu.memref_slice %arg6[%dma_start3A_10, %dma_start3A_11] : memref<10240x16xf32, #tpu.memory_space<hbm>> -> memref<10240x16xf32, #tpu.memory_space<hbm>>
    tpu.enqueue_indirect_dma source(%dma_start3A_12 : memref<10240x16xf32, #tpu.memory_space<hbm>>) target(%arg12 : memref<128x16xf32, #tpu.memory_space<vmem>>) offsets(%arg10 : memref<128xi32, #tpu.memory_space<vmem>>) semaphore(%arg14 : memref<!tpu.dma_semaphore, #tpu.memory_space<semaphore_mem>>)
    %dma_start3A_13 = arith.constant 0 : i32
    %dma_start3A_14 = arith.constant 0 : i32
    %dma_start3A_15 = tpu.memref_slice %arg2[%dma_start3A_13, %dma_start3A_14] : memref<10000x128xf32, #tpu.memory_space<hbm>> -> memref<10000x128xf32, #tpu.memory_space<hbm>>
    tpu.enqueue_indirect_dma source(%dma_start3A_15 : memref<10000x128xf32, #tpu.memory_space<hbm>>) target(%arg13 : memref<128x128xf32, #tpu.memory_space<vmem>>) offsets(%arg9 : memref<128xi32, #tpu.memory_space<vmem>>) semaphore(%arg14 : memref<!tpu.dma_semaphore, #tpu.memory_space<semaphore_mem>>)
    %scan3A = arith.constant 0 : i32
    %scan3A_16 = arith.constant 41 : i32
    %scan3A_17 = arith.addi %scan3A, %scan3A_16 : i32
    %scan3A_18 = arith.constant 1 : i32
    scf.for %scan3A_23 = %scan3A to %scan3A_17 step %scan3A_18  : i32 {
      %mul3A_24 = arith.constant 1 : i32
      %mul3A_25 = arith.muli %scan3A_23, %mul3A_24 : i32
      %add3A_26 = arith.constant 0 : i32
      %add3A_27 = arith.addi %add3A_26, %mul3A_25 : i32
      %mul3A_28 = arith.constant 2 : i32
      %mul3A_29 = arith.muli %mul3A_28, %add3A_27 : i32
      %add3A_30 = arith.constant 1 : i32
      %add3A_31 = arith.addi %mul3A_29, %add3A_30 : i32
      %mul3A_32 = arith.constant 10496 : i32
      %mul3A_33 = arith.muli %add3A, %mul3A_32 : i32
      %mul3A_34 = arith.constant 128 : i32
      %mul3A_35 = arith.muli %add3A_31, %mul3A_34 : i32
      %add3A_36 = arith.addi %mul3A_33, %mul3A_35 : i32
      %dma_start3A_37 = arith.constant 0 : i32
      %dma_start3A_38 = tpu.memref_slice %arg5[%add3A_36, %dma_start3A_37] : memref<335872x16xf32, #tpu.memory_space<hbm>> -> memref<128x16xf32, #tpu.memory_space<hbm>>
      %dma_start3A_39 = arith.constant 0 : i32
      %dma_start3A_40 = tpu.memref_slice %arg5[%add3A_36, %dma_start3A_39] : memref<335872x16xf32, #tpu.memory_space<hbm>> -> memref<128x16xf32, #tpu.memory_space<hbm>>
      tpu.enqueue_dma source(%dma_start3A_40 : memref<128x16xf32, #tpu.memory_space<hbm>>) target(%arg17 : memref<128x16xf32, #tpu.memory_space<vmem>>) target_semaphore(%arg20 : memref<!tpu.dma_semaphore, #tpu.memory_space<semaphore_mem>>)
      "tpu.region"() ({
        %run_scoped3A = tpu.sem_alloc : memref<!tpu.dma_semaphore, #tpu.memory_space<semaphore_mem>>
        %dma_start3A_95 = tpu.memref_slice %arg3[%add3A_36] : memref<335872xi32, #tpu.memory_space<hbm>> -> memref<128xi32, #tpu.memory_space<hbm>>
        %dma_start3A_96 = tpu.memref_slice %arg3[%add3A_36] : memref<335872xi32, #tpu.memory_space<hbm>> -> memref<128xi32, #tpu.memory_space<hbm>>
        tpu.enqueue_dma source(%dma_start3A_96 : memref<128xi32, #tpu.memory_space<hbm>>) target(%arg15 : memref<128xi32, #tpu.memory_space<vmem>>) target_semaphore(%run_scoped3A : memref<!tpu.dma_semaphore, #tpu.memory_space<semaphore_mem>>)
        %dma_wait3A_97 = tpu.memref_slice %arg3[%add3A_36] : memref<335872xi32, #tpu.memory_space<hbm>> -> memref<128xi32, #tpu.memory_space<hbm>>
        %dma_wait3A_98 = tpu.memref_slice %arg3[%add3A_36] : memref<335872xi32, #tpu.memory_space<hbm>> -> memref<128xi32, #tpu.memory_space<hbm>>
        tpu.wait_dma2 semaphore(%run_scoped3A : memref<!tpu.dma_semaphore, #tpu.memory_space<semaphore_mem>>) src(%dma_wait3A_98 : memref<128xi32, #tpu.memory_space<hbm>>) dst(%arg15 : memref<128xi32, #tpu.memory_space<vmem>>)
        tpu.yield
      }) : () -> ()
      "tpu.region"() ({
        %run_scoped3A = tpu.sem_alloc : memref<!tpu.dma_semaphore, #tpu.memory_space<semaphore_mem>>
        %dma_start3A_95 = tpu.memref_slice %arg4[%add3A_36] : memref<335872xi32, #tpu.memory_space<hbm>> -> memref<128xi32, #tpu.memory_space<hbm>>
        %dma_start3A_96 = tpu.memref_slice %arg4[%add3A_36] : memref<335872xi32, #tpu.memory_space<hbm>> -> memref<128xi32, #tpu.memory_space<hbm>>
        tpu.enqueue_dma source(%dma_start3A_96 : memref<128xi32, #tpu.memory_space<hbm>>) target(%arg16 : memref<128xi32, #tpu.memory_space<vmem>>) target_semaphore(%run_scoped3A : memref<!tpu.dma_semaphore, #tpu.memory_space<semaphore_mem>>)
        %dma_wait3A_97 = tpu.memref_slice %arg4[%add3A_36] : memref<335872xi32, #tpu.memory_space<hbm>> -> memref<128xi32, #tpu.memory_space<hbm>>
        %dma_wait3A_98 = tpu.memref_slice %arg4[%add3A_36] : memref<335872xi32, #tpu.memory_space<hbm>> -> memref<128xi32, #tpu.memory_space<hbm>>
        tpu.wait_dma2 semaphore(%run_scoped3A : memref<!tpu.dma_semaphore, #tpu.memory_space<semaphore_mem>>) src(%dma_wait3A_98 : memref<128xi32, #tpu.memory_space<hbm>>) dst(%arg16 : memref<128xi32, #tpu.memory_space<vmem>>)
        tpu.yield
      }) : () -> ()
      %dma_start3A_41 = arith.constant 0 : i32
      %dma_start3A_42 = arith.constant 0 : i32
      %dma_start3A_43 = tpu.memref_slice %arg6[%dma_start3A_41, %dma_start3A_42] : memref<10240x16xf32, #tpu.memory_space<hbm>> -> memref<10240x16xf32, #tpu.memory_space<hbm>>
      tpu.enqueue_indirect_dma source(%dma_start3A_43 : memref<10240x16xf32, #tpu.memory_space<hbm>>) target(%arg18 : memref<128x16xf32, #tpu.memory_space<vmem>>) offsets(%arg16 : memref<128xi32, #tpu.memory_space<vmem>>) semaphore(%arg20 : memref<!tpu.dma_semaphore, #tpu.memory_space<semaphore_mem>>)
      %dma_start3A_44 = arith.constant 0 : i32
      %dma_start3A_45 = arith.constant 0 : i32
      %dma_start3A_46 = tpu.memref_slice %arg2[%dma_start3A_44, %dma_start3A_45] : memref<10000x128xf32, #tpu.memory_space<hbm>> -> memref<10000x128xf32, #tpu.memory_space<hbm>>
      tpu.enqueue_indirect_dma source(%dma_start3A_46 : memref<10000x128xf32, #tpu.memory_space<hbm>>) target(%arg19 : memref<128x128xf32, #tpu.memory_space<vmem>>) offsets(%arg15 : memref<128xi32, #tpu.memory_space<vmem>>) semaphore(%arg20 : memref<!tpu.dma_semaphore, #tpu.memory_space<semaphore_mem>>)
      %mul3A_47 = arith.constant 2 : i32
      %mul3A_48 = arith.muli %mul3A_47, %add3A_27 : i32
      %mul3A_49 = arith.constant 10496 : i32
      %mul3A_50 = arith.muli %add3A, %mul3A_49 : i32
      %mul3A_51 = arith.constant 128 : i32
      %mul3A_52 = arith.muli %mul3A_48, %mul3A_51 : i32
      %add3A_53 = arith.addi %mul3A_50, %mul3A_52 : i32
      %dma_wait3A = arith.constant 0 : i32
      %dma_wait3A_54 = tpu.memref_slice %arg5[%add3A_53, %dma_wait3A] : memref<335872x16xf32, #tpu.memory_space<hbm>> -> memref<128x16xf32, #tpu.memory_space<hbm>>
      %dma_wait3A_55 = arith.constant 0 : i32
      %dma_wait3A_56 = tpu.memref_slice %arg5[%add3A_53, %dma_wait3A_55] : memref<335872x16xf32, #tpu.memory_space<hbm>> -> memref<128x16xf32, #tpu.memory_space<hbm>>
      tpu.wait_dma2 semaphore(%arg14 : memref<!tpu.dma_semaphore, #tpu.memory_space<semaphore_mem>>) src(%dma_wait3A_56 : memref<128x16xf32, #tpu.memory_space<hbm>>) dst(%arg11 : memref<128x16xf32, #tpu.memory_space<vmem>>)
      %dma_wait3A_57 = arith.constant 0 : i32
      %dma_wait3A_58 = arith.constant 0 : i32
      %dma_wait3A_59 = tpu.memref_slice %arg6[%dma_wait3A_57, %dma_wait3A_58] : memref<10240x16xf32, #tpu.memory_space<hbm>> -> memref<10240x16xf32, #tpu.memory_space<hbm>>
      tpu.wait_indirect_dma semaphore(%arg14 : memref<!tpu.dma_semaphore, #tpu.memory_space<semaphore_mem>>) src(%dma_wait3A_59 : memref<10240x16xf32, #tpu.memory_space<hbm>>) dst(%arg12 : memref<128x16xf32, #tpu.memory_space<vmem>>)
      %dma_wait3A_60 = arith.constant 0 : i32
      %dma_wait3A_61 = arith.constant 0 : i32
      %dma_wait3A_62 = tpu.memref_slice %arg2[%dma_wait3A_60, %dma_wait3A_61] : memref<10000x128xf32, #tpu.memory_space<hbm>> -> memref<10000x128xf32, #tpu.memory_space<hbm>>
      tpu.wait_indirect_dma semaphore(%arg14 : memref<!tpu.dma_semaphore, #tpu.memory_space<semaphore_mem>>) src(%dma_wait3A_62 : memref<10000x128xf32, #tpu.memory_space<hbm>>) dst(%arg13 : memref<128x128xf32, #tpu.memory_space<vmem>>)
      %parallel_loop3A = arith.constant 0 : i32
      %parallel_loop3A_63 = arith.constant 128 : i32
      %parallel_loop3A_64 = arith.constant 1 : i32
      scf.for %parallel_loop3A_95 = %parallel_loop3A to %parallel_loop3A_63 step %parallel_loop3A_64  : i32 {
        %parallel_loop3A_96 = arith.index_cast %parallel_loop3A_95 : i32 to index
        %parallel_loop3A_97 = arith.constant 0 : index
        %parallel_loop3A_98 = tpu.vector_load %arg11[%parallel_loop3A_96, %parallel_loop3A_97] {strides = array<i32>} : memref<128x16xf32, #tpu.memory_space<vmem>>, vector<1x16xf32>,
        %parallel_loop3A_99 = vector.shape_cast %parallel_loop3A_98 : vector<1x16xf32> to vector<16xf32>
        %parallel_loop3A_100 = arith.index_cast %parallel_loop3A_95 : i32 to index
        %parallel_loop3A_101 = arith.constant 0 : index
        %parallel_loop3A_102 = tpu.vector_load %arg12[%parallel_loop3A_100, %parallel_loop3A_101] {strides = array<i32>} : memref<128x16xf32, #tpu.memory_space<vmem>>, vector<1x16xf32>,
        %parallel_loop3A_103 = vector.shape_cast %parallel_loop3A_102 : vector<1x16xf32> to vector<16xf32>
        %parallel_loop3A_104 = arith.divf %parallel_loop3A_99, %parallel_loop3A_103 : vector<16xf32>
        %parallel_loop3A_105 = vector.extract_strided_slice %parallel_loop3A_104 {offsets = [4], sizes = [1], strides = [1]} : vector<16xf32> to vector<1xf32>
        %parallel_loop3A_106 = vector.extract %parallel_loop3A_105[0] : f32 from vector<1xf32>
        %parallel_loop3A_107 = arith.index_cast %parallel_loop3A_95 : i32 to index
        %parallel_loop3A_108 = arith.constant 0 : index
        %parallel_loop3A_109 = tpu.vector_load %arg13[%parallel_loop3A_107, %parallel_loop3A_108] {strides = array<i32>} : memref<128x128xf32, #tpu.memory_space<vmem>>, vector<1x16xf32>,
        %parallel_loop3A_110 = vector.shape_cast %parallel_loop3A_109 : vector<1x16xf32> to vector<16xf32>
        %parallel_loop3A_111 = vector.broadcast %parallel_loop3A_106 : f32 to vector<16xf32>
        %parallel_loop3A_112 = arith.mulf %parallel_loop3A_110, %parallel_loop3A_111 : vector<16xf32>
        %parallel_loop3A_113 = arith.index_cast %parallel_loop3A_95 : i32 to index
        %parallel_loop3A_114 = arith.constant 0 : index
        %parallel_loop3A_115 = tpu.vector_load %arg13[%parallel_loop3A_113, %parallel_loop3A_114] {strides = array<i32>} : memref<128x128xf32, #tpu.memory_space<vmem>>, vector<1x16xf32>,
        %parallel_loop3A_116 = vector.shape_cast %parallel_loop3A_115 : vector<1x16xf32> to vector<16xf32>
        %parallel_loop3A_117 = vector.shape_cast %parallel_loop3A_112 : vector<16xf32> to vector<1x16xf32>
        tpu.vector_store %arg13[%parallel_loop3A_113, %parallel_loop3A_114], %parallel_loop3A_117 {strides = array<i32>} : memref<128x128xf32, #tpu.memory_space<vmem>>, vector<1x16xf32>,
        %parallel_loop3A_118 = vector.extract_strided_slice %parallel_loop3A_104 {offsets = [4], sizes = [1], strides = [1]} : vector<16xf32> to vector<1xf32>
        %parallel_loop3A_119 = vector.extract %parallel_loop3A_118[0] : f32 from vector<1xf32>
        %parallel_loop3A_120 = arith.index_cast %parallel_loop3A_95 : i32 to index
        %parallel_loop3A_121 = arith.constant 16 : index
        %parallel_loop3A_122 = tpu.vector_load %arg13[%parallel_loop3A_120, %parallel_loop3A_121] {strides = array<i32>} : memref<128x128xf32, #tpu.memory_space<vmem>>, vector<1x16xf32>,
        %parallel_loop3A_123 = vector.shape_cast %parallel_loop3A_122 : vector<1x16xf32> to vector<16xf32>
        %parallel_loop3A_124 = vector.broadcast %parallel_loop3A_119 : f32 to vector<16xf32>
        %parallel_loop3A_125 = arith.mulf %parallel_loop3A_123, %parallel_loop3A_124 : vector<16xf32>
        %parallel_loop3A_126 = arith.index_cast %parallel_loop3A_95 : i32 to index
        %parallel_loop3A_127 = arith.constant 16 : index
        %parallel_loop3A_128 = tpu.vector_load %arg13[%parallel_loop3A_126, %parallel_loop3A_127] {strides = array<i32>} : memref<128x128xf32, #tpu.memory_space<vmem>>, vector<1x16xf32>,
        %parallel_loop3A_129 = vector.shape_cast %parallel_loop3A_128 : vector<1x16xf32> to vector<16xf32>
        %parallel_loop3A_130 = vector.shape_cast %parallel_loop3A_125 : vector<16xf32> to vector<1x16xf32>
        tpu.vector_store %arg13[%parallel_loop3A_126, %parallel_loop3A_127], %parallel_loop3A_130 {strides = array<i32>} : memref<128x128xf32, #tpu.memory_space<vmem>>, vector<1x16xf32>,
        %parallel_loop3A_131 = vector.extract_strided_slice %parallel_loop3A_104 {offsets = [5], sizes = [1], strides = [1]} : vector<16xf32> to vector<1xf32>
        %parallel_loop3A_132 = vector.extract %parallel_loop3A_131[0] : f32 from vector<1xf32>
        %parallel_loop3A_133 = arith.index_cast %parallel_loop3A_95 : i32 to index
        %parallel_loop3A_134 = arith.constant 32 : index
        %parallel_loop3A_135 = tpu.vector_load %arg13[%parallel_loop3A_133, %parallel_loop3A_134] {strides = array<i32>} : memref<128x128xf32, #tpu.memory_space<vmem>>, vector<1x16xf32>,
        %parallel_loop3A_136 = vector.shape_cast %parallel_loop3A_135 : vector<1x16xf32> to vector<16xf32>
        %parallel_loop3A_137 = vector.broadcast %parallel_loop3A_132 : f32 to vector<16xf32>
        %parallel_loop3A_138 = arith.mulf %parallel_loop3A_136, %parallel_loop3A_137 : vector<16xf32>
        %parallel_loop3A_139 = arith.index_cast %parallel_loop3A_95 : i32 to index
        %parallel_loop3A_140 = arith.constant 32 : index
        %parallel_loop3A_141 = tpu.vector_load %arg13[%parallel_loop3A_139, %parallel_loop3A_140] {strides = array<i32>} : memref<128x128xf32, #tpu.memory_space<vmem>>, vector<1x16xf32>,
        %parallel_loop3A_142 = vector.shape_cast %parallel_loop3A_141 : vector<1x16xf32> to vector<16xf32>
        %parallel_loop3A_143 = vector.shape_cast %parallel_loop3A_138 : vector<16xf32> to vector<1x16xf32>
        tpu.vector_store %arg13[%parallel_loop3A_139, %parallel_loop3A_140], %parallel_loop3A_143 {strides = array<i32>} : memref<128x128xf32, #tpu.memory_space<vmem>>, vector<1x16xf32>,
        %parallel_loop3A_144 = vector.extract_strided_slice %parallel_loop3A_104 {offsets = [5], sizes = [1], strides = [1]} : vector<16xf32> to vector<1xf32>
        %parallel_loop3A_145 = vector.extract %parallel_loop3A_144[0] : f32 from vector<1xf32>
        %parallel_loop3A_146 = arith.index_cast %parallel_loop3A_95 : i32 to index
        %parallel_loop3A_147 = arith.constant 48 : index
        %parallel_loop3A_148 = tpu.vector_load %arg13[%parallel_loop3A_146, %parallel_loop3A_147] {strides = array<i32>} : memref<128x128xf32, #tpu.memory_space<vmem>>, vector<1x16xf32>,
        %parallel_loop3A_149 = vector.shape_cast %parallel_loop3A_148 : vector<1x16xf32> to vector<16xf32>
        %parallel_loop3A_150 = vector.broadcast %parallel_loop3A_145 : f32 to vector<16xf32>
        %parallel_loop3A_151 = arith.mulf %parallel_loop3A_149, %parallel_loop3A_150 : vector<16xf32>
        %parallel_loop3A_152 = arith.index_cast %parallel_loop3A_95 : i32 to index
        %parallel_loop3A_153 = arith.constant 48 : index
        %parallel_loop3A_154 = tpu.vector_load %arg13[%parallel_loop3A_152, %parallel_loop3A_153] {strides = array<i32>} : memref<128x128xf32, #tpu.memory_space<vmem>>, vector<1x16xf32>,
        %parallel_loop3A_155 = vector.shape_cast %parallel_loop3A_154 : vector<1x16xf32> to vector<16xf32>
        %parallel_loop3A_156 = vector.shape_cast %parallel_loop3A_151 : vector<16xf32> to vector<1x16xf32>
        tpu.vector_store %arg13[%parallel_loop3A_152, %parallel_loop3A_153], %parallel_loop3A_156 {strides = array<i32>} : memref<128x128xf32, #tpu.memory_space<vmem>>, vector<1x16xf32>,
        %parallel_loop3A_157 = vector.extract_strided_slice %parallel_loop3A_104 {offsets = [6], sizes = [1], strides = [1]} : vector<16xf32> to vector<1xf32>
        %parallel_loop3A_158 = vector.extract %parallel_loop3A_157[0] : f32 from vector<1xf32>
        %parallel_loop3A_159 = arith.index_cast %parallel_loop3A_95 : i32 to index
        %parallel_loop3A_160 = arith.constant 64 : index
        %parallel_loop3A_161 = tpu.vector_load %arg13[%parallel_loop3A_159, %parallel_loop3A_160] {strides = array<i32>} : memref<128x128xf32, #tpu.memory_space<vmem>>, vector<1x16xf32>,
        %parallel_loop3A_162 = vector.shape_cast %parallel_loop3A_161 : vector<1x16xf32> to vector<16xf32>
        %parallel_loop3A_163 = vector.broadcast %parallel_loop3A_158 : f32 to vector<16xf32>
        %parallel_loop3A_164 = arith.mulf %parallel_loop3A_162, %parallel_loop3A_163 : vector<16xf32>
        %parallel_loop3A_165 = arith.index_cast %parallel_loop3A_95 : i32 to index
        %parallel_loop3A_166 = arith.constant 64 : index
        %parallel_loop3A_167 = tpu.vector_load %arg13[%parallel_loop3A_165, %parallel_loop3A_166] {strides = array<i32>} : memref<128x128xf32, #tpu.memory_space<vmem>>, vector<1x16xf32>,
        %parallel_loop3A_168 = vector.shape_cast %parallel_loop3A_167 : vector<1x16xf32> to vector<16xf32>
        %parallel_loop3A_169 = vector.shape_cast %parallel_loop3A_164 : vector<16xf32> to vector<1x16xf32>
        tpu.vector_store %arg13[%parallel_loop3A_165, %parallel_loop3A_166], %parallel_loop3A_169 {strides = array<i32>} : memref<128x128xf32, #tpu.memory_space<vmem>>, vector<1x16xf32>,
        %parallel_loop3A_170 = vector.extract_strided_slice %parallel_loop3A_104 {offsets = [6], sizes = [1], strides = [1]} : vector<16xf32> to vector<1xf32>
        %parallel_loop3A_171 = vector.extract %parallel_loop3A_170[0] : f32 from vector<1xf32>
        %parallel_loop3A_172 = arith.index_cast %parallel_loop3A_95 : i32 to index
        %parallel_loop3A_173 = arith.constant 80 : index
        %parallel_loop3A_174 = tpu.vector_load %arg13[%parallel_loop3A_172, %parallel_loop3A_173] {strides = array<i32>} : memref<128x128xf32, #tpu.memory_space<vmem>>, vector<1x16xf32>,
        %parallel_loop3A_175 = vector.shape_cast %parallel_loop3A_174 : vector<1x16xf32> to vector<16xf32>
        %parallel_loop3A_176 = vector.broadcast %parallel_loop3A_171 : f32 to vector<16xf32>
        %parallel_loop3A_177 = arith.mulf %parallel_loop3A_175, %parallel_loop3A_176 : vector<16xf32>
        %parallel_loop3A_178 = arith.index_cast %parallel_loop3A_95 : i32 to index
        %parallel_loop3A_179 = arith.constant 80 : index
        %parallel_loop3A_180 = tpu.vector_load %arg13[%parallel_loop3A_178, %parallel_loop3A_179] {strides = array<i32>} : memref<128x128xf32, #tpu.memory_space<vmem>>, vector<1x16xf32>,
        %parallel_loop3A_181 = vector.shape_cast %parallel_loop3A_180 : vector<1x16xf32> to vector<16xf32>
        %parallel_loop3A_182 = vector.shape_cast %parallel_loop3A_177 : vector<16xf32> to vector<1x16xf32>
        tpu.vector_store %arg13[%parallel_loop3A_178, %parallel_loop3A_179], %parallel_loop3A_182 {strides = array<i32>} : memref<128x128xf32, #tpu.memory_space<vmem>>, vector<1x16xf32>,
        %parallel_loop3A_183 = vector.extract_strided_slice %parallel_loop3A_104 {offsets = [7], sizes = [1], strides = [1]} : vector<16xf32> to vector<1xf32>
        %parallel_loop3A_184 = vector.extract %parallel_loop3A_183[0] : f32 from vector<1xf32>
        %parallel_loop3A_185 = arith.index_cast %parallel_loop3A_95 : i32 to index
        %parallel_loop3A_186 = arith.constant 96 : index
        %parallel_loop3A_187 = tpu.vector_load %arg13[%parallel_loop3A_185, %parallel_loop3A_186] {strides = array<i32>} : memref<128x128xf32, #tpu.memory_space<vmem>>, vector<1x16xf32>,
        %parallel_loop3A_188 = vector.shape_cast %parallel_loop3A_187 : vector<1x16xf32> to vector<16xf32>
        %parallel_loop3A_189 = vector.broadcast %parallel_loop3A_184 : f32 to vector<16xf32>
        %parallel_loop3A_190 = arith.mulf %parallel_loop3A_188, %parallel_loop3A_189 : vector<16xf32>
        %parallel_loop3A_191 = arith.index_cast %parallel_loop3A_95 : i32 to index
        %parallel_loop3A_192 = arith.constant 96 : index
        %parallel_loop3A_193 = tpu.vector_load %arg13[%parallel_loop3A_191, %parallel_loop3A_192] {strides = array<i32>} : memref<128x128xf32, #tpu.memory_space<vmem>>, vector<1x16xf32>,
        %parallel_loop3A_194 = vector.shape_cast %parallel_loop3A_193 : vector<1x16xf32> to vector<16xf32>
        %parallel_loop3A_195 = vector.shape_cast %parallel_loop3A_190 : vector<16xf32> to vector<1x16xf32>
        tpu.vector_store %arg13[%parallel_loop3A_191, %parallel_loop3A_192], %parallel_loop3A_195 {strides = array<i32>} : memref<128x128xf32, #tpu.memory_space<vmem>>, vector<1x16xf32>,
        %parallel_loop3A_196 = vector.extract_strided_slice %parallel_loop3A_104 {offsets = [7], sizes = [1], strides = [1]} : vector<16xf32> to vector<1xf32>
        %parallel_loop3A_197 = vector.extract %parallel_loop3A_196[0] : f32 from vector<1xf32>
        %parallel_loop3A_198 = arith.index_cast %parallel_loop3A_95 : i32 to index
        %parallel_loop3A_199 = arith.constant 112 : index
        %parallel_loop3A_200 = tpu.vector_load %arg13[%parallel_loop3A_198, %parallel_loop3A_199] {strides = array<i32>} : memref<128x128xf32, #tpu.memory_space<vmem>>, vector<1x16xf32>,
        %parallel_loop3A_201 = vector.shape_cast %parallel_loop3A_200 : vector<1x16xf32> to vector<16xf32>
        %parallel_loop3A_202 = vector.broadcast %parallel_loop3A_197 : f32 to vector<16xf32>
        %parallel_loop3A_203 = arith.mulf %parallel_loop3A_201, %parallel_loop3A_202 : vector<16xf32>
        %parallel_loop3A_204 = arith.index_cast %parallel_loop3A_95 : i32 to index
        %parallel_loop3A_205 = arith.constant 112 : index
        %parallel_loop3A_206 = tpu.vector_load %arg13[%parallel_loop3A_204, %parallel_loop3A_205] {strides = array<i32>} : memref<128x128xf32, #tpu.memory_space<vmem>>, vector<1x16xf32>,
        %parallel_loop3A_207 = vector.shape_cast %parallel_loop3A_206 : vector<1x16xf32> to vector<16xf32>
        %parallel_loop3A_208 = vector.shape_cast %parallel_loop3A_203 : vector<16xf32> to vector<1x16xf32>
        tpu.vector_store %arg13[%parallel_loop3A_204, %parallel_loop3A_205], %parallel_loop3A_208 {strides = array<i32>} : memref<128x128xf32, #tpu.memory_space<vmem>>, vector<1x16xf32>,
      } {sc.loop_unroll_factor = 4 : i64, sc.parallel_access}
      "tpu.region"() ({
        %run_scoped3A = tpu.sem_alloc : memref<!tpu.dma_semaphore, #tpu.memory_space<semaphore_mem>>
        %dma_start3A_95 = arith.constant 0 : i32
        %dma_start3A_96 = arith.constant 0 : i32
        %dma_start3A_97 = tpu.memref_slice %arg22[%dma_start3A_95, %dma_start3A_96] : memref<10240x128xf32, #tpu.memory_space<vmem_shared>> -> memref<10240x128xf32, #tpu.memory_space<vmem_shared>>
        tpu.enqueue_indirect_dma source(%arg13 : memref<128x128xf32, #tpu.memory_space<vmem>>) target(%dma_start3A_97 : memref<10240x128xf32, #tpu.memory_space<vmem_shared>>) offsets(%arg10 : memref<128xi32, #tpu.memory_space<vmem>>) semaphore(%run_scoped3A : memref<!tpu.dma_semaphore, #tpu.memory_space<semaphore_mem>>) {add = true}
        %dma_wait3A_98 = arith.constant 0 : i32
        %dma_wait3A_99 = arith.constant 0 : i32
        %dma_wait3A_100 = tpu.memref_slice %arg22[%dma_wait3A_98, %dma_wait3A_99] : memref<10240x128xf32, #tpu.memory_space<vmem_shared>> -> memref<10240x128xf32, #tpu.memory_space<vmem_shared>>
        tpu.wait_indirect_dma semaphore(%run_scoped3A : memref<!tpu.dma_semaphore, #tpu.memory_space<semaphore_mem>>) src(%arg13 : memref<128x128xf32, #tpu.memory_space<vmem>>) dst(%dma_wait3A_100 : memref<10240x128xf32, #tpu.memory_space<vmem_shared>>)
        tpu.yield
      }) : () -> ()
      %mul3A_65 = arith.constant 2 : i32
      %mul3A_66 = arith.muli %mul3A_65, %add3A_27 : i32
      %add3A_67 = arith.constant 2 : i32
      %add3A_68 = arith.addi %mul3A_66, %add3A_67 : i32
      %lt3A = arith.constant 82 : i32
      %lt3A_69 = arith.cmpi slt, %add3A_68, %lt3A : i32
      %convert_element_type3A_70 = arith.extui %lt3A_69 : i1 to i32
      %cond3A_71 = arith.constant 0 : i32
      %cond3A_72 = arith.cmpi ne, %convert_element_type3A_70, %cond3A_71 : i32
      scf.if %cond3A_72 {
        %mul3A_95 = arith.constant 2 : i32
        %mul3A_96 = arith.muli %mul3A_95, %add3A_27 : i32
        %add3A_97 = arith.constant 2 : i32
        %add3A_98 = arith.addi %mul3A_96, %add3A_97 : i32
        %mul3A_99 = arith.constant 10496 : i32
        %mul3A_100 = arith.muli %add3A, %mul3A_99 : i32
        %mul3A_101 = arith.constant 128 : i32
        %mul3A_102 = arith.muli %add3A_98, %mul3A_101 : i32
        %add3A_103 = arith.addi %mul3A_100, %mul3A_102 : i32
        %dma_start3A_104 = arith.constant 0 : i32
        %dma_start3A_105 = tpu.memref_slice %arg5[%add3A_103, %dma_start3A_104] : memref<335872x16xf32, #tpu.memory_space<hbm>> -> memref<128x16xf32, #tpu.memory_space<hbm>>
        %dma_start3A_106 = arith.constant 0 : i32
        %dma_start3A_107 = tpu.memref_slice %arg5[%add3A_103, %dma_start3A_106] : memref<335872x16xf32, #tpu.memory_space<hbm>> -> memref<128x16xf32, #tpu.memory_space<hbm>>
        tpu.enqueue_dma source(%dma_start3A_107 : memref<128x16xf32, #tpu.memory_space<hbm>>) target(%arg11 : memref<128x16xf32, #tpu.memory_space<vmem>>) target_semaphore(%arg14 : memref<!tpu.dma_semaphore, #tpu.memory_space<semaphore_mem>>)
        "tpu.region"() ({
          %run_scoped3A = tpu.sem_alloc : memref<!tpu.dma_semaphore, #tpu.memory_space<semaphore_mem>>
          %dma_start3A_114 = tpu.memref_slice %arg3[%add3A_103] : memref<335872xi32, #tpu.memory_space<hbm>> -> memref<128xi32, #tpu.memory_space<hbm>>
          %dma_start3A_115 = tpu.memref_slice %arg3[%add3A_103] : memref<335872xi32, #tpu.memory_space<hbm>> -> memref<128xi32, #tpu.memory_space<hbm>>
          tpu.enqueue_dma source(%dma_start3A_115 : memref<128xi32, #tpu.memory_space<hbm>>) target(%arg9 : memref<128xi32, #tpu.memory_space<vmem>>) target_semaphore(%run_scoped3A : memref<!tpu.dma_semaphore, #tpu.memory_space<semaphore_mem>>)
          %dma_wait3A_116 = tpu.memref_slice %arg3[%add3A_103] : memref<335872xi32, #tpu.memory_space<hbm>> -> memref<128xi32, #tpu.memory_space<hbm>>
          %dma_wait3A_117 = tpu.memref_slice %arg3[%add3A_103] : memref<335872xi32, #tpu.memory_space<hbm>> -> memref<128xi32, #tpu.memory_space<hbm>>
          tpu.wait_dma2 semaphore(%run_scoped3A : memref<!tpu.dma_semaphore, #tpu.memory_space<semaphore_mem>>) src(%dma_wait3A_117 : memref<128xi32, #tpu.memory_space<hbm>>) dst(%arg9 : memref<128xi32, #tpu.memory_space<vmem>>)
          tpu.yield
        }) : () -> ()
        "tpu.region"() ({
          %run_scoped3A = tpu.sem_alloc : memref<!tpu.dma_semaphore, #tpu.memory_space<semaphore_mem>>
          %dma_start3A_114 = tpu.memref_slice %arg4[%add3A_103] : memref<335872xi32, #tpu.memory_space<hbm>> -> memref<128xi32, #tpu.memory_space<hbm>>
          %dma_start3A_115 = tpu.memref_slice %arg4[%add3A_103] : memref<335872xi32, #tpu.memory_space<hbm>> -> memref<128xi32, #tpu.memory_space<hbm>>
          tpu.enqueue_dma source(%dma_start3A_115 : memref<128xi32, #tpu.memory_space<hbm>>) target(%arg10 : memref<128xi32, #tpu.memory_space<vmem>>) target_semaphore(%run_scoped3A : memref<!tpu.dma_semaphore, #tpu.memory_space<semaphore_mem>>)
          %dma_wait3A_116 = tpu.memref_slice %arg4[%add3A_103] : memref<335872xi32, #tpu.memory_space<hbm>> -> memref<128xi32, #tpu.memory_space<hbm>>
          %dma_wait3A_117 = tpu.memref_slice %arg4[%add3A_103] : memref<335872xi32, #tpu.memory_space<hbm>> -> memref<128xi32, #tpu.memory_space<hbm>>
          tpu.wait_dma2 semaphore(%run_scoped3A : memref<!tpu.dma_semaphore, #tpu.memory_space<semaphore_mem>>) src(%dma_wait3A_117 : memref<128xi32, #tpu.memory_space<hbm>>) dst(%arg10 : memref<128xi32, #tpu.memory_space<vmem>>)
          tpu.yield
        }) : () -> ()
        %dma_start3A_108 = arith.constant 0 : i32
        %dma_start3A_109 = arith.constant 0 : i32
        %dma_start3A_110 = tpu.memref_slice %arg6[%dma_start3A_108, %dma_start3A_109] : memref<10240x16xf32, #tpu.memory_space<hbm>> -> memref<10240x16xf32, #tpu.memory_space<hbm>>
        tpu.enqueue_indirect_dma source(%dma_start3A_110 : memref<10240x16xf32, #tpu.memory_space<hbm>>) target(%arg12 : memref<128x16xf32, #tpu.memory_space<vmem>>) offsets(%arg10 : memref<128xi32, #tpu.memory_space<vmem>>) semaphore(%arg14 : memref<!tpu.dma_semaphore, #tpu.memory_space<semaphore_mem>>)
        %dma_start3A_111 = arith.constant 0 : i32
        %dma_start3A_112 = arith.constant 0 : i32
        %dma_start3A_113 = tpu.memref_slice %arg2[%dma_start3A_111, %dma_start3A_112] : memref<10000x128xf32, #tpu.memory_space<hbm>> -> memref<10000x128xf32, #tpu.memory_space<hbm>>
        tpu.enqueue_indirect_dma source(%dma_start3A_113 : memref<10000x128xf32, #tpu.memory_space<hbm>>) target(%arg13 : memref<128x128xf32, #tpu.memory_space<vmem>>) offsets(%arg9 : memref<128xi32, #tpu.memory_space<vmem>>) semaphore(%arg14 : memref<!tpu.dma_semaphore, #tpu.memory_space<semaphore_mem>>)
      } else {
      }
      %mul3A_73 = arith.constant 2 : i32
      %mul3A_74 = arith.muli %mul3A_73, %add3A_27 : i32
      %add3A_75 = arith.constant 1 : i32
      %add3A_76 = arith.addi %mul3A_74, %add3A_75 : i32
      %mul3A_77 = arith.constant 10496 : i32
      %mul3A_78 = arith.muli %add3A, %mul3A_77 : i32
      %mul3A_79 = arith.constant 128 : i32
      %mul3A_80 = arith.muli %add3A_76, %mul3A_79 : i32
      %add3A_81 = arith.addi %mul3A_78, %mul3A_80 : i32
      %dma_wait3A_82 = arith.constant 0 : i32
      %dma_wait3A_83 = tpu.memref_slice %arg5[%add3A_81, %dma_wait3A_82] : memref<335872x16xf32, #tpu.memory_space<hbm>> -> memref<128x16xf32, #tpu.memory_space<hbm>>
      %dma_wait3A_84 = arith.constant 0 : i32
      %dma_wait3A_85 = tpu.memref_slice %arg5[%add3A_81, %dma_wait3A_84] : memref<335872x16xf32, #tpu.memory_space<hbm>> -> memref<128x16xf32, #tpu.memory_space<hbm>>
      tpu.wait_dma2 semaphore(%arg20 : memref<!tpu.dma_semaphore, #tpu.memory_space<semaphore_mem>>) src(%dma_wait3A_85 : memref<128x16xf32, #tpu.memory_space<hbm>>) dst(%arg17 : memref<128x16xf32, #tpu.memory_space<vmem>>)
      %dma_wait3A_86 = arith.constant 0 : i32
      %dma_wait3A_87 = arith.constant 0 : i32
      %dma_wait3A_88 = tpu.memref_slice %arg6[%dma_wait3A_86, %dma_wait3A_87] : memref<10240x16xf32, #tpu.memory_space<hbm>> -> memref<10240x16xf32, #tpu.memory_space<hbm>>
      tpu.wait_indirect_dma semaphore(%arg20 : memref<!tpu.dma_semaphore, #tpu.memory_space<semaphore_mem>>) src(%dma_wait3A_88 : memref<10240x16xf32, #tpu.memory_space<hbm>>) dst(%arg18 : memref<128x16xf32, #tpu.memory_space<vmem>>)
      %dma_wait3A_89 = arith.constant 0 : i32
      %dma_wait3A_90 = arith.constant 0 : i32
      %dma_wait3A_91 = tpu.memref_slice %arg2[%dma_wait3A_89, %dma_wait3A_90] : memref<10000x128xf32, #tpu.memory_space<hbm>> -> memref<10000x128xf32, #tpu.memory_space<hbm>>
      tpu.wait_indirect_dma semaphore(%arg20 : memref<!tpu.dma_semaphore, #tpu.memory_space<semaphore_mem>>) src(%dma_wait3A_91 : memref<10000x128xf32, #tpu.memory_space<hbm>>) dst(%arg19 : memref<128x128xf32, #tpu.memory_space<vmem>>)
      %parallel_loop3A_92 = arith.constant 0 : i32
      %parallel_loop3A_93 = arith.constant 128 : i32
      %parallel_loop3A_94 = arith.constant 1 : i32
      scf.for %parallel_loop3A_95 = %parallel_loop3A_92 to %parallel_loop3A_93 step %parallel_loop3A_94  : i32 {
        %parallel_loop3A_96 = arith.index_cast %parallel_loop3A_95 : i32 to index
        %parallel_loop3A_97 = arith.constant 0 : index
        %parallel_loop3A_98 = tpu.vector_load %arg17[%parallel_loop3A_96, %parallel_loop3A_97] {strides = array<i32>} : memref<128x16xf32, #tpu.memory_space<vmem>>, vector<1x16xf32>,
        %parallel_loop3A_99 = vector.shape_cast %parallel_loop3A_98 : vector<1x16xf32> to vector<16xf32>
        %parallel_loop3A_100 = arith.index_cast %parallel_loop3A_95 : i32 to index
        %parallel_loop3A_101 = arith.constant 0 : index
        %parallel_loop3A_102 = tpu.vector_load %arg18[%parallel_loop3A_100, %parallel_loop3A_101] {strides = array<i32>} : memref<128x16xf32, #tpu.memory_space<vmem>>, vector<1x16xf32>,
        %parallel_loop3A_103 = vector.shape_cast %parallel_loop3A_102 : vector<1x16xf32> to vector<16xf32>
        %parallel_loop3A_104 = arith.divf %parallel_loop3A_99, %parallel_loop3A_103 : vector<16xf32>
        %parallel_loop3A_105 = vector.extract_strided_slice %parallel_loop3A_104 {offsets = [4], sizes = [1], strides = [1]} : vector<16xf32> to vector<1xf32>
        %parallel_loop3A_106 = vector.extract %parallel_loop3A_105[0] : f32 from vector<1xf32>
        %parallel_loop3A_107 = arith.index_cast %parallel_loop3A_95 : i32 to index
        %parallel_loop3A_108 = arith.constant 0 : index
        %parallel_loop3A_109 = tpu.vector_load %arg19[%parallel_loop3A_107, %parallel_loop3A_108] {strides = array<i32>} : memref<128x128xf32, #tpu.memory_space<vmem>>, vector<1x16xf32>,
        %parallel_loop3A_110 = vector.shape_cast %parallel_loop3A_109 : vector<1x16xf32> to vector<16xf32>
        %parallel_loop3A_111 = vector.broadcast %parallel_loop3A_106 : f32 to vector<16xf32>
        %parallel_loop3A_112 = arith.mulf %parallel_loop3A_110, %parallel_loop3A_111 : vector<16xf32>
        %parallel_loop3A_113 = arith.index_cast %parallel_loop3A_95 : i32 to index
        %parallel_loop3A_114 = arith.constant 0 : index
        %parallel_loop3A_115 = tpu.vector_load %arg19[%parallel_loop3A_113, %parallel_loop3A_114] {strides = array<i32>} : memref<128x128xf32, #tpu.memory_space<vmem>>, vector<1x16xf32>,
        %parallel_loop3A_116 = vector.shape_cast %parallel_loop3A_115 : vector<1x16xf32> to vector<16xf32>
        %parallel_loop3A_117 = vector.shape_cast %parallel_loop3A_112 : vector<16xf32> to vector<1x16xf32>
        tpu.vector_store %arg19[%parallel_loop3A_113, %parallel_loop3A_114], %parallel_loop3A_117 {strides = array<i32>} : memref<128x128xf32, #tpu.memory_space<vmem>>, vector<1x16xf32>,
        %parallel_loop3A_118 = vector.extract_strided_slice %parallel_loop3A_104 {offsets = [4], sizes = [1], strides = [1]} : vector<16xf32> to vector<1xf32>
        %parallel_loop3A_119 = vector.extract %parallel_loop3A_118[0] : f32 from vector<1xf32>
        %parallel_loop3A_120 = arith.index_cast %parallel_loop3A_95 : i32 to index
        %parallel_loop3A_121 = arith.constant 16 : index
        %parallel_loop3A_122 = tpu.vector_load %arg19[%parallel_loop3A_120, %parallel_loop3A_121] {strides = array<i32>} : memref<128x128xf32, #tpu.memory_space<vmem>>, vector<1x16xf32>,
        %parallel_loop3A_123 = vector.shape_cast %parallel_loop3A_122 : vector<1x16xf32> to vector<16xf32>
        %parallel_loop3A_124 = vector.broadcast %parallel_loop3A_119 : f32 to vector<16xf32>
        %parallel_loop3A_125 = arith.mulf %parallel_loop3A_123, %parallel_loop3A_124 : vector<16xf32>
        %parallel_loop3A_126 = arith.index_cast %parallel_loop3A_95 : i32 to index
        %parallel_loop3A_127 = arith.constant 16 : index
        %parallel_loop3A_128 = tpu.vector_load %arg19[%parallel_loop3A_126, %parallel_loop3A_127] {strides = array<i32>} : memref<128x128xf32, #tpu.memory_space<vmem>>, vector<1x16xf32>,
        %parallel_loop3A_129 = vector.shape_cast %parallel_loop3A_128 : vector<1x16xf32> to vector<16xf32>
        %parallel_loop3A_130 = vector.shape_cast %parallel_loop3A_125 : vector<16xf32> to vector<1x16xf32>
        tpu.vector_store %arg19[%parallel_loop3A_126, %parallel_loop3A_127], %parallel_loop3A_130 {strides = array<i32>} : memref<128x128xf32, #tpu.memory_space<vmem>>, vector<1x16xf32>,
        %parallel_loop3A_131 = vector.extract_strided_slice %parallel_loop3A_104 {offsets = [5], sizes = [1], strides = [1]} : vector<16xf32> to vector<1xf32>
        %parallel_loop3A_132 = vector.extract %parallel_loop3A_131[0] : f32 from vector<1xf32>
        %parallel_loop3A_133 = arith.index_cast %parallel_loop3A_95 : i32 to index
        %parallel_loop3A_134 = arith.constant 32 : index
        %parallel_loop3A_135 = tpu.vector_load %arg19[%parallel_loop3A_133, %parallel_loop3A_134] {strides = array<i32>} : memref<128x128xf32, #tpu.memory_space<vmem>>, vector<1x16xf32>,
        %parallel_loop3A_136 = vector.shape_cast %parallel_loop3A_135 : vector<1x16xf32> to vector<16xf32>
        %parallel_loop3A_137 = vector.broadcast %parallel_loop3A_132 : f32 to vector<16xf32>
        %parallel_loop3A_138 = arith.mulf %parallel_loop3A_136, %parallel_loop3A_137 : vector<16xf32>
        %parallel_loop3A_139 = arith.index_cast %parallel_loop3A_95 : i32 to index
        %parallel_loop3A_140 = arith.constant 32 : index
        %parallel_loop3A_141 = tpu.vector_load %arg19[%parallel_loop3A_139, %parallel_loop3A_140] {strides = array<i32>} : memref<128x128xf32, #tpu.memory_space<vmem>>, vector<1x16xf32>,
        %parallel_loop3A_142 = vector.shape_cast %parallel_loop3A_141 : vector<1x16xf32> to vector<16xf32>
        %parallel_loop3A_143 = vector.shape_cast %parallel_loop3A_138 : vector<16xf32> to vector<1x16xf32>
        tpu.vector_store %arg19[%parallel_loop3A_139, %parallel_loop3A_140], %parallel_loop3A_143 {strides = array<i32>} : memref<128x128xf32, #tpu.memory_space<vmem>>, vector<1x16xf32>,
        %parallel_loop3A_144 = vector.extract_strided_slice %parallel_loop3A_104 {offsets = [5], sizes = [1], strides = [1]} : vector<16xf32> to vector<1xf32>
        %parallel_loop3A_145 = vector.extract %parallel_loop3A_144[0] : f32 from vector<1xf32>
        %parallel_loop3A_146 = arith.index_cast %parallel_loop3A_95 : i32 to index
        %parallel_loop3A_147 = arith.constant 48 : index
        %parallel_loop3A_148 = tpu.vector_load %arg19[%parallel_loop3A_146, %parallel_loop3A_147] {strides = array<i32>} : memref<128x128xf32, #tpu.memory_space<vmem>>, vector<1x16xf32>,
        %parallel_loop3A_149 = vector.shape_cast %parallel_loop3A_148 : vector<1x16xf32> to vector<16xf32>
        %parallel_loop3A_150 = vector.broadcast %parallel_loop3A_145 : f32 to vector<16xf32>
        %parallel_loop3A_151 = arith.mulf %parallel_loop3A_149, %parallel_loop3A_150 : vector<16xf32>
        %parallel_loop3A_152 = arith.index_cast %parallel_loop3A_95 : i32 to index
        %parallel_loop3A_153 = arith.constant 48 : index
        %parallel_loop3A_154 = tpu.vector_load %arg19[%parallel_loop3A_152, %parallel_loop3A_153] {strides = array<i32>} : memref<128x128xf32, #tpu.memory_space<vmem>>, vector<1x16xf32>,
        %parallel_loop3A_155 = vector.shape_cast %parallel_loop3A_154 : vector<1x16xf32> to vector<16xf32>
        %parallel_loop3A_156 = vector.shape_cast %parallel_loop3A_151 : vector<16xf32> to vector<1x16xf32>
        tpu.vector_store %arg19[%parallel_loop3A_152, %parallel_loop3A_153], %parallel_loop3A_156 {strides = array<i32>} : memref<128x128xf32, #tpu.memory_space<vmem>>, vector<1x16xf32>,
        %parallel_loop3A_157 = vector.extract_strided_slice %parallel_loop3A_104 {offsets = [6], sizes = [1], strides = [1]} : vector<16xf32> to vector<1xf32>
        %parallel_loop3A_158 = vector.extract %parallel_loop3A_157[0] : f32 from vector<1xf32>
        %parallel_loop3A_159 = arith.index_cast %parallel_loop3A_95 : i32 to index
        %parallel_loop3A_160 = arith.constant 64 : index
        %parallel_loop3A_161 = tpu.vector_load %arg19[%parallel_loop3A_159, %parallel_loop3A_160] {strides = array<i32>} : memref<128x128xf32, #tpu.memory_space<vmem>>, vector<1x16xf32>,
        %parallel_loop3A_162 = vector.shape_cast %parallel_loop3A_161 : vector<1x16xf32> to vector<16xf32>
        %parallel_loop3A_163 = vector.broadcast %parallel_loop3A_158 : f32 to vector<16xf32>
        %parallel_loop3A_164 = arith.mulf %parallel_loop3A_162, %parallel_loop3A_163 : vector<16xf32>
        %parallel_loop3A_165 = arith.index_cast %parallel_loop3A_95 : i32 to index
        %parallel_loop3A_166 = arith.constant 64 : index
        %parallel_loop3A_167 = tpu.vector_load %arg19[%parallel_loop3A_165, %parallel_loop3A_166] {strides = array<i32>} : memref<128x128xf32, #tpu.memory_space<vmem>>, vector<1x16xf32>,
        %parallel_loop3A_168 = vector.shape_cast %parallel_loop3A_167 : vector<1x16xf32> to vector<16xf32>
        %parallel_loop3A_169 = vector.shape_cast %parallel_loop3A_164 : vector<16xf32> to vector<1x16xf32>
        tpu.vector_store %arg19[%parallel_loop3A_165, %parallel_loop3A_166], %parallel_loop3A_169 {strides = array<i32>} : memref<128x128xf32, #tpu.memory_space<vmem>>, vector<1x16xf32>,
        %parallel_loop3A_170 = vector.extract_strided_slice %parallel_loop3A_104 {offsets = [6], sizes = [1], strides = [1]} : vector<16xf32> to vector<1xf32>
        %parallel_loop3A_171 = vector.extract %parallel_loop3A_170[0] : f32 from vector<1xf32>
        %parallel_loop3A_172 = arith.index_cast %parallel_loop3A_95 : i32 to index
        %parallel_loop3A_173 = arith.constant 80 : index
        %parallel_loop3A_174 = tpu.vector_load %arg19[%parallel_loop3A_172, %parallel_loop3A_173] {strides = array<i32>} : memref<128x128xf32, #tpu.memory_space<vmem>>, vector<1x16xf32>,
        %parallel_loop3A_175 = vector.shape_cast %parallel_loop3A_174 : vector<1x16xf32> to vector<16xf32>
        %parallel_loop3A_176 = vector.broadcast %parallel_loop3A_171 : f32 to vector<16xf32>
        %parallel_loop3A_177 = arith.mulf %parallel_loop3A_175, %parallel_loop3A_176 : vector<16xf32>
        %parallel_loop3A_178 = arith.index_cast %parallel_loop3A_95 : i32 to index
        %parallel_loop3A_179 = arith.constant 80 : index
        %parallel_loop3A_180 = tpu.vector_load %arg19[%parallel_loop3A_178, %parallel_loop3A_179] {strides = array<i32>} : memref<128x128xf32, #tpu.memory_space<vmem>>, vector<1x16xf32>,
        %parallel_loop3A_181 = vector.shape_cast %parallel_loop3A_180 : vector<1x16xf32> to vector<16xf32>
        %parallel_loop3A_182 = vector.shape_cast %parallel_loop3A_177 : vector<16xf32> to vector<1x16xf32>
        tpu.vector_store %arg19[%parallel_loop3A_178, %parallel_loop3A_179], %parallel_loop3A_182 {strides = array<i32>} : memref<128x128xf32, #tpu.memory_space<vmem>>, vector<1x16xf32>,
        %parallel_loop3A_183 = vector.extract_strided_slice %parallel_loop3A_104 {offsets = [7], sizes = [1], strides = [1]} : vector<16xf32> to vector<1xf32>
        %parallel_loop3A_184 = vector.extract %parallel_loop3A_183[0] : f32 from vector<1xf32>
        %parallel_loop3A_185 = arith.index_cast %parallel_loop3A_95 : i32 to index
        %parallel_loop3A_186 = arith.constant 96 : index
        %parallel_loop3A_187 = tpu.vector_load %arg19[%parallel_loop3A_185, %parallel_loop3A_186] {strides = array<i32>} : memref<128x128xf32, #tpu.memory_space<vmem>>, vector<1x16xf32>,
        %parallel_loop3A_188 = vector.shape_cast %parallel_loop3A_187 : vector<1x16xf32> to vector<16xf32>
        %parallel_loop3A_189 = vector.broadcast %parallel_loop3A_184 : f32 to vector<16xf32>
        %parallel_loop3A_190 = arith.mulf %parallel_loop3A_188, %parallel_loop3A_189 : vector<16xf32>
        %parallel_loop3A_191 = arith.index_cast %parallel_loop3A_95 : i32 to index
        %parallel_loop3A_192 = arith.constant 96 : index
        %parallel_loop3A_193 = tpu.vector_load %arg19[%parallel_loop3A_191, %parallel_loop3A_192] {strides = array<i32>} : memref<128x128xf32, #tpu.memory_space<vmem>>, vector<1x16xf32>,
        %parallel_loop3A_194 = vector.shape_cast %parallel_loop3A_193 : vector<1x16xf32> to vector<16xf32>
        %parallel_loop3A_195 = vector.shape_cast %parallel_loop3A_190 : vector<16xf32> to vector<1x16xf32>
        tpu.vector_store %arg19[%parallel_loop3A_191, %parallel_loop3A_192], %parallel_loop3A_195 {strides = array<i32>} : memref<128x128xf32, #tpu.memory_space<vmem>>, vector<1x16xf32>,
        %parallel_loop3A_196 = vector.extract_strided_slice %parallel_loop3A_104 {offsets = [7], sizes = [1], strides = [1]} : vector<16xf32> to vector<1xf32>
        %parallel_loop3A_197 = vector.extract %parallel_loop3A_196[0] : f32 from vector<1xf32>
        %parallel_loop3A_198 = arith.index_cast %parallel_loop3A_95 : i32 to index
        %parallel_loop3A_199 = arith.constant 112 : index
        %parallel_loop3A_200 = tpu.vector_load %arg19[%parallel_loop3A_198, %parallel_loop3A_199] {strides = array<i32>} : memref<128x128xf32, #tpu.memory_space<vmem>>, vector<1x16xf32>,
        %parallel_loop3A_201 = vector.shape_cast %parallel_loop3A_200 : vector<1x16xf32> to vector<16xf32>
        %parallel_loop3A_202 = vector.broadcast %parallel_loop3A_197 : f32 to vector<16xf32>
        %parallel_loop3A_203 = arith.mulf %parallel_loop3A_201, %parallel_loop3A_202 : vector<16xf32>
        %parallel_loop3A_204 = arith.index_cast %parallel_loop3A_95 : i32 to index
        %parallel_loop3A_205 = arith.constant 112 : index
        %parallel_loop3A_206 = tpu.vector_load %arg19[%parallel_loop3A_204, %parallel_loop3A_205] {strides = array<i32>} : memref<128x128xf32, #tpu.memory_space<vmem>>, vector<1x16xf32>,
        %parallel_loop3A_207 = vector.shape_cast %parallel_loop3A_206 : vector<1x16xf32> to vector<16xf32>
        %parallel_loop3A_208 = vector.shape_cast %parallel_loop3A_203 : vector<16xf32> to vector<1x16xf32>
        tpu.vector_store %arg19[%parallel_loop3A_204, %parallel_loop3A_205], %parallel_loop3A_208 {strides = array<i32>} : memref<128x128xf32, #tpu.memory_space<vmem>>, vector<1x16xf32>,
      } {sc.loop_unroll_factor = 4 : i64, sc.parallel_access}
      "tpu.region"() ({
        %run_scoped3A = tpu.sem_alloc : memref<!tpu.dma_semaphore, #tpu.memory_space<semaphore_mem>>
        %dma_start3A_95 = arith.constant 0 : i32
        %dma_start3A_96 = arith.constant 0 : i32
        %dma_start3A_97 = tpu.memref_slice %arg22[%dma_start3A_95, %dma_start3A_96] : memref<10240x128xf32, #tpu.memory_space<vmem_shared>> -> memref<10240x128xf32, #tpu.memory_space<vmem_shared>>
        tpu.enqueue_indirect_dma source(%arg19 : memref<128x128xf32, #tpu.memory_space<vmem>>) target(%dma_start3A_97 : memref<10240x128xf32, #tpu.memory_space<vmem_shared>>) offsets(%arg16 : memref<128xi32, #tpu.memory_space<vmem>>) semaphore(%run_scoped3A : memref<!tpu.dma_semaphore, #tpu.memory_space<semaphore_mem>>) {add = true}
        %dma_wait3A_98 = arith.constant 0 : i32
        %dma_wait3A_99 = arith.constant 0 : i32
        %dma_wait3A_100 = tpu.memref_slice %arg22[%dma_wait3A_98, %dma_wait3A_99] : memref<10240x128xf32, #tpu.memory_space<vmem_shared>> -> memref<10240x128xf32, #tpu.memory_space<vmem_shared>>
        tpu.wait_indirect_dma semaphore(%run_scoped3A : memref<!tpu.dma_semaphore, #tpu.memory_space<semaphore_mem>>) src(%arg19 : memref<128x128xf32, #tpu.memory_space<vmem>>) dst(%dma_wait3A_100 : memref<10240x128xf32, #tpu.memory_space<vmem_shared>>)
        tpu.yield
      }) : () -> ()
    }
    %scan3A_19 = arith.constant 41 : i32
    %barrier3A_20 = arith.constant 0 : index
    tpu.barrier barrier_id(%barrier3A_20)
    %eq3A = arith.constant 0 : i32
    %eq3A_21 = arith.cmpi eq, %arg1, %eq3A : i32
    %convert_element_type3A = arith.extui %eq3A_21 : i1 to i32
    %cond3A = arith.constant 0 : i32
    %cond3A_22 = arith.cmpi ne, %convert_element_type3A, %cond3A : i32
    scf.if %cond3A_22 {
      "tpu.region"() ({
        %run_scoped3A = tpu.sem_alloc : memref<!tpu.dma_semaphore, #tpu.memory_space<semaphore_mem>>
        %dma_start3A_23 = arith.constant 0 : i32
        %dma_start3A_24 = arith.constant 0 : i32
        %dma_start3A_25 = tpu.memref_slice %arg8[%arg0, %dma_start3A_23, %dma_start3A_24] : memref<2x10240x128xf32, #tpu.memory_space<hbm>> -> memref<1x10240x128xf32, #tpu.memory_space<hbm>>
        %dma_start3A_26 = tpu.memref_squeeze %dma_start3A_25 : memref<1x10240x128xf32, #tpu.memory_space<hbm>> -> memref<10240x128xf32, #tpu.memory_space<hbm>>
        tpu.enqueue_dma source(%arg22 : memref<10240x128xf32, #tpu.memory_space<vmem_shared>>) target(%dma_start3A_26 : memref<10240x128xf32, #tpu.memory_space<hbm>>) target_semaphore(%run_scoped3A : memref<!tpu.dma_semaphore, #tpu.memory_space<semaphore_mem>>)
        %dma_wait3A = arith.constant 0 : i32
        %dma_wait3A_27 = arith.constant 0 : i32
        %dma_wait3A_28 = tpu.memref_slice %arg8[%arg0, %dma_wait3A, %dma_wait3A_27] : memref<2x10240x128xf32, #tpu.memory_space<hbm>> -> memref<1x10240x128xf32, #tpu.memory_space<hbm>>
        %dma_wait3A_29 = tpu.memref_squeeze %dma_wait3A_28 : memref<1x10240x128xf32, #tpu.memory_space<hbm>> -> memref<10240x128xf32, #tpu.memory_space<hbm>>
        tpu.wait_dma2 semaphore(%run_scoped3A : memref<!tpu.dma_semaphore, #tpu.memory_space<semaphore_mem>>) src(%arg22 : memref<10240x128xf32, #tpu.memory_space<vmem_shared>>) dst(%dma_wait3A_29 : memref<10240x128xf32, #tpu.memory_space<hbm>>)
        tpu.yield
      }) : () -> ()
    } else {
    }
    return
  }
}

#map = affine_map<(d0, d1) -> (0, 0)>
#map1 = affine_map<(d0, d1) -> (0)>
#map2 = affine_map<(d0, d1) -> (0, 0, 0)>
module attributes {stable_mosaic.version = 14 : i64} {
  func.func @_edge_w_body(%arg0: i32, %arg1: i32, %arg2: memref<10240x16xf32, #tpu.memory_space<hbm>>, %arg3: memref<10240x16xf32, #tpu.memory_space<hbm>>, %arg4: memref<335872xi32, #tpu.memory_space<hbm>>, %arg5: memref<335872xi32, #tpu.memory_space<hbm>>, %arg6: memref<640x16xf32, #tpu.memory_space<hbm>>, %arg7: memref<335872x16xf32, #tpu.memory_space<hbm>>, %arg8: memref<2x10240x16xf32, #tpu.memory_space<hbm>>, %arg9: memref<128xi32, #tpu.memory_space<vmem>>, %arg10: memref<128xi32, #tpu.memory_space<vmem>>, %arg11: memref<128x16xf32, #tpu.memory_space<vmem>>, %arg12: memref<128x16xf32, #tpu.memory_space<vmem>>, %arg13: memref<128x16xf32, #tpu.memory_space<vmem>>, %arg14: memref<!tpu.dma_semaphore, #tpu.memory_space<semaphore_mem>>, %arg15: memref<128xi32, #tpu.memory_space<vmem>>, %arg16: memref<128xi32, #tpu.memory_space<vmem>>, %arg17: memref<128x16xf32, #tpu.memory_space<vmem>>, %arg18: memref<128x16xf32, #tpu.memory_space<vmem>>, %arg19: memref<128x16xf32, #tpu.memory_space<vmem>>, %arg20: memref<!tpu.dma_semaphore, #tpu.memory_space<semaphore_mem>>, %arg21: memref<10240x16xf32, #tpu.memory_space<vmem_shared>>) attributes {dimension_semantics = [#tpu.dimension_semantics<core_parallel>, #tpu.dimension_semantics<subcore_parallel>], iteration_bounds = array<i64: 2, 16>, scalar_prefetch = 0 : i64, scratch_operands = 13 : i64, tpu.core_type = #tpu.core_type<sc_vector_subcore>, window_params = [{transform_indices = #map}, {transform_indices = #map}, {transform_indices = #map1}, {transform_indices = #map1}, {transform_indices = #map}, {transform_indices = #map}, {transform_indices = #map2}]} {
    %mul3A = arith.constant 16 : i32
    %mul3A_0 = arith.muli %arg0, %mul3A : i32
    %add3A = arith.addi %mul3A_0, %arg1 : i32
    %mul3A_1 = arith.constant 640 : i32
    %mul3A_2 = arith.muli %arg1, %mul3A_1 : i32
    "tpu.region"() ({
      %run_scoped3A = tpu.sem_alloc : memref<!tpu.dma_semaphore, #tpu.memory_space<semaphore_mem>>
      %dma_start3A_19 = arith.constant 0 : i32
      %dma_start3A_20 = tpu.memref_slice %arg21[%mul3A_2, %dma_start3A_19] : memref<10240x16xf32, #tpu.memory_space<vmem_shared>> -> memref<640x16xf32, #tpu.memory_space<vmem_shared>>
      %dma_start3A_21 = arith.constant 0 : i32
      %dma_start3A_22 = arith.constant 0 : i32
      %dma_start3A_23 = tpu.memref_slice %arg6[%dma_start3A_21, %dma_start3A_22] : memref<640x16xf32, #tpu.memory_space<hbm>> -> memref<640x16xf32, #tpu.memory_space<hbm>>
      tpu.enqueue_dma source(%dma_start3A_23 : memref<640x16xf32, #tpu.memory_space<hbm>>) target(%dma_start3A_20 : memref<640x16xf32, #tpu.memory_space<vmem_shared>>) target_semaphore(%run_scoped3A : memref<!tpu.dma_semaphore, #tpu.memory_space<semaphore_mem>>)
      %dma_wait3A = arith.constant 0 : i32
      %dma_wait3A_24 = tpu.memref_slice %arg21[%mul3A_2, %dma_wait3A] : memref<10240x16xf32, #tpu.memory_space<vmem_shared>> -> memref<640x16xf32, #tpu.memory_space<vmem_shared>>
      %dma_wait3A_25 = arith.constant 0 : i32
      %dma_wait3A_26 = arith.constant 0 : i32
      %dma_wait3A_27 = tpu.memref_slice %arg6[%dma_wait3A_25, %dma_wait3A_26] : memref<640x16xf32, #tpu.memory_space<hbm>> -> memref<640x16xf32, #tpu.memory_space<hbm>>
      tpu.wait_dma2 semaphore(%run_scoped3A : memref<!tpu.dma_semaphore, #tpu.memory_space<semaphore_mem>>) src(%dma_wait3A_27 : memref<640x16xf32, #tpu.memory_space<hbm>>) dst(%dma_wait3A_24 : memref<640x16xf32, #tpu.memory_space<vmem_shared>>)
      tpu.yield
    }) : () -> ()
    %barrier3A = arith.constant 0 : index
    tpu.barrier barrier_id(%barrier3A)
    %mul3A_3 = arith.constant 10496 : i32
    %mul3A_4 = arith.muli %add3A, %mul3A_3 : i32
    %add3A_5 = arith.constant 0 : i32
    %add3A_6 = arith.addi %mul3A_4, %add3A_5 : i32
    "tpu.region"() ({
      %run_scoped3A = tpu.sem_alloc : memref<!tpu.dma_semaphore, #tpu.memory_space<semaphore_mem>>
      %dma_start3A_19 = tpu.memref_slice %arg4[%add3A_6] : memref<335872xi32, #tpu.memory_space<hbm>> -> memref<128xi32, #tpu.memory_space<hbm>>
      %dma_start3A_20 = tpu.memref_slice %arg4[%add3A_6] : memref<335872xi32, #tpu.memory_space<hbm>> -> memref<128xi32, #tpu.memory_space<hbm>>
      tpu.enqueue_dma source(%dma_start3A_20 : memref<128xi32, #tpu.memory_space<hbm>>) target(%arg9 : memref<128xi32, #tpu.memory_space<vmem>>) target_semaphore(%run_scoped3A : memref<!tpu.dma_semaphore, #tpu.memory_space<semaphore_mem>>)
      %dma_wait3A = tpu.memref_slice %arg4[%add3A_6] : memref<335872xi32, #tpu.memory_space<hbm>> -> memref<128xi32, #tpu.memory_space<hbm>>
      %dma_wait3A_21 = tpu.memref_slice %arg4[%add3A_6] : memref<335872xi32, #tpu.memory_space<hbm>> -> memref<128xi32, #tpu.memory_space<hbm>>
      tpu.wait_dma2 semaphore(%run_scoped3A : memref<!tpu.dma_semaphore, #tpu.memory_space<semaphore_mem>>) src(%dma_wait3A_21 : memref<128xi32, #tpu.memory_space<hbm>>) dst(%arg9 : memref<128xi32, #tpu.memory_space<vmem>>)
      tpu.yield
    }) : () -> ()
    "tpu.region"() ({
      %run_scoped3A = tpu.sem_alloc : memref<!tpu.dma_semaphore, #tpu.memory_space<semaphore_mem>>
      %dma_start3A_19 = tpu.memref_slice %arg5[%add3A_6] : memref<335872xi32, #tpu.memory_space<hbm>> -> memref<128xi32, #tpu.memory_space<hbm>>
      %dma_start3A_20 = tpu.memref_slice %arg5[%add3A_6] : memref<335872xi32, #tpu.memory_space<hbm>> -> memref<128xi32, #tpu.memory_space<hbm>>
      tpu.enqueue_dma source(%dma_start3A_20 : memref<128xi32, #tpu.memory_space<hbm>>) target(%arg10 : memref<128xi32, #tpu.memory_space<vmem>>) target_semaphore(%run_scoped3A : memref<!tpu.dma_semaphore, #tpu.memory_space<semaphore_mem>>)
      %dma_wait3A = tpu.memref_slice %arg5[%add3A_6] : memref<335872xi32, #tpu.memory_space<hbm>> -> memref<128xi32, #tpu.memory_space<hbm>>
      %dma_wait3A_21 = tpu.memref_slice %arg5[%add3A_6] : memref<335872xi32, #tpu.memory_space<hbm>> -> memref<128xi32, #tpu.memory_space<hbm>>
      tpu.wait_dma2 semaphore(%run_scoped3A : memref<!tpu.dma_semaphore, #tpu.memory_space<semaphore_mem>>) src(%dma_wait3A_21 : memref<128xi32, #tpu.memory_space<hbm>>) dst(%arg10 : memref<128xi32, #tpu.memory_space<vmem>>)
      tpu.yield
    }) : () -> ()
    %dma_start3A = arith.constant 0 : i32
    %dma_start3A_7 = arith.constant 0 : i32
    %dma_start3A_8 = tpu.memref_slice %arg2[%dma_start3A, %dma_start3A_7] : memref<10240x16xf32, #tpu.memory_space<hbm>> -> memref<10240x16xf32, #tpu.memory_space<hbm>>
    tpu.enqueue_indirect_dma source(%dma_start3A_8 : memref<10240x16xf32, #tpu.memory_space<hbm>>) target(%arg11 : memref<128x16xf32, #tpu.memory_space<vmem>>) offsets(%arg9 : memref<128xi32, #tpu.memory_space<vmem>>) semaphore(%arg14 : memref<!tpu.dma_semaphore, #tpu.memory_space<semaphore_mem>>)
    %dma_start3A_9 = arith.constant 0 : i32
    %dma_start3A_10 = arith.constant 0 : i32
    %dma_start3A_11 = tpu.memref_slice %arg3[%dma_start3A_9, %dma_start3A_10] : memref<10240x16xf32, #tpu.memory_space<hbm>> -> memref<10240x16xf32, #tpu.memory_space<hbm>>
    tpu.enqueue_indirect_dma source(%dma_start3A_11 : memref<10240x16xf32, #tpu.memory_space<hbm>>) target(%arg12 : memref<128x16xf32, #tpu.memory_space<vmem>>) offsets(%arg10 : memref<128xi32, #tpu.memory_space<vmem>>) semaphore(%arg14 : memref<!tpu.dma_semaphore, #tpu.memory_space<semaphore_mem>>)
    %scan3A = arith.constant 0 : i32
    %scan3A_12 = arith.constant 41 : i32
    %scan3A_13 = arith.addi %scan3A, %scan3A_12 : i32
    %scan3A_14 = arith.constant 1 : i32
    scf.for %scan3A_19 = %scan3A to %scan3A_13 step %scan3A_14  : i32 {
      %mul3A_20 = arith.constant 1 : i32
      %mul3A_21 = arith.muli %scan3A_19, %mul3A_20 : i32
      %add3A_22 = arith.constant 0 : i32
      %add3A_23 = arith.addi %add3A_22, %mul3A_21 : i32
      %mul3A_24 = arith.constant 2 : i32
      %mul3A_25 = arith.muli %mul3A_24, %add3A_23 : i32
      %add3A_26 = arith.constant 1 : i32
      %add3A_27 = arith.addi %mul3A_25, %add3A_26 : i32
      %mul3A_28 = arith.constant 10496 : i32
      %mul3A_29 = arith.muli %add3A, %mul3A_28 : i32
      %mul3A_30 = arith.constant 128 : i32
      %mul3A_31 = arith.muli %add3A_27, %mul3A_30 : i32
      %add3A_32 = arith.addi %mul3A_29, %mul3A_31 : i32
      "tpu.region"() ({
        %run_scoped3A = tpu.sem_alloc : memref<!tpu.dma_semaphore, #tpu.memory_space<semaphore_mem>>
        %dma_start3A_79 = tpu.memref_slice %arg4[%add3A_32] : memref<335872xi32, #tpu.memory_space<hbm>> -> memref<128xi32, #tpu.memory_space<hbm>>
        %dma_start3A_80 = tpu.memref_slice %arg4[%add3A_32] : memref<335872xi32, #tpu.memory_space<hbm>> -> memref<128xi32, #tpu.memory_space<hbm>>
        tpu.enqueue_dma source(%dma_start3A_80 : memref<128xi32, #tpu.memory_space<hbm>>) target(%arg15 : memref<128xi32, #tpu.memory_space<vmem>>) target_semaphore(%run_scoped3A : memref<!tpu.dma_semaphore, #tpu.memory_space<semaphore_mem>>)
        %dma_wait3A_81 = tpu.memref_slice %arg4[%add3A_32] : memref<335872xi32, #tpu.memory_space<hbm>> -> memref<128xi32, #tpu.memory_space<hbm>>
        %dma_wait3A_82 = tpu.memref_slice %arg4[%add3A_32] : memref<335872xi32, #tpu.memory_space<hbm>> -> memref<128xi32, #tpu.memory_space<hbm>>
        tpu.wait_dma2 semaphore(%run_scoped3A : memref<!tpu.dma_semaphore, #tpu.memory_space<semaphore_mem>>) src(%dma_wait3A_82 : memref<128xi32, #tpu.memory_space<hbm>>) dst(%arg15 : memref<128xi32, #tpu.memory_space<vmem>>)
        tpu.yield
      }) : () -> ()
      "tpu.region"() ({
        %run_scoped3A = tpu.sem_alloc : memref<!tpu.dma_semaphore, #tpu.memory_space<semaphore_mem>>
        %dma_start3A_79 = tpu.memref_slice %arg5[%add3A_32] : memref<335872xi32, #tpu.memory_space<hbm>> -> memref<128xi32, #tpu.memory_space<hbm>>
        %dma_start3A_80 = tpu.memref_slice %arg5[%add3A_32] : memref<335872xi32, #tpu.memory_space<hbm>> -> memref<128xi32, #tpu.memory_space<hbm>>
        tpu.enqueue_dma source(%dma_start3A_80 : memref<128xi32, #tpu.memory_space<hbm>>) target(%arg16 : memref<128xi32, #tpu.memory_space<vmem>>) target_semaphore(%run_scoped3A : memref<!tpu.dma_semaphore, #tpu.memory_space<semaphore_mem>>)
        %dma_wait3A_81 = tpu.memref_slice %arg5[%add3A_32] : memref<335872xi32, #tpu.memory_space<hbm>> -> memref<128xi32, #tpu.memory_space<hbm>>
        %dma_wait3A_82 = tpu.memref_slice %arg5[%add3A_32] : memref<335872xi32, #tpu.memory_space<hbm>> -> memref<128xi32, #tpu.memory_space<hbm>>
        tpu.wait_dma2 semaphore(%run_scoped3A : memref<!tpu.dma_semaphore, #tpu.memory_space<semaphore_mem>>) src(%dma_wait3A_82 : memref<128xi32, #tpu.memory_space<hbm>>) dst(%arg16 : memref<128xi32, #tpu.memory_space<vmem>>)
        tpu.yield
      }) : () -> ()
      %dma_start3A_33 = arith.constant 0 : i32
      %dma_start3A_34 = arith.constant 0 : i32
      %dma_start3A_35 = tpu.memref_slice %arg2[%dma_start3A_33, %dma_start3A_34] : memref<10240x16xf32, #tpu.memory_space<hbm>> -> memref<10240x16xf32, #tpu.memory_space<hbm>>
      tpu.enqueue_indirect_dma source(%dma_start3A_35 : memref<10240x16xf32, #tpu.memory_space<hbm>>) target(%arg17 : memref<128x16xf32, #tpu.memory_space<vmem>>) offsets(%arg15 : memref<128xi32, #tpu.memory_space<vmem>>) semaphore(%arg20 : memref<!tpu.dma_semaphore, #tpu.memory_space<semaphore_mem>>)
      %dma_start3A_36 = arith.constant 0 : i32
      %dma_start3A_37 = arith.constant 0 : i32
      %dma_start3A_38 = tpu.memref_slice %arg3[%dma_start3A_36, %dma_start3A_37] : memref<10240x16xf32, #tpu.memory_space<hbm>> -> memref<10240x16xf32, #tpu.memory_space<hbm>>
      tpu.enqueue_indirect_dma source(%dma_start3A_38 : memref<10240x16xf32, #tpu.memory_space<hbm>>) target(%arg18 : memref<128x16xf32, #tpu.memory_space<vmem>>) offsets(%arg16 : memref<128xi32, #tpu.memory_space<vmem>>) semaphore(%arg20 : memref<!tpu.dma_semaphore, #tpu.memory_space<semaphore_mem>>)
      %mul3A_39 = arith.constant 2 : i32
      %mul3A_40 = arith.muli %mul3A_39, %add3A_23 : i32
      %mul3A_41 = arith.constant 10496 : i32
      %mul3A_42 = arith.muli %add3A, %mul3A_41 : i32
      %mul3A_43 = arith.constant 128 : i32
      %mul3A_44 = arith.muli %mul3A_40, %mul3A_43 : i32
      %add3A_45 = arith.addi %mul3A_42, %mul3A_44 : i32
      %dma_wait3A = arith.constant 0 : i32
      %dma_wait3A_46 = arith.constant 0 : i32
      %dma_wait3A_47 = tpu.memref_slice %arg2[%dma_wait3A, %dma_wait3A_46] : memref<10240x16xf32, #tpu.memory_space<hbm>> -> memref<10240x16xf32, #tpu.memory_space<hbm>>
      tpu.wait_indirect_dma semaphore(%arg14 : memref<!tpu.dma_semaphore, #tpu.memory_space<semaphore_mem>>) src(%dma_wait3A_47 : memref<10240x16xf32, #tpu.memory_space<hbm>>) dst(%arg11 : memref<128x16xf32, #tpu.memory_space<vmem>>)
      %dma_wait3A_48 = arith.constant 0 : i32
      %dma_wait3A_49 = arith.constant 0 : i32
      %dma_wait3A_50 = tpu.memref_slice %arg3[%dma_wait3A_48, %dma_wait3A_49] : memref<10240x16xf32, #tpu.memory_space<hbm>> -> memref<10240x16xf32, #tpu.memory_space<hbm>>
      tpu.wait_indirect_dma semaphore(%arg14 : memref<!tpu.dma_semaphore, #tpu.memory_space<semaphore_mem>>) src(%dma_wait3A_50 : memref<10240x16xf32, #tpu.memory_space<hbm>>) dst(%arg12 : memref<128x16xf32, #tpu.memory_space<vmem>>)
      %parallel_loop3A = arith.constant 0 : i32
      %parallel_loop3A_51 = arith.constant 128 : i32
      %parallel_loop3A_52 = arith.constant 1 : i32
      scf.for %parallel_loop3A_79 = %parallel_loop3A to %parallel_loop3A_51 step %parallel_loop3A_52  : i32 {
        %parallel_loop3A_80 = arith.index_cast %parallel_loop3A_79 : i32 to index
        %parallel_loop3A_81 = arith.constant 0 : index
        %parallel_loop3A_82 = tpu.vector_load %arg11[%parallel_loop3A_80, %parallel_loop3A_81] {strides = array<i32>} : memref<128x16xf32, #tpu.memory_space<vmem>>, vector<1x16xf32>,
        %parallel_loop3A_83 = vector.shape_cast %parallel_loop3A_82 : vector<1x16xf32> to vector<16xf32>
        %parallel_loop3A_84 = arith.index_cast %parallel_loop3A_79 : i32 to index
        %parallel_loop3A_85 = arith.constant 0 : index
        %parallel_loop3A_86 = tpu.vector_load %arg12[%parallel_loop3A_84, %parallel_loop3A_85] {strides = array<i32>} : memref<128x16xf32, #tpu.memory_space<vmem>>, vector<1x16xf32>,
        %parallel_loop3A_87 = vector.shape_cast %parallel_loop3A_86 : vector<1x16xf32> to vector<16xf32>
        %parallel_loop3A_88 = arith.addf %parallel_loop3A_83, %parallel_loop3A_87 : vector<16xf32>
        %parallel_loop3A_89 = arith.constant 0.000000e+00 : f32
        %parallel_loop3A_90 = vector.broadcast %parallel_loop3A_89 : f32 to vector<16xf32>
        %parallel_loop3A_91 = arith.cmpf ogt, %parallel_loop3A_88, %parallel_loop3A_90 : vector<16xf32>
        %parallel_loop3A_92 = arith.constant 2.000000e-01 : f32
        %parallel_loop3A_93 = vector.broadcast %parallel_loop3A_92 : f32 to vector<16xf32>
        %parallel_loop3A_94 = arith.mulf %parallel_loop3A_93, %parallel_loop3A_88 : vector<16xf32>
        %parallel_loop3A_95 = arith.select %parallel_loop3A_91, %parallel_loop3A_88, %parallel_loop3A_94 : vector<16xi1>, vector<16xf32>
        %parallel_loop3A_96 = math.exp %parallel_loop3A_95 : vector<16xf32>
        %parallel_loop3A_97 = arith.index_cast %parallel_loop3A_79 : i32 to index
        %parallel_loop3A_98 = arith.constant 0 : index
        %parallel_loop3A_99 = tpu.vector_load %arg13[%parallel_loop3A_97, %parallel_loop3A_98] {strides = array<i32>} : memref<128x16xf32, #tpu.memory_space<vmem>>, vector<1x16xf32>,
        %parallel_loop3A_100 = vector.shape_cast %parallel_loop3A_99 : vector<1x16xf32> to vector<16xf32>
        %parallel_loop3A_101 = vector.shape_cast %parallel_loop3A_96 : vector<16xf32> to vector<1x16xf32>
        tpu.vector_store %arg13[%parallel_loop3A_97, %parallel_loop3A_98], %parallel_loop3A_101 {strides = array<i32>} : memref<128x16xf32, #tpu.memory_space<vmem>>, vector<1x16xf32>,
      } {sc.loop_unroll_factor = 4 : i64, sc.parallel_access}
      "tpu.region"() ({
        %run_scoped3A = tpu.sem_alloc : memref<!tpu.dma_semaphore, #tpu.memory_space<semaphore_mem>>
        %dma_start3A_79 = arith.constant 0 : i32
        %dma_start3A_80 = tpu.memref_slice %arg7[%add3A_45, %dma_start3A_79] : memref<335872x16xf32, #tpu.memory_space<hbm>> -> memref<128x16xf32, #tpu.memory_space<hbm>>
        %dma_start3A_81 = arith.constant 0 : i32
        %dma_start3A_82 = tpu.memref_slice %arg7[%add3A_45, %dma_start3A_81] : memref<335872x16xf32, #tpu.memory_space<hbm>> -> memref<128x16xf32, #tpu.memory_space<hbm>>
        tpu.enqueue_dma source(%arg13 : memref<128x16xf32, #tpu.memory_space<vmem>>) target(%dma_start3A_82 : memref<128x16xf32, #tpu.memory_space<hbm>>) target_semaphore(%run_scoped3A : memref<!tpu.dma_semaphore, #tpu.memory_space<semaphore_mem>>)
        %dma_wait3A_83 = arith.constant 0 : i32
        %dma_wait3A_84 = tpu.memref_slice %arg7[%add3A_45, %dma_wait3A_83] : memref<335872x16xf32, #tpu.memory_space<hbm>> -> memref<128x16xf32, #tpu.memory_space<hbm>>
        %dma_wait3A_85 = arith.constant 0 : i32
        %dma_wait3A_86 = tpu.memref_slice %arg7[%add3A_45, %dma_wait3A_85] : memref<335872x16xf32, #tpu.memory_space<hbm>> -> memref<128x16xf32, #tpu.memory_space<hbm>>
        tpu.wait_dma2 semaphore(%run_scoped3A : memref<!tpu.dma_semaphore, #tpu.memory_space<semaphore_mem>>) src(%arg13 : memref<128x16xf32, #tpu.memory_space<vmem>>) dst(%dma_wait3A_86 : memref<128x16xf32, #tpu.memory_space<hbm>>)
        tpu.yield
      }) : () -> ()
      "tpu.region"() ({
        %run_scoped3A = tpu.sem_alloc : memref<!tpu.dma_semaphore, #tpu.memory_space<semaphore_mem>>
        %dma_start3A_79 = arith.constant 0 : i32
        %dma_start3A_80 = arith.constant 0 : i32
        %dma_start3A_81 = tpu.memref_slice %arg21[%dma_start3A_79, %dma_start3A_80] : memref<10240x16xf32, #tpu.memory_space<vmem_shared>> -> memref<10240x16xf32, #tpu.memory_space<vmem_shared>>
        tpu.enqueue_indirect_dma source(%arg13 : memref<128x16xf32, #tpu.memory_space<vmem>>) target(%dma_start3A_81 : memref<10240x16xf32, #tpu.memory_space<vmem_shared>>) offsets(%arg10 : memref<128xi32, #tpu.memory_space<vmem>>) semaphore(%run_scoped3A : memref<!tpu.dma_semaphore, #tpu.memory_space<semaphore_mem>>) {add = true}
        %dma_wait3A_82 = arith.constant 0 : i32
        %dma_wait3A_83 = arith.constant 0 : i32
        %dma_wait3A_84 = tpu.memref_slice %arg21[%dma_wait3A_82, %dma_wait3A_83] : memref<10240x16xf32, #tpu.memory_space<vmem_shared>> -> memref<10240x16xf32, #tpu.memory_space<vmem_shared>>
        tpu.wait_indirect_dma semaphore(%run_scoped3A : memref<!tpu.dma_semaphore, #tpu.memory_space<semaphore_mem>>) src(%arg13 : memref<128x16xf32, #tpu.memory_space<vmem>>) dst(%dma_wait3A_84 : memref<10240x16xf32, #tpu.memory_space<vmem_shared>>)
        tpu.yield
      }) : () -> ()
      %mul3A_53 = arith.constant 2 : i32
      %mul3A_54 = arith.muli %mul3A_53, %add3A_23 : i32
      %add3A_55 = arith.constant 2 : i32
      %add3A_56 = arith.addi %mul3A_54, %add3A_55 : i32
      %lt3A = arith.constant 82 : i32
      %lt3A_57 = arith.cmpi slt, %add3A_56, %lt3A : i32
      %convert_element_type3A_58 = arith.extui %lt3A_57 : i1 to i32
      %cond3A_59 = arith.constant 0 : i32
      %cond3A_60 = arith.cmpi ne, %convert_element_type3A_58, %cond3A_59 : i32
      scf.if %cond3A_60 {
        %mul3A_79 = arith.constant 2 : i32
        %mul3A_80 = arith.muli %mul3A_79, %add3A_23 : i32
        %add3A_81 = arith.constant 2 : i32
        %add3A_82 = arith.addi %mul3A_80, %add3A_81 : i32
        %mul3A_83 = arith.constant 10496 : i32
        %mul3A_84 = arith.muli %add3A, %mul3A_83 : i32
        %mul3A_85 = arith.constant 128 : i32
        %mul3A_86 = arith.muli %add3A_82, %mul3A_85 : i32
        %add3A_87 = arith.addi %mul3A_84, %mul3A_86 : i32
        "tpu.region"() ({
          %run_scoped3A = tpu.sem_alloc : memref<!tpu.dma_semaphore, #tpu.memory_space<semaphore_mem>>
          %dma_start3A_94 = tpu.memref_slice %arg4[%add3A_87] : memref<335872xi32, #tpu.memory_space<hbm>> -> memref<128xi32, #tpu.memory_space<hbm>>
          %dma_start3A_95 = tpu.memref_slice %arg4[%add3A_87] : memref<335872xi32, #tpu.memory_space<hbm>> -> memref<128xi32, #tpu.memory_space<hbm>>
          tpu.enqueue_dma source(%dma_start3A_95 : memref<128xi32, #tpu.memory_space<hbm>>) target(%arg9 : memref<128xi32, #tpu.memory_space<vmem>>) target_semaphore(%run_scoped3A : memref<!tpu.dma_semaphore, #tpu.memory_space<semaphore_mem>>)
          %dma_wait3A_96 = tpu.memref_slice %arg4[%add3A_87] : memref<335872xi32, #tpu.memory_space<hbm>> -> memref<128xi32, #tpu.memory_space<hbm>>
          %dma_wait3A_97 = tpu.memref_slice %arg4[%add3A_87] : memref<335872xi32, #tpu.memory_space<hbm>> -> memref<128xi32, #tpu.memory_space<hbm>>
          tpu.wait_dma2 semaphore(%run_scoped3A : memref<!tpu.dma_semaphore, #tpu.memory_space<semaphore_mem>>) src(%dma_wait3A_97 : memref<128xi32, #tpu.memory_space<hbm>>) dst(%arg9 : memref<128xi32, #tpu.memory_space<vmem>>)
          tpu.yield
        }) : () -> ()
        "tpu.region"() ({
          %run_scoped3A = tpu.sem_alloc : memref<!tpu.dma_semaphore, #tpu.memory_space<semaphore_mem>>
          %dma_start3A_94 = tpu.memref_slice %arg5[%add3A_87] : memref<335872xi32, #tpu.memory_space<hbm>> -> memref<128xi32, #tpu.memory_space<hbm>>
          %dma_start3A_95 = tpu.memref_slice %arg5[%add3A_87] : memref<335872xi32, #tpu.memory_space<hbm>> -> memref<128xi32, #tpu.memory_space<hbm>>
          tpu.enqueue_dma source(%dma_start3A_95 : memref<128xi32, #tpu.memory_space<hbm>>) target(%arg10 : memref<128xi32, #tpu.memory_space<vmem>>) target_semaphore(%run_scoped3A : memref<!tpu.dma_semaphore, #tpu.memory_space<semaphore_mem>>)
          %dma_wait3A_96 = tpu.memref_slice %arg5[%add3A_87] : memref<335872xi32, #tpu.memory_space<hbm>> -> memref<128xi32, #tpu.memory_space<hbm>>
          %dma_wait3A_97 = tpu.memref_slice %arg5[%add3A_87] : memref<335872xi32, #tpu.memory_space<hbm>> -> memref<128xi32, #tpu.memory_space<hbm>>
          tpu.wait_dma2 semaphore(%run_scoped3A : memref<!tpu.dma_semaphore, #tpu.memory_space<semaphore_mem>>) src(%dma_wait3A_97 : memref<128xi32, #tpu.memory_space<hbm>>) dst(%arg10 : memref<128xi32, #tpu.memory_space<vmem>>)
          tpu.yield
        }) : () -> ()
        %dma_start3A_88 = arith.constant 0 : i32
        %dma_start3A_89 = arith.constant 0 : i32
        %dma_start3A_90 = tpu.memref_slice %arg2[%dma_start3A_88, %dma_start3A_89] : memref<10240x16xf32, #tpu.memory_space<hbm>> -> memref<10240x16xf32, #tpu.memory_space<hbm>>
        tpu.enqueue_indirect_dma source(%dma_start3A_90 : memref<10240x16xf32, #tpu.memory_space<hbm>>) target(%arg11 : memref<128x16xf32, #tpu.memory_space<vmem>>) offsets(%arg9 : memref<128xi32, #tpu.memory_space<vmem>>) semaphore(%arg14 : memref<!tpu.dma_semaphore, #tpu.memory_space<semaphore_mem>>)
        %dma_start3A_91 = arith.constant 0 : i32
        %dma_start3A_92 = arith.constant 0 : i32
        %dma_start3A_93 = tpu.memref_slice %arg3[%dma_start3A_91, %dma_start3A_92] : memref<10240x16xf32, #tpu.memory_space<hbm>> -> memref<10240x16xf32, #tpu.memory_space<hbm>>
        tpu.enqueue_indirect_dma source(%dma_start3A_93 : memref<10240x16xf32, #tpu.memory_space<hbm>>) target(%arg12 : memref<128x16xf32, #tpu.memory_space<vmem>>) offsets(%arg10 : memref<128xi32, #tpu.memory_space<vmem>>) semaphore(%arg14 : memref<!tpu.dma_semaphore, #tpu.memory_space<semaphore_mem>>)
      } else {
      }
      %mul3A_61 = arith.constant 2 : i32
      %mul3A_62 = arith.muli %mul3A_61, %add3A_23 : i32
      %add3A_63 = arith.constant 1 : i32
      %add3A_64 = arith.addi %mul3A_62, %add3A_63 : i32
      %mul3A_65 = arith.constant 10496 : i32
      %mul3A_66 = arith.muli %add3A, %mul3A_65 : i32
      %mul3A_67 = arith.constant 128 : i32
      %mul3A_68 = arith.muli %add3A_64, %mul3A_67 : i32
      %add3A_69 = arith.addi %mul3A_66, %mul3A_68 : i32
      %dma_wait3A_70 = arith.constant 0 : i32
      %dma_wait3A_71 = arith.constant 0 : i32
      %dma_wait3A_72 = tpu.memref_slice %arg2[%dma_wait3A_70, %dma_wait3A_71] : memref<10240x16xf32, #tpu.memory_space<hbm>> -> memref<10240x16xf32, #tpu.memory_space<hbm>>
      tpu.wait_indirect_dma semaphore(%arg20 : memref<!tpu.dma_semaphore, #tpu.memory_space<semaphore_mem>>) src(%dma_wait3A_72 : memref<10240x16xf32, #tpu.memory_space<hbm>>) dst(%arg17 : memref<128x16xf32, #tpu.memory_space<vmem>>)
      %dma_wait3A_73 = arith.constant 0 : i32
      %dma_wait3A_74 = arith.constant 0 : i32
      %dma_wait3A_75 = tpu.memref_slice %arg3[%dma_wait3A_73, %dma_wait3A_74] : memref<10240x16xf32, #tpu.memory_space<hbm>> -> memref<10240x16xf32, #tpu.memory_space<hbm>>
      tpu.wait_indirect_dma semaphore(%arg20 : memref<!tpu.dma_semaphore, #tpu.memory_space<semaphore_mem>>) src(%dma_wait3A_75 : memref<10240x16xf32, #tpu.memory_space<hbm>>) dst(%arg18 : memref<128x16xf32, #tpu.memory_space<vmem>>)
      %parallel_loop3A_76 = arith.constant 0 : i32
      %parallel_loop3A_77 = arith.constant 128 : i32
      %parallel_loop3A_78 = arith.constant 1 : i32
      scf.for %parallel_loop3A_79 = %parallel_loop3A_76 to %parallel_loop3A_77 step %parallel_loop3A_78  : i32 {
        %parallel_loop3A_80 = arith.index_cast %parallel_loop3A_79 : i32 to index
        %parallel_loop3A_81 = arith.constant 0 : index
        %parallel_loop3A_82 = tpu.vector_load %arg17[%parallel_loop3A_80, %parallel_loop3A_81] {strides = array<i32>} : memref<128x16xf32, #tpu.memory_space<vmem>>, vector<1x16xf32>,
        %parallel_loop3A_83 = vector.shape_cast %parallel_loop3A_82 : vector<1x16xf32> to vector<16xf32>
        %parallel_loop3A_84 = arith.index_cast %parallel_loop3A_79 : i32 to index
        %parallel_loop3A_85 = arith.constant 0 : index
        %parallel_loop3A_86 = tpu.vector_load %arg18[%parallel_loop3A_84, %parallel_loop3A_85] {strides = array<i32>} : memref<128x16xf32, #tpu.memory_space<vmem>>, vector<1x16xf32>,
        %parallel_loop3A_87 = vector.shape_cast %parallel_loop3A_86 : vector<1x16xf32> to vector<16xf32>
        %parallel_loop3A_88 = arith.addf %parallel_loop3A_83, %parallel_loop3A_87 : vector<16xf32>
        %parallel_loop3A_89 = arith.constant 0.000000e+00 : f32
        %parallel_loop3A_90 = vector.broadcast %parallel_loop3A_89 : f32 to vector<16xf32>
        %parallel_loop3A_91 = arith.cmpf ogt, %parallel_loop3A_88, %parallel_loop3A_90 : vector<16xf32>
        %parallel_loop3A_92 = arith.constant 2.000000e-01 : f32
        %parallel_loop3A_93 = vector.broadcast %parallel_loop3A_92 : f32 to vector<16xf32>
        %parallel_loop3A_94 = arith.mulf %parallel_loop3A_93, %parallel_loop3A_88 : vector<16xf32>
        %parallel_loop3A_95 = arith.select %parallel_loop3A_91, %parallel_loop3A_88, %parallel_loop3A_94 : vector<16xi1>, vector<16xf32>
        %parallel_loop3A_96 = math.exp %parallel_loop3A_95 : vector<16xf32>
        %parallel_loop3A_97 = arith.index_cast %parallel_loop3A_79 : i32 to index
        %parallel_loop3A_98 = arith.constant 0 : index
        %parallel_loop3A_99 = tpu.vector_load %arg19[%parallel_loop3A_97, %parallel_loop3A_98] {strides = array<i32>} : memref<128x16xf32, #tpu.memory_space<vmem>>, vector<1x16xf32>,
        %parallel_loop3A_100 = vector.shape_cast %parallel_loop3A_99 : vector<1x16xf32> to vector<16xf32>
        %parallel_loop3A_101 = vector.shape_cast %parallel_loop3A_96 : vector<16xf32> to vector<1x16xf32>
        tpu.vector_store %arg19[%parallel_loop3A_97, %parallel_loop3A_98], %parallel_loop3A_101 {strides = array<i32>} : memref<128x16xf32, #tpu.memory_space<vmem>>, vector<1x16xf32>,
      } {sc.loop_unroll_factor = 4 : i64, sc.parallel_access}
      "tpu.region"() ({
        %run_scoped3A = tpu.sem_alloc : memref<!tpu.dma_semaphore, #tpu.memory_space<semaphore_mem>>
        %dma_start3A_79 = arith.constant 0 : i32
        %dma_start3A_80 = tpu.memref_slice %arg7[%add3A_69, %dma_start3A_79] : memref<335872x16xf32, #tpu.memory_space<hbm>> -> memref<128x16xf32, #tpu.memory_space<hbm>>
        %dma_start3A_81 = arith.constant 0 : i32
        %dma_start3A_82 = tpu.memref_slice %arg7[%add3A_69, %dma_start3A_81] : memref<335872x16xf32, #tpu.memory_space<hbm>> -> memref<128x16xf32, #tpu.memory_space<hbm>>
        tpu.enqueue_dma source(%arg19 : memref<128x16xf32, #tpu.memory_space<vmem>>) target(%dma_start3A_82 : memref<128x16xf32, #tpu.memory_space<hbm>>) target_semaphore(%run_scoped3A : memref<!tpu.dma_semaphore, #tpu.memory_space<semaphore_mem>>)
        %dma_wait3A_83 = arith.constant 0 : i32
        %dma_wait3A_84 = tpu.memref_slice %arg7[%add3A_69, %dma_wait3A_83] : memref<335872x16xf32, #tpu.memory_space<hbm>> -> memref<128x16xf32, #tpu.memory_space<hbm>>
        %dma_wait3A_85 = arith.constant 0 : i32
        %dma_wait3A_86 = tpu.memref_slice %arg7[%add3A_69, %dma_wait3A_85] : memref<335872x16xf32, #tpu.memory_space<hbm>> -> memref<128x16xf32, #tpu.memory_space<hbm>>
        tpu.wait_dma2 semaphore(%run_scoped3A : memref<!tpu.dma_semaphore, #tpu.memory_space<semaphore_mem>>) src(%arg19 : memref<128x16xf32, #tpu.memory_space<vmem>>) dst(%dma_wait3A_86 : memref<128x16xf32, #tpu.memory_space<hbm>>)
        tpu.yield
      }) : () -> ()
      "tpu.region"() ({
        %run_scoped3A = tpu.sem_alloc : memref<!tpu.dma_semaphore, #tpu.memory_space<semaphore_mem>>
        %dma_start3A_79 = arith.constant 0 : i32
        %dma_start3A_80 = arith.constant 0 : i32
        %dma_start3A_81 = tpu.memref_slice %arg21[%dma_start3A_79, %dma_start3A_80] : memref<10240x16xf32, #tpu.memory_space<vmem_shared>> -> memref<10240x16xf32, #tpu.memory_space<vmem_shared>>
        tpu.enqueue_indirect_dma source(%arg19 : memref<128x16xf32, #tpu.memory_space<vmem>>) target(%dma_start3A_81 : memref<10240x16xf32, #tpu.memory_space<vmem_shared>>) offsets(%arg16 : memref<128xi32, #tpu.memory_space<vmem>>) semaphore(%run_scoped3A : memref<!tpu.dma_semaphore, #tpu.memory_space<semaphore_mem>>) {add = true}
        %dma_wait3A_82 = arith.constant 0 : i32
        %dma_wait3A_83 = arith.constant 0 : i32
        %dma_wait3A_84 = tpu.memref_slice %arg21[%dma_wait3A_82, %dma_wait3A_83] : memref<10240x16xf32, #tpu.memory_space<vmem_shared>> -> memref<10240x16xf32, #tpu.memory_space<vmem_shared>>
        tpu.wait_indirect_dma semaphore(%run_scoped3A : memref<!tpu.dma_semaphore, #tpu.memory_space<semaphore_mem>>) src(%arg19 : memref<128x16xf32, #tpu.memory_space<vmem>>) dst(%dma_wait3A_84 : memref<10240x16xf32, #tpu.memory_space<vmem_shared>>)
        tpu.yield
      }) : () -> ()
    }
    %scan3A_15 = arith.constant 41 : i32
    %barrier3A_16 = arith.constant 0 : index
    tpu.barrier barrier_id(%barrier3A_16)
    %eq3A = arith.constant 0 : i32
    %eq3A_17 = arith.cmpi eq, %arg1, %eq3A : i32
    %convert_element_type3A = arith.extui %eq3A_17 : i1 to i32
    %cond3A = arith.constant 0 : i32
    %cond3A_18 = arith.cmpi ne, %convert_element_type3A, %cond3A : i32
    scf.if %cond3A_18 {
      "tpu.region"() ({
        %run_scoped3A = tpu.sem_alloc : memref<!tpu.dma_semaphore, #tpu.memory_space<semaphore_mem>>
        %dma_start3A_19 = arith.constant 0 : i32
        %dma_start3A_20 = arith.constant 0 : i32
        %dma_start3A_21 = tpu.memref_slice %arg8[%arg0, %dma_start3A_19, %dma_start3A_20] : memref<2x10240x16xf32, #tpu.memory_space<hbm>> -> memref<1x10240x16xf32, #tpu.memory_space<hbm>>
        %dma_start3A_22 = tpu.memref_squeeze %dma_start3A_21 : memref<1x10240x16xf32, #tpu.memory_space<hbm>> -> memref<10240x16xf32, #tpu.memory_space<hbm>>
        tpu.enqueue_dma source(%arg21 : memref<10240x16xf32, #tpu.memory_space<vmem_shared>>) target(%dma_start3A_22 : memref<10240x16xf32, #tpu.memory_space<hbm>>) target_semaphore(%run_scoped3A : memref<!tpu.dma_semaphore, #tpu.memory_space<semaphore_mem>>)
        %dma_wait3A = arith.constant 0 : i32
        %dma_wait3A_23 = arith.constant 0 : i32
        %dma_wait3A_24 = tpu.memref_slice %arg8[%arg0, %dma_wait3A, %dma_wait3A_23] : memref<2x10240x16xf32, #tpu.memory_space<hbm>> -> memref<1x10240x16xf32, #tpu.memory_space<hbm>>
        %dma_wait3A_25 = tpu.memref_squeeze %dma_wait3A_24 : memref<1x10240x16xf32, #tpu.memory_space<hbm>> -> memref<10240x16xf32, #tpu.memory_space<hbm>>
        tpu.wait_dma2 semaphore(%run_scoped3A : memref<!tpu.dma_semaphore, #tpu.memory_space<semaphore_mem>>) src(%arg21 : memref<10240x16xf32, #tpu.memory_space<vmem_shared>>) dst(%dma_wait3A_25 : memref<10240x16xf32, #tpu.memory_space<hbm>>)
        tpu.yield
      }) : () -> ()
    } else {
    }
    return
  }
}

#map = affine_map<(d0, d1) -> (0, 0)>
#map1 = affine_map<(d0, d1) -> (0)>
#map2 = affine_map<(d0, d1) -> (0, 0, 0)>
module attributes {stable_mosaic.version = 14 : i64} {
  func.func @_edge_msg_body(%arg0: i32, %arg1: i32, %arg2: memref<10000x128xf32, #tpu.memory_space<hbm>>, %arg3: memref<335872xi32, #tpu.memory_space<hbm>>, %arg4: memref<335872xi32, #tpu.memory_space<hbm>>, %arg5: memref<335872x16xf32, #tpu.memory_space<hbm>>, %arg6: memref<10240x16xf32, #tpu.memory_space<hbm>>, %arg7: memref<640x128xf32, #tpu.memory_space<hbm>>, %arg8: memref<2x10240x128xf32, #tpu.memory_space<hbm>>, %arg9: memref<128xi32, #tpu.memory_space<vmem>>, %arg10: memref<128xi32, #tpu.memory_space<vmem>>, %arg11: memref<128x16xf32, #tpu.memory_space<vmem>>, %arg12: memref<128x16xf32, #tpu.memory_space<vmem>>, %arg13: memref<128x128xf32, #tpu.memory_space<vmem>>, %arg14: memref<!tpu.dma_semaphore, #tpu.memory_space<semaphore_mem>>, %arg15: memref<128xi32, #tpu.memory_space<vmem>>, %arg16: memref<128xi32, #tpu.memory_space<vmem>>, %arg17: memref<128x16xf32, #tpu.memory_space<vmem>>, %arg18: memref<128x16xf32, #tpu.memory_space<vmem>>, %arg19: memref<128x128xf32, #tpu.memory_space<vmem>>, %arg20: memref<!tpu.dma_semaphore, #tpu.memory_space<semaphore_mem>>, %arg21: memref<128x16xf32, #tpu.memory_space<vmem>>, %arg22: memref<10240x128xf32, #tpu.memory_space<vmem_shared>>) attributes {dimension_semantics = [#tpu.dimension_semantics<core_parallel>, #tpu.dimension_semantics<subcore_parallel>], iteration_bounds = array<i64: 2, 16>, scalar_prefetch = 0 : i64, scratch_operands = 14 : i64, tpu.core_type = #tpu.core_type<sc_vector_subcore>, window_params = [{transform_indices = #map}, {transform_indices = #map1}, {transform_indices = #map1}, {transform_indices = #map}, {transform_indices = #map}, {transform_indices = #map}, {transform_indices = #map2}]} {
    %mul3A = arith.constant 16 : i32
    %mul3A_0 = arith.muli %arg0, %mul3A : i32
    %add3A = arith.addi %mul3A_0, %arg1 : i32
    %mul3A_1 = arith.constant 640 : i32
    %mul3A_2 = arith.muli %arg1, %mul3A_1 : i32
    "tpu.region"() ({
      %run_scoped3A = tpu.sem_alloc : memref<!tpu.dma_semaphore, #tpu.memory_space<semaphore_mem>>
      %dma_start3A_23 = arith.constant 0 : i32
      %dma_start3A_24 = tpu.memref_slice %arg22[%mul3A_2, %dma_start3A_23] : memref<10240x128xf32, #tpu.memory_space<vmem_shared>> -> memref<640x128xf32, #tpu.memory_space<vmem_shared>>
      %dma_start3A_25 = arith.constant 0 : i32
      %dma_start3A_26 = arith.constant 0 : i32
      %dma_start3A_27 = tpu.memref_slice %arg7[%dma_start3A_25, %dma_start3A_26] : memref<640x128xf32, #tpu.memory_space<hbm>> -> memref<640x128xf32, #tpu.memory_space<hbm>>
      tpu.enqueue_dma source(%dma_start3A_27 : memref<640x128xf32, #tpu.memory_space<hbm>>) target(%dma_start3A_24 : memref<640x128xf32, #tpu.memory_space<vmem_shared>>) target_semaphore(%run_scoped3A : memref<!tpu.dma_semaphore, #tpu.memory_space<semaphore_mem>>)
      %dma_wait3A = arith.constant 0 : i32
      %dma_wait3A_28 = tpu.memref_slice %arg22[%mul3A_2, %dma_wait3A] : memref<10240x128xf32, #tpu.memory_space<vmem_shared>> -> memref<640x128xf32, #tpu.memory_space<vmem_shared>>
      %dma_wait3A_29 = arith.constant 0 : i32
      %dma_wait3A_30 = arith.constant 0 : i32
      %dma_wait3A_31 = tpu.memref_slice %arg7[%dma_wait3A_29, %dma_wait3A_30] : memref<640x128xf32, #tpu.memory_space<hbm>> -> memref<640x128xf32, #tpu.memory_space<hbm>>
      tpu.wait_dma2 semaphore(%run_scoped3A : memref<!tpu.dma_semaphore, #tpu.memory_space<semaphore_mem>>) src(%dma_wait3A_31 : memref<640x128xf32, #tpu.memory_space<hbm>>) dst(%dma_wait3A_28 : memref<640x128xf32, #tpu.memory_space<vmem_shared>>)
      tpu.yield
    }) : () -> ()
    %barrier3A = arith.constant 0 : index
    tpu.barrier barrier_id(%barrier3A)
    %mul3A_3 = arith.constant 10496 : i32
    %mul3A_4 = arith.muli %add3A, %mul3A_3 : i32
    %add3A_5 = arith.constant 0 : i32
    %add3A_6 = arith.addi %mul3A_4, %add3A_5 : i32
    %dma_start3A = arith.constant 0 : i32
    %dma_start3A_7 = tpu.memref_slice %arg5[%add3A_6, %dma_start3A] : memref<335872x16xf32, #tpu.memory_space<hbm>> -> memref<128x16xf32, #tpu.memory_space<hbm>>
    %dma_start3A_8 = arith.constant 0 : i32
    %dma_start3A_9 = tpu.memref_slice %arg5[%add3A_6, %dma_start3A_8] : memref<335872x16xf32, #tpu.memory_space<hbm>> -> memref<128x16xf32, #tpu.memory_space<hbm>>
    tpu.enqueue_dma source(%dma_start3A_9 : memref<128x16xf32, #tpu.memory_space<hbm>>) target(%arg11 : memref<128x16xf32, #tpu.memory_space<vmem>>) target_semaphore(%arg14 : memref<!tpu.dma_semaphore, #tpu.memory_space<semaphore_mem>>)
    "tpu.region"() ({
      %run_scoped3A = tpu.sem_alloc : memref<!tpu.dma_semaphore, #tpu.memory_space<semaphore_mem>>
      %dma_start3A_23 = tpu.memref_slice %arg3[%add3A_6] : memref<335872xi32, #tpu.memory_space<hbm>> -> memref<128xi32, #tpu.memory_space<hbm>>
      %dma_start3A_24 = tpu.memref_slice %arg3[%add3A_6] : memref<335872xi32, #tpu.memory_space<hbm>> -> memref<128xi32, #tpu.memory_space<hbm>>
      tpu.enqueue_dma source(%dma_start3A_24 : memref<128xi32, #tpu.memory_space<hbm>>) target(%arg9 : memref<128xi32, #tpu.memory_space<vmem>>) target_semaphore(%run_scoped3A : memref<!tpu.dma_semaphore, #tpu.memory_space<semaphore_mem>>)
      %dma_wait3A = tpu.memref_slice %arg3[%add3A_6] : memref<335872xi32, #tpu.memory_space<hbm>> -> memref<128xi32, #tpu.memory_space<hbm>>
      %dma_wait3A_25 = tpu.memref_slice %arg3[%add3A_6] : memref<335872xi32, #tpu.memory_space<hbm>> -> memref<128xi32, #tpu.memory_space<hbm>>
      tpu.wait_dma2 semaphore(%run_scoped3A : memref<!tpu.dma_semaphore, #tpu.memory_space<semaphore_mem>>) src(%dma_wait3A_25 : memref<128xi32, #tpu.memory_space<hbm>>) dst(%arg9 : memref<128xi32, #tpu.memory_space<vmem>>)
      tpu.yield
    }) : () -> ()
    "tpu.region"() ({
      %run_scoped3A = tpu.sem_alloc : memref<!tpu.dma_semaphore, #tpu.memory_space<semaphore_mem>>
      %dma_start3A_23 = tpu.memref_slice %arg4[%add3A_6] : memref<335872xi32, #tpu.memory_space<hbm>> -> memref<128xi32, #tpu.memory_space<hbm>>
      %dma_start3A_24 = tpu.memref_slice %arg4[%add3A_6] : memref<335872xi32, #tpu.memory_space<hbm>> -> memref<128xi32, #tpu.memory_space<hbm>>
      tpu.enqueue_dma source(%dma_start3A_24 : memref<128xi32, #tpu.memory_space<hbm>>) target(%arg10 : memref<128xi32, #tpu.memory_space<vmem>>) target_semaphore(%run_scoped3A : memref<!tpu.dma_semaphore, #tpu.memory_space<semaphore_mem>>)
      %dma_wait3A = tpu.memref_slice %arg4[%add3A_6] : memref<335872xi32, #tpu.memory_space<hbm>> -> memref<128xi32, #tpu.memory_space<hbm>>
      %dma_wait3A_25 = tpu.memref_slice %arg4[%add3A_6] : memref<335872xi32, #tpu.memory_space<hbm>> -> memref<128xi32, #tpu.memory_space<hbm>>
      tpu.wait_dma2 semaphore(%run_scoped3A : memref<!tpu.dma_semaphore, #tpu.memory_space<semaphore_mem>>) src(%dma_wait3A_25 : memref<128xi32, #tpu.memory_space<hbm>>) dst(%arg10 : memref<128xi32, #tpu.memory_space<vmem>>)
      tpu.yield
    }) : () -> ()
    %dma_start3A_10 = arith.constant 0 : i32
    %dma_start3A_11 = arith.constant 0 : i32
    %dma_start3A_12 = tpu.memref_slice %arg6[%dma_start3A_10, %dma_start3A_11] : memref<10240x16xf32, #tpu.memory_space<hbm>> -> memref<10240x16xf32, #tpu.memory_space<hbm>>
    tpu.enqueue_indirect_dma source(%dma_start3A_12 : memref<10240x16xf32, #tpu.memory_space<hbm>>) target(%arg12 : memref<128x16xf32, #tpu.memory_space<vmem>>) offsets(%arg10 : memref<128xi32, #tpu.memory_space<vmem>>) semaphore(%arg14 : memref<!tpu.dma_semaphore, #tpu.memory_space<semaphore_mem>>)
    %dma_start3A_13 = arith.constant 0 : i32
    %dma_start3A_14 = arith.constant 0 : i32
    %dma_start3A_15 = tpu.memref_slice %arg2[%dma_start3A_13, %dma_start3A_14] : memref<10000x128xf32, #tpu.memory_space<hbm>> -> memref<10000x128xf32, #tpu.memory_space<hbm>>
    tpu.enqueue_indirect_dma source(%dma_start3A_15 : memref<10000x128xf32, #tpu.memory_space<hbm>>) target(%arg13 : memref<128x128xf32, #tpu.memory_space<vmem>>) offsets(%arg9 : memref<128xi32, #tpu.memory_space<vmem>>) semaphore(%arg14 : memref<!tpu.dma_semaphore, #tpu.memory_space<semaphore_mem>>)
    %scan3A = arith.constant 0 : i32
    %scan3A_16 = arith.constant 41 : i32
    %scan3A_17 = arith.addi %scan3A, %scan3A_16 : i32
    %scan3A_18 = arith.constant 1 : i32
    scf.for %scan3A_23 = %scan3A to %scan3A_17 step %scan3A_18  : i32 {
      %mul3A_24 = arith.constant 1 : i32
      %mul3A_25 = arith.muli %scan3A_23, %mul3A_24 : i32
      %add3A_26 = arith.constant 0 : i32
      %add3A_27 = arith.addi %add3A_26, %mul3A_25 : i32
      %mul3A_28 = arith.constant 2 : i32
      %mul3A_29 = arith.muli %mul3A_28, %add3A_27 : i32
      %add3A_30 = arith.constant 1 : i32
      %add3A_31 = arith.addi %mul3A_29, %add3A_30 : i32
      %mul3A_32 = arith.constant 10496 : i32
      %mul3A_33 = arith.muli %add3A, %mul3A_32 : i32
      %mul3A_34 = arith.constant 128 : i32
      %mul3A_35 = arith.muli %add3A_31, %mul3A_34 : i32
      %add3A_36 = arith.addi %mul3A_33, %mul3A_35 : i32
      %dma_start3A_37 = arith.constant 0 : i32
      %dma_start3A_38 = tpu.memref_slice %arg5[%add3A_36, %dma_start3A_37] : memref<335872x16xf32, #tpu.memory_space<hbm>> -> memref<128x16xf32, #tpu.memory_space<hbm>>
      %dma_start3A_39 = arith.constant 0 : i32
      %dma_start3A_40 = tpu.memref_slice %arg5[%add3A_36, %dma_start3A_39] : memref<335872x16xf32, #tpu.memory_space<hbm>> -> memref<128x16xf32, #tpu.memory_space<hbm>>
      tpu.enqueue_dma source(%dma_start3A_40 : memref<128x16xf32, #tpu.memory_space<hbm>>) target(%arg17 : memref<128x16xf32, #tpu.memory_space<vmem>>) target_semaphore(%arg20 : memref<!tpu.dma_semaphore, #tpu.memory_space<semaphore_mem>>)
      "tpu.region"() ({
        %run_scoped3A = tpu.sem_alloc : memref<!tpu.dma_semaphore, #tpu.memory_space<semaphore_mem>>
        %dma_start3A_95 = tpu.memref_slice %arg3[%add3A_36] : memref<335872xi32, #tpu.memory_space<hbm>> -> memref<128xi32, #tpu.memory_space<hbm>>
        %dma_start3A_96 = tpu.memref_slice %arg3[%add3A_36] : memref<335872xi32, #tpu.memory_space<hbm>> -> memref<128xi32, #tpu.memory_space<hbm>>
        tpu.enqueue_dma source(%dma_start3A_96 : memref<128xi32, #tpu.memory_space<hbm>>) target(%arg15 : memref<128xi32, #tpu.memory_space<vmem>>) target_semaphore(%run_scoped3A : memref<!tpu.dma_semaphore, #tpu.memory_space<semaphore_mem>>)
        %dma_wait3A_97 = tpu.memref_slice %arg3[%add3A_36] : memref<335872xi32, #tpu.memory_space<hbm>> -> memref<128xi32, #tpu.memory_space<hbm>>
        %dma_wait3A_98 = tpu.memref_slice %arg3[%add3A_36] : memref<335872xi32, #tpu.memory_space<hbm>> -> memref<128xi32, #tpu.memory_space<hbm>>
        tpu.wait_dma2 semaphore(%run_scoped3A : memref<!tpu.dma_semaphore, #tpu.memory_space<semaphore_mem>>) src(%dma_wait3A_98 : memref<128xi32, #tpu.memory_space<hbm>>) dst(%arg15 : memref<128xi32, #tpu.memory_space<vmem>>)
        tpu.yield
      }) : () -> ()
      "tpu.region"() ({
        %run_scoped3A = tpu.sem_alloc : memref<!tpu.dma_semaphore, #tpu.memory_space<semaphore_mem>>
        %dma_start3A_95 = tpu.memref_slice %arg4[%add3A_36] : memref<335872xi32, #tpu.memory_space<hbm>> -> memref<128xi32, #tpu.memory_space<hbm>>
        %dma_start3A_96 = tpu.memref_slice %arg4[%add3A_36] : memref<335872xi32, #tpu.memory_space<hbm>> -> memref<128xi32, #tpu.memory_space<hbm>>
        tpu.enqueue_dma source(%dma_start3A_96 : memref<128xi32, #tpu.memory_space<hbm>>) target(%arg16 : memref<128xi32, #tpu.memory_space<vmem>>) target_semaphore(%run_scoped3A : memref<!tpu.dma_semaphore, #tpu.memory_space<semaphore_mem>>)
        %dma_wait3A_97 = tpu.memref_slice %arg4[%add3A_36] : memref<335872xi32, #tpu.memory_space<hbm>> -> memref<128xi32, #tpu.memory_space<hbm>>
        %dma_wait3A_98 = tpu.memref_slice %arg4[%add3A_36] : memref<335872xi32, #tpu.memory_space<hbm>> -> memref<128xi32, #tpu.memory_space<hbm>>
        tpu.wait_dma2 semaphore(%run_scoped3A : memref<!tpu.dma_semaphore, #tpu.memory_space<semaphore_mem>>) src(%dma_wait3A_98 : memref<128xi32, #tpu.memory_space<hbm>>) dst(%arg16 : memref<128xi32, #tpu.memory_space<vmem>>)
        tpu.yield
      }) : () -> ()
      %dma_start3A_41 = arith.constant 0 : i32
      %dma_start3A_42 = arith.constant 0 : i32
      %dma_start3A_43 = tpu.memref_slice %arg6[%dma_start3A_41, %dma_start3A_42] : memref<10240x16xf32, #tpu.memory_space<hbm>> -> memref<10240x16xf32, #tpu.memory_space<hbm>>
      tpu.enqueue_indirect_dma source(%dma_start3A_43 : memref<10240x16xf32, #tpu.memory_space<hbm>>) target(%arg18 : memref<128x16xf32, #tpu.memory_space<vmem>>) offsets(%arg16 : memref<128xi32, #tpu.memory_space<vmem>>) semaphore(%arg20 : memref<!tpu.dma_semaphore, #tpu.memory_space<semaphore_mem>>)
      %dma_start3A_44 = arith.constant 0 : i32
      %dma_start3A_45 = arith.constant 0 : i32
      %dma_start3A_46 = tpu.memref_slice %arg2[%dma_start3A_44, %dma_start3A_45] : memref<10000x128xf32, #tpu.memory_space<hbm>> -> memref<10000x128xf32, #tpu.memory_space<hbm>>
      tpu.enqueue_indirect_dma source(%dma_start3A_46 : memref<10000x128xf32, #tpu.memory_space<hbm>>) target(%arg19 : memref<128x128xf32, #tpu.memory_space<vmem>>) offsets(%arg15 : memref<128xi32, #tpu.memory_space<vmem>>) semaphore(%arg20 : memref<!tpu.dma_semaphore, #tpu.memory_space<semaphore_mem>>)
      %mul3A_47 = arith.constant 2 : i32
      %mul3A_48 = arith.muli %mul3A_47, %add3A_27 : i32
      %mul3A_49 = arith.constant 10496 : i32
      %mul3A_50 = arith.muli %add3A, %mul3A_49 : i32
      %mul3A_51 = arith.constant 128 : i32
      %mul3A_52 = arith.muli %mul3A_48, %mul3A_51 : i32
      %add3A_53 = arith.addi %mul3A_50, %mul3A_52 : i32
      %dma_wait3A = arith.constant 0 : i32
      %dma_wait3A_54 = tpu.memref_slice %arg5[%add3A_53, %dma_wait3A] : memref<335872x16xf32, #tpu.memory_space<hbm>> -> memref<128x16xf32, #tpu.memory_space<hbm>>
      %dma_wait3A_55 = arith.constant 0 : i32
      %dma_wait3A_56 = tpu.memref_slice %arg5[%add3A_53, %dma_wait3A_55] : memref<335872x16xf32, #tpu.memory_space<hbm>> -> memref<128x16xf32, #tpu.memory_space<hbm>>
      tpu.wait_dma2 semaphore(%arg14 : memref<!tpu.dma_semaphore, #tpu.memory_space<semaphore_mem>>) src(%dma_wait3A_56 : memref<128x16xf32, #tpu.memory_space<hbm>>) dst(%arg11 : memref<128x16xf32, #tpu.memory_space<vmem>>)
      %dma_wait3A_57 = arith.constant 0 : i32
      %dma_wait3A_58 = arith.constant 0 : i32
      %dma_wait3A_59 = tpu.memref_slice %arg6[%dma_wait3A_57, %dma_wait3A_58] : memref<10240x16xf32, #tpu.memory_space<hbm>> -> memref<10240x16xf32, #tpu.memory_space<hbm>>
      tpu.wait_indirect_dma semaphore(%arg14 : memref<!tpu.dma_semaphore, #tpu.memory_space<semaphore_mem>>) src(%dma_wait3A_59 : memref<10240x16xf32, #tpu.memory_space<hbm>>) dst(%arg12 : memref<128x16xf32, #tpu.memory_space<vmem>>)
      %dma_wait3A_60 = arith.constant 0 : i32
      %dma_wait3A_61 = arith.constant 0 : i32
      %dma_wait3A_62 = tpu.memref_slice %arg2[%dma_wait3A_60, %dma_wait3A_61] : memref<10000x128xf32, #tpu.memory_space<hbm>> -> memref<10000x128xf32, #tpu.memory_space<hbm>>
      tpu.wait_indirect_dma semaphore(%arg14 : memref<!tpu.dma_semaphore, #tpu.memory_space<semaphore_mem>>) src(%dma_wait3A_62 : memref<10000x128xf32, #tpu.memory_space<hbm>>) dst(%arg13 : memref<128x128xf32, #tpu.memory_space<vmem>>)
      %parallel_loop3A = arith.constant 0 : i32
      %parallel_loop3A_63 = arith.constant 128 : i32
      %parallel_loop3A_64 = arith.constant 1 : i32
      scf.for %parallel_loop3A_95 = %parallel_loop3A to %parallel_loop3A_63 step %parallel_loop3A_64  : i32 {
        %parallel_loop3A_96 = arith.index_cast %parallel_loop3A_95 : i32 to index
        %parallel_loop3A_97 = arith.constant 0 : index
        %parallel_loop3A_98 = tpu.vector_load %arg11[%parallel_loop3A_96, %parallel_loop3A_97] {strides = array<i32>} : memref<128x16xf32, #tpu.memory_space<vmem>>, vector<1x16xf32>,
        %parallel_loop3A_99 = vector.shape_cast %parallel_loop3A_98 : vector<1x16xf32> to vector<16xf32>
        %parallel_loop3A_100 = arith.index_cast %parallel_loop3A_95 : i32 to index
        %parallel_loop3A_101 = arith.constant 0 : index
        %parallel_loop3A_102 = tpu.vector_load %arg12[%parallel_loop3A_100, %parallel_loop3A_101] {strides = array<i32>} : memref<128x16xf32, #tpu.memory_space<vmem>>, vector<1x16xf32>,
        %parallel_loop3A_103 = vector.shape_cast %parallel_loop3A_102 : vector<1x16xf32> to vector<16xf32>
        %parallel_loop3A_104 = arith.divf %parallel_loop3A_99, %parallel_loop3A_103 : vector<16xf32>
        %parallel_loop3A_105 = vector.extract_strided_slice %parallel_loop3A_104 {offsets = [0], sizes = [1], strides = [1]} : vector<16xf32> to vector<1xf32>
        %parallel_loop3A_106 = vector.extract %parallel_loop3A_105[0] : f32 from vector<1xf32>
        %parallel_loop3A_107 = arith.index_cast %parallel_loop3A_95 : i32 to index
        %parallel_loop3A_108 = arith.constant 0 : index
        %parallel_loop3A_109 = tpu.vector_load %arg13[%parallel_loop3A_107, %parallel_loop3A_108] {strides = array<i32>} : memref<128x128xf32, #tpu.memory_space<vmem>>, vector<1x16xf32>,
        %parallel_loop3A_110 = vector.shape_cast %parallel_loop3A_109 : vector<1x16xf32> to vector<16xf32>
        %parallel_loop3A_111 = vector.broadcast %parallel_loop3A_106 : f32 to vector<16xf32>
        %parallel_loop3A_112 = arith.mulf %parallel_loop3A_110, %parallel_loop3A_111 : vector<16xf32>
        %parallel_loop3A_113 = arith.index_cast %parallel_loop3A_95 : i32 to index
        %parallel_loop3A_114 = arith.constant 0 : index
        %parallel_loop3A_115 = tpu.vector_load %arg13[%parallel_loop3A_113, %parallel_loop3A_114] {strides = array<i32>} : memref<128x128xf32, #tpu.memory_space<vmem>>, vector<1x16xf32>,
        %parallel_loop3A_116 = vector.shape_cast %parallel_loop3A_115 : vector<1x16xf32> to vector<16xf32>
        %parallel_loop3A_117 = vector.shape_cast %parallel_loop3A_112 : vector<16xf32> to vector<1x16xf32>
        tpu.vector_store %arg13[%parallel_loop3A_113, %parallel_loop3A_114], %parallel_loop3A_117 {strides = array<i32>} : memref<128x128xf32, #tpu.memory_space<vmem>>, vector<1x16xf32>,
        %parallel_loop3A_118 = vector.extract_strided_slice %parallel_loop3A_104 {offsets = [0], sizes = [1], strides = [1]} : vector<16xf32> to vector<1xf32>
        %parallel_loop3A_119 = vector.extract %parallel_loop3A_118[0] : f32 from vector<1xf32>
        %parallel_loop3A_120 = arith.index_cast %parallel_loop3A_95 : i32 to index
        %parallel_loop3A_121 = arith.constant 16 : index
        %parallel_loop3A_122 = tpu.vector_load %arg13[%parallel_loop3A_120, %parallel_loop3A_121] {strides = array<i32>} : memref<128x128xf32, #tpu.memory_space<vmem>>, vector<1x16xf32>,
        %parallel_loop3A_123 = vector.shape_cast %parallel_loop3A_122 : vector<1x16xf32> to vector<16xf32>
        %parallel_loop3A_124 = vector.broadcast %parallel_loop3A_119 : f32 to vector<16xf32>
        %parallel_loop3A_125 = arith.mulf %parallel_loop3A_123, %parallel_loop3A_124 : vector<16xf32>
        %parallel_loop3A_126 = arith.index_cast %parallel_loop3A_95 : i32 to index
        %parallel_loop3A_127 = arith.constant 16 : index
        %parallel_loop3A_128 = tpu.vector_load %arg13[%parallel_loop3A_126, %parallel_loop3A_127] {strides = array<i32>} : memref<128x128xf32, #tpu.memory_space<vmem>>, vector<1x16xf32>,
        %parallel_loop3A_129 = vector.shape_cast %parallel_loop3A_128 : vector<1x16xf32> to vector<16xf32>
        %parallel_loop3A_130 = vector.shape_cast %parallel_loop3A_125 : vector<16xf32> to vector<1x16xf32>
        tpu.vector_store %arg13[%parallel_loop3A_126, %parallel_loop3A_127], %parallel_loop3A_130 {strides = array<i32>} : memref<128x128xf32, #tpu.memory_space<vmem>>, vector<1x16xf32>,
        %parallel_loop3A_131 = vector.extract_strided_slice %parallel_loop3A_104 {offsets = [1], sizes = [1], strides = [1]} : vector<16xf32> to vector<1xf32>
        %parallel_loop3A_132 = vector.extract %parallel_loop3A_131[0] : f32 from vector<1xf32>
        %parallel_loop3A_133 = arith.index_cast %parallel_loop3A_95 : i32 to index
        %parallel_loop3A_134 = arith.constant 32 : index
        %parallel_loop3A_135 = tpu.vector_load %arg13[%parallel_loop3A_133, %parallel_loop3A_134] {strides = array<i32>} : memref<128x128xf32, #tpu.memory_space<vmem>>, vector<1x16xf32>,
        %parallel_loop3A_136 = vector.shape_cast %parallel_loop3A_135 : vector<1x16xf32> to vector<16xf32>
        %parallel_loop3A_137 = vector.broadcast %parallel_loop3A_132 : f32 to vector<16xf32>
        %parallel_loop3A_138 = arith.mulf %parallel_loop3A_136, %parallel_loop3A_137 : vector<16xf32>
        %parallel_loop3A_139 = arith.index_cast %parallel_loop3A_95 : i32 to index
        %parallel_loop3A_140 = arith.constant 32 : index
        %parallel_loop3A_141 = tpu.vector_load %arg13[%parallel_loop3A_139, %parallel_loop3A_140] {strides = array<i32>} : memref<128x128xf32, #tpu.memory_space<vmem>>, vector<1x16xf32>,
        %parallel_loop3A_142 = vector.shape_cast %parallel_loop3A_141 : vector<1x16xf32> to vector<16xf32>
        %parallel_loop3A_143 = vector.shape_cast %parallel_loop3A_138 : vector<16xf32> to vector<1x16xf32>
        tpu.vector_store %arg13[%parallel_loop3A_139, %parallel_loop3A_140], %parallel_loop3A_143 {strides = array<i32>} : memref<128x128xf32, #tpu.memory_space<vmem>>, vector<1x16xf32>,
        %parallel_loop3A_144 = vector.extract_strided_slice %parallel_loop3A_104 {offsets = [1], sizes = [1], strides = [1]} : vector<16xf32> to vector<1xf32>
        %parallel_loop3A_145 = vector.extract %parallel_loop3A_144[0] : f32 from vector<1xf32>
        %parallel_loop3A_146 = arith.index_cast %parallel_loop3A_95 : i32 to index
        %parallel_loop3A_147 = arith.constant 48 : index
        %parallel_loop3A_148 = tpu.vector_load %arg13[%parallel_loop3A_146, %parallel_loop3A_147] {strides = array<i32>} : memref<128x128xf32, #tpu.memory_space<vmem>>, vector<1x16xf32>,
        %parallel_loop3A_149 = vector.shape_cast %parallel_loop3A_148 : vector<1x16xf32> to vector<16xf32>
        %parallel_loop3A_150 = vector.broadcast %parallel_loop3A_145 : f32 to vector<16xf32>
        %parallel_loop3A_151 = arith.mulf %parallel_loop3A_149, %parallel_loop3A_150 : vector<16xf32>
        %parallel_loop3A_152 = arith.index_cast %parallel_loop3A_95 : i32 to index
        %parallel_loop3A_153 = arith.constant 48 : index
        %parallel_loop3A_154 = tpu.vector_load %arg13[%parallel_loop3A_152, %parallel_loop3A_153] {strides = array<i32>} : memref<128x128xf32, #tpu.memory_space<vmem>>, vector<1x16xf32>,
        %parallel_loop3A_155 = vector.shape_cast %parallel_loop3A_154 : vector<1x16xf32> to vector<16xf32>
        %parallel_loop3A_156 = vector.shape_cast %parallel_loop3A_151 : vector<16xf32> to vector<1x16xf32>
        tpu.vector_store %arg13[%parallel_loop3A_152, %parallel_loop3A_153], %parallel_loop3A_156 {strides = array<i32>} : memref<128x128xf32, #tpu.memory_space<vmem>>, vector<1x16xf32>,
        %parallel_loop3A_157 = vector.extract_strided_slice %parallel_loop3A_104 {offsets = [2], sizes = [1], strides = [1]} : vector<16xf32> to vector<1xf32>
        %parallel_loop3A_158 = vector.extract %parallel_loop3A_157[0] : f32 from vector<1xf32>
        %parallel_loop3A_159 = arith.index_cast %parallel_loop3A_95 : i32 to index
        %parallel_loop3A_160 = arith.constant 64 : index
        %parallel_loop3A_161 = tpu.vector_load %arg13[%parallel_loop3A_159, %parallel_loop3A_160] {strides = array<i32>} : memref<128x128xf32, #tpu.memory_space<vmem>>, vector<1x16xf32>,
        %parallel_loop3A_162 = vector.shape_cast %parallel_loop3A_161 : vector<1x16xf32> to vector<16xf32>
        %parallel_loop3A_163 = vector.broadcast %parallel_loop3A_158 : f32 to vector<16xf32>
        %parallel_loop3A_164 = arith.mulf %parallel_loop3A_162, %parallel_loop3A_163 : vector<16xf32>
        %parallel_loop3A_165 = arith.index_cast %parallel_loop3A_95 : i32 to index
        %parallel_loop3A_166 = arith.constant 64 : index
        %parallel_loop3A_167 = tpu.vector_load %arg13[%parallel_loop3A_165, %parallel_loop3A_166] {strides = array<i32>} : memref<128x128xf32, #tpu.memory_space<vmem>>, vector<1x16xf32>,
        %parallel_loop3A_168 = vector.shape_cast %parallel_loop3A_167 : vector<1x16xf32> to vector<16xf32>
        %parallel_loop3A_169 = vector.shape_cast %parallel_loop3A_164 : vector<16xf32> to vector<1x16xf32>
        tpu.vector_store %arg13[%parallel_loop3A_165, %parallel_loop3A_166], %parallel_loop3A_169 {strides = array<i32>} : memref<128x128xf32, #tpu.memory_space<vmem>>, vector<1x16xf32>,
        %parallel_loop3A_170 = vector.extract_strided_slice %parallel_loop3A_104 {offsets = [2], sizes = [1], strides = [1]} : vector<16xf32> to vector<1xf32>
        %parallel_loop3A_171 = vector.extract %parallel_loop3A_170[0] : f32 from vector<1xf32>
        %parallel_loop3A_172 = arith.index_cast %parallel_loop3A_95 : i32 to index
        %parallel_loop3A_173 = arith.constant 80 : index
        %parallel_loop3A_174 = tpu.vector_load %arg13[%parallel_loop3A_172, %parallel_loop3A_173] {strides = array<i32>} : memref<128x128xf32, #tpu.memory_space<vmem>>, vector<1x16xf32>,
        %parallel_loop3A_175 = vector.shape_cast %parallel_loop3A_174 : vector<1x16xf32> to vector<16xf32>
        %parallel_loop3A_176 = vector.broadcast %parallel_loop3A_171 : f32 to vector<16xf32>
        %parallel_loop3A_177 = arith.mulf %parallel_loop3A_175, %parallel_loop3A_176 : vector<16xf32>
        %parallel_loop3A_178 = arith.index_cast %parallel_loop3A_95 : i32 to index
        %parallel_loop3A_179 = arith.constant 80 : index
        %parallel_loop3A_180 = tpu.vector_load %arg13[%parallel_loop3A_178, %parallel_loop3A_179] {strides = array<i32>} : memref<128x128xf32, #tpu.memory_space<vmem>>, vector<1x16xf32>,
        %parallel_loop3A_181 = vector.shape_cast %parallel_loop3A_180 : vector<1x16xf32> to vector<16xf32>
        %parallel_loop3A_182 = vector.shape_cast %parallel_loop3A_177 : vector<16xf32> to vector<1x16xf32>
        tpu.vector_store %arg13[%parallel_loop3A_178, %parallel_loop3A_179], %parallel_loop3A_182 {strides = array<i32>} : memref<128x128xf32, #tpu.memory_space<vmem>>, vector<1x16xf32>,
        %parallel_loop3A_183 = vector.extract_strided_slice %parallel_loop3A_104 {offsets = [3], sizes = [1], strides = [1]} : vector<16xf32> to vector<1xf32>
        %parallel_loop3A_184 = vector.extract %parallel_loop3A_183[0] : f32 from vector<1xf32>
        %parallel_loop3A_185 = arith.index_cast %parallel_loop3A_95 : i32 to index
        %parallel_loop3A_186 = arith.constant 96 : index
        %parallel_loop3A_187 = tpu.vector_load %arg13[%parallel_loop3A_185, %parallel_loop3A_186] {strides = array<i32>} : memref<128x128xf32, #tpu.memory_space<vmem>>, vector<1x16xf32>,
        %parallel_loop3A_188 = vector.shape_cast %parallel_loop3A_187 : vector<1x16xf32> to vector<16xf32>
        %parallel_loop3A_189 = vector.broadcast %parallel_loop3A_184 : f32 to vector<16xf32>
        %parallel_loop3A_190 = arith.mulf %parallel_loop3A_188, %parallel_loop3A_189 : vector<16xf32>
        %parallel_loop3A_191 = arith.index_cast %parallel_loop3A_95 : i32 to index
        %parallel_loop3A_192 = arith.constant 96 : index
        %parallel_loop3A_193 = tpu.vector_load %arg13[%parallel_loop3A_191, %parallel_loop3A_192] {strides = array<i32>} : memref<128x128xf32, #tpu.memory_space<vmem>>, vector<1x16xf32>,
        %parallel_loop3A_194 = vector.shape_cast %parallel_loop3A_193 : vector<1x16xf32> to vector<16xf32>
        %parallel_loop3A_195 = vector.shape_cast %parallel_loop3A_190 : vector<16xf32> to vector<1x16xf32>
        tpu.vector_store %arg13[%parallel_loop3A_191, %parallel_loop3A_192], %parallel_loop3A_195 {strides = array<i32>} : memref<128x128xf32, #tpu.memory_space<vmem>>, vector<1x16xf32>,
        %parallel_loop3A_196 = vector.extract_strided_slice %parallel_loop3A_104 {offsets = [3], sizes = [1], strides = [1]} : vector<16xf32> to vector<1xf32>
        %parallel_loop3A_197 = vector.extract %parallel_loop3A_196[0] : f32 from vector<1xf32>
        %parallel_loop3A_198 = arith.index_cast %parallel_loop3A_95 : i32 to index
        %parallel_loop3A_199 = arith.constant 112 : index
        %parallel_loop3A_200 = tpu.vector_load %arg13[%parallel_loop3A_198, %parallel_loop3A_199] {strides = array<i32>} : memref<128x128xf32, #tpu.memory_space<vmem>>, vector<1x16xf32>,
        %parallel_loop3A_201 = vector.shape_cast %parallel_loop3A_200 : vector<1x16xf32> to vector<16xf32>
        %parallel_loop3A_202 = vector.broadcast %parallel_loop3A_197 : f32 to vector<16xf32>
        %parallel_loop3A_203 = arith.mulf %parallel_loop3A_201, %parallel_loop3A_202 : vector<16xf32>
        %parallel_loop3A_204 = arith.index_cast %parallel_loop3A_95 : i32 to index
        %parallel_loop3A_205 = arith.constant 112 : index
        %parallel_loop3A_206 = tpu.vector_load %arg13[%parallel_loop3A_204, %parallel_loop3A_205] {strides = array<i32>} : memref<128x128xf32, #tpu.memory_space<vmem>>, vector<1x16xf32>,
        %parallel_loop3A_207 = vector.shape_cast %parallel_loop3A_206 : vector<1x16xf32> to vector<16xf32>
        %parallel_loop3A_208 = vector.shape_cast %parallel_loop3A_203 : vector<16xf32> to vector<1x16xf32>
        tpu.vector_store %arg13[%parallel_loop3A_204, %parallel_loop3A_205], %parallel_loop3A_208 {strides = array<i32>} : memref<128x128xf32, #tpu.memory_space<vmem>>, vector<1x16xf32>,
      } {sc.loop_unroll_factor = 4 : i64, sc.parallel_access}
      "tpu.region"() ({
        %run_scoped3A = tpu.sem_alloc : memref<!tpu.dma_semaphore, #tpu.memory_space<semaphore_mem>>
        %dma_start3A_95 = arith.constant 0 : i32
        %dma_start3A_96 = arith.constant 0 : i32
        %dma_start3A_97 = tpu.memref_slice %arg22[%dma_start3A_95, %dma_start3A_96] : memref<10240x128xf32, #tpu.memory_space<vmem_shared>> -> memref<10240x128xf32, #tpu.memory_space<vmem_shared>>
        tpu.enqueue_indirect_dma source(%arg13 : memref<128x128xf32, #tpu.memory_space<vmem>>) target(%dma_start3A_97 : memref<10240x128xf32, #tpu.memory_space<vmem_shared>>) offsets(%arg10 : memref<128xi32, #tpu.memory_space<vmem>>) semaphore(%run_scoped3A : memref<!tpu.dma_semaphore, #tpu.memory_space<semaphore_mem>>) {add = true}
        %dma_wait3A_98 = arith.constant 0 : i32
        %dma_wait3A_99 = arith.constant 0 : i32
        %dma_wait3A_100 = tpu.memref_slice %arg22[%dma_wait3A_98, %dma_wait3A_99] : memref<10240x128xf32, #tpu.memory_space<vmem_shared>> -> memref<10240x128xf32, #tpu.memory_space<vmem_shared>>
        tpu.wait_indirect_dma semaphore(%run_scoped3A : memref<!tpu.dma_semaphore, #tpu.memory_space<semaphore_mem>>) src(%arg13 : memref<128x128xf32, #tpu.memory_space<vmem>>) dst(%dma_wait3A_100 : memref<10240x128xf32, #tpu.memory_space<vmem_shared>>)
        tpu.yield
      }) : () -> ()
      %mul3A_65 = arith.constant 2 : i32
      %mul3A_66 = arith.muli %mul3A_65, %add3A_27 : i32
      %add3A_67 = arith.constant 2 : i32
      %add3A_68 = arith.addi %mul3A_66, %add3A_67 : i32
      %lt3A = arith.constant 82 : i32
      %lt3A_69 = arith.cmpi slt, %add3A_68, %lt3A : i32
      %convert_element_type3A_70 = arith.extui %lt3A_69 : i1 to i32
      %cond3A_71 = arith.constant 0 : i32
      %cond3A_72 = arith.cmpi ne, %convert_element_type3A_70, %cond3A_71 : i32
      scf.if %cond3A_72 {
        %mul3A_95 = arith.constant 2 : i32
        %mul3A_96 = arith.muli %mul3A_95, %add3A_27 : i32
        %add3A_97 = arith.constant 2 : i32
        %add3A_98 = arith.addi %mul3A_96, %add3A_97 : i32
        %mul3A_99 = arith.constant 10496 : i32
        %mul3A_100 = arith.muli %add3A, %mul3A_99 : i32
        %mul3A_101 = arith.constant 128 : i32
        %mul3A_102 = arith.muli %add3A_98, %mul3A_101 : i32
        %add3A_103 = arith.addi %mul3A_100, %mul3A_102 : i32
        %dma_start3A_104 = arith.constant 0 : i32
        %dma_start3A_105 = tpu.memref_slice %arg5[%add3A_103, %dma_start3A_104] : memref<335872x16xf32, #tpu.memory_space<hbm>> -> memref<128x16xf32, #tpu.memory_space<hbm>>
        %dma_start3A_106 = arith.constant 0 : i32
        %dma_start3A_107 = tpu.memref_slice %arg5[%add3A_103, %dma_start3A_106] : memref<335872x16xf32, #tpu.memory_space<hbm>> -> memref<128x16xf32, #tpu.memory_space<hbm>>
        tpu.enqueue_dma source(%dma_start3A_107 : memref<128x16xf32, #tpu.memory_space<hbm>>) target(%arg11 : memref<128x16xf32, #tpu.memory_space<vmem>>) target_semaphore(%arg14 : memref<!tpu.dma_semaphore, #tpu.memory_space<semaphore_mem>>)
        "tpu.region"() ({
          %run_scoped3A = tpu.sem_alloc : memref<!tpu.dma_semaphore, #tpu.memory_space<semaphore_mem>>
          %dma_start3A_114 = tpu.memref_slice %arg3[%add3A_103] : memref<335872xi32, #tpu.memory_space<hbm>> -> memref<128xi32, #tpu.memory_space<hbm>>
          %dma_start3A_115 = tpu.memref_slice %arg3[%add3A_103] : memref<335872xi32, #tpu.memory_space<hbm>> -> memref<128xi32, #tpu.memory_space<hbm>>
          tpu.enqueue_dma source(%dma_start3A_115 : memref<128xi32, #tpu.memory_space<hbm>>) target(%arg9 : memref<128xi32, #tpu.memory_space<vmem>>) target_semaphore(%run_scoped3A : memref<!tpu.dma_semaphore, #tpu.memory_space<semaphore_mem>>)
          %dma_wait3A_116 = tpu.memref_slice %arg3[%add3A_103] : memref<335872xi32, #tpu.memory_space<hbm>> -> memref<128xi32, #tpu.memory_space<hbm>>
          %dma_wait3A_117 = tpu.memref_slice %arg3[%add3A_103] : memref<335872xi32, #tpu.memory_space<hbm>> -> memref<128xi32, #tpu.memory_space<hbm>>
          tpu.wait_dma2 semaphore(%run_scoped3A : memref<!tpu.dma_semaphore, #tpu.memory_space<semaphore_mem>>) src(%dma_wait3A_117 : memref<128xi32, #tpu.memory_space<hbm>>) dst(%arg9 : memref<128xi32, #tpu.memory_space<vmem>>)
          tpu.yield
        }) : () -> ()
        "tpu.region"() ({
          %run_scoped3A = tpu.sem_alloc : memref<!tpu.dma_semaphore, #tpu.memory_space<semaphore_mem>>
          %dma_start3A_114 = tpu.memref_slice %arg4[%add3A_103] : memref<335872xi32, #tpu.memory_space<hbm>> -> memref<128xi32, #tpu.memory_space<hbm>>
          %dma_start3A_115 = tpu.memref_slice %arg4[%add3A_103] : memref<335872xi32, #tpu.memory_space<hbm>> -> memref<128xi32, #tpu.memory_space<hbm>>
          tpu.enqueue_dma source(%dma_start3A_115 : memref<128xi32, #tpu.memory_space<hbm>>) target(%arg10 : memref<128xi32, #tpu.memory_space<vmem>>) target_semaphore(%run_scoped3A : memref<!tpu.dma_semaphore, #tpu.memory_space<semaphore_mem>>)
          %dma_wait3A_116 = tpu.memref_slice %arg4[%add3A_103] : memref<335872xi32, #tpu.memory_space<hbm>> -> memref<128xi32, #tpu.memory_space<hbm>>
          %dma_wait3A_117 = tpu.memref_slice %arg4[%add3A_103] : memref<335872xi32, #tpu.memory_space<hbm>> -> memref<128xi32, #tpu.memory_space<hbm>>
          tpu.wait_dma2 semaphore(%run_scoped3A : memref<!tpu.dma_semaphore, #tpu.memory_space<semaphore_mem>>) src(%dma_wait3A_117 : memref<128xi32, #tpu.memory_space<hbm>>) dst(%arg10 : memref<128xi32, #tpu.memory_space<vmem>>)
          tpu.yield
        }) : () -> ()
        %dma_start3A_108 = arith.constant 0 : i32
        %dma_start3A_109 = arith.constant 0 : i32
        %dma_start3A_110 = tpu.memref_slice %arg6[%dma_start3A_108, %dma_start3A_109] : memref<10240x16xf32, #tpu.memory_space<hbm>> -> memref<10240x16xf32, #tpu.memory_space<hbm>>
        tpu.enqueue_indirect_dma source(%dma_start3A_110 : memref<10240x16xf32, #tpu.memory_space<hbm>>) target(%arg12 : memref<128x16xf32, #tpu.memory_space<vmem>>) offsets(%arg10 : memref<128xi32, #tpu.memory_space<vmem>>) semaphore(%arg14 : memref<!tpu.dma_semaphore, #tpu.memory_space<semaphore_mem>>)
        %dma_start3A_111 = arith.constant 0 : i32
        %dma_start3A_112 = arith.constant 0 : i32
        %dma_start3A_113 = tpu.memref_slice %arg2[%dma_start3A_111, %dma_start3A_112] : memref<10000x128xf32, #tpu.memory_space<hbm>> -> memref<10000x128xf32, #tpu.memory_space<hbm>>
        tpu.enqueue_indirect_dma source(%dma_start3A_113 : memref<10000x128xf32, #tpu.memory_space<hbm>>) target(%arg13 : memref<128x128xf32, #tpu.memory_space<vmem>>) offsets(%arg9 : memref<128xi32, #tpu.memory_space<vmem>>) semaphore(%arg14 : memref<!tpu.dma_semaphore, #tpu.memory_space<semaphore_mem>>)
      } else {
      }
      %mul3A_73 = arith.constant 2 : i32
      %mul3A_74 = arith.muli %mul3A_73, %add3A_27 : i32
      %add3A_75 = arith.constant 1 : i32
      %add3A_76 = arith.addi %mul3A_74, %add3A_75 : i32
      %mul3A_77 = arith.constant 10496 : i32
      %mul3A_78 = arith.muli %add3A, %mul3A_77 : i32
      %mul3A_79 = arith.constant 128 : i32
      %mul3A_80 = arith.muli %add3A_76, %mul3A_79 : i32
      %add3A_81 = arith.addi %mul3A_78, %mul3A_80 : i32
      %dma_wait3A_82 = arith.constant 0 : i32
      %dma_wait3A_83 = tpu.memref_slice %arg5[%add3A_81, %dma_wait3A_82] : memref<335872x16xf32, #tpu.memory_space<hbm>> -> memref<128x16xf32, #tpu.memory_space<hbm>>
      %dma_wait3A_84 = arith.constant 0 : i32
      %dma_wait3A_85 = tpu.memref_slice %arg5[%add3A_81, %dma_wait3A_84] : memref<335872x16xf32, #tpu.memory_space<hbm>> -> memref<128x16xf32, #tpu.memory_space<hbm>>
      tpu.wait_dma2 semaphore(%arg20 : memref<!tpu.dma_semaphore, #tpu.memory_space<semaphore_mem>>) src(%dma_wait3A_85 : memref<128x16xf32, #tpu.memory_space<hbm>>) dst(%arg17 : memref<128x16xf32, #tpu.memory_space<vmem>>)
      %dma_wait3A_86 = arith.constant 0 : i32
      %dma_wait3A_87 = arith.constant 0 : i32
      %dma_wait3A_88 = tpu.memref_slice %arg6[%dma_wait3A_86, %dma_wait3A_87] : memref<10240x16xf32, #tpu.memory_space<hbm>> -> memref<10240x16xf32, #tpu.memory_space<hbm>>
      tpu.wait_indirect_dma semaphore(%arg20 : memref<!tpu.dma_semaphore, #tpu.memory_space<semaphore_mem>>) src(%dma_wait3A_88 : memref<10240x16xf32, #tpu.memory_space<hbm>>) dst(%arg18 : memref<128x16xf32, #tpu.memory_space<vmem>>)
      %dma_wait3A_89 = arith.constant 0 : i32
      %dma_wait3A_90 = arith.constant 0 : i32
      %dma_wait3A_91 = tpu.memref_slice %arg2[%dma_wait3A_89, %dma_wait3A_90] : memref<10000x128xf32, #tpu.memory_space<hbm>> -> memref<10000x128xf32, #tpu.memory_space<hbm>>
      tpu.wait_indirect_dma semaphore(%arg20 : memref<!tpu.dma_semaphore, #tpu.memory_space<semaphore_mem>>) src(%dma_wait3A_91 : memref<10000x128xf32, #tpu.memory_space<hbm>>) dst(%arg19 : memref<128x128xf32, #tpu.memory_space<vmem>>)
      %parallel_loop3A_92 = arith.constant 0 : i32
      %parallel_loop3A_93 = arith.constant 128 : i32
      %parallel_loop3A_94 = arith.constant 1 : i32
      scf.for %parallel_loop3A_95 = %parallel_loop3A_92 to %parallel_loop3A_93 step %parallel_loop3A_94  : i32 {
        %parallel_loop3A_96 = arith.index_cast %parallel_loop3A_95 : i32 to index
        %parallel_loop3A_97 = arith.constant 0 : index
        %parallel_loop3A_98 = tpu.vector_load %arg17[%parallel_loop3A_96, %parallel_loop3A_97] {strides = array<i32>} : memref<128x16xf32, #tpu.memory_space<vmem>>, vector<1x16xf32>,
        %parallel_loop3A_99 = vector.shape_cast %parallel_loop3A_98 : vector<1x16xf32> to vector<16xf32>
        %parallel_loop3A_100 = arith.index_cast %parallel_loop3A_95 : i32 to index
        %parallel_loop3A_101 = arith.constant 0 : index
        %parallel_loop3A_102 = tpu.vector_load %arg18[%parallel_loop3A_100, %parallel_loop3A_101] {strides = array<i32>} : memref<128x16xf32, #tpu.memory_space<vmem>>, vector<1x16xf32>,
        %parallel_loop3A_103 = vector.shape_cast %parallel_loop3A_102 : vector<1x16xf32> to vector<16xf32>
        %parallel_loop3A_104 = arith.divf %parallel_loop3A_99, %parallel_loop3A_103 : vector<16xf32>
        %parallel_loop3A_105 = vector.extract_strided_slice %parallel_loop3A_104 {offsets = [0], sizes = [1], strides = [1]} : vector<16xf32> to vector<1xf32>
        %parallel_loop3A_106 = vector.extract %parallel_loop3A_105[0] : f32 from vector<1xf32>
        %parallel_loop3A_107 = arith.index_cast %parallel_loop3A_95 : i32 to index
        %parallel_loop3A_108 = arith.constant 0 : index
        %parallel_loop3A_109 = tpu.vector_load %arg19[%parallel_loop3A_107, %parallel_loop3A_108] {strides = array<i32>} : memref<128x128xf32, #tpu.memory_space<vmem>>, vector<1x16xf32>,
        %parallel_loop3A_110 = vector.shape_cast %parallel_loop3A_109 : vector<1x16xf32> to vector<16xf32>
        %parallel_loop3A_111 = vector.broadcast %parallel_loop3A_106 : f32 to vector<16xf32>
        %parallel_loop3A_112 = arith.mulf %parallel_loop3A_110, %parallel_loop3A_111 : vector<16xf32>
        %parallel_loop3A_113 = arith.index_cast %parallel_loop3A_95 : i32 to index
        %parallel_loop3A_114 = arith.constant 0 : index
        %parallel_loop3A_115 = tpu.vector_load %arg19[%parallel_loop3A_113, %parallel_loop3A_114] {strides = array<i32>} : memref<128x128xf32, #tpu.memory_space<vmem>>, vector<1x16xf32>,
        %parallel_loop3A_116 = vector.shape_cast %parallel_loop3A_115 : vector<1x16xf32> to vector<16xf32>
        %parallel_loop3A_117 = vector.shape_cast %parallel_loop3A_112 : vector<16xf32> to vector<1x16xf32>
        tpu.vector_store %arg19[%parallel_loop3A_113, %parallel_loop3A_114], %parallel_loop3A_117 {strides = array<i32>} : memref<128x128xf32, #tpu.memory_space<vmem>>, vector<1x16xf32>,
        %parallel_loop3A_118 = vector.extract_strided_slice %parallel_loop3A_104 {offsets = [0], sizes = [1], strides = [1]} : vector<16xf32> to vector<1xf32>
        %parallel_loop3A_119 = vector.extract %parallel_loop3A_118[0] : f32 from vector<1xf32>
        %parallel_loop3A_120 = arith.index_cast %parallel_loop3A_95 : i32 to index
        %parallel_loop3A_121 = arith.constant 16 : index
        %parallel_loop3A_122 = tpu.vector_load %arg19[%parallel_loop3A_120, %parallel_loop3A_121] {strides = array<i32>} : memref<128x128xf32, #tpu.memory_space<vmem>>, vector<1x16xf32>,
        %parallel_loop3A_123 = vector.shape_cast %parallel_loop3A_122 : vector<1x16xf32> to vector<16xf32>
        %parallel_loop3A_124 = vector.broadcast %parallel_loop3A_119 : f32 to vector<16xf32>
        %parallel_loop3A_125 = arith.mulf %parallel_loop3A_123, %parallel_loop3A_124 : vector<16xf32>
        %parallel_loop3A_126 = arith.index_cast %parallel_loop3A_95 : i32 to index
        %parallel_loop3A_127 = arith.constant 16 : index
        %parallel_loop3A_128 = tpu.vector_load %arg19[%parallel_loop3A_126, %parallel_loop3A_127] {strides = array<i32>} : memref<128x128xf32, #tpu.memory_space<vmem>>, vector<1x16xf32>,
        %parallel_loop3A_129 = vector.shape_cast %parallel_loop3A_128 : vector<1x16xf32> to vector<16xf32>
        %parallel_loop3A_130 = vector.shape_cast %parallel_loop3A_125 : vector<16xf32> to vector<1x16xf32>
        tpu.vector_store %arg19[%parallel_loop3A_126, %parallel_loop3A_127], %parallel_loop3A_130 {strides = array<i32>} : memref<128x128xf32, #tpu.memory_space<vmem>>, vector<1x16xf32>,
        %parallel_loop3A_131 = vector.extract_strided_slice %parallel_loop3A_104 {offsets = [1], sizes = [1], strides = [1]} : vector<16xf32> to vector<1xf32>
        %parallel_loop3A_132 = vector.extract %parallel_loop3A_131[0] : f32 from vector<1xf32>
        %parallel_loop3A_133 = arith.index_cast %parallel_loop3A_95 : i32 to index
        %parallel_loop3A_134 = arith.constant 32 : index
        %parallel_loop3A_135 = tpu.vector_load %arg19[%parallel_loop3A_133, %parallel_loop3A_134] {strides = array<i32>} : memref<128x128xf32, #tpu.memory_space<vmem>>, vector<1x16xf32>,
        %parallel_loop3A_136 = vector.shape_cast %parallel_loop3A_135 : vector<1x16xf32> to vector<16xf32>
        %parallel_loop3A_137 = vector.broadcast %parallel_loop3A_132 : f32 to vector<16xf32>
        %parallel_loop3A_138 = arith.mulf %parallel_loop3A_136, %parallel_loop3A_137 : vector<16xf32>
        %parallel_loop3A_139 = arith.index_cast %parallel_loop3A_95 : i32 to index
        %parallel_loop3A_140 = arith.constant 32 : index
        %parallel_loop3A_141 = tpu.vector_load %arg19[%parallel_loop3A_139, %parallel_loop3A_140] {strides = array<i32>} : memref<128x128xf32, #tpu.memory_space<vmem>>, vector<1x16xf32>,
        %parallel_loop3A_142 = vector.shape_cast %parallel_loop3A_141 : vector<1x16xf32> to vector<16xf32>
        %parallel_loop3A_143 = vector.shape_cast %parallel_loop3A_138 : vector<16xf32> to vector<1x16xf32>
        tpu.vector_store %arg19[%parallel_loop3A_139, %parallel_loop3A_140], %parallel_loop3A_143 {strides = array<i32>} : memref<128x128xf32, #tpu.memory_space<vmem>>, vector<1x16xf32>,
        %parallel_loop3A_144 = vector.extract_strided_slice %parallel_loop3A_104 {offsets = [1], sizes = [1], strides = [1]} : vector<16xf32> to vector<1xf32>
        %parallel_loop3A_145 = vector.extract %parallel_loop3A_144[0] : f32 from vector<1xf32>
        %parallel_loop3A_146 = arith.index_cast %parallel_loop3A_95 : i32 to index
        %parallel_loop3A_147 = arith.constant 48 : index
        %parallel_loop3A_148 = tpu.vector_load %arg19[%parallel_loop3A_146, %parallel_loop3A_147] {strides = array<i32>} : memref<128x128xf32, #tpu.memory_space<vmem>>, vector<1x16xf32>,
        %parallel_loop3A_149 = vector.shape_cast %parallel_loop3A_148 : vector<1x16xf32> to vector<16xf32>
        %parallel_loop3A_150 = vector.broadcast %parallel_loop3A_145 : f32 to vector<16xf32>
        %parallel_loop3A_151 = arith.mulf %parallel_loop3A_149, %parallel_loop3A_150 : vector<16xf32>
        %parallel_loop3A_152 = arith.index_cast %parallel_loop3A_95 : i32 to index
        %parallel_loop3A_153 = arith.constant 48 : index
        %parallel_loop3A_154 = tpu.vector_load %arg19[%parallel_loop3A_152, %parallel_loop3A_153] {strides = array<i32>} : memref<128x128xf32, #tpu.memory_space<vmem>>, vector<1x16xf32>,
        %parallel_loop3A_155 = vector.shape_cast %parallel_loop3A_154 : vector<1x16xf32> to vector<16xf32>
        %parallel_loop3A_156 = vector.shape_cast %parallel_loop3A_151 : vector<16xf32> to vector<1x16xf32>
        tpu.vector_store %arg19[%parallel_loop3A_152, %parallel_loop3A_153], %parallel_loop3A_156 {strides = array<i32>} : memref<128x128xf32, #tpu.memory_space<vmem>>, vector<1x16xf32>,
        %parallel_loop3A_157 = vector.extract_strided_slice %parallel_loop3A_104 {offsets = [2], sizes = [1], strides = [1]} : vector<16xf32> to vector<1xf32>
        %parallel_loop3A_158 = vector.extract %parallel_loop3A_157[0] : f32 from vector<1xf32>
        %parallel_loop3A_159 = arith.index_cast %parallel_loop3A_95 : i32 to index
        %parallel_loop3A_160 = arith.constant 64 : index
        %parallel_loop3A_161 = tpu.vector_load %arg19[%parallel_loop3A_159, %parallel_loop3A_160] {strides = array<i32>} : memref<128x128xf32, #tpu.memory_space<vmem>>, vector<1x16xf32>,
        %parallel_loop3A_162 = vector.shape_cast %parallel_loop3A_161 : vector<1x16xf32> to vector<16xf32>
        %parallel_loop3A_163 = vector.broadcast %parallel_loop3A_158 : f32 to vector<16xf32>
        %parallel_loop3A_164 = arith.mulf %parallel_loop3A_162, %parallel_loop3A_163 : vector<16xf32>
        %parallel_loop3A_165 = arith.index_cast %parallel_loop3A_95 : i32 to index
        %parallel_loop3A_166 = arith.constant 64 : index
        %parallel_loop3A_167 = tpu.vector_load %arg19[%parallel_loop3A_165, %parallel_loop3A_166] {strides = array<i32>} : memref<128x128xf32, #tpu.memory_space<vmem>>, vector<1x16xf32>,
        %parallel_loop3A_168 = vector.shape_cast %parallel_loop3A_167 : vector<1x16xf32> to vector<16xf32>
        %parallel_loop3A_169 = vector.shape_cast %parallel_loop3A_164 : vector<16xf32> to vector<1x16xf32>
        tpu.vector_store %arg19[%parallel_loop3A_165, %parallel_loop3A_166], %parallel_loop3A_169 {strides = array<i32>} : memref<128x128xf32, #tpu.memory_space<vmem>>, vector<1x16xf32>,
        %parallel_loop3A_170 = vector.extract_strided_slice %parallel_loop3A_104 {offsets = [2], sizes = [1], strides = [1]} : vector<16xf32> to vector<1xf32>
        %parallel_loop3A_171 = vector.extract %parallel_loop3A_170[0] : f32 from vector<1xf32>
        %parallel_loop3A_172 = arith.index_cast %parallel_loop3A_95 : i32 to index
        %parallel_loop3A_173 = arith.constant 80 : index
        %parallel_loop3A_174 = tpu.vector_load %arg19[%parallel_loop3A_172, %parallel_loop3A_173] {strides = array<i32>} : memref<128x128xf32, #tpu.memory_space<vmem>>, vector<1x16xf32>,
        %parallel_loop3A_175 = vector.shape_cast %parallel_loop3A_174 : vector<1x16xf32> to vector<16xf32>
        %parallel_loop3A_176 = vector.broadcast %parallel_loop3A_171 : f32 to vector<16xf32>
        %parallel_loop3A_177 = arith.mulf %parallel_loop3A_175, %parallel_loop3A_176 : vector<16xf32>
        %parallel_loop3A_178 = arith.index_cast %parallel_loop3A_95 : i32 to index
        %parallel_loop3A_179 = arith.constant 80 : index
        %parallel_loop3A_180 = tpu.vector_load %arg19[%parallel_loop3A_178, %parallel_loop3A_179] {strides = array<i32>} : memref<128x128xf32, #tpu.memory_space<vmem>>, vector<1x16xf32>,
        %parallel_loop3A_181 = vector.shape_cast %parallel_loop3A_180 : vector<1x16xf32> to vector<16xf32>
        %parallel_loop3A_182 = vector.shape_cast %parallel_loop3A_177 : vector<16xf32> to vector<1x16xf32>
        tpu.vector_store %arg19[%parallel_loop3A_178, %parallel_loop3A_179], %parallel_loop3A_182 {strides = array<i32>} : memref<128x128xf32, #tpu.memory_space<vmem>>, vector<1x16xf32>,
        %parallel_loop3A_183 = vector.extract_strided_slice %parallel_loop3A_104 {offsets = [3], sizes = [1], strides = [1]} : vector<16xf32> to vector<1xf32>
        %parallel_loop3A_184 = vector.extract %parallel_loop3A_183[0] : f32 from vector<1xf32>
        %parallel_loop3A_185 = arith.index_cast %parallel_loop3A_95 : i32 to index
        %parallel_loop3A_186 = arith.constant 96 : index
        %parallel_loop3A_187 = tpu.vector_load %arg19[%parallel_loop3A_185, %parallel_loop3A_186] {strides = array<i32>} : memref<128x128xf32, #tpu.memory_space<vmem>>, vector<1x16xf32>,
        %parallel_loop3A_188 = vector.shape_cast %parallel_loop3A_187 : vector<1x16xf32> to vector<16xf32>
        %parallel_loop3A_189 = vector.broadcast %parallel_loop3A_184 : f32 to vector<16xf32>
        %parallel_loop3A_190 = arith.mulf %parallel_loop3A_188, %parallel_loop3A_189 : vector<16xf32>
        %parallel_loop3A_191 = arith.index_cast %parallel_loop3A_95 : i32 to index
        %parallel_loop3A_192 = arith.constant 96 : index
        %parallel_loop3A_193 = tpu.vector_load %arg19[%parallel_loop3A_191, %parallel_loop3A_192] {strides = array<i32>} : memref<128x128xf32, #tpu.memory_space<vmem>>, vector<1x16xf32>,
        %parallel_loop3A_194 = vector.shape_cast %parallel_loop3A_193 : vector<1x16xf32> to vector<16xf32>
        %parallel_loop3A_195 = vector.shape_cast %parallel_loop3A_190 : vector<16xf32> to vector<1x16xf32>
        tpu.vector_store %arg19[%parallel_loop3A_191, %parallel_loop3A_192], %parallel_loop3A_195 {strides = array<i32>} : memref<128x128xf32, #tpu.memory_space<vmem>>, vector<1x16xf32>,
        %parallel_loop3A_196 = vector.extract_strided_slice %parallel_loop3A_104 {offsets = [3], sizes = [1], strides = [1]} : vector<16xf32> to vector<1xf32>
        %parallel_loop3A_197 = vector.extract %parallel_loop3A_196[0] : f32 from vector<1xf32>
        %parallel_loop3A_198 = arith.index_cast %parallel_loop3A_95 : i32 to index
        %parallel_loop3A_199 = arith.constant 112 : index
        %parallel_loop3A_200 = tpu.vector_load %arg19[%parallel_loop3A_198, %parallel_loop3A_199] {strides = array<i32>} : memref<128x128xf32, #tpu.memory_space<vmem>>, vector<1x16xf32>,
        %parallel_loop3A_201 = vector.shape_cast %parallel_loop3A_200 : vector<1x16xf32> to vector<16xf32>
        %parallel_loop3A_202 = vector.broadcast %parallel_loop3A_197 : f32 to vector<16xf32>
        %parallel_loop3A_203 = arith.mulf %parallel_loop3A_201, %parallel_loop3A_202 : vector<16xf32>
        %parallel_loop3A_204 = arith.index_cast %parallel_loop3A_95 : i32 to index
        %parallel_loop3A_205 = arith.constant 112 : index
        %parallel_loop3A_206 = tpu.vector_load %arg19[%parallel_loop3A_204, %parallel_loop3A_205] {strides = array<i32>} : memref<128x128xf32, #tpu.memory_space<vmem>>, vector<1x16xf32>,
        %parallel_loop3A_207 = vector.shape_cast %parallel_loop3A_206 : vector<1x16xf32> to vector<16xf32>
        %parallel_loop3A_208 = vector.shape_cast %parallel_loop3A_203 : vector<16xf32> to vector<1x16xf32>
        tpu.vector_store %arg19[%parallel_loop3A_204, %parallel_loop3A_205], %parallel_loop3A_208 {strides = array<i32>} : memref<128x128xf32, #tpu.memory_space<vmem>>, vector<1x16xf32>,
      } {sc.loop_unroll_factor = 4 : i64, sc.parallel_access}
      "tpu.region"() ({
        %run_scoped3A = tpu.sem_alloc : memref<!tpu.dma_semaphore, #tpu.memory_space<semaphore_mem>>
        %dma_start3A_95 = arith.constant 0 : i32
        %dma_start3A_96 = arith.constant 0 : i32
        %dma_start3A_97 = tpu.memref_slice %arg22[%dma_start3A_95, %dma_start3A_96] : memref<10240x128xf32, #tpu.memory_space<vmem_shared>> -> memref<10240x128xf32, #tpu.memory_space<vmem_shared>>
        tpu.enqueue_indirect_dma source(%arg19 : memref<128x128xf32, #tpu.memory_space<vmem>>) target(%dma_start3A_97 : memref<10240x128xf32, #tpu.memory_space<vmem_shared>>) offsets(%arg16 : memref<128xi32, #tpu.memory_space<vmem>>) semaphore(%run_scoped3A : memref<!tpu.dma_semaphore, #tpu.memory_space<semaphore_mem>>) {add = true}
        %dma_wait3A_98 = arith.constant 0 : i32
        %dma_wait3A_99 = arith.constant 0 : i32
        %dma_wait3A_100 = tpu.memref_slice %arg22[%dma_wait3A_98, %dma_wait3A_99] : memref<10240x128xf32, #tpu.memory_space<vmem_shared>> -> memref<10240x128xf32, #tpu.memory_space<vmem_shared>>
        tpu.wait_indirect_dma semaphore(%run_scoped3A : memref<!tpu.dma_semaphore, #tpu.memory_space<semaphore_mem>>) src(%arg19 : memref<128x128xf32, #tpu.memory_space<vmem>>) dst(%dma_wait3A_100 : memref<10240x128xf32, #tpu.memory_space<vmem_shared>>)
        tpu.yield
      }) : () -> ()
    }
    %scan3A_19 = arith.constant 41 : i32
    %barrier3A_20 = arith.constant 0 : index
    tpu.barrier barrier_id(%barrier3A_20)
    %eq3A = arith.constant 0 : i32
    %eq3A_21 = arith.cmpi eq, %arg1, %eq3A : i32
    %convert_element_type3A = arith.extui %eq3A_21 : i1 to i32
    %cond3A = arith.constant 0 : i32
    %cond3A_22 = arith.cmpi ne, %convert_element_type3A, %cond3A : i32
    scf.if %cond3A_22 {
      "tpu.region"() ({
        %run_scoped3A = tpu.sem_alloc : memref<!tpu.dma_semaphore, #tpu.memory_space<semaphore_mem>>
        %dma_start3A_23 = arith.constant 0 : i32
        %dma_start3A_24 = arith.constant 0 : i32
        %dma_start3A_25 = tpu.memref_slice %arg8[%arg0, %dma_start3A_23, %dma_start3A_24] : memref<2x10240x128xf32, #tpu.memory_space<hbm>> -> memref<1x10240x128xf32, #tpu.memory_space<hbm>>
        %dma_start3A_26 = tpu.memref_squeeze %dma_start3A_25 : memref<1x10240x128xf32, #tpu.memory_space<hbm>> -> memref<10240x128xf32, #tpu.memory_space<hbm>>
        tpu.enqueue_dma source(%arg22 : memref<10240x128xf32, #tpu.memory_space<vmem_shared>>) target(%dma_start3A_26 : memref<10240x128xf32, #tpu.memory_space<hbm>>) target_semaphore(%run_scoped3A : memref<!tpu.dma_semaphore, #tpu.memory_space<semaphore_mem>>)
        %dma_wait3A = arith.constant 0 : i32
        %dma_wait3A_27 = arith.constant 0 : i32
        %dma_wait3A_28 = tpu.memref_slice %arg8[%arg0, %dma_wait3A, %dma_wait3A_27] : memref<2x10240x128xf32, #tpu.memory_space<hbm>> -> memref<1x10240x128xf32, #tpu.memory_space<hbm>>
        %dma_wait3A_29 = tpu.memref_squeeze %dma_wait3A_28 : memref<1x10240x128xf32, #tpu.memory_space<hbm>> -> memref<10240x128xf32, #tpu.memory_space<hbm>>
        tpu.wait_dma2 semaphore(%run_scoped3A : memref<!tpu.dma_semaphore, #tpu.memory_space<semaphore_mem>>) src(%arg22 : memref<10240x128xf32, #tpu.memory_space<vmem_shared>>) dst(%dma_wait3A_29 : memref<10240x128xf32, #tpu.memory_space<hbm>>)
        tpu.yield
      }) : () -> ()
    } else {
    }
    return
  }
}

#map = affine_map<(d0, d1) -> (0, 0)>
#map1 = affine_map<(d0, d1) -> (0)>
#map2 = affine_map<(d0, d1) -> (0, 0, 0)>
module attributes {stable_mosaic.version = 14 : i64} {
  func.func @_edge_w_body(%arg0: i32, %arg1: i32, %arg2: memref<10240x16xf32, #tpu.memory_space<hbm>>, %arg3: memref<10240x16xf32, #tpu.memory_space<hbm>>, %arg4: memref<335872xi32, #tpu.memory_space<hbm>>, %arg5: memref<335872xi32, #tpu.memory_space<hbm>>, %arg6: memref<640x16xf32, #tpu.memory_space<hbm>>, %arg7: memref<335872x16xf32, #tpu.memory_space<hbm>>, %arg8: memref<2x10240x16xf32, #tpu.memory_space<hbm>>, %arg9: memref<128xi32, #tpu.memory_space<vmem>>, %arg10: memref<128xi32, #tpu.memory_space<vmem>>, %arg11: memref<128x16xf32, #tpu.memory_space<vmem>>, %arg12: memref<128x16xf32, #tpu.memory_space<vmem>>, %arg13: memref<128x16xf32, #tpu.memory_space<vmem>>, %arg14: memref<!tpu.dma_semaphore, #tpu.memory_space<semaphore_mem>>, %arg15: memref<128xi32, #tpu.memory_space<vmem>>, %arg16: memref<128xi32, #tpu.memory_space<vmem>>, %arg17: memref<128x16xf32, #tpu.memory_space<vmem>>, %arg18: memref<128x16xf32, #tpu.memory_space<vmem>>, %arg19: memref<128x16xf32, #tpu.memory_space<vmem>>, %arg20: memref<!tpu.dma_semaphore, #tpu.memory_space<semaphore_mem>>, %arg21: memref<10240x16xf32, #tpu.memory_space<vmem_shared>>) attributes {dimension_semantics = [#tpu.dimension_semantics<core_parallel>, #tpu.dimension_semantics<subcore_parallel>], iteration_bounds = array<i64: 2, 16>, scalar_prefetch = 0 : i64, scratch_operands = 13 : i64, tpu.core_type = #tpu.core_type<sc_vector_subcore>, window_params = [{transform_indices = #map}, {transform_indices = #map}, {transform_indices = #map1}, {transform_indices = #map1}, {transform_indices = #map}, {transform_indices = #map}, {transform_indices = #map2}]} {
    %mul3A = arith.constant 16 : i32
    %mul3A_0 = arith.muli %arg0, %mul3A : i32
    %add3A = arith.addi %mul3A_0, %arg1 : i32
    %mul3A_1 = arith.constant 640 : i32
    %mul3A_2 = arith.muli %arg1, %mul3A_1 : i32
    "tpu.region"() ({
      %run_scoped3A = tpu.sem_alloc : memref<!tpu.dma_semaphore, #tpu.memory_space<semaphore_mem>>
      %dma_start3A_19 = arith.constant 0 : i32
      %dma_start3A_20 = tpu.memref_slice %arg21[%mul3A_2, %dma_start3A_19] : memref<10240x16xf32, #tpu.memory_space<vmem_shared>> -> memref<640x16xf32, #tpu.memory_space<vmem_shared>>
      %dma_start3A_21 = arith.constant 0 : i32
      %dma_start3A_22 = arith.constant 0 : i32
      %dma_start3A_23 = tpu.memref_slice %arg6[%dma_start3A_21, %dma_start3A_22] : memref<640x16xf32, #tpu.memory_space<hbm>> -> memref<640x16xf32, #tpu.memory_space<hbm>>
      tpu.enqueue_dma source(%dma_start3A_23 : memref<640x16xf32, #tpu.memory_space<hbm>>) target(%dma_start3A_20 : memref<640x16xf32, #tpu.memory_space<vmem_shared>>) target_semaphore(%run_scoped3A : memref<!tpu.dma_semaphore, #tpu.memory_space<semaphore_mem>>)
      %dma_wait3A = arith.constant 0 : i32
      %dma_wait3A_24 = tpu.memref_slice %arg21[%mul3A_2, %dma_wait3A] : memref<10240x16xf32, #tpu.memory_space<vmem_shared>> -> memref<640x16xf32, #tpu.memory_space<vmem_shared>>
      %dma_wait3A_25 = arith.constant 0 : i32
      %dma_wait3A_26 = arith.constant 0 : i32
      %dma_wait3A_27 = tpu.memref_slice %arg6[%dma_wait3A_25, %dma_wait3A_26] : memref<640x16xf32, #tpu.memory_space<hbm>> -> memref<640x16xf32, #tpu.memory_space<hbm>>
      tpu.wait_dma2 semaphore(%run_scoped3A : memref<!tpu.dma_semaphore, #tpu.memory_space<semaphore_mem>>) src(%dma_wait3A_27 : memref<640x16xf32, #tpu.memory_space<hbm>>) dst(%dma_wait3A_24 : memref<640x16xf32, #tpu.memory_space<vmem_shared>>)
      tpu.yield
    }) : () -> ()
    %barrier3A = arith.constant 0 : index
    tpu.barrier barrier_id(%barrier3A)
    %mul3A_3 = arith.constant 10496 : i32
    %mul3A_4 = arith.muli %add3A, %mul3A_3 : i32
    %add3A_5 = arith.constant 0 : i32
    %add3A_6 = arith.addi %mul3A_4, %add3A_5 : i32
    "tpu.region"() ({
      %run_scoped3A = tpu.sem_alloc : memref<!tpu.dma_semaphore, #tpu.memory_space<semaphore_mem>>
      %dma_start3A_19 = tpu.memref_slice %arg4[%add3A_6] : memref<335872xi32, #tpu.memory_space<hbm>> -> memref<128xi32, #tpu.memory_space<hbm>>
      %dma_start3A_20 = tpu.memref_slice %arg4[%add3A_6] : memref<335872xi32, #tpu.memory_space<hbm>> -> memref<128xi32, #tpu.memory_space<hbm>>
      tpu.enqueue_dma source(%dma_start3A_20 : memref<128xi32, #tpu.memory_space<hbm>>) target(%arg9 : memref<128xi32, #tpu.memory_space<vmem>>) target_semaphore(%run_scoped3A : memref<!tpu.dma_semaphore, #tpu.memory_space<semaphore_mem>>)
      %dma_wait3A = tpu.memref_slice %arg4[%add3A_6] : memref<335872xi32, #tpu.memory_space<hbm>> -> memref<128xi32, #tpu.memory_space<hbm>>
      %dma_wait3A_21 = tpu.memref_slice %arg4[%add3A_6] : memref<335872xi32, #tpu.memory_space<hbm>> -> memref<128xi32, #tpu.memory_space<hbm>>
      tpu.wait_dma2 semaphore(%run_scoped3A : memref<!tpu.dma_semaphore, #tpu.memory_space<semaphore_mem>>) src(%dma_wait3A_21 : memref<128xi32, #tpu.memory_space<hbm>>) dst(%arg9 : memref<128xi32, #tpu.memory_space<vmem>>)
      tpu.yield
    }) : () -> ()
    "tpu.region"() ({
      %run_scoped3A = tpu.sem_alloc : memref<!tpu.dma_semaphore, #tpu.memory_space<semaphore_mem>>
      %dma_start3A_19 = tpu.memref_slice %arg5[%add3A_6] : memref<335872xi32, #tpu.memory_space<hbm>> -> memref<128xi32, #tpu.memory_space<hbm>>
      %dma_start3A_20 = tpu.memref_slice %arg5[%add3A_6] : memref<335872xi32, #tpu.memory_space<hbm>> -> memref<128xi32, #tpu.memory_space<hbm>>
      tpu.enqueue_dma source(%dma_start3A_20 : memref<128xi32, #tpu.memory_space<hbm>>) target(%arg10 : memref<128xi32, #tpu.memory_space<vmem>>) target_semaphore(%run_scoped3A : memref<!tpu.dma_semaphore, #tpu.memory_space<semaphore_mem>>)
      %dma_wait3A = tpu.memref_slice %arg5[%add3A_6] : memref<335872xi32, #tpu.memory_space<hbm>> -> memref<128xi32, #tpu.memory_space<hbm>>
      %dma_wait3A_21 = tpu.memref_slice %arg5[%add3A_6] : memref<335872xi32, #tpu.memory_space<hbm>> -> memref<128xi32, #tpu.memory_space<hbm>>
      tpu.wait_dma2 semaphore(%run_scoped3A : memref<!tpu.dma_semaphore, #tpu.memory_space<semaphore_mem>>) src(%dma_wait3A_21 : memref<128xi32, #tpu.memory_space<hbm>>) dst(%arg10 : memref<128xi32, #tpu.memory_space<vmem>>)
      tpu.yield
    }) : () -> ()
    %dma_start3A = arith.constant 0 : i32
    %dma_start3A_7 = arith.constant 0 : i32
    %dma_start3A_8 = tpu.memref_slice %arg2[%dma_start3A, %dma_start3A_7] : memref<10240x16xf32, #tpu.memory_space<hbm>> -> memref<10240x16xf32, #tpu.memory_space<hbm>>
    tpu.enqueue_indirect_dma source(%dma_start3A_8 : memref<10240x16xf32, #tpu.memory_space<hbm>>) target(%arg11 : memref<128x16xf32, #tpu.memory_space<vmem>>) offsets(%arg9 : memref<128xi32, #tpu.memory_space<vmem>>) semaphore(%arg14 : memref<!tpu.dma_semaphore, #tpu.memory_space<semaphore_mem>>)
    %dma_start3A_9 = arith.constant 0 : i32
    %dma_start3A_10 = arith.constant 0 : i32
    %dma_start3A_11 = tpu.memref_slice %arg3[%dma_start3A_9, %dma_start3A_10] : memref<10240x16xf32, #tpu.memory_space<hbm>> -> memref<10240x16xf32, #tpu.memory_space<hbm>>
    tpu.enqueue_indirect_dma source(%dma_start3A_11 : memref<10240x16xf32, #tpu.memory_space<hbm>>) target(%arg12 : memref<128x16xf32, #tpu.memory_space<vmem>>) offsets(%arg10 : memref<128xi32, #tpu.memory_space<vmem>>) semaphore(%arg14 : memref<!tpu.dma_semaphore, #tpu.memory_space<semaphore_mem>>)
    %scan3A = arith.constant 0 : i32
    %scan3A_12 = arith.constant 41 : i32
    %scan3A_13 = arith.addi %scan3A, %scan3A_12 : i32
    %scan3A_14 = arith.constant 1 : i32
    scf.for %scan3A_19 = %scan3A to %scan3A_13 step %scan3A_14  : i32 {
      %mul3A_20 = arith.constant 1 : i32
      %mul3A_21 = arith.muli %scan3A_19, %mul3A_20 : i32
      %add3A_22 = arith.constant 0 : i32
      %add3A_23 = arith.addi %add3A_22, %mul3A_21 : i32
      %mul3A_24 = arith.constant 2 : i32
      %mul3A_25 = arith.muli %mul3A_24, %add3A_23 : i32
      %add3A_26 = arith.constant 1 : i32
      %add3A_27 = arith.addi %mul3A_25, %add3A_26 : i32
      %mul3A_28 = arith.constant 10496 : i32
      %mul3A_29 = arith.muli %add3A, %mul3A_28 : i32
      %mul3A_30 = arith.constant 128 : i32
      %mul3A_31 = arith.muli %add3A_27, %mul3A_30 : i32
      %add3A_32 = arith.addi %mul3A_29, %mul3A_31 : i32
      "tpu.region"() ({
        %run_scoped3A = tpu.sem_alloc : memref<!tpu.dma_semaphore, #tpu.memory_space<semaphore_mem>>
        %dma_start3A_79 = tpu.memref_slice %arg4[%add3A_32] : memref<335872xi32, #tpu.memory_space<hbm>> -> memref<128xi32, #tpu.memory_space<hbm>>
        %dma_start3A_80 = tpu.memref_slice %arg4[%add3A_32] : memref<335872xi32, #tpu.memory_space<hbm>> -> memref<128xi32, #tpu.memory_space<hbm>>
        tpu.enqueue_dma source(%dma_start3A_80 : memref<128xi32, #tpu.memory_space<hbm>>) target(%arg15 : memref<128xi32, #tpu.memory_space<vmem>>) target_semaphore(%run_scoped3A : memref<!tpu.dma_semaphore, #tpu.memory_space<semaphore_mem>>)
        %dma_wait3A_81 = tpu.memref_slice %arg4[%add3A_32] : memref<335872xi32, #tpu.memory_space<hbm>> -> memref<128xi32, #tpu.memory_space<hbm>>
        %dma_wait3A_82 = tpu.memref_slice %arg4[%add3A_32] : memref<335872xi32, #tpu.memory_space<hbm>> -> memref<128xi32, #tpu.memory_space<hbm>>
        tpu.wait_dma2 semaphore(%run_scoped3A : memref<!tpu.dma_semaphore, #tpu.memory_space<semaphore_mem>>) src(%dma_wait3A_82 : memref<128xi32, #tpu.memory_space<hbm>>) dst(%arg15 : memref<128xi32, #tpu.memory_space<vmem>>)
        tpu.yield
      }) : () -> ()
      "tpu.region"() ({
        %run_scoped3A = tpu.sem_alloc : memref<!tpu.dma_semaphore, #tpu.memory_space<semaphore_mem>>
        %dma_start3A_79 = tpu.memref_slice %arg5[%add3A_32] : memref<335872xi32, #tpu.memory_space<hbm>> -> memref<128xi32, #tpu.memory_space<hbm>>
        %dma_start3A_80 = tpu.memref_slice %arg5[%add3A_32] : memref<335872xi32, #tpu.memory_space<hbm>> -> memref<128xi32, #tpu.memory_space<hbm>>
        tpu.enqueue_dma source(%dma_start3A_80 : memref<128xi32, #tpu.memory_space<hbm>>) target(%arg16 : memref<128xi32, #tpu.memory_space<vmem>>) target_semaphore(%run_scoped3A : memref<!tpu.dma_semaphore, #tpu.memory_space<semaphore_mem>>)
        %dma_wait3A_81 = tpu.memref_slice %arg5[%add3A_32] : memref<335872xi32, #tpu.memory_space<hbm>> -> memref<128xi32, #tpu.memory_space<hbm>>
        %dma_wait3A_82 = tpu.memref_slice %arg5[%add3A_32] : memref<335872xi32, #tpu.memory_space<hbm>> -> memref<128xi32, #tpu.memory_space<hbm>>
        tpu.wait_dma2 semaphore(%run_scoped3A : memref<!tpu.dma_semaphore, #tpu.memory_space<semaphore_mem>>) src(%dma_wait3A_82 : memref<128xi32, #tpu.memory_space<hbm>>) dst(%arg16 : memref<128xi32, #tpu.memory_space<vmem>>)
        tpu.yield
      }) : () -> ()
      %dma_start3A_33 = arith.constant 0 : i32
      %dma_start3A_34 = arith.constant 0 : i32
      %dma_start3A_35 = tpu.memref_slice %arg2[%dma_start3A_33, %dma_start3A_34] : memref<10240x16xf32, #tpu.memory_space<hbm>> -> memref<10240x16xf32, #tpu.memory_space<hbm>>
      tpu.enqueue_indirect_dma source(%dma_start3A_35 : memref<10240x16xf32, #tpu.memory_space<hbm>>) target(%arg17 : memref<128x16xf32, #tpu.memory_space<vmem>>) offsets(%arg15 : memref<128xi32, #tpu.memory_space<vmem>>) semaphore(%arg20 : memref<!tpu.dma_semaphore, #tpu.memory_space<semaphore_mem>>)
      %dma_start3A_36 = arith.constant 0 : i32
      %dma_start3A_37 = arith.constant 0 : i32
      %dma_start3A_38 = tpu.memref_slice %arg3[%dma_start3A_36, %dma_start3A_37] : memref<10240x16xf32, #tpu.memory_space<hbm>> -> memref<10240x16xf32, #tpu.memory_space<hbm>>
      tpu.enqueue_indirect_dma source(%dma_start3A_38 : memref<10240x16xf32, #tpu.memory_space<hbm>>) target(%arg18 : memref<128x16xf32, #tpu.memory_space<vmem>>) offsets(%arg16 : memref<128xi32, #tpu.memory_space<vmem>>) semaphore(%arg20 : memref<!tpu.dma_semaphore, #tpu.memory_space<semaphore_mem>>)
      %mul3A_39 = arith.constant 2 : i32
      %mul3A_40 = arith.muli %mul3A_39, %add3A_23 : i32
      %mul3A_41 = arith.constant 10496 : i32
      %mul3A_42 = arith.muli %add3A, %mul3A_41 : i32
      %mul3A_43 = arith.constant 128 : i32
      %mul3A_44 = arith.muli %mul3A_40, %mul3A_43 : i32
      %add3A_45 = arith.addi %mul3A_42, %mul3A_44 : i32
      %dma_wait3A = arith.constant 0 : i32
      %dma_wait3A_46 = arith.constant 0 : i32
      %dma_wait3A_47 = tpu.memref_slice %arg2[%dma_wait3A, %dma_wait3A_46] : memref<10240x16xf32, #tpu.memory_space<hbm>> -> memref<10240x16xf32, #tpu.memory_space<hbm>>
      tpu.wait_indirect_dma semaphore(%arg14 : memref<!tpu.dma_semaphore, #tpu.memory_space<semaphore_mem>>) src(%dma_wait3A_47 : memref<10240x16xf32, #tpu.memory_space<hbm>>) dst(%arg11 : memref<128x16xf32, #tpu.memory_space<vmem>>)
      %dma_wait3A_48 = arith.constant 0 : i32
      %dma_wait3A_49 = arith.constant 0 : i32
      %dma_wait3A_50 = tpu.memref_slice %arg3[%dma_wait3A_48, %dma_wait3A_49] : memref<10240x16xf32, #tpu.memory_space<hbm>> -> memref<10240x16xf32, #tpu.memory_space<hbm>>
      tpu.wait_indirect_dma semaphore(%arg14 : memref<!tpu.dma_semaphore, #tpu.memory_space<semaphore_mem>>) src(%dma_wait3A_50 : memref<10240x16xf32, #tpu.memory_space<hbm>>) dst(%arg12 : memref<128x16xf32, #tpu.memory_space<vmem>>)
      %parallel_loop3A = arith.constant 0 : i32
      %parallel_loop3A_51 = arith.constant 128 : i32
      %parallel_loop3A_52 = arith.constant 1 : i32
      scf.for %parallel_loop3A_79 = %parallel_loop3A to %parallel_loop3A_51 step %parallel_loop3A_52  : i32 {
        %parallel_loop3A_80 = arith.index_cast %parallel_loop3A_79 : i32 to index
        %parallel_loop3A_81 = arith.constant 0 : index
        %parallel_loop3A_82 = tpu.vector_load %arg11[%parallel_loop3A_80, %parallel_loop3A_81] {strides = array<i32>} : memref<128x16xf32, #tpu.memory_space<vmem>>, vector<1x16xf32>,
        %parallel_loop3A_83 = vector.shape_cast %parallel_loop3A_82 : vector<1x16xf32> to vector<16xf32>
        %parallel_loop3A_84 = arith.index_cast %parallel_loop3A_79 : i32 to index
        %parallel_loop3A_85 = arith.constant 0 : index
        %parallel_loop3A_86 = tpu.vector_load %arg12[%parallel_loop3A_84, %parallel_loop3A_85] {strides = array<i32>} : memref<128x16xf32, #tpu.memory_space<vmem>>, vector<1x16xf32>,
        %parallel_loop3A_87 = vector.shape_cast %parallel_loop3A_86 : vector<1x16xf32> to vector<16xf32>
        %parallel_loop3A_88 = arith.addf %parallel_loop3A_83, %parallel_loop3A_87 : vector<16xf32>
        %parallel_loop3A_89 = arith.constant 0.000000e+00 : f32
        %parallel_loop3A_90 = vector.broadcast %parallel_loop3A_89 : f32 to vector<16xf32>
        %parallel_loop3A_91 = arith.cmpf ogt, %parallel_loop3A_88, %parallel_loop3A_90 : vector<16xf32>
        %parallel_loop3A_92 = arith.constant 2.000000e-01 : f32
        %parallel_loop3A_93 = vector.broadcast %parallel_loop3A_92 : f32 to vector<16xf32>
        %parallel_loop3A_94 = arith.mulf %parallel_loop3A_93, %parallel_loop3A_88 : vector<16xf32>
        %parallel_loop3A_95 = arith.select %parallel_loop3A_91, %parallel_loop3A_88, %parallel_loop3A_94 : vector<16xi1>, vector<16xf32>
        %parallel_loop3A_96 = math.exp %parallel_loop3A_95 : vector<16xf32>
        %parallel_loop3A_97 = arith.index_cast %parallel_loop3A_79 : i32 to index
        %parallel_loop3A_98 = arith.constant 0 : index
        %parallel_loop3A_99 = tpu.vector_load %arg13[%parallel_loop3A_97, %parallel_loop3A_98] {strides = array<i32>} : memref<128x16xf32, #tpu.memory_space<vmem>>, vector<1x16xf32>,
        %parallel_loop3A_100 = vector.shape_cast %parallel_loop3A_99 : vector<1x16xf32> to vector<16xf32>
        %parallel_loop3A_101 = vector.shape_cast %parallel_loop3A_96 : vector<16xf32> to vector<1x16xf32>
        tpu.vector_store %arg13[%parallel_loop3A_97, %parallel_loop3A_98], %parallel_loop3A_101 {strides = array<i32>} : memref<128x16xf32, #tpu.memory_space<vmem>>, vector<1x16xf32>,
      } {sc.loop_unroll_factor = 4 : i64, sc.parallel_access}
      "tpu.region"() ({
        %run_scoped3A = tpu.sem_alloc : memref<!tpu.dma_semaphore, #tpu.memory_space<semaphore_mem>>
        %dma_start3A_79 = arith.constant 0 : i32
        %dma_start3A_80 = tpu.memref_slice %arg7[%add3A_45, %dma_start3A_79] : memref<335872x16xf32, #tpu.memory_space<hbm>> -> memref<128x16xf32, #tpu.memory_space<hbm>>
        %dma_start3A_81 = arith.constant 0 : i32
        %dma_start3A_82 = tpu.memref_slice %arg7[%add3A_45, %dma_start3A_81] : memref<335872x16xf32, #tpu.memory_space<hbm>> -> memref<128x16xf32, #tpu.memory_space<hbm>>
        tpu.enqueue_dma source(%arg13 : memref<128x16xf32, #tpu.memory_space<vmem>>) target(%dma_start3A_82 : memref<128x16xf32, #tpu.memory_space<hbm>>) target_semaphore(%run_scoped3A : memref<!tpu.dma_semaphore, #tpu.memory_space<semaphore_mem>>)
        %dma_wait3A_83 = arith.constant 0 : i32
        %dma_wait3A_84 = tpu.memref_slice %arg7[%add3A_45, %dma_wait3A_83] : memref<335872x16xf32, #tpu.memory_space<hbm>> -> memref<128x16xf32, #tpu.memory_space<hbm>>
        %dma_wait3A_85 = arith.constant 0 : i32
        %dma_wait3A_86 = tpu.memref_slice %arg7[%add3A_45, %dma_wait3A_85] : memref<335872x16xf32, #tpu.memory_space<hbm>> -> memref<128x16xf32, #tpu.memory_space<hbm>>
        tpu.wait_dma2 semaphore(%run_scoped3A : memref<!tpu.dma_semaphore, #tpu.memory_space<semaphore_mem>>) src(%arg13 : memref<128x16xf32, #tpu.memory_space<vmem>>) dst(%dma_wait3A_86 : memref<128x16xf32, #tpu.memory_space<hbm>>)
        tpu.yield
      }) : () -> ()
      "tpu.region"() ({
        %run_scoped3A = tpu.sem_alloc : memref<!tpu.dma_semaphore, #tpu.memory_space<semaphore_mem>>
        %dma_start3A_79 = arith.constant 0 : i32
        %dma_start3A_80 = arith.constant 0 : i32
        %dma_start3A_81 = tpu.memref_slice %arg21[%dma_start3A_79, %dma_start3A_80] : memref<10240x16xf32, #tpu.memory_space<vmem_shared>> -> memref<10240x16xf32, #tpu.memory_space<vmem_shared>>
        tpu.enqueue_indirect_dma source(%arg13 : memref<128x16xf32, #tpu.memory_space<vmem>>) target(%dma_start3A_81 : memref<10240x16xf32, #tpu.memory_space<vmem_shared>>) offsets(%arg10 : memref<128xi32, #tpu.memory_space<vmem>>) semaphore(%run_scoped3A : memref<!tpu.dma_semaphore, #tpu.memory_space<semaphore_mem>>) {add = true}
        %dma_wait3A_82 = arith.constant 0 : i32
        %dma_wait3A_83 = arith.constant 0 : i32
        %dma_wait3A_84 = tpu.memref_slice %arg21[%dma_wait3A_82, %dma_wait3A_83] : memref<10240x16xf32, #tpu.memory_space<vmem_shared>> -> memref<10240x16xf32, #tpu.memory_space<vmem_shared>>
        tpu.wait_indirect_dma semaphore(%run_scoped3A : memref<!tpu.dma_semaphore, #tpu.memory_space<semaphore_mem>>) src(%arg13 : memref<128x16xf32, #tpu.memory_space<vmem>>) dst(%dma_wait3A_84 : memref<10240x16xf32, #tpu.memory_space<vmem_shared>>)
        tpu.yield
      }) : () -> ()
      %mul3A_53 = arith.constant 2 : i32
      %mul3A_54 = arith.muli %mul3A_53, %add3A_23 : i32
      %add3A_55 = arith.constant 2 : i32
      %add3A_56 = arith.addi %mul3A_54, %add3A_55 : i32
      %lt3A = arith.constant 82 : i32
      %lt3A_57 = arith.cmpi slt, %add3A_56, %lt3A : i32
      %convert_element_type3A_58 = arith.extui %lt3A_57 : i1 to i32
      %cond3A_59 = arith.constant 0 : i32
      %cond3A_60 = arith.cmpi ne, %convert_element_type3A_58, %cond3A_59 : i32
      scf.if %cond3A_60 {
        %mul3A_79 = arith.constant 2 : i32
        %mul3A_80 = arith.muli %mul3A_79, %add3A_23 : i32
        %add3A_81 = arith.constant 2 : i32
        %add3A_82 = arith.addi %mul3A_80, %add3A_81 : i32
        %mul3A_83 = arith.constant 10496 : i32
        %mul3A_84 = arith.muli %add3A, %mul3A_83 : i32
        %mul3A_85 = arith.constant 128 : i32
        %mul3A_86 = arith.muli %add3A_82, %mul3A_85 : i32
        %add3A_87 = arith.addi %mul3A_84, %mul3A_86 : i32
        "tpu.region"() ({
          %run_scoped3A = tpu.sem_alloc : memref<!tpu.dma_semaphore, #tpu.memory_space<semaphore_mem>>
          %dma_start3A_94 = tpu.memref_slice %arg4[%add3A_87] : memref<335872xi32, #tpu.memory_space<hbm>> -> memref<128xi32, #tpu.memory_space<hbm>>
          %dma_start3A_95 = tpu.memref_slice %arg4[%add3A_87] : memref<335872xi32, #tpu.memory_space<hbm>> -> memref<128xi32, #tpu.memory_space<hbm>>
          tpu.enqueue_dma source(%dma_start3A_95 : memref<128xi32, #tpu.memory_space<hbm>>) target(%arg9 : memref<128xi32, #tpu.memory_space<vmem>>) target_semaphore(%run_scoped3A : memref<!tpu.dma_semaphore, #tpu.memory_space<semaphore_mem>>)
          %dma_wait3A_96 = tpu.memref_slice %arg4[%add3A_87] : memref<335872xi32, #tpu.memory_space<hbm>> -> memref<128xi32, #tpu.memory_space<hbm>>
          %dma_wait3A_97 = tpu.memref_slice %arg4[%add3A_87] : memref<335872xi32, #tpu.memory_space<hbm>> -> memref<128xi32, #tpu.memory_space<hbm>>
          tpu.wait_dma2 semaphore(%run_scoped3A : memref<!tpu.dma_semaphore, #tpu.memory_space<semaphore_mem>>) src(%dma_wait3A_97 : memref<128xi32, #tpu.memory_space<hbm>>) dst(%arg9 : memref<128xi32, #tpu.memory_space<vmem>>)
          tpu.yield
        }) : () -> ()
        "tpu.region"() ({
          %run_scoped3A = tpu.sem_alloc : memref<!tpu.dma_semaphore, #tpu.memory_space<semaphore_mem>>
          %dma_start3A_94 = tpu.memref_slice %arg5[%add3A_87] : memref<335872xi32, #tpu.memory_space<hbm>> -> memref<128xi32, #tpu.memory_space<hbm>>
          %dma_start3A_95 = tpu.memref_slice %arg5[%add3A_87] : memref<335872xi32, #tpu.memory_space<hbm>> -> memref<128xi32, #tpu.memory_space<hbm>>
          tpu.enqueue_dma source(%dma_start3A_95 : memref<128xi32, #tpu.memory_space<hbm>>) target(%arg10 : memref<128xi32, #tpu.memory_space<vmem>>) target_semaphore(%run_scoped3A : memref<!tpu.dma_semaphore, #tpu.memory_space<semaphore_mem>>)
          %dma_wait3A_96 = tpu.memref_slice %arg5[%add3A_87] : memref<335872xi32, #tpu.memory_space<hbm>> -> memref<128xi32, #tpu.memory_space<hbm>>
          %dma_wait3A_97 = tpu.memref_slice %arg5[%add3A_87] : memref<335872xi32, #tpu.memory_space<hbm>> -> memref<128xi32, #tpu.memory_space<hbm>>
          tpu.wait_dma2 semaphore(%run_scoped3A : memref<!tpu.dma_semaphore, #tpu.memory_space<semaphore_mem>>) src(%dma_wait3A_97 : memref<128xi32, #tpu.memory_space<hbm>>) dst(%arg10 : memref<128xi32, #tpu.memory_space<vmem>>)
          tpu.yield
        }) : () -> ()
        %dma_start3A_88 = arith.constant 0 : i32
        %dma_start3A_89 = arith.constant 0 : i32
        %dma_start3A_90 = tpu.memref_slice %arg2[%dma_start3A_88, %dma_start3A_89] : memref<10240x16xf32, #tpu.memory_space<hbm>> -> memref<10240x16xf32, #tpu.memory_space<hbm>>
        tpu.enqueue_indirect_dma source(%dma_start3A_90 : memref<10240x16xf32, #tpu.memory_space<hbm>>) target(%arg11 : memref<128x16xf32, #tpu.memory_space<vmem>>) offsets(%arg9 : memref<128xi32, #tpu.memory_space<vmem>>) semaphore(%arg14 : memref<!tpu.dma_semaphore, #tpu.memory_space<semaphore_mem>>)
        %dma_start3A_91 = arith.constant 0 : i32
        %dma_start3A_92 = arith.constant 0 : i32
        %dma_start3A_93 = tpu.memref_slice %arg3[%dma_start3A_91, %dma_start3A_92] : memref<10240x16xf32, #tpu.memory_space<hbm>> -> memref<10240x16xf32, #tpu.memory_space<hbm>>
        tpu.enqueue_indirect_dma source(%dma_start3A_93 : memref<10240x16xf32, #tpu.memory_space<hbm>>) target(%arg12 : memref<128x16xf32, #tpu.memory_space<vmem>>) offsets(%arg10 : memref<128xi32, #tpu.memory_space<vmem>>) semaphore(%arg14 : memref<!tpu.dma_semaphore, #tpu.memory_space<semaphore_mem>>)
      } else {
      }
      %mul3A_61 = arith.constant 2 : i32
      %mul3A_62 = arith.muli %mul3A_61, %add3A_23 : i32
      %add3A_63 = arith.constant 1 : i32
      %add3A_64 = arith.addi %mul3A_62, %add3A_63 : i32
      %mul3A_65 = arith.constant 10496 : i32
      %mul3A_66 = arith.muli %add3A, %mul3A_65 : i32
      %mul3A_67 = arith.constant 128 : i32
      %mul3A_68 = arith.muli %add3A_64, %mul3A_67 : i32
      %add3A_69 = arith.addi %mul3A_66, %mul3A_68 : i32
      %dma_wait3A_70 = arith.constant 0 : i32
      %dma_wait3A_71 = arith.constant 0 : i32
      %dma_wait3A_72 = tpu.memref_slice %arg2[%dma_wait3A_70, %dma_wait3A_71] : memref<10240x16xf32, #tpu.memory_space<hbm>> -> memref<10240x16xf32, #tpu.memory_space<hbm>>
      tpu.wait_indirect_dma semaphore(%arg20 : memref<!tpu.dma_semaphore, #tpu.memory_space<semaphore_mem>>) src(%dma_wait3A_72 : memref<10240x16xf32, #tpu.memory_space<hbm>>) dst(%arg17 : memref<128x16xf32, #tpu.memory_space<vmem>>)
      %dma_wait3A_73 = arith.constant 0 : i32
      %dma_wait3A_74 = arith.constant 0 : i32
      %dma_wait3A_75 = tpu.memref_slice %arg3[%dma_wait3A_73, %dma_wait3A_74] : memref<10240x16xf32, #tpu.memory_space<hbm>> -> memref<10240x16xf32, #tpu.memory_space<hbm>>
      tpu.wait_indirect_dma semaphore(%arg20 : memref<!tpu.dma_semaphore, #tpu.memory_space<semaphore_mem>>) src(%dma_wait3A_75 : memref<10240x16xf32, #tpu.memory_space<hbm>>) dst(%arg18 : memref<128x16xf32, #tpu.memory_space<vmem>>)
      %parallel_loop3A_76 = arith.constant 0 : i32
      %parallel_loop3A_77 = arith.constant 128 : i32
      %parallel_loop3A_78 = arith.constant 1 : i32
      scf.for %parallel_loop3A_79 = %parallel_loop3A_76 to %parallel_loop3A_77 step %parallel_loop3A_78  : i32 {
        %parallel_loop3A_80 = arith.index_cast %parallel_loop3A_79 : i32 to index
        %parallel_loop3A_81 = arith.constant 0 : index
        %parallel_loop3A_82 = tpu.vector_load %arg17[%parallel_loop3A_80, %parallel_loop3A_81] {strides = array<i32>} : memref<128x16xf32, #tpu.memory_space<vmem>>, vector<1x16xf32>,
        %parallel_loop3A_83 = vector.shape_cast %parallel_loop3A_82 : vector<1x16xf32> to vector<16xf32>
        %parallel_loop3A_84 = arith.index_cast %parallel_loop3A_79 : i32 to index
        %parallel_loop3A_85 = arith.constant 0 : index
        %parallel_loop3A_86 = tpu.vector_load %arg18[%parallel_loop3A_84, %parallel_loop3A_85] {strides = array<i32>} : memref<128x16xf32, #tpu.memory_space<vmem>>, vector<1x16xf32>,
        %parallel_loop3A_87 = vector.shape_cast %parallel_loop3A_86 : vector<1x16xf32> to vector<16xf32>
        %parallel_loop3A_88 = arith.addf %parallel_loop3A_83, %parallel_loop3A_87 : vector<16xf32>
        %parallel_loop3A_89 = arith.constant 0.000000e+00 : f32
        %parallel_loop3A_90 = vector.broadcast %parallel_loop3A_89 : f32 to vector<16xf32>
        %parallel_loop3A_91 = arith.cmpf ogt, %parallel_loop3A_88, %parallel_loop3A_90 : vector<16xf32>
        %parallel_loop3A_92 = arith.constant 2.000000e-01 : f32
        %parallel_loop3A_93 = vector.broadcast %parallel_loop3A_92 : f32 to vector<16xf32>
        %parallel_loop3A_94 = arith.mulf %parallel_loop3A_93, %parallel_loop3A_88 : vector<16xf32>
        %parallel_loop3A_95 = arith.select %parallel_loop3A_91, %parallel_loop3A_88, %parallel_loop3A_94 : vector<16xi1>, vector<16xf32>
        %parallel_loop3A_96 = math.exp %parallel_loop3A_95 : vector<16xf32>
        %parallel_loop3A_97 = arith.index_cast %parallel_loop3A_79 : i32 to index
        %parallel_loop3A_98 = arith.constant 0 : index
        %parallel_loop3A_99 = tpu.vector_load %arg19[%parallel_loop3A_97, %parallel_loop3A_98] {strides = array<i32>} : memref<128x16xf32, #tpu.memory_space<vmem>>, vector<1x16xf32>,
        %parallel_loop3A_100 = vector.shape_cast %parallel_loop3A_99 : vector<1x16xf32> to vector<16xf32>
        %parallel_loop3A_101 = vector.shape_cast %parallel_loop3A_96 : vector<16xf32> to vector<1x16xf32>
        tpu.vector_store %arg19[%parallel_loop3A_97, %parallel_loop3A_98], %parallel_loop3A_101 {strides = array<i32>} : memref<128x16xf32, #tpu.memory_space<vmem>>, vector<1x16xf32>,
      } {sc.loop_unroll_factor = 4 : i64, sc.parallel_access}
      "tpu.region"() ({
        %run_scoped3A = tpu.sem_alloc : memref<!tpu.dma_semaphore, #tpu.memory_space<semaphore_mem>>
        %dma_start3A_79 = arith.constant 0 : i32
        %dma_start3A_80 = tpu.memref_slice %arg7[%add3A_69, %dma_start3A_79] : memref<335872x16xf32, #tpu.memory_space<hbm>> -> memref<128x16xf32, #tpu.memory_space<hbm>>
        %dma_start3A_81 = arith.constant 0 : i32
        %dma_start3A_82 = tpu.memref_slice %arg7[%add3A_69, %dma_start3A_81] : memref<335872x16xf32, #tpu.memory_space<hbm>> -> memref<128x16xf32, #tpu.memory_space<hbm>>
        tpu.enqueue_dma source(%arg19 : memref<128x16xf32, #tpu.memory_space<vmem>>) target(%dma_start3A_82 : memref<128x16xf32, #tpu.memory_space<hbm>>) target_semaphore(%run_scoped3A : memref<!tpu.dma_semaphore, #tpu.memory_space<semaphore_mem>>)
        %dma_wait3A_83 = arith.constant 0 : i32
        %dma_wait3A_84 = tpu.memref_slice %arg7[%add3A_69, %dma_wait3A_83] : memref<335872x16xf32, #tpu.memory_space<hbm>> -> memref<128x16xf32, #tpu.memory_space<hbm>>
        %dma_wait3A_85 = arith.constant 0 : i32
        %dma_wait3A_86 = tpu.memref_slice %arg7[%add3A_69, %dma_wait3A_85] : memref<335872x16xf32, #tpu.memory_space<hbm>> -> memref<128x16xf32, #tpu.memory_space<hbm>>
        tpu.wait_dma2 semaphore(%run_scoped3A : memref<!tpu.dma_semaphore, #tpu.memory_space<semaphore_mem>>) src(%arg19 : memref<128x16xf32, #tpu.memory_space<vmem>>) dst(%dma_wait3A_86 : memref<128x16xf32, #tpu.memory_space<hbm>>)
        tpu.yield
      }) : () -> ()
      "tpu.region"() ({
        %run_scoped3A = tpu.sem_alloc : memref<!tpu.dma_semaphore, #tpu.memory_space<semaphore_mem>>
        %dma_start3A_79 = arith.constant 0 : i32
        %dma_start3A_80 = arith.constant 0 : i32
        %dma_start3A_81 = tpu.memref_slice %arg21[%dma_start3A_79, %dma_start3A_80] : memref<10240x16xf32, #tpu.memory_space<vmem_shared>> -> memref<10240x16xf32, #tpu.memory_space<vmem_shared>>
        tpu.enqueue_indirect_dma source(%arg19 : memref<128x16xf32, #tpu.memory_space<vmem>>) target(%dma_start3A_81 : memref<10240x16xf32, #tpu.memory_space<vmem_shared>>) offsets(%arg16 : memref<128xi32, #tpu.memory_space<vmem>>) semaphore(%run_scoped3A : memref<!tpu.dma_semaphore, #tpu.memory_space<semaphore_mem>>) {add = true}
        %dma_wait3A_82 = arith.constant 0 : i32
        %dma_wait3A_83 = arith.constant 0 : i32
        %dma_wait3A_84 = tpu.memref_slice %arg21[%dma_wait3A_82, %dma_wait3A_83] : memref<10240x16xf32, #tpu.memory_space<vmem_shared>> -> memref<10240x16xf32, #tpu.memory_space<vmem_shared>>
        tpu.wait_indirect_dma semaphore(%run_scoped3A : memref<!tpu.dma_semaphore, #tpu.memory_space<semaphore_mem>>) src(%arg19 : memref<128x16xf32, #tpu.memory_space<vmem>>) dst(%dma_wait3A_84 : memref<10240x16xf32, #tpu.memory_space<vmem_shared>>)
        tpu.yield
      }) : () -> ()
    }
    %scan3A_15 = arith.constant 41 : i32
    %barrier3A_16 = arith.constant 0 : index
    tpu.barrier barrier_id(%barrier3A_16)
    %eq3A = arith.constant 0 : i32
    %eq3A_17 = arith.cmpi eq, %arg1, %eq3A : i32
    %convert_element_type3A = arith.extui %eq3A_17 : i1 to i32
    %cond3A = arith.constant 0 : i32
    %cond3A_18 = arith.cmpi ne, %convert_element_type3A, %cond3A : i32
    scf.if %cond3A_18 {
      "tpu.region"() ({
        %run_scoped3A = tpu.sem_alloc : memref<!tpu.dma_semaphore, #tpu.memory_space<semaphore_mem>>
        %dma_start3A_19 = arith.constant 0 : i32
        %dma_start3A_20 = arith.constant 0 : i32
        %dma_start3A_21 = tpu.memref_slice %arg8[%arg0, %dma_start3A_19, %dma_start3A_20] : memref<2x10240x16xf32, #tpu.memory_space<hbm>> -> memref<1x10240x16xf32, #tpu.memory_space<hbm>>
        %dma_start3A_22 = tpu.memref_squeeze %dma_start3A_21 : memref<1x10240x16xf32, #tpu.memory_space<hbm>> -> memref<10240x16xf32, #tpu.memory_space<hbm>>
        tpu.enqueue_dma source(%arg21 : memref<10240x16xf32, #tpu.memory_space<vmem_shared>>) target(%dma_start3A_22 : memref<10240x16xf32, #tpu.memory_space<hbm>>) target_semaphore(%run_scoped3A : memref<!tpu.dma_semaphore, #tpu.memory_space<semaphore_mem>>)
        %dma_wait3A = arith.constant 0 : i32
        %dma_wait3A_23 = arith.constant 0 : i32
        %dma_wait3A_24 = tpu.memref_slice %arg8[%arg0, %dma_wait3A, %dma_wait3A_23] : memref<2x10240x16xf32, #tpu.memory_space<hbm>> -> memref<1x10240x16xf32, #tpu.memory_space<hbm>>
        %dma_wait3A_25 = tpu.memref_squeeze %dma_wait3A_24 : memref<1x10240x16xf32, #tpu.memory_space<hbm>> -> memref<10240x16xf32, #tpu.memory_space<hbm>>
        tpu.wait_dma2 semaphore(%run_scoped3A : memref<!tpu.dma_semaphore, #tpu.memory_space<semaphore_mem>>) src(%arg21 : memref<10240x16xf32, #tpu.memory_space<vmem_shared>>) dst(%dma_wait3A_25 : memref<10240x16xf32, #tpu.memory_space<hbm>>)
        tpu.yield
      }) : () -> ()
    } else {
    }
    return
  }
}

#map = affine_map<(d0, d1) -> (0, 0)>
#map1 = affine_map<(d0, d1) -> (0)>
#map2 = affine_map<(d0, d1) -> (0, 0, 0)>
module attributes {stable_mosaic.version = 14 : i64} {
  func.func @_edge_msg_body(%arg0: i32, %arg1: i32, %arg2: memref<10240x128xf32, #tpu.memory_space<hbm>>, %arg3: memref<335872xi32, #tpu.memory_space<hbm>>, %arg4: memref<335872xi32, #tpu.memory_space<hbm>>, %arg5: memref<335872x16xf32, #tpu.memory_space<hbm>>, %arg6: memref<10240x16xf32, #tpu.memory_space<hbm>>, %arg7: memref<640x128xf32, #tpu.memory_space<hbm>>, %arg8: memref<335872x16xf32, #tpu.memory_space<hbm>>, %arg9: memref<2x10240x128xf32, #tpu.memory_space<hbm>>, %arg10: memref<128xi32, #tpu.memory_space<vmem>>, %arg11: memref<128xi32, #tpu.memory_space<vmem>>, %arg12: memref<128x16xf32, #tpu.memory_space<vmem>>, %arg13: memref<128x16xf32, #tpu.memory_space<vmem>>, %arg14: memref<128x128xf32, #tpu.memory_space<vmem>>, %arg15: memref<!tpu.dma_semaphore, #tpu.memory_space<semaphore_mem>>, %arg16: memref<128xi32, #tpu.memory_space<vmem>>, %arg17: memref<128xi32, #tpu.memory_space<vmem>>, %arg18: memref<128x16xf32, #tpu.memory_space<vmem>>, %arg19: memref<128x16xf32, #tpu.memory_space<vmem>>, %arg20: memref<128x128xf32, #tpu.memory_space<vmem>>, %arg21: memref<!tpu.dma_semaphore, #tpu.memory_space<semaphore_mem>>, %arg22: memref<128x16xf32, #tpu.memory_space<vmem>>, %arg23: memref<10240x128xf32, #tpu.memory_space<vmem_shared>>) attributes {dimension_semantics = [#tpu.dimension_semantics<core_parallel>, #tpu.dimension_semantics<subcore_parallel>], iteration_bounds = array<i64: 2, 16>, scalar_prefetch = 0 : i64, scratch_operands = 14 : i64, tpu.core_type = #tpu.core_type<sc_vector_subcore>, window_params = [{transform_indices = #map}, {transform_indices = #map1}, {transform_indices = #map1}, {transform_indices = #map}, {transform_indices = #map}, {transform_indices = #map}, {transform_indices = #map}, {transform_indices = #map2}]} {
    %mul3A = arith.constant 16 : i32
    %mul3A_0 = arith.muli %arg0, %mul3A : i32
    %add3A = arith.addi %mul3A_0, %arg1 : i32
    %mul3A_1 = arith.constant 640 : i32
    %mul3A_2 = arith.muli %arg1, %mul3A_1 : i32
    "tpu.region"() ({
      %run_scoped3A = tpu.sem_alloc : memref<!tpu.dma_semaphore, #tpu.memory_space<semaphore_mem>>
      %dma_start3A_23 = arith.constant 0 : i32
      %dma_start3A_24 = tpu.memref_slice %arg23[%mul3A_2, %dma_start3A_23] : memref<10240x128xf32, #tpu.memory_space<vmem_shared>> -> memref<640x128xf32, #tpu.memory_space<vmem_shared>>
      %dma_start3A_25 = arith.constant 0 : i32
      %dma_start3A_26 = arith.constant 0 : i32
      %dma_start3A_27 = tpu.memref_slice %arg7[%dma_start3A_25, %dma_start3A_26] : memref<640x128xf32, #tpu.memory_space<hbm>> -> memref<640x128xf32, #tpu.memory_space<hbm>>
      tpu.enqueue_dma source(%dma_start3A_27 : memref<640x128xf32, #tpu.memory_space<hbm>>) target(%dma_start3A_24 : memref<640x128xf32, #tpu.memory_space<vmem_shared>>) target_semaphore(%run_scoped3A : memref<!tpu.dma_semaphore, #tpu.memory_space<semaphore_mem>>)
      %dma_wait3A = arith.constant 0 : i32
      %dma_wait3A_28 = tpu.memref_slice %arg23[%mul3A_2, %dma_wait3A] : memref<10240x128xf32, #tpu.memory_space<vmem_shared>> -> memref<640x128xf32, #tpu.memory_space<vmem_shared>>
      %dma_wait3A_29 = arith.constant 0 : i32
      %dma_wait3A_30 = arith.constant 0 : i32
      %dma_wait3A_31 = tpu.memref_slice %arg7[%dma_wait3A_29, %dma_wait3A_30] : memref<640x128xf32, #tpu.memory_space<hbm>> -> memref<640x128xf32, #tpu.memory_space<hbm>>
      tpu.wait_dma2 semaphore(%run_scoped3A : memref<!tpu.dma_semaphore, #tpu.memory_space<semaphore_mem>>) src(%dma_wait3A_31 : memref<640x128xf32, #tpu.memory_space<hbm>>) dst(%dma_wait3A_28 : memref<640x128xf32, #tpu.memory_space<vmem_shared>>)
      tpu.yield
    }) : () -> ()
    %barrier3A = arith.constant 0 : index
    tpu.barrier barrier_id(%barrier3A)
    %mul3A_3 = arith.constant 10496 : i32
    %mul3A_4 = arith.muli %add3A, %mul3A_3 : i32
    %add3A_5 = arith.constant 0 : i32
    %add3A_6 = arith.addi %mul3A_4, %add3A_5 : i32
    %dma_start3A = arith.constant 0 : i32
    %dma_start3A_7 = tpu.memref_slice %arg5[%add3A_6, %dma_start3A] : memref<335872x16xf32, #tpu.memory_space<hbm>> -> memref<128x16xf32, #tpu.memory_space<hbm>>
    %dma_start3A_8 = arith.constant 0 : i32
    %dma_start3A_9 = tpu.memref_slice %arg5[%add3A_6, %dma_start3A_8] : memref<335872x16xf32, #tpu.memory_space<hbm>> -> memref<128x16xf32, #tpu.memory_space<hbm>>
    tpu.enqueue_dma source(%dma_start3A_9 : memref<128x16xf32, #tpu.memory_space<hbm>>) target(%arg12 : memref<128x16xf32, #tpu.memory_space<vmem>>) target_semaphore(%arg15 : memref<!tpu.dma_semaphore, #tpu.memory_space<semaphore_mem>>)
    "tpu.region"() ({
      %run_scoped3A = tpu.sem_alloc : memref<!tpu.dma_semaphore, #tpu.memory_space<semaphore_mem>>
      %dma_start3A_23 = tpu.memref_slice %arg3[%add3A_6] : memref<335872xi32, #tpu.memory_space<hbm>> -> memref<128xi32, #tpu.memory_space<hbm>>
      %dma_start3A_24 = tpu.memref_slice %arg3[%add3A_6] : memref<335872xi32, #tpu.memory_space<hbm>> -> memref<128xi32, #tpu.memory_space<hbm>>
      tpu.enqueue_dma source(%dma_start3A_24 : memref<128xi32, #tpu.memory_space<hbm>>) target(%arg10 : memref<128xi32, #tpu.memory_space<vmem>>) target_semaphore(%run_scoped3A : memref<!tpu.dma_semaphore, #tpu.memory_space<semaphore_mem>>)
      %dma_wait3A = tpu.memref_slice %arg3[%add3A_6] : memref<335872xi32, #tpu.memory_space<hbm>> -> memref<128xi32, #tpu.memory_space<hbm>>
      %dma_wait3A_25 = tpu.memref_slice %arg3[%add3A_6] : memref<335872xi32, #tpu.memory_space<hbm>> -> memref<128xi32, #tpu.memory_space<hbm>>
      tpu.wait_dma2 semaphore(%run_scoped3A : memref<!tpu.dma_semaphore, #tpu.memory_space<semaphore_mem>>) src(%dma_wait3A_25 : memref<128xi32, #tpu.memory_space<hbm>>) dst(%arg10 : memref<128xi32, #tpu.memory_space<vmem>>)
      tpu.yield
    }) : () -> ()
    "tpu.region"() ({
      %run_scoped3A = tpu.sem_alloc : memref<!tpu.dma_semaphore, #tpu.memory_space<semaphore_mem>>
      %dma_start3A_23 = tpu.memref_slice %arg4[%add3A_6] : memref<335872xi32, #tpu.memory_space<hbm>> -> memref<128xi32, #tpu.memory_space<hbm>>
      %dma_start3A_24 = tpu.memref_slice %arg4[%add3A_6] : memref<335872xi32, #tpu.memory_space<hbm>> -> memref<128xi32, #tpu.memory_space<hbm>>
      tpu.enqueue_dma source(%dma_start3A_24 : memref<128xi32, #tpu.memory_space<hbm>>) target(%arg11 : memref<128xi32, #tpu.memory_space<vmem>>) target_semaphore(%run_scoped3A : memref<!tpu.dma_semaphore, #tpu.memory_space<semaphore_mem>>)
      %dma_wait3A = tpu.memref_slice %arg4[%add3A_6] : memref<335872xi32, #tpu.memory_space<hbm>> -> memref<128xi32, #tpu.memory_space<hbm>>
      %dma_wait3A_25 = tpu.memref_slice %arg4[%add3A_6] : memref<335872xi32, #tpu.memory_space<hbm>> -> memref<128xi32, #tpu.memory_space<hbm>>
      tpu.wait_dma2 semaphore(%run_scoped3A : memref<!tpu.dma_semaphore, #tpu.memory_space<semaphore_mem>>) src(%dma_wait3A_25 : memref<128xi32, #tpu.memory_space<hbm>>) dst(%arg11 : memref<128xi32, #tpu.memory_space<vmem>>)
      tpu.yield
    }) : () -> ()
    %dma_start3A_10 = arith.constant 0 : i32
    %dma_start3A_11 = arith.constant 0 : i32
    %dma_start3A_12 = tpu.memref_slice %arg6[%dma_start3A_10, %dma_start3A_11] : memref<10240x16xf32, #tpu.memory_space<hbm>> -> memref<10240x16xf32, #tpu.memory_space<hbm>>
    tpu.enqueue_indirect_dma source(%dma_start3A_12 : memref<10240x16xf32, #tpu.memory_space<hbm>>) target(%arg13 : memref<128x16xf32, #tpu.memory_space<vmem>>) offsets(%arg11 : memref<128xi32, #tpu.memory_space<vmem>>) semaphore(%arg15 : memref<!tpu.dma_semaphore, #tpu.memory_space<semaphore_mem>>)
    %dma_start3A_13 = arith.constant 0 : i32
    %dma_start3A_14 = arith.constant 0 : i32
    %dma_start3A_15 = tpu.memref_slice %arg2[%dma_start3A_13, %dma_start3A_14] : memref<10240x128xf32, #tpu.memory_space<hbm>> -> memref<10240x128xf32, #tpu.memory_space<hbm>>
    tpu.enqueue_indirect_dma source(%dma_start3A_15 : memref<10240x128xf32, #tpu.memory_space<hbm>>) target(%arg14 : memref<128x128xf32, #tpu.memory_space<vmem>>) offsets(%arg10 : memref<128xi32, #tpu.memory_space<vmem>>) semaphore(%arg15 : memref<!tpu.dma_semaphore, #tpu.memory_space<semaphore_mem>>)
    %scan3A = arith.constant 0 : i32
    %scan3A_16 = arith.constant 41 : i32
    %scan3A_17 = arith.addi %scan3A, %scan3A_16 : i32
    %scan3A_18 = arith.constant 1 : i32
    scf.for %scan3A_23 = %scan3A to %scan3A_17 step %scan3A_18  : i32 {
      %mul3A_24 = arith.constant 1 : i32
      %mul3A_25 = arith.muli %scan3A_23, %mul3A_24 : i32
      %add3A_26 = arith.constant 0 : i32
      %add3A_27 = arith.addi %add3A_26, %mul3A_25 : i32
      %mul3A_28 = arith.constant 2 : i32
      %mul3A_29 = arith.muli %mul3A_28, %add3A_27 : i32
      %add3A_30 = arith.constant 1 : i32
      %add3A_31 = arith.addi %mul3A_29, %add3A_30 : i32
      %mul3A_32 = arith.constant 10496 : i32
      %mul3A_33 = arith.muli %add3A, %mul3A_32 : i32
      %mul3A_34 = arith.constant 128 : i32
      %mul3A_35 = arith.muli %add3A_31, %mul3A_34 : i32
      %add3A_36 = arith.addi %mul3A_33, %mul3A_35 : i32
      %dma_start3A_37 = arith.constant 0 : i32
      %dma_start3A_38 = tpu.memref_slice %arg5[%add3A_36, %dma_start3A_37] : memref<335872x16xf32, #tpu.memory_space<hbm>> -> memref<128x16xf32, #tpu.memory_space<hbm>>
      %dma_start3A_39 = arith.constant 0 : i32
      %dma_start3A_40 = tpu.memref_slice %arg5[%add3A_36, %dma_start3A_39] : memref<335872x16xf32, #tpu.memory_space<hbm>> -> memref<128x16xf32, #tpu.memory_space<hbm>>
      tpu.enqueue_dma source(%dma_start3A_40 : memref<128x16xf32, #tpu.memory_space<hbm>>) target(%arg18 : memref<128x16xf32, #tpu.memory_space<vmem>>) target_semaphore(%arg21 : memref<!tpu.dma_semaphore, #tpu.memory_space<semaphore_mem>>)
      "tpu.region"() ({
        %run_scoped3A = tpu.sem_alloc : memref<!tpu.dma_semaphore, #tpu.memory_space<semaphore_mem>>
        %dma_start3A_95 = tpu.memref_slice %arg3[%add3A_36] : memref<335872xi32, #tpu.memory_space<hbm>> -> memref<128xi32, #tpu.memory_space<hbm>>
        %dma_start3A_96 = tpu.memref_slice %arg3[%add3A_36] : memref<335872xi32, #tpu.memory_space<hbm>> -> memref<128xi32, #tpu.memory_space<hbm>>
        tpu.enqueue_dma source(%dma_start3A_96 : memref<128xi32, #tpu.memory_space<hbm>>) target(%arg16 : memref<128xi32, #tpu.memory_space<vmem>>) target_semaphore(%run_scoped3A : memref<!tpu.dma_semaphore, #tpu.memory_space<semaphore_mem>>)
        %dma_wait3A_97 = tpu.memref_slice %arg3[%add3A_36] : memref<335872xi32, #tpu.memory_space<hbm>> -> memref<128xi32, #tpu.memory_space<hbm>>
        %dma_wait3A_98 = tpu.memref_slice %arg3[%add3A_36] : memref<335872xi32, #tpu.memory_space<hbm>> -> memref<128xi32, #tpu.memory_space<hbm>>
        tpu.wait_dma2 semaphore(%run_scoped3A : memref<!tpu.dma_semaphore, #tpu.memory_space<semaphore_mem>>) src(%dma_wait3A_98 : memref<128xi32, #tpu.memory_space<hbm>>) dst(%arg16 : memref<128xi32, #tpu.memory_space<vmem>>)
        tpu.yield
      }) : () -> ()
      "tpu.region"() ({
        %run_scoped3A = tpu.sem_alloc : memref<!tpu.dma_semaphore, #tpu.memory_space<semaphore_mem>>
        %dma_start3A_95 = tpu.memref_slice %arg4[%add3A_36] : memref<335872xi32, #tpu.memory_space<hbm>> -> memref<128xi32, #tpu.memory_space<hbm>>
        %dma_start3A_96 = tpu.memref_slice %arg4[%add3A_36] : memref<335872xi32, #tpu.memory_space<hbm>> -> memref<128xi32, #tpu.memory_space<hbm>>
        tpu.enqueue_dma source(%dma_start3A_96 : memref<128xi32, #tpu.memory_space<hbm>>) target(%arg17 : memref<128xi32, #tpu.memory_space<vmem>>) target_semaphore(%run_scoped3A : memref<!tpu.dma_semaphore, #tpu.memory_space<semaphore_mem>>)
        %dma_wait3A_97 = tpu.memref_slice %arg4[%add3A_36] : memref<335872xi32, #tpu.memory_space<hbm>> -> memref<128xi32, #tpu.memory_space<hbm>>
        %dma_wait3A_98 = tpu.memref_slice %arg4[%add3A_36] : memref<335872xi32, #tpu.memory_space<hbm>> -> memref<128xi32, #tpu.memory_space<hbm>>
        tpu.wait_dma2 semaphore(%run_scoped3A : memref<!tpu.dma_semaphore, #tpu.memory_space<semaphore_mem>>) src(%dma_wait3A_98 : memref<128xi32, #tpu.memory_space<hbm>>) dst(%arg17 : memref<128xi32, #tpu.memory_space<vmem>>)
        tpu.yield
      }) : () -> ()
      %dma_start3A_41 = arith.constant 0 : i32
      %dma_start3A_42 = arith.constant 0 : i32
      %dma_start3A_43 = tpu.memref_slice %arg6[%dma_start3A_41, %dma_start3A_42] : memref<10240x16xf32, #tpu.memory_space<hbm>> -> memref<10240x16xf32, #tpu.memory_space<hbm>>
      tpu.enqueue_indirect_dma source(%dma_start3A_43 : memref<10240x16xf32, #tpu.memory_space<hbm>>) target(%arg19 : memref<128x16xf32, #tpu.memory_space<vmem>>) offsets(%arg17 : memref<128xi32, #tpu.memory_space<vmem>>) semaphore(%arg21 : memref<!tpu.dma_semaphore, #tpu.memory_space<semaphore_mem>>)
      %dma_start3A_44 = arith.constant 0 : i32
      %dma_start3A_45 = arith.constant 0 : i32
      %dma_start3A_46 = tpu.memref_slice %arg2[%dma_start3A_44, %dma_start3A_45] : memref<10240x128xf32, #tpu.memory_space<hbm>> -> memref<10240x128xf32, #tpu.memory_space<hbm>>
      tpu.enqueue_indirect_dma source(%dma_start3A_46 : memref<10240x128xf32, #tpu.memory_space<hbm>>) target(%arg20 : memref<128x128xf32, #tpu.memory_space<vmem>>) offsets(%arg16 : memref<128xi32, #tpu.memory_space<vmem>>) semaphore(%arg21 : memref<!tpu.dma_semaphore, #tpu.memory_space<semaphore_mem>>)
      %mul3A_47 = arith.constant 2 : i32
      %mul3A_48 = arith.muli %mul3A_47, %add3A_27 : i32
      %mul3A_49 = arith.constant 10496 : i32
      %mul3A_50 = arith.muli %add3A, %mul3A_49 : i32
      %mul3A_51 = arith.constant 128 : i32
      %mul3A_52 = arith.muli %mul3A_48, %mul3A_51 : i32
      %add3A_53 = arith.addi %mul3A_50, %mul3A_52 : i32
      %dma_wait3A = arith.constant 0 : i32
      %dma_wait3A_54 = tpu.memref_slice %arg5[%add3A_53, %dma_wait3A] : memref<335872x16xf32, #tpu.memory_space<hbm>> -> memref<128x16xf32, #tpu.memory_space<hbm>>
      %dma_wait3A_55 = arith.constant 0 : i32
      %dma_wait3A_56 = tpu.memref_slice %arg5[%add3A_53, %dma_wait3A_55] : memref<335872x16xf32, #tpu.memory_space<hbm>> -> memref<128x16xf32, #tpu.memory_space<hbm>>
      tpu.wait_dma2 semaphore(%arg15 : memref<!tpu.dma_semaphore, #tpu.memory_space<semaphore_mem>>) src(%dma_wait3A_56 : memref<128x16xf32, #tpu.memory_space<hbm>>) dst(%arg12 : memref<128x16xf32, #tpu.memory_space<vmem>>)
      %dma_wait3A_57 = arith.constant 0 : i32
      %dma_wait3A_58 = arith.constant 0 : i32
      %dma_wait3A_59 = tpu.memref_slice %arg6[%dma_wait3A_57, %dma_wait3A_58] : memref<10240x16xf32, #tpu.memory_space<hbm>> -> memref<10240x16xf32, #tpu.memory_space<hbm>>
      tpu.wait_indirect_dma semaphore(%arg15 : memref<!tpu.dma_semaphore, #tpu.memory_space<semaphore_mem>>) src(%dma_wait3A_59 : memref<10240x16xf32, #tpu.memory_space<hbm>>) dst(%arg13 : memref<128x16xf32, #tpu.memory_space<vmem>>)
      %dma_wait3A_60 = arith.constant 0 : i32
      %dma_wait3A_61 = arith.constant 0 : i32
      %dma_wait3A_62 = tpu.memref_slice %arg2[%dma_wait3A_60, %dma_wait3A_61] : memref<10240x128xf32, #tpu.memory_space<hbm>> -> memref<10240x128xf32, #tpu.memory_space<hbm>>
      tpu.wait_indirect_dma semaphore(%arg15 : memref<!tpu.dma_semaphore, #tpu.memory_space<semaphore_mem>>) src(%dma_wait3A_62 : memref<10240x128xf32, #tpu.memory_space<hbm>>) dst(%arg14 : memref<128x128xf32, #tpu.memory_space<vmem>>)
      %parallel_loop3A = arith.constant 0 : i32
      %parallel_loop3A_63 = arith.constant 128 : i32
      %parallel_loop3A_64 = arith.constant 1 : i32
      scf.for %parallel_loop3A_95 = %parallel_loop3A to %parallel_loop3A_63 step %parallel_loop3A_64  : i32 {
        %parallel_loop3A_96 = arith.index_cast %parallel_loop3A_95 : i32 to index
        %parallel_loop3A_97 = arith.constant 0 : index
        %parallel_loop3A_98 = tpu.vector_load %arg12[%parallel_loop3A_96, %parallel_loop3A_97] {strides = array<i32>} : memref<128x16xf32, #tpu.memory_space<vmem>>, vector<1x16xf32>,
        %parallel_loop3A_99 = vector.shape_cast %parallel_loop3A_98 : vector<1x16xf32> to vector<16xf32>
        %parallel_loop3A_100 = arith.index_cast %parallel_loop3A_95 : i32 to index
        %parallel_loop3A_101 = arith.constant 0 : index
        %parallel_loop3A_102 = tpu.vector_load %arg13[%parallel_loop3A_100, %parallel_loop3A_101] {strides = array<i32>} : memref<128x16xf32, #tpu.memory_space<vmem>>, vector<1x16xf32>,
        %parallel_loop3A_103 = vector.shape_cast %parallel_loop3A_102 : vector<1x16xf32> to vector<16xf32>
        %parallel_loop3A_104 = arith.divf %parallel_loop3A_99, %parallel_loop3A_103 : vector<16xf32>
        %parallel_loop3A_105 = arith.index_cast %parallel_loop3A_95 : i32 to index
        %parallel_loop3A_106 = arith.constant 0 : index
        %parallel_loop3A_107 = tpu.vector_load %arg22[%parallel_loop3A_105, %parallel_loop3A_106] {strides = array<i32>} : memref<128x16xf32, #tpu.memory_space<vmem>>, vector<1x16xf32>,
        %parallel_loop3A_108 = vector.shape_cast %parallel_loop3A_107 : vector<1x16xf32> to vector<16xf32>
        %parallel_loop3A_109 = vector.shape_cast %parallel_loop3A_104 : vector<16xf32> to vector<1x16xf32>
        tpu.vector_store %arg22[%parallel_loop3A_105, %parallel_loop3A_106], %parallel_loop3A_109 {strides = array<i32>} : memref<128x16xf32, #tpu.memory_space<vmem>>, vector<1x16xf32>,
        %parallel_loop3A_110 = vector.extract_strided_slice %parallel_loop3A_104 {offsets = [0], sizes = [1], strides = [1]} : vector<16xf32> to vector<1xf32>
        %parallel_loop3A_111 = vector.extract %parallel_loop3A_110[0] : f32 from vector<1xf32>
        %parallel_loop3A_112 = arith.index_cast %parallel_loop3A_95 : i32 to index
        %parallel_loop3A_113 = arith.constant 0 : index
        %parallel_loop3A_114 = tpu.vector_load %arg14[%parallel_loop3A_112, %parallel_loop3A_113] {strides = array<i32>} : memref<128x128xf32, #tpu.memory_space<vmem>>, vector<1x16xf32>,
        %parallel_loop3A_115 = vector.shape_cast %parallel_loop3A_114 : vector<1x16xf32> to vector<16xf32>
        %parallel_loop3A_116 = vector.broadcast %parallel_loop3A_111 : f32 to vector<16xf32>
        %parallel_loop3A_117 = arith.mulf %parallel_loop3A_115, %parallel_loop3A_116 : vector<16xf32>
        %parallel_loop3A_118 = arith.index_cast %parallel_loop3A_95 : i32 to index
        %parallel_loop3A_119 = arith.constant 0 : index
        %parallel_loop3A_120 = tpu.vector_load %arg14[%parallel_loop3A_118, %parallel_loop3A_119] {strides = array<i32>} : memref<128x128xf32, #tpu.memory_space<vmem>>, vector<1x16xf32>,
        %parallel_loop3A_121 = vector.shape_cast %parallel_loop3A_120 : vector<1x16xf32> to vector<16xf32>
        %parallel_loop3A_122 = vector.shape_cast %parallel_loop3A_117 : vector<16xf32> to vector<1x16xf32>
        tpu.vector_store %arg14[%parallel_loop3A_118, %parallel_loop3A_119], %parallel_loop3A_122 {strides = array<i32>} : memref<128x128xf32, #tpu.memory_space<vmem>>, vector<1x16xf32>,
        %parallel_loop3A_123 = vector.extract_strided_slice %parallel_loop3A_104 {offsets = [1], sizes = [1], strides = [1]} : vector<16xf32> to vector<1xf32>
        %parallel_loop3A_124 = vector.extract %parallel_loop3A_123[0] : f32 from vector<1xf32>
        %parallel_loop3A_125 = arith.index_cast %parallel_loop3A_95 : i32 to index
        %parallel_loop3A_126 = arith.constant 16 : index
        %parallel_loop3A_127 = tpu.vector_load %arg14[%parallel_loop3A_125, %parallel_loop3A_126] {strides = array<i32>} : memref<128x128xf32, #tpu.memory_space<vmem>>, vector<1x16xf32>,
        %parallel_loop3A_128 = vector.shape_cast %parallel_loop3A_127 : vector<1x16xf32> to vector<16xf32>
        %parallel_loop3A_129 = vector.broadcast %parallel_loop3A_124 : f32 to vector<16xf32>
        %parallel_loop3A_130 = arith.mulf %parallel_loop3A_128, %parallel_loop3A_129 : vector<16xf32>
        %parallel_loop3A_131 = arith.index_cast %parallel_loop3A_95 : i32 to index
        %parallel_loop3A_132 = arith.constant 16 : index
        %parallel_loop3A_133 = tpu.vector_load %arg14[%parallel_loop3A_131, %parallel_loop3A_132] {strides = array<i32>} : memref<128x128xf32, #tpu.memory_space<vmem>>, vector<1x16xf32>,
        %parallel_loop3A_134 = vector.shape_cast %parallel_loop3A_133 : vector<1x16xf32> to vector<16xf32>
        %parallel_loop3A_135 = vector.shape_cast %parallel_loop3A_130 : vector<16xf32> to vector<1x16xf32>
        tpu.vector_store %arg14[%parallel_loop3A_131, %parallel_loop3A_132], %parallel_loop3A_135 {strides = array<i32>} : memref<128x128xf32, #tpu.memory_space<vmem>>, vector<1x16xf32>,
        %parallel_loop3A_136 = vector.extract_strided_slice %parallel_loop3A_104 {offsets = [2], sizes = [1], strides = [1]} : vector<16xf32> to vector<1xf32>
        %parallel_loop3A_137 = vector.extract %parallel_loop3A_136[0] : f32 from vector<1xf32>
        %parallel_loop3A_138 = arith.index_cast %parallel_loop3A_95 : i32 to index
        %parallel_loop3A_139 = arith.constant 32 : index
        %parallel_loop3A_140 = tpu.vector_load %arg14[%parallel_loop3A_138, %parallel_loop3A_139] {strides = array<i32>} : memref<128x128xf32, #tpu.memory_space<vmem>>, vector<1x16xf32>,
        %parallel_loop3A_141 = vector.shape_cast %parallel_loop3A_140 : vector<1x16xf32> to vector<16xf32>
        %parallel_loop3A_142 = vector.broadcast %parallel_loop3A_137 : f32 to vector<16xf32>
        %parallel_loop3A_143 = arith.mulf %parallel_loop3A_141, %parallel_loop3A_142 : vector<16xf32>
        %parallel_loop3A_144 = arith.index_cast %parallel_loop3A_95 : i32 to index
        %parallel_loop3A_145 = arith.constant 32 : index
        %parallel_loop3A_146 = tpu.vector_load %arg14[%parallel_loop3A_144, %parallel_loop3A_145] {strides = array<i32>} : memref<128x128xf32, #tpu.memory_space<vmem>>, vector<1x16xf32>,
        %parallel_loop3A_147 = vector.shape_cast %parallel_loop3A_146 : vector<1x16xf32> to vector<16xf32>
        %parallel_loop3A_148 = vector.shape_cast %parallel_loop3A_143 : vector<16xf32> to vector<1x16xf32>
        tpu.vector_store %arg14[%parallel_loop3A_144, %parallel_loop3A_145], %parallel_loop3A_148 {strides = array<i32>} : memref<128x128xf32, #tpu.memory_space<vmem>>, vector<1x16xf32>,
        %parallel_loop3A_149 = vector.extract_strided_slice %parallel_loop3A_104 {offsets = [3], sizes = [1], strides = [1]} : vector<16xf32> to vector<1xf32>
        %parallel_loop3A_150 = vector.extract %parallel_loop3A_149[0] : f32 from vector<1xf32>
        %parallel_loop3A_151 = arith.index_cast %parallel_loop3A_95 : i32 to index
        %parallel_loop3A_152 = arith.constant 48 : index
        %parallel_loop3A_153 = tpu.vector_load %arg14[%parallel_loop3A_151, %parallel_loop3A_152] {strides = array<i32>} : memref<128x128xf32, #tpu.memory_space<vmem>>, vector<1x16xf32>,
        %parallel_loop3A_154 = vector.shape_cast %parallel_loop3A_153 : vector<1x16xf32> to vector<16xf32>
        %parallel_loop3A_155 = vector.broadcast %parallel_loop3A_150 : f32 to vector<16xf32>
        %parallel_loop3A_156 = arith.mulf %parallel_loop3A_154, %parallel_loop3A_155 : vector<16xf32>
        %parallel_loop3A_157 = arith.index_cast %parallel_loop3A_95 : i32 to index
        %parallel_loop3A_158 = arith.constant 48 : index
        %parallel_loop3A_159 = tpu.vector_load %arg14[%parallel_loop3A_157, %parallel_loop3A_158] {strides = array<i32>} : memref<128x128xf32, #tpu.memory_space<vmem>>, vector<1x16xf32>,
        %parallel_loop3A_160 = vector.shape_cast %parallel_loop3A_159 : vector<1x16xf32> to vector<16xf32>
        %parallel_loop3A_161 = vector.shape_cast %parallel_loop3A_156 : vector<16xf32> to vector<1x16xf32>
        tpu.vector_store %arg14[%parallel_loop3A_157, %parallel_loop3A_158], %parallel_loop3A_161 {strides = array<i32>} : memref<128x128xf32, #tpu.memory_space<vmem>>, vector<1x16xf32>,
        %parallel_loop3A_162 = vector.extract_strided_slice %parallel_loop3A_104 {offsets = [4], sizes = [1], strides = [1]} : vector<16xf32> to vector<1xf32>
        %parallel_loop3A_163 = vector.extract %parallel_loop3A_162[0] : f32 from vector<1xf32>
        %parallel_loop3A_164 = arith.index_cast %parallel_loop3A_95 : i32 to index
        %parallel_loop3A_165 = arith.constant 64 : index
        %parallel_loop3A_166 = tpu.vector_load %arg14[%parallel_loop3A_164, %parallel_loop3A_165] {strides = array<i32>} : memref<128x128xf32, #tpu.memory_space<vmem>>, vector<1x16xf32>,
        %parallel_loop3A_167 = vector.shape_cast %parallel_loop3A_166 : vector<1x16xf32> to vector<16xf32>
        %parallel_loop3A_168 = vector.broadcast %parallel_loop3A_163 : f32 to vector<16xf32>
        %parallel_loop3A_169 = arith.mulf %parallel_loop3A_167, %parallel_loop3A_168 : vector<16xf32>
        %parallel_loop3A_170 = arith.index_cast %parallel_loop3A_95 : i32 to index
        %parallel_loop3A_171 = arith.constant 64 : index
        %parallel_loop3A_172 = tpu.vector_load %arg14[%parallel_loop3A_170, %parallel_loop3A_171] {strides = array<i32>} : memref<128x128xf32, #tpu.memory_space<vmem>>, vector<1x16xf32>,
        %parallel_loop3A_173 = vector.shape_cast %parallel_loop3A_172 : vector<1x16xf32> to vector<16xf32>
        %parallel_loop3A_174 = vector.shape_cast %parallel_loop3A_169 : vector<16xf32> to vector<1x16xf32>
        tpu.vector_store %arg14[%parallel_loop3A_170, %parallel_loop3A_171], %parallel_loop3A_174 {strides = array<i32>} : memref<128x128xf32, #tpu.memory_space<vmem>>, vector<1x16xf32>,
        %parallel_loop3A_175 = vector.extract_strided_slice %parallel_loop3A_104 {offsets = [5], sizes = [1], strides = [1]} : vector<16xf32> to vector<1xf32>
        %parallel_loop3A_176 = vector.extract %parallel_loop3A_175[0] : f32 from vector<1xf32>
        %parallel_loop3A_177 = arith.index_cast %parallel_loop3A_95 : i32 to index
        %parallel_loop3A_178 = arith.constant 80 : index
        %parallel_loop3A_179 = tpu.vector_load %arg14[%parallel_loop3A_177, %parallel_loop3A_178] {strides = array<i32>} : memref<128x128xf32, #tpu.memory_space<vmem>>, vector<1x16xf32>,
        %parallel_loop3A_180 = vector.shape_cast %parallel_loop3A_179 : vector<1x16xf32> to vector<16xf32>
        %parallel_loop3A_181 = vector.broadcast %parallel_loop3A_176 : f32 to vector<16xf32>
        %parallel_loop3A_182 = arith.mulf %parallel_loop3A_180, %parallel_loop3A_181 : vector<16xf32>
        %parallel_loop3A_183 = arith.index_cast %parallel_loop3A_95 : i32 to index
        %parallel_loop3A_184 = arith.constant 80 : index
        %parallel_loop3A_185 = tpu.vector_load %arg14[%parallel_loop3A_183, %parallel_loop3A_184] {strides = array<i32>} : memref<128x128xf32, #tpu.memory_space<vmem>>, vector<1x16xf32>,
        %parallel_loop3A_186 = vector.shape_cast %parallel_loop3A_185 : vector<1x16xf32> to vector<16xf32>
        %parallel_loop3A_187 = vector.shape_cast %parallel_loop3A_182 : vector<16xf32> to vector<1x16xf32>
        tpu.vector_store %arg14[%parallel_loop3A_183, %parallel_loop3A_184], %parallel_loop3A_187 {strides = array<i32>} : memref<128x128xf32, #tpu.memory_space<vmem>>, vector<1x16xf32>,
        %parallel_loop3A_188 = vector.extract_strided_slice %parallel_loop3A_104 {offsets = [6], sizes = [1], strides = [1]} : vector<16xf32> to vector<1xf32>
        %parallel_loop3A_189 = vector.extract %parallel_loop3A_188[0] : f32 from vector<1xf32>
        %parallel_loop3A_190 = arith.index_cast %parallel_loop3A_95 : i32 to index
        %parallel_loop3A_191 = arith.constant 96 : index
        %parallel_loop3A_192 = tpu.vector_load %arg14[%parallel_loop3A_190, %parallel_loop3A_191] {strides = array<i32>} : memref<128x128xf32, #tpu.memory_space<vmem>>, vector<1x16xf32>,
        %parallel_loop3A_193 = vector.shape_cast %parallel_loop3A_192 : vector<1x16xf32> to vector<16xf32>
        %parallel_loop3A_194 = vector.broadcast %parallel_loop3A_189 : f32 to vector<16xf32>
        %parallel_loop3A_195 = arith.mulf %parallel_loop3A_193, %parallel_loop3A_194 : vector<16xf32>
        %parallel_loop3A_196 = arith.index_cast %parallel_loop3A_95 : i32 to index
        %parallel_loop3A_197 = arith.constant 96 : index
        %parallel_loop3A_198 = tpu.vector_load %arg14[%parallel_loop3A_196, %parallel_loop3A_197] {strides = array<i32>} : memref<128x128xf32, #tpu.memory_space<vmem>>, vector<1x16xf32>,
        %parallel_loop3A_199 = vector.shape_cast %parallel_loop3A_198 : vector<1x16xf32> to vector<16xf32>
        %parallel_loop3A_200 = vector.shape_cast %parallel_loop3A_195 : vector<16xf32> to vector<1x16xf32>
        tpu.vector_store %arg14[%parallel_loop3A_196, %parallel_loop3A_197], %parallel_loop3A_200 {strides = array<i32>} : memref<128x128xf32, #tpu.memory_space<vmem>>, vector<1x16xf32>,
        %parallel_loop3A_201 = vector.extract_strided_slice %parallel_loop3A_104 {offsets = [7], sizes = [1], strides = [1]} : vector<16xf32> to vector<1xf32>
        %parallel_loop3A_202 = vector.extract %parallel_loop3A_201[0] : f32 from vector<1xf32>
        %parallel_loop3A_203 = arith.index_cast %parallel_loop3A_95 : i32 to index
        %parallel_loop3A_204 = arith.constant 112 : index
        %parallel_loop3A_205 = tpu.vector_load %arg14[%parallel_loop3A_203, %parallel_loop3A_204] {strides = array<i32>} : memref<128x128xf32, #tpu.memory_space<vmem>>, vector<1x16xf32>,
        %parallel_loop3A_206 = vector.shape_cast %parallel_loop3A_205 : vector<1x16xf32> to vector<16xf32>
        %parallel_loop3A_207 = vector.broadcast %parallel_loop3A_202 : f32 to vector<16xf32>
        %parallel_loop3A_208 = arith.mulf %parallel_loop3A_206, %parallel_loop3A_207 : vector<16xf32>
        %parallel_loop3A_209 = arith.index_cast %parallel_loop3A_95 : i32 to index
        %parallel_loop3A_210 = arith.constant 112 : index
        %parallel_loop3A_211 = tpu.vector_load %arg14[%parallel_loop3A_209, %parallel_loop3A_210] {strides = array<i32>} : memref<128x128xf32, #tpu.memory_space<vmem>>, vector<1x16xf32>,
        %parallel_loop3A_212 = vector.shape_cast %parallel_loop3A_211 : vector<1x16xf32> to vector<16xf32>
        %parallel_loop3A_213 = vector.shape_cast %parallel_loop3A_208 : vector<16xf32> to vector<1x16xf32>
        tpu.vector_store %arg14[%parallel_loop3A_209, %parallel_loop3A_210], %parallel_loop3A_213 {strides = array<i32>} : memref<128x128xf32, #tpu.memory_space<vmem>>, vector<1x16xf32>,
      } {sc.loop_unroll_factor = 4 : i64, sc.parallel_access}
      "tpu.region"() ({
        %run_scoped3A = tpu.sem_alloc : memref<!tpu.dma_semaphore, #tpu.memory_space<semaphore_mem>>
        %dma_start3A_95 = arith.constant 0 : i32
        %dma_start3A_96 = tpu.memref_slice %arg8[%add3A_53, %dma_start3A_95] : memref<335872x16xf32, #tpu.memory_space<hbm>> -> memref<128x16xf32, #tpu.memory_space<hbm>>
        %dma_start3A_97 = arith.constant 0 : i32
        %dma_start3A_98 = tpu.memref_slice %arg8[%add3A_53, %dma_start3A_97] : memref<335872x16xf32, #tpu.memory_space<hbm>> -> memref<128x16xf32, #tpu.memory_space<hbm>>
        tpu.enqueue_dma source(%arg22 : memref<128x16xf32, #tpu.memory_space<vmem>>) target(%dma_start3A_98 : memref<128x16xf32, #tpu.memory_space<hbm>>) target_semaphore(%run_scoped3A : memref<!tpu.dma_semaphore, #tpu.memory_space<semaphore_mem>>)
        %dma_wait3A_99 = arith.constant 0 : i32
        %dma_wait3A_100 = tpu.memref_slice %arg8[%add3A_53, %dma_wait3A_99] : memref<335872x16xf32, #tpu.memory_space<hbm>> -> memref<128x16xf32, #tpu.memory_space<hbm>>
        %dma_wait3A_101 = arith.constant 0 : i32
        %dma_wait3A_102 = tpu.memref_slice %arg8[%add3A_53, %dma_wait3A_101] : memref<335872x16xf32, #tpu.memory_space<hbm>> -> memref<128x16xf32, #tpu.memory_space<hbm>>
        tpu.wait_dma2 semaphore(%run_scoped3A : memref<!tpu.dma_semaphore, #tpu.memory_space<semaphore_mem>>) src(%arg22 : memref<128x16xf32, #tpu.memory_space<vmem>>) dst(%dma_wait3A_102 : memref<128x16xf32, #tpu.memory_space<hbm>>)
        tpu.yield
      }) : () -> ()
      "tpu.region"() ({
        %run_scoped3A = tpu.sem_alloc : memref<!tpu.dma_semaphore, #tpu.memory_space<semaphore_mem>>
        %dma_start3A_95 = arith.constant 0 : i32
        %dma_start3A_96 = arith.constant 0 : i32
        %dma_start3A_97 = tpu.memref_slice %arg23[%dma_start3A_95, %dma_start3A_96] : memref<10240x128xf32, #tpu.memory_space<vmem_shared>> -> memref<10240x128xf32, #tpu.memory_space<vmem_shared>>
        tpu.enqueue_indirect_dma source(%arg14 : memref<128x128xf32, #tpu.memory_space<vmem>>) target(%dma_start3A_97 : memref<10240x128xf32, #tpu.memory_space<vmem_shared>>) offsets(%arg11 : memref<128xi32, #tpu.memory_space<vmem>>) semaphore(%run_scoped3A : memref<!tpu.dma_semaphore, #tpu.memory_space<semaphore_mem>>) {add = true}
        %dma_wait3A_98 = arith.constant 0 : i32
        %dma_wait3A_99 = arith.constant 0 : i32
        %dma_wait3A_100 = tpu.memref_slice %arg23[%dma_wait3A_98, %dma_wait3A_99] : memref<10240x128xf32, #tpu.memory_space<vmem_shared>> -> memref<10240x128xf32, #tpu.memory_space<vmem_shared>>
        tpu.wait_indirect_dma semaphore(%run_scoped3A : memref<!tpu.dma_semaphore, #tpu.memory_space<semaphore_mem>>) src(%arg14 : memref<128x128xf32, #tpu.memory_space<vmem>>) dst(%dma_wait3A_100 : memref<10240x128xf32, #tpu.memory_space<vmem_shared>>)
        tpu.yield
      }) : () -> ()
      %mul3A_65 = arith.constant 2 : i32
      %mul3A_66 = arith.muli %mul3A_65, %add3A_27 : i32
      %add3A_67 = arith.constant 2 : i32
      %add3A_68 = arith.addi %mul3A_66, %add3A_67 : i32
      %lt3A = arith.constant 82 : i32
      %lt3A_69 = arith.cmpi slt, %add3A_68, %lt3A : i32
      %convert_element_type3A_70 = arith.extui %lt3A_69 : i1 to i32
      %cond3A_71 = arith.constant 0 : i32
      %cond3A_72 = arith.cmpi ne, %convert_element_type3A_70, %cond3A_71 : i32
      scf.if %cond3A_72 {
        %mul3A_95 = arith.constant 2 : i32
        %mul3A_96 = arith.muli %mul3A_95, %add3A_27 : i32
        %add3A_97 = arith.constant 2 : i32
        %add3A_98 = arith.addi %mul3A_96, %add3A_97 : i32
        %mul3A_99 = arith.constant 10496 : i32
        %mul3A_100 = arith.muli %add3A, %mul3A_99 : i32
        %mul3A_101 = arith.constant 128 : i32
        %mul3A_102 = arith.muli %add3A_98, %mul3A_101 : i32
        %add3A_103 = arith.addi %mul3A_100, %mul3A_102 : i32
        %dma_start3A_104 = arith.constant 0 : i32
        %dma_start3A_105 = tpu.memref_slice %arg5[%add3A_103, %dma_start3A_104] : memref<335872x16xf32, #tpu.memory_space<hbm>> -> memref<128x16xf32, #tpu.memory_space<hbm>>
        %dma_start3A_106 = arith.constant 0 : i32
        %dma_start3A_107 = tpu.memref_slice %arg5[%add3A_103, %dma_start3A_106] : memref<335872x16xf32, #tpu.memory_space<hbm>> -> memref<128x16xf32, #tpu.memory_space<hbm>>
        tpu.enqueue_dma source(%dma_start3A_107 : memref<128x16xf32, #tpu.memory_space<hbm>>) target(%arg12 : memref<128x16xf32, #tpu.memory_space<vmem>>) target_semaphore(%arg15 : memref<!tpu.dma_semaphore, #tpu.memory_space<semaphore_mem>>)
        "tpu.region"() ({
          %run_scoped3A = tpu.sem_alloc : memref<!tpu.dma_semaphore, #tpu.memory_space<semaphore_mem>>
          %dma_start3A_114 = tpu.memref_slice %arg3[%add3A_103] : memref<335872xi32, #tpu.memory_space<hbm>> -> memref<128xi32, #tpu.memory_space<hbm>>
          %dma_start3A_115 = tpu.memref_slice %arg3[%add3A_103] : memref<335872xi32, #tpu.memory_space<hbm>> -> memref<128xi32, #tpu.memory_space<hbm>>
          tpu.enqueue_dma source(%dma_start3A_115 : memref<128xi32, #tpu.memory_space<hbm>>) target(%arg10 : memref<128xi32, #tpu.memory_space<vmem>>) target_semaphore(%run_scoped3A : memref<!tpu.dma_semaphore, #tpu.memory_space<semaphore_mem>>)
          %dma_wait3A_116 = tpu.memref_slice %arg3[%add3A_103] : memref<335872xi32, #tpu.memory_space<hbm>> -> memref<128xi32, #tpu.memory_space<hbm>>
          %dma_wait3A_117 = tpu.memref_slice %arg3[%add3A_103] : memref<335872xi32, #tpu.memory_space<hbm>> -> memref<128xi32, #tpu.memory_space<hbm>>
          tpu.wait_dma2 semaphore(%run_scoped3A : memref<!tpu.dma_semaphore, #tpu.memory_space<semaphore_mem>>) src(%dma_wait3A_117 : memref<128xi32, #tpu.memory_space<hbm>>) dst(%arg10 : memref<128xi32, #tpu.memory_space<vmem>>)
          tpu.yield
        }) : () -> ()
        "tpu.region"() ({
          %run_scoped3A = tpu.sem_alloc : memref<!tpu.dma_semaphore, #tpu.memory_space<semaphore_mem>>
          %dma_start3A_114 = tpu.memref_slice %arg4[%add3A_103] : memref<335872xi32, #tpu.memory_space<hbm>> -> memref<128xi32, #tpu.memory_space<hbm>>
          %dma_start3A_115 = tpu.memref_slice %arg4[%add3A_103] : memref<335872xi32, #tpu.memory_space<hbm>> -> memref<128xi32, #tpu.memory_space<hbm>>
          tpu.enqueue_dma source(%dma_start3A_115 : memref<128xi32, #tpu.memory_space<hbm>>) target(%arg11 : memref<128xi32, #tpu.memory_space<vmem>>) target_semaphore(%run_scoped3A : memref<!tpu.dma_semaphore, #tpu.memory_space<semaphore_mem>>)
          %dma_wait3A_116 = tpu.memref_slice %arg4[%add3A_103] : memref<335872xi32, #tpu.memory_space<hbm>> -> memref<128xi32, #tpu.memory_space<hbm>>
          %dma_wait3A_117 = tpu.memref_slice %arg4[%add3A_103] : memref<335872xi32, #tpu.memory_space<hbm>> -> memref<128xi32, #tpu.memory_space<hbm>>
          tpu.wait_dma2 semaphore(%run_scoped3A : memref<!tpu.dma_semaphore, #tpu.memory_space<semaphore_mem>>) src(%dma_wait3A_117 : memref<128xi32, #tpu.memory_space<hbm>>) dst(%arg11 : memref<128xi32, #tpu.memory_space<vmem>>)
          tpu.yield
        }) : () -> ()
        %dma_start3A_108 = arith.constant 0 : i32
        %dma_start3A_109 = arith.constant 0 : i32
        %dma_start3A_110 = tpu.memref_slice %arg6[%dma_start3A_108, %dma_start3A_109] : memref<10240x16xf32, #tpu.memory_space<hbm>> -> memref<10240x16xf32, #tpu.memory_space<hbm>>
        tpu.enqueue_indirect_dma source(%dma_start3A_110 : memref<10240x16xf32, #tpu.memory_space<hbm>>) target(%arg13 : memref<128x16xf32, #tpu.memory_space<vmem>>) offsets(%arg11 : memref<128xi32, #tpu.memory_space<vmem>>) semaphore(%arg15 : memref<!tpu.dma_semaphore, #tpu.memory_space<semaphore_mem>>)
        %dma_start3A_111 = arith.constant 0 : i32
        %dma_start3A_112 = arith.constant 0 : i32
        %dma_start3A_113 = tpu.memref_slice %arg2[%dma_start3A_111, %dma_start3A_112] : memref<10240x128xf32, #tpu.memory_space<hbm>> -> memref<10240x128xf32, #tpu.memory_space<hbm>>
        tpu.enqueue_indirect_dma source(%dma_start3A_113 : memref<10240x128xf32, #tpu.memory_space<hbm>>) target(%arg14 : memref<128x128xf32, #tpu.memory_space<vmem>>) offsets(%arg10 : memref<128xi32, #tpu.memory_space<vmem>>) semaphore(%arg15 : memref<!tpu.dma_semaphore, #tpu.memory_space<semaphore_mem>>)
      } else {
      }
      %mul3A_73 = arith.constant 2 : i32
      %mul3A_74 = arith.muli %mul3A_73, %add3A_27 : i32
      %add3A_75 = arith.constant 1 : i32
      %add3A_76 = arith.addi %mul3A_74, %add3A_75 : i32
      %mul3A_77 = arith.constant 10496 : i32
      %mul3A_78 = arith.muli %add3A, %mul3A_77 : i32
      %mul3A_79 = arith.constant 128 : i32
      %mul3A_80 = arith.muli %add3A_76, %mul3A_79 : i32
      %add3A_81 = arith.addi %mul3A_78, %mul3A_80 : i32
      %dma_wait3A_82 = arith.constant 0 : i32
      %dma_wait3A_83 = tpu.memref_slice %arg5[%add3A_81, %dma_wait3A_82] : memref<335872x16xf32, #tpu.memory_space<hbm>> -> memref<128x16xf32, #tpu.memory_space<hbm>>
      %dma_wait3A_84 = arith.constant 0 : i32
      %dma_wait3A_85 = tpu.memref_slice %arg5[%add3A_81, %dma_wait3A_84] : memref<335872x16xf32, #tpu.memory_space<hbm>> -> memref<128x16xf32, #tpu.memory_space<hbm>>
      tpu.wait_dma2 semaphore(%arg21 : memref<!tpu.dma_semaphore, #tpu.memory_space<semaphore_mem>>) src(%dma_wait3A_85 : memref<128x16xf32, #tpu.memory_space<hbm>>) dst(%arg18 : memref<128x16xf32, #tpu.memory_space<vmem>>)
      %dma_wait3A_86 = arith.constant 0 : i32
      %dma_wait3A_87 = arith.constant 0 : i32
      %dma_wait3A_88 = tpu.memref_slice %arg6[%dma_wait3A_86, %dma_wait3A_87] : memref<10240x16xf32, #tpu.memory_space<hbm>> -> memref<10240x16xf32, #tpu.memory_space<hbm>>
      tpu.wait_indirect_dma semaphore(%arg21 : memref<!tpu.dma_semaphore, #tpu.memory_space<semaphore_mem>>) src(%dma_wait3A_88 : memref<10240x16xf32, #tpu.memory_space<hbm>>) dst(%arg19 : memref<128x16xf32, #tpu.memory_space<vmem>>)
      %dma_wait3A_89 = arith.constant 0 : i32
      %dma_wait3A_90 = arith.constant 0 : i32
      %dma_wait3A_91 = tpu.memref_slice %arg2[%dma_wait3A_89, %dma_wait3A_90] : memref<10240x128xf32, #tpu.memory_space<hbm>> -> memref<10240x128xf32, #tpu.memory_space<hbm>>
      tpu.wait_indirect_dma semaphore(%arg21 : memref<!tpu.dma_semaphore, #tpu.memory_space<semaphore_mem>>) src(%dma_wait3A_91 : memref<10240x128xf32, #tpu.memory_space<hbm>>) dst(%arg20 : memref<128x128xf32, #tpu.memory_space<vmem>>)
      %parallel_loop3A_92 = arith.constant 0 : i32
      %parallel_loop3A_93 = arith.constant 128 : i32
      %parallel_loop3A_94 = arith.constant 1 : i32
      scf.for %parallel_loop3A_95 = %parallel_loop3A_92 to %parallel_loop3A_93 step %parallel_loop3A_94  : i32 {
        %parallel_loop3A_96 = arith.index_cast %parallel_loop3A_95 : i32 to index
        %parallel_loop3A_97 = arith.constant 0 : index
        %parallel_loop3A_98 = tpu.vector_load %arg18[%parallel_loop3A_96, %parallel_loop3A_97] {strides = array<i32>} : memref<128x16xf32, #tpu.memory_space<vmem>>, vector<1x16xf32>,
        %parallel_loop3A_99 = vector.shape_cast %parallel_loop3A_98 : vector<1x16xf32> to vector<16xf32>
        %parallel_loop3A_100 = arith.index_cast %parallel_loop3A_95 : i32 to index
        %parallel_loop3A_101 = arith.constant 0 : index
        %parallel_loop3A_102 = tpu.vector_load %arg19[%parallel_loop3A_100, %parallel_loop3A_101] {strides = array<i32>} : memref<128x16xf32, #tpu.memory_space<vmem>>, vector<1x16xf32>,
        %parallel_loop3A_103 = vector.shape_cast %parallel_loop3A_102 : vector<1x16xf32> to vector<16xf32>
        %parallel_loop3A_104 = arith.divf %parallel_loop3A_99, %parallel_loop3A_103 : vector<16xf32>
        %parallel_loop3A_105 = arith.index_cast %parallel_loop3A_95 : i32 to index
        %parallel_loop3A_106 = arith.constant 0 : index
        %parallel_loop3A_107 = tpu.vector_load %arg22[%parallel_loop3A_105, %parallel_loop3A_106] {strides = array<i32>} : memref<128x16xf32, #tpu.memory_space<vmem>>, vector<1x16xf32>,
        %parallel_loop3A_108 = vector.shape_cast %parallel_loop3A_107 : vector<1x16xf32> to vector<16xf32>
        %parallel_loop3A_109 = vector.shape_cast %parallel_loop3A_104 : vector<16xf32> to vector<1x16xf32>
        tpu.vector_store %arg22[%parallel_loop3A_105, %parallel_loop3A_106], %parallel_loop3A_109 {strides = array<i32>} : memref<128x16xf32, #tpu.memory_space<vmem>>, vector<1x16xf32>,
        %parallel_loop3A_110 = vector.extract_strided_slice %parallel_loop3A_104 {offsets = [0], sizes = [1], strides = [1]} : vector<16xf32> to vector<1xf32>
        %parallel_loop3A_111 = vector.extract %parallel_loop3A_110[0] : f32 from vector<1xf32>
        %parallel_loop3A_112 = arith.index_cast %parallel_loop3A_95 : i32 to index
        %parallel_loop3A_113 = arith.constant 0 : index
        %parallel_loop3A_114 = tpu.vector_load %arg20[%parallel_loop3A_112, %parallel_loop3A_113] {strides = array<i32>} : memref<128x128xf32, #tpu.memory_space<vmem>>, vector<1x16xf32>,
        %parallel_loop3A_115 = vector.shape_cast %parallel_loop3A_114 : vector<1x16xf32> to vector<16xf32>
        %parallel_loop3A_116 = vector.broadcast %parallel_loop3A_111 : f32 to vector<16xf32>
        %parallel_loop3A_117 = arith.mulf %parallel_loop3A_115, %parallel_loop3A_116 : vector<16xf32>
        %parallel_loop3A_118 = arith.index_cast %parallel_loop3A_95 : i32 to index
        %parallel_loop3A_119 = arith.constant 0 : index
        %parallel_loop3A_120 = tpu.vector_load %arg20[%parallel_loop3A_118, %parallel_loop3A_119] {strides = array<i32>} : memref<128x128xf32, #tpu.memory_space<vmem>>, vector<1x16xf32>,
        %parallel_loop3A_121 = vector.shape_cast %parallel_loop3A_120 : vector<1x16xf32> to vector<16xf32>
        %parallel_loop3A_122 = vector.shape_cast %parallel_loop3A_117 : vector<16xf32> to vector<1x16xf32>
        tpu.vector_store %arg20[%parallel_loop3A_118, %parallel_loop3A_119], %parallel_loop3A_122 {strides = array<i32>} : memref<128x128xf32, #tpu.memory_space<vmem>>, vector<1x16xf32>,
        %parallel_loop3A_123 = vector.extract_strided_slice %parallel_loop3A_104 {offsets = [1], sizes = [1], strides = [1]} : vector<16xf32> to vector<1xf32>
        %parallel_loop3A_124 = vector.extract %parallel_loop3A_123[0] : f32 from vector<1xf32>
        %parallel_loop3A_125 = arith.index_cast %parallel_loop3A_95 : i32 to index
        %parallel_loop3A_126 = arith.constant 16 : index
        %parallel_loop3A_127 = tpu.vector_load %arg20[%parallel_loop3A_125, %parallel_loop3A_126] {strides = array<i32>} : memref<128x128xf32, #tpu.memory_space<vmem>>, vector<1x16xf32>,
        %parallel_loop3A_128 = vector.shape_cast %parallel_loop3A_127 : vector<1x16xf32> to vector<16xf32>
        %parallel_loop3A_129 = vector.broadcast %parallel_loop3A_124 : f32 to vector<16xf32>
        %parallel_loop3A_130 = arith.mulf %parallel_loop3A_128, %parallel_loop3A_129 : vector<16xf32>
        %parallel_loop3A_131 = arith.index_cast %parallel_loop3A_95 : i32 to index
        %parallel_loop3A_132 = arith.constant 16 : index
        %parallel_loop3A_133 = tpu.vector_load %arg20[%parallel_loop3A_131, %parallel_loop3A_132] {strides = array<i32>} : memref<128x128xf32, #tpu.memory_space<vmem>>, vector<1x16xf32>,
        %parallel_loop3A_134 = vector.shape_cast %parallel_loop3A_133 : vector<1x16xf32> to vector<16xf32>
        %parallel_loop3A_135 = vector.shape_cast %parallel_loop3A_130 : vector<16xf32> to vector<1x16xf32>
        tpu.vector_store %arg20[%parallel_loop3A_131, %parallel_loop3A_132], %parallel_loop3A_135 {strides = array<i32>} : memref<128x128xf32, #tpu.memory_space<vmem>>, vector<1x16xf32>,
        %parallel_loop3A_136 = vector.extract_strided_slice %parallel_loop3A_104 {offsets = [2], sizes = [1], strides = [1]} : vector<16xf32> to vector<1xf32>
        %parallel_loop3A_137 = vector.extract %parallel_loop3A_136[0] : f32 from vector<1xf32>
        %parallel_loop3A_138 = arith.index_cast %parallel_loop3A_95 : i32 to index
        %parallel_loop3A_139 = arith.constant 32 : index
        %parallel_loop3A_140 = tpu.vector_load %arg20[%parallel_loop3A_138, %parallel_loop3A_139] {strides = array<i32>} : memref<128x128xf32, #tpu.memory_space<vmem>>, vector<1x16xf32>,
        %parallel_loop3A_141 = vector.shape_cast %parallel_loop3A_140 : vector<1x16xf32> to vector<16xf32>
        %parallel_loop3A_142 = vector.broadcast %parallel_loop3A_137 : f32 to vector<16xf32>
        %parallel_loop3A_143 = arith.mulf %parallel_loop3A_141, %parallel_loop3A_142 : vector<16xf32>
        %parallel_loop3A_144 = arith.index_cast %parallel_loop3A_95 : i32 to index
        %parallel_loop3A_145 = arith.constant 32 : index
        %parallel_loop3A_146 = tpu.vector_load %arg20[%parallel_loop3A_144, %parallel_loop3A_145] {strides = array<i32>} : memref<128x128xf32, #tpu.memory_space<vmem>>, vector<1x16xf32>,
        %parallel_loop3A_147 = vector.shape_cast %parallel_loop3A_146 : vector<1x16xf32> to vector<16xf32>
        %parallel_loop3A_148 = vector.shape_cast %parallel_loop3A_143 : vector<16xf32> to vector<1x16xf32>
        tpu.vector_store %arg20[%parallel_loop3A_144, %parallel_loop3A_145], %parallel_loop3A_148 {strides = array<i32>} : memref<128x128xf32, #tpu.memory_space<vmem>>, vector<1x16xf32>,
        %parallel_loop3A_149 = vector.extract_strided_slice %parallel_loop3A_104 {offsets = [3], sizes = [1], strides = [1]} : vector<16xf32> to vector<1xf32>
        %parallel_loop3A_150 = vector.extract %parallel_loop3A_149[0] : f32 from vector<1xf32>
        %parallel_loop3A_151 = arith.index_cast %parallel_loop3A_95 : i32 to index
        %parallel_loop3A_152 = arith.constant 48 : index
        %parallel_loop3A_153 = tpu.vector_load %arg20[%parallel_loop3A_151, %parallel_loop3A_152] {strides = array<i32>} : memref<128x128xf32, #tpu.memory_space<vmem>>, vector<1x16xf32>,
        %parallel_loop3A_154 = vector.shape_cast %parallel_loop3A_153 : vector<1x16xf32> to vector<16xf32>
        %parallel_loop3A_155 = vector.broadcast %parallel_loop3A_150 : f32 to vector<16xf32>
        %parallel_loop3A_156 = arith.mulf %parallel_loop3A_154, %parallel_loop3A_155 : vector<16xf32>
        %parallel_loop3A_157 = arith.index_cast %parallel_loop3A_95 : i32 to index
        %parallel_loop3A_158 = arith.constant 48 : index
        %parallel_loop3A_159 = tpu.vector_load %arg20[%parallel_loop3A_157, %parallel_loop3A_158] {strides = array<i32>} : memref<128x128xf32, #tpu.memory_space<vmem>>, vector<1x16xf32>,
        %parallel_loop3A_160 = vector.shape_cast %parallel_loop3A_159 : vector<1x16xf32> to vector<16xf32>
        %parallel_loop3A_161 = vector.shape_cast %parallel_loop3A_156 : vector<16xf32> to vector<1x16xf32>
        tpu.vector_store %arg20[%parallel_loop3A_157, %parallel_loop3A_158], %parallel_loop3A_161 {strides = array<i32>} : memref<128x128xf32, #tpu.memory_space<vmem>>, vector<1x16xf32>,
        %parallel_loop3A_162 = vector.extract_strided_slice %parallel_loop3A_104 {offsets = [4], sizes = [1], strides = [1]} : vector<16xf32> to vector<1xf32>
        %parallel_loop3A_163 = vector.extract %parallel_loop3A_162[0] : f32 from vector<1xf32>
        %parallel_loop3A_164 = arith.index_cast %parallel_loop3A_95 : i32 to index
        %parallel_loop3A_165 = arith.constant 64 : index
        %parallel_loop3A_166 = tpu.vector_load %arg20[%parallel_loop3A_164, %parallel_loop3A_165] {strides = array<i32>} : memref<128x128xf32, #tpu.memory_space<vmem>>, vector<1x16xf32>,
        %parallel_loop3A_167 = vector.shape_cast %parallel_loop3A_166 : vector<1x16xf32> to vector<16xf32>
        %parallel_loop3A_168 = vector.broadcast %parallel_loop3A_163 : f32 to vector<16xf32>
        %parallel_loop3A_169 = arith.mulf %parallel_loop3A_167, %parallel_loop3A_168 : vector<16xf32>
        %parallel_loop3A_170 = arith.index_cast %parallel_loop3A_95 : i32 to index
        %parallel_loop3A_171 = arith.constant 64 : index
        %parallel_loop3A_172 = tpu.vector_load %arg20[%parallel_loop3A_170, %parallel_loop3A_171] {strides = array<i32>} : memref<128x128xf32, #tpu.memory_space<vmem>>, vector<1x16xf32>,
        %parallel_loop3A_173 = vector.shape_cast %parallel_loop3A_172 : vector<1x16xf32> to vector<16xf32>
        %parallel_loop3A_174 = vector.shape_cast %parallel_loop3A_169 : vector<16xf32> to vector<1x16xf32>
        tpu.vector_store %arg20[%parallel_loop3A_170, %parallel_loop3A_171], %parallel_loop3A_174 {strides = array<i32>} : memref<128x128xf32, #tpu.memory_space<vmem>>, vector<1x16xf32>,
        %parallel_loop3A_175 = vector.extract_strided_slice %parallel_loop3A_104 {offsets = [5], sizes = [1], strides = [1]} : vector<16xf32> to vector<1xf32>
        %parallel_loop3A_176 = vector.extract %parallel_loop3A_175[0] : f32 from vector<1xf32>
        %parallel_loop3A_177 = arith.index_cast %parallel_loop3A_95 : i32 to index
        %parallel_loop3A_178 = arith.constant 80 : index
        %parallel_loop3A_179 = tpu.vector_load %arg20[%parallel_loop3A_177, %parallel_loop3A_178] {strides = array<i32>} : memref<128x128xf32, #tpu.memory_space<vmem>>, vector<1x16xf32>,
        %parallel_loop3A_180 = vector.shape_cast %parallel_loop3A_179 : vector<1x16xf32> to vector<16xf32>
        %parallel_loop3A_181 = vector.broadcast %parallel_loop3A_176 : f32 to vector<16xf32>
        %parallel_loop3A_182 = arith.mulf %parallel_loop3A_180, %parallel_loop3A_181 : vector<16xf32>
        %parallel_loop3A_183 = arith.index_cast %parallel_loop3A_95 : i32 to index
        %parallel_loop3A_184 = arith.constant 80 : index
        %parallel_loop3A_185 = tpu.vector_load %arg20[%parallel_loop3A_183, %parallel_loop3A_184] {strides = array<i32>} : memref<128x128xf32, #tpu.memory_space<vmem>>, vector<1x16xf32>,
        %parallel_loop3A_186 = vector.shape_cast %parallel_loop3A_185 : vector<1x16xf32> to vector<16xf32>
        %parallel_loop3A_187 = vector.shape_cast %parallel_loop3A_182 : vector<16xf32> to vector<1x16xf32>
        tpu.vector_store %arg20[%parallel_loop3A_183, %parallel_loop3A_184], %parallel_loop3A_187 {strides = array<i32>} : memref<128x128xf32, #tpu.memory_space<vmem>>, vector<1x16xf32>,
        %parallel_loop3A_188 = vector.extract_strided_slice %parallel_loop3A_104 {offsets = [6], sizes = [1], strides = [1]} : vector<16xf32> to vector<1xf32>
        %parallel_loop3A_189 = vector.extract %parallel_loop3A_188[0] : f32 from vector<1xf32>
        %parallel_loop3A_190 = arith.index_cast %parallel_loop3A_95 : i32 to index
        %parallel_loop3A_191 = arith.constant 96 : index
        %parallel_loop3A_192 = tpu.vector_load %arg20[%parallel_loop3A_190, %parallel_loop3A_191] {strides = array<i32>} : memref<128x128xf32, #tpu.memory_space<vmem>>, vector<1x16xf32>,
        %parallel_loop3A_193 = vector.shape_cast %parallel_loop3A_192 : vector<1x16xf32> to vector<16xf32>
        %parallel_loop3A_194 = vector.broadcast %parallel_loop3A_189 : f32 to vector<16xf32>
        %parallel_loop3A_195 = arith.mulf %parallel_loop3A_193, %parallel_loop3A_194 : vector<16xf32>
        %parallel_loop3A_196 = arith.index_cast %parallel_loop3A_95 : i32 to index
        %parallel_loop3A_197 = arith.constant 96 : index
        %parallel_loop3A_198 = tpu.vector_load %arg20[%parallel_loop3A_196, %parallel_loop3A_197] {strides = array<i32>} : memref<128x128xf32, #tpu.memory_space<vmem>>, vector<1x16xf32>,
        %parallel_loop3A_199 = vector.shape_cast %parallel_loop3A_198 : vector<1x16xf32> to vector<16xf32>
        %parallel_loop3A_200 = vector.shape_cast %parallel_loop3A_195 : vector<16xf32> to vector<1x16xf32>
        tpu.vector_store %arg20[%parallel_loop3A_196, %parallel_loop3A_197], %parallel_loop3A_200 {strides = array<i32>} : memref<128x128xf32, #tpu.memory_space<vmem>>, vector<1x16xf32>,
        %parallel_loop3A_201 = vector.extract_strided_slice %parallel_loop3A_104 {offsets = [7], sizes = [1], strides = [1]} : vector<16xf32> to vector<1xf32>
        %parallel_loop3A_202 = vector.extract %parallel_loop3A_201[0] : f32 from vector<1xf32>
        %parallel_loop3A_203 = arith.index_cast %parallel_loop3A_95 : i32 to index
        %parallel_loop3A_204 = arith.constant 112 : index
        %parallel_loop3A_205 = tpu.vector_load %arg20[%parallel_loop3A_203, %parallel_loop3A_204] {strides = array<i32>} : memref<128x128xf32, #tpu.memory_space<vmem>>, vector<1x16xf32>,
        %parallel_loop3A_206 = vector.shape_cast %parallel_loop3A_205 : vector<1x16xf32> to vector<16xf32>
        %parallel_loop3A_207 = vector.broadcast %parallel_loop3A_202 : f32 to vector<16xf32>
        %parallel_loop3A_208 = arith.mulf %parallel_loop3A_206, %parallel_loop3A_207 : vector<16xf32>
        %parallel_loop3A_209 = arith.index_cast %parallel_loop3A_95 : i32 to index
        %parallel_loop3A_210 = arith.constant 112 : index
        %parallel_loop3A_211 = tpu.vector_load %arg20[%parallel_loop3A_209, %parallel_loop3A_210] {strides = array<i32>} : memref<128x128xf32, #tpu.memory_space<vmem>>, vector<1x16xf32>,
        %parallel_loop3A_212 = vector.shape_cast %parallel_loop3A_211 : vector<1x16xf32> to vector<16xf32>
        %parallel_loop3A_213 = vector.shape_cast %parallel_loop3A_208 : vector<16xf32> to vector<1x16xf32>
        tpu.vector_store %arg20[%parallel_loop3A_209, %parallel_loop3A_210], %parallel_loop3A_213 {strides = array<i32>} : memref<128x128xf32, #tpu.memory_space<vmem>>, vector<1x16xf32>,
      } {sc.loop_unroll_factor = 4 : i64, sc.parallel_access}
      "tpu.region"() ({
        %run_scoped3A = tpu.sem_alloc : memref<!tpu.dma_semaphore, #tpu.memory_space<semaphore_mem>>
        %dma_start3A_95 = arith.constant 0 : i32
        %dma_start3A_96 = tpu.memref_slice %arg8[%add3A_81, %dma_start3A_95] : memref<335872x16xf32, #tpu.memory_space<hbm>> -> memref<128x16xf32, #tpu.memory_space<hbm>>
        %dma_start3A_97 = arith.constant 0 : i32
        %dma_start3A_98 = tpu.memref_slice %arg8[%add3A_81, %dma_start3A_97] : memref<335872x16xf32, #tpu.memory_space<hbm>> -> memref<128x16xf32, #tpu.memory_space<hbm>>
        tpu.enqueue_dma source(%arg22 : memref<128x16xf32, #tpu.memory_space<vmem>>) target(%dma_start3A_98 : memref<128x16xf32, #tpu.memory_space<hbm>>) target_semaphore(%run_scoped3A : memref<!tpu.dma_semaphore, #tpu.memory_space<semaphore_mem>>)
        %dma_wait3A_99 = arith.constant 0 : i32
        %dma_wait3A_100 = tpu.memref_slice %arg8[%add3A_81, %dma_wait3A_99] : memref<335872x16xf32, #tpu.memory_space<hbm>> -> memref<128x16xf32, #tpu.memory_space<hbm>>
        %dma_wait3A_101 = arith.constant 0 : i32
        %dma_wait3A_102 = tpu.memref_slice %arg8[%add3A_81, %dma_wait3A_101] : memref<335872x16xf32, #tpu.memory_space<hbm>> -> memref<128x16xf32, #tpu.memory_space<hbm>>
        tpu.wait_dma2 semaphore(%run_scoped3A : memref<!tpu.dma_semaphore, #tpu.memory_space<semaphore_mem>>) src(%arg22 : memref<128x16xf32, #tpu.memory_space<vmem>>) dst(%dma_wait3A_102 : memref<128x16xf32, #tpu.memory_space<hbm>>)
        tpu.yield
      }) : () -> ()
      "tpu.region"() ({
        %run_scoped3A = tpu.sem_alloc : memref<!tpu.dma_semaphore, #tpu.memory_space<semaphore_mem>>
        %dma_start3A_95 = arith.constant 0 : i32
        %dma_start3A_96 = arith.constant 0 : i32
        %dma_start3A_97 = tpu.memref_slice %arg23[%dma_start3A_95, %dma_start3A_96] : memref<10240x128xf32, #tpu.memory_space<vmem_shared>> -> memref<10240x128xf32, #tpu.memory_space<vmem_shared>>
        tpu.enqueue_indirect_dma source(%arg20 : memref<128x128xf32, #tpu.memory_space<vmem>>) target(%dma_start3A_97 : memref<10240x128xf32, #tpu.memory_space<vmem_shared>>) offsets(%arg17 : memref<128xi32, #tpu.memory_space<vmem>>) semaphore(%run_scoped3A : memref<!tpu.dma_semaphore, #tpu.memory_space<semaphore_mem>>) {add = true}
        %dma_wait3A_98 = arith.constant 0 : i32
        %dma_wait3A_99 = arith.constant 0 : i32
        %dma_wait3A_100 = tpu.memref_slice %arg23[%dma_wait3A_98, %dma_wait3A_99] : memref<10240x128xf32, #tpu.memory_space<vmem_shared>> -> memref<10240x128xf32, #tpu.memory_space<vmem_shared>>
        tpu.wait_indirect_dma semaphore(%run_scoped3A : memref<!tpu.dma_semaphore, #tpu.memory_space<semaphore_mem>>) src(%arg20 : memref<128x128xf32, #tpu.memory_space<vmem>>) dst(%dma_wait3A_100 : memref<10240x128xf32, #tpu.memory_space<vmem_shared>>)
        tpu.yield
      }) : () -> ()
    }
    %scan3A_19 = arith.constant 41 : i32
    %barrier3A_20 = arith.constant 0 : index
    tpu.barrier barrier_id(%barrier3A_20)
    %eq3A = arith.constant 0 : i32
    %eq3A_21 = arith.cmpi eq, %arg1, %eq3A : i32
    %convert_element_type3A = arith.extui %eq3A_21 : i1 to i32
    %cond3A = arith.constant 0 : i32
    %cond3A_22 = arith.cmpi ne, %convert_element_type3A, %cond3A : i32
    scf.if %cond3A_22 {
      "tpu.region"() ({
        %run_scoped3A = tpu.sem_alloc : memref<!tpu.dma_semaphore, #tpu.memory_space<semaphore_mem>>
        %dma_start3A_23 = arith.constant 0 : i32
        %dma_start3A_24 = arith.constant 0 : i32
        %dma_start3A_25 = tpu.memref_slice %arg9[%arg0, %dma_start3A_23, %dma_start3A_24] : memref<2x10240x128xf32, #tpu.memory_space<hbm>> -> memref<1x10240x128xf32, #tpu.memory_space<hbm>>
        %dma_start3A_26 = tpu.memref_squeeze %dma_start3A_25 : memref<1x10240x128xf32, #tpu.memory_space<hbm>> -> memref<10240x128xf32, #tpu.memory_space<hbm>>
        tpu.enqueue_dma source(%arg23 : memref<10240x128xf32, #tpu.memory_space<vmem_shared>>) target(%dma_start3A_26 : memref<10240x128xf32, #tpu.memory_space<hbm>>) target_semaphore(%run_scoped3A : memref<!tpu.dma_semaphore, #tpu.memory_space<semaphore_mem>>)
        %dma_wait3A = arith.constant 0 : i32
        %dma_wait3A_27 = arith.constant 0 : i32
        %dma_wait3A_28 = tpu.memref_slice %arg9[%arg0, %dma_wait3A, %dma_wait3A_27] : memref<2x10240x128xf32, #tpu.memory_space<hbm>> -> memref<1x10240x128xf32, #tpu.memory_space<hbm>>
        %dma_wait3A_29 = tpu.memref_squeeze %dma_wait3A_28 : memref<1x10240x128xf32, #tpu.memory_space<hbm>> -> memref<10240x128xf32, #tpu.memory_space<hbm>>
        tpu.wait_dma2 semaphore(%run_scoped3A : memref<!tpu.dma_semaphore, #tpu.memory_space<semaphore_mem>>) src(%arg23 : memref<10240x128xf32, #tpu.memory_space<vmem_shared>>) dst(%dma_wait3A_29 : memref<10240x128xf32, #tpu.memory_space<hbm>>)
        tpu.yield
      }) : () -> ()
    } else {
    }
    return
  }
}

module attributes {stable_mosaic.version = 14 : i64} {
  func.func @_dense1_body(%arg0: i32, %arg1: memref<2000x128xf32, #tpu.memory_space<vmem>>, %arg2: memref<128x256xf32, #tpu.memory_space<vmem>>, %arg3: memref<256x8xf32, #tpu.memory_space<vmem>>, %arg4: memref<256x8xf32, #tpu.memory_space<vmem>>, %arg5: memref<2000x128xf32, #tpu.memory_space<vmem>>, %arg6: memref<2000x128xf32, #tpu.memory_space<vmem>>, %arg7: memref<2000x16xf32, #tpu.memory_space<vmem>>, %arg8: memref<2000x16xf32, #tpu.memory_space<vmem>>) attributes {dimension_semantics = [#tpu.dimension_semantics<arbitrary>], iteration_bounds = array<i64: 5>, scalar_prefetch = 0 : i64, scratch_operands = 0 : i64, tpu.core_type = #tpu.core_type<tc>, window_params = [{transform_indices = @transform_0, window_bounds = array<i64: 2000, 128>}, {pipeline_mode = #tpu.pipeline_mode<synchronous>, transform_indices = @transform_1, window_bounds = array<i64: 128, 256>}, {pipeline_mode = #tpu.pipeline_mode<synchronous>, transform_indices = @transform_2, window_bounds = array<i64: 256, 8>}, {pipeline_mode = #tpu.pipeline_mode<synchronous>, transform_indices = @transform_3, window_bounds = array<i64: 256, 8>}, {transform_indices = @transform_4, window_bounds = array<i64: 2000, 128>}, {transform_indices = @transform_5, window_bounds = array<i64: 2000, 128>}, {transform_indices = @transform_6, window_bounds = array<i64: 2000, 16>}, {transform_indices = @transform_7, window_bounds = array<i64: 2000, 16>}]} {
    %get3A = arith.constant 0 : index
    %get3A_0 = arith.constant 0 : index
    %get3A_1 = vector.load %arg1[%get3A, %get3A_0] : memref<2000x128xf32, #tpu.memory_space<vmem>>, vector<2000x128xf32>
    %get3A_2 = arith.constant 0 : index
    %get3A_3 = arith.constant 0 : index
    %get3A_4 = vector.load %arg2[%get3A_2, %get3A_3] : memref<128x256xf32, #tpu.memory_space<vmem>>, vector<128x256xf32>
    %dot_general3A = arith.constant dense<0.000000e+00> : vector<2000x256xf32>
    %dot_general3A_5 = tpu.matmul %get3A_1, %get3A_4, %dot_general3A {dimension_numbers = #tpu.dot_dimension_numbers<[1], [0], [0], [1], [0, 0, 1, 1], [], []>, transpose_lhs_hint = false} : vector<2000x128xf32>, vector<128x256xf32>, vector<2000x256xf32> -> vector<2000x256xf32>
    %slice3A = vector.extract_strided_slice %dot_general3A_5 {offsets = [0, 0], sizes = [2000, 128], strides = [1, 1]} : vector<2000x256xf32> to vector<2000x128xf32>
    %swap3A = arith.constant 0 : index
    %swap3A_6 = arith.constant 0 : index
    %swap3A_7 = vector.load %arg5[%swap3A, %swap3A_6] : memref<2000x128xf32, #tpu.memory_space<vmem>>, vector<2000x128xf32>
    tpu.vector_store %arg5[%swap3A, %swap3A_6], %slice3A {strides = array<i32>} : memref<2000x128xf32, #tpu.memory_space<vmem>>, vector<2000x128xf32>,
    %slice3A_8 = vector.extract_strided_slice %dot_general3A_5 {offsets = [0, 128], sizes = [2000, 128], strides = [1, 1]} : vector<2000x256xf32> to vector<2000x128xf32>
    %swap3A_9 = arith.constant 0 : index
    %swap3A_10 = arith.constant 0 : index
    %swap3A_11 = vector.load %arg6[%swap3A_9, %swap3A_10] : memref<2000x128xf32, #tpu.memory_space<vmem>>, vector<2000x128xf32>
    tpu.vector_store %arg6[%swap3A_9, %swap3A_10], %slice3A_8 {strides = array<i32>} : memref<2000x128xf32, #tpu.memory_space<vmem>>, vector<2000x128xf32>,
    %get3A_12 = arith.constant 0 : index
    %get3A_13 = arith.constant 0 : index
    %get3A_14 = vector.load %arg3[%get3A_12, %get3A_13] : memref<256x8xf32, #tpu.memory_space<vmem>>, vector<256x8xf32>
    %dot_general3A_15 = arith.constant dense<0.000000e+00> : vector<2000x8xf32>
    %dot_general3A_16 = tpu.matmul %dot_general3A_5, %get3A_14, %dot_general3A_15 {dimension_numbers = #tpu.dot_dimension_numbers<[1], [0], [0], [1], [0, 0, 1, 1], [], []>, transpose_lhs_hint = false} : vector<2000x256xf32>, vector<256x8xf32>, vector<2000x8xf32> -> vector<2000x8xf32>
    %get3A_17 = arith.constant 0 : index
    %get3A_18 = arith.constant 0 : index
    %get3A_19 = vector.load %arg4[%get3A_17, %get3A_18] : memref<256x8xf32, #tpu.memory_space<vmem>>, vector<256x8xf32>
    %dot_general3A_20 = arith.constant dense<0.000000e+00> : vector<2000x8xf32>
    %dot_general3A_21 = tpu.matmul %dot_general3A_5, %get3A_19, %dot_general3A_20 {dimension_numbers = #tpu.dot_dimension_numbers<[1], [0], [0], [1], [0, 0, 1, 1], [], []>, transpose_lhs_hint = false} : vector<2000x256xf32>, vector<256x8xf32>, vector<2000x8xf32> -> vector<2000x8xf32>
    %concatenate3A = tpu.concatenate %dot_general3A_16, %dot_general3A_16 in 1 : vector<2000x8xf32>, vector<2000x8xf32> -> vector<2000x16xf32>
    %swap3A_22 = arith.constant 0 : index
    %swap3A_23 = arith.constant 0 : index
    %swap3A_24 = vector.load %arg7[%swap3A_22, %swap3A_23] : memref<2000x16xf32, #tpu.memory_space<vmem>>, vector<2000x16xf32>
    tpu.vector_store %arg7[%swap3A_22, %swap3A_23], %concatenate3A {strides = array<i32>} : memref<2000x16xf32, #tpu.memory_space<vmem>>, vector<2000x16xf32>,
    %concatenate3A_25 = tpu.concatenate %dot_general3A_21, %dot_general3A_21 in 1 : vector<2000x8xf32>, vector<2000x8xf32> -> vector<2000x16xf32>
    %swap3A_26 = arith.constant 0 : index
    %swap3A_27 = arith.constant 0 : index
    %swap3A_28 = vector.load %arg8[%swap3A_26, %swap3A_27] : memref<2000x16xf32, #tpu.memory_space<vmem>>, vector<2000x16xf32>
    tpu.vector_store %arg8[%swap3A_26, %swap3A_27], %concatenate3A_25 {strides = array<i32>} : memref<2000x16xf32, #tpu.memory_space<vmem>>, vector<2000x16xf32>,
    return
  }
  func.func @transform_0(%arg0: i32) -> (i32, i32) {
    %c0_i32 = arith.constant 0 : i32
    %c0_i32_0 = arith.constant 0 : i32
    return %arg0, %c0_i32 : i32, i32
  }
  func.func @transform_1(%arg0: i32) -> (i32, i32) {
    %c0_i32 = arith.constant 0 : i32
    %c0_i32_0 = arith.constant 0 : i32
    %c0_i32_1 = arith.constant 0 : i32
    return %c0_i32, %c0_i32_0 : i32, i32
  }
  func.func @transform_2(%arg0: i32) -> (i32, i32) {
    %c0_i32 = arith.constant 0 : i32
    %c0_i32_0 = arith.constant 0 : i32
    %c0_i32_1 = arith.constant 0 : i32
    return %c0_i32, %c0_i32_0 : i32, i32
  }
  func.func @transform_3(%arg0: i32) -> (i32, i32) {
    %c0_i32 = arith.constant 0 : i32
    %c0_i32_0 = arith.constant 0 : i32
    %c0_i32_1 = arith.constant 0 : i32
    return %c0_i32, %c0_i32_0 : i32, i32
  }
  func.func @transform_4(%arg0: i32) -> (i32, i32) {
    %c0_i32 = arith.constant 0 : i32
    %c0_i32_0 = arith.constant 0 : i32
    return %arg0, %c0_i32 : i32, i32
  }
  func.func @transform_5(%arg0: i32) -> (i32, i32) {
    %c0_i32 = arith.constant 0 : i32
    %c0_i32_0 = arith.constant 0 : i32
    return %arg0, %c0_i32 : i32, i32
  }
  func.func @transform_6(%arg0: i32) -> (i32, i32) {
    %c0_i32 = arith.constant 0 : i32
    %c0_i32_0 = arith.constant 0 : i32
    return %arg0, %c0_i32 : i32, i32
  }
  func.func @transform_7(%arg0: i32) -> (i32, i32) {
    %c0_i32 = arith.constant 0 : i32
    %c0_i32_0 = arith.constant 0 : i32
    return %arg0, %c0_i32 : i32, i32
  }
}

module attributes {stable_mosaic.version = 14 : i64} {
  func.func @_dcomb_body(%arg0: i32, %arg1: memref<2x2048x16xf32, #tpu.memory_space<vmem>>, %arg2: memref<2048x16xf32, #tpu.memory_space<vmem>>) attributes {dimension_semantics = [#tpu.dimension_semantics<arbitrary>], iteration_bounds = array<i64: 5>, scalar_prefetch = 0 : i64, scratch_operands = 0 : i64, tpu.core_type = #tpu.core_type<tc>, window_params = [{transform_indices = @transform_0, window_bounds = array<i64: 2, 2048, 16>}, {transform_indices = @transform_1, window_bounds = array<i64: 2048, 16>}]} {
    %get3A = arith.constant 0 : index
    %get3A_0 = arith.constant 0 : index
    %get3A_1 = arith.constant 0 : index
    %get3A_2 = vector.load %arg1[%get3A, %get3A_0, %get3A_1] : memref<2x2048x16xf32, #tpu.memory_space<vmem>>, vector<1x2048x16xf32>
    %get3A_3 = vector.shape_cast %get3A_2 : vector<1x2048x16xf32> to vector<2048x16xf32>
    %get3A_4 = arith.constant 1 : index
    %get3A_5 = arith.constant 0 : index
    %get3A_6 = arith.constant 0 : index
    %get3A_7 = vector.load %arg1[%get3A_4, %get3A_5, %get3A_6] : memref<2x2048x16xf32, #tpu.memory_space<vmem>>, vector<1x2048x16xf32>
    %get3A_8 = vector.shape_cast %get3A_7 : vector<1x2048x16xf32> to vector<2048x16xf32>
    %add3A = arith.addf %get3A_3, %get3A_8 : vector<2048x16xf32>
    %add3A_9 = arith.constant 1.000000e-16 : f32
    %add3A_10 = vector.broadcast %add3A_9 : f32 to vector<2048x16xf32>
    %add3A_11 = arith.addf %add3A, %add3A_10 : vector<2048x16xf32>
    %swap3A = arith.constant 0 : index
    %swap3A_12 = arith.constant 0 : index
    %swap3A_13 = vector.load %arg2[%swap3A, %swap3A_12] : memref<2048x16xf32, #tpu.memory_space<vmem>>, vector<2048x16xf32>
    tpu.vector_store %arg2[%swap3A, %swap3A_12], %add3A_11 {strides = array<i32>} : memref<2048x16xf32, #tpu.memory_space<vmem>>, vector<2048x16xf32>,
    return
  }
  func.func @transform_0(%arg0: i32) -> (i32, i32, i32) {
    %c0_i32 = arith.constant 0 : i32
    %c0_i32_0 = arith.constant 0 : i32
    %c0_i32_1 = arith.constant 0 : i32
    return %c0_i32, %arg0, %c0_i32_0 : i32, i32, i32
  }
  func.func @transform_1(%arg0: i32) -> (i32, i32) {
    %c0_i32 = arith.constant 0 : i32
    %c0_i32_0 = arith.constant 0 : i32
    return %arg0, %c0_i32 : i32, i32
  }
}

module attributes {stable_mosaic.version = 14 : i64} {
  func.func @_dense2_body(%arg0: i32, %arg1: memref<2x2048x128xf32, #tpu.memory_space<vmem>>, %arg2: memref<2x2048x128xf32, #tpu.memory_space<vmem>>, %arg3: memref<1x128xf32, #tpu.memory_space<vmem>>, %arg4: memref<1x128xf32, #tpu.memory_space<vmem>>, %arg5: memref<128x128xf32, #tpu.memory_space<vmem>>, %arg6: memref<128x128xf32, #tpu.memory_space<vmem>>, %arg7: memref<128x8xf32, #tpu.memory_space<vmem>>, %arg8: memref<128x8xf32, #tpu.memory_space<vmem>>, %arg9: memref<2048x128xf32, #tpu.memory_space<vmem>>, %arg10: memref<2048x16xf32, #tpu.memory_space<vmem>>, %arg11: memref<2048x16xf32, #tpu.memory_space<vmem>>) attributes {dimension_semantics = [#tpu.dimension_semantics<arbitrary>], iteration_bounds = array<i64: 5>, scalar_prefetch = 0 : i64, scratch_operands = 0 : i64, tpu.core_type = #tpu.core_type<tc>, window_params = [{transform_indices = @transform_0, window_bounds = array<i64: 2, 2048, 128>}, {transform_indices = @transform_1, window_bounds = array<i64: 2, 2048, 128>}, {pipeline_mode = #tpu.pipeline_mode<synchronous>, transform_indices = @transform_2, window_bounds = array<i64: 1, 128>}, {pipeline_mode = #tpu.pipeline_mode<synchronous>, transform_indices = @transform_3, window_bounds = array<i64: 1, 128>}, {pipeline_mode = #tpu.pipeline_mode<synchronous>, transform_indices = @transform_4, window_bounds = array<i64: 128, 128>}, {pipeline_mode = #tpu.pipeline_mode<synchronous>, transform_indices = @transform_5, window_bounds = array<i64: 128, 128>}, {pipeline_mode = #tpu.pipeline_mode<synchronous>, transform_indices = @transform_6, window_bounds = array<i64: 128, 8>}, {pipeline_mode = #tpu.pipeline_mode<synchronous>, transform_indices = @transform_7, window_bounds = array<i64: 128, 8>}, {transform_indices = @transform_8, window_bounds = array<i64: 2048, 128>}, {transform_indices = @transform_9, window_bounds = array<i64: 2048, 16>}, {transform_indices = @transform_10, window_bounds = array<i64: 2048, 16>}]} {
    %get3A = arith.constant 0 : index
    %get3A_0 = arith.constant 0 : index
    %get3A_1 = arith.constant 0 : index
    %get3A_2 = vector.load %arg1[%get3A, %get3A_0, %get3A_1] : memref<2x2048x128xf32, #tpu.memory_space<vmem>>, vector<1x2048x128xf32>
    %get3A_3 = vector.shape_cast %get3A_2 : vector<1x2048x128xf32> to vector<2048x128xf32>
    %get3A_4 = arith.constant 1 : index
    %get3A_5 = arith.constant 0 : index
    %get3A_6 = arith.constant 0 : index
    %get3A_7 = vector.load %arg1[%get3A_4, %get3A_5, %get3A_6] : memref<2x2048x128xf32, #tpu.memory_space<vmem>>, vector<1x2048x128xf32>
    %get3A_8 = vector.shape_cast %get3A_7 : vector<1x2048x128xf32> to vector<2048x128xf32>
    %add3A = arith.addf %get3A_3, %get3A_8 : vector<2048x128xf32>
    %get3A_9 = arith.constant 0 : index
    %get3A_10 = arith.constant 0 : index
    %get3A_11 = vector.load %arg3[%get3A_9, %get3A_10] : memref<1x128xf32, #tpu.memory_space<vmem>>, vector<1x128xf32>
    %add3A_12 = vector.broadcast %get3A_11 : vector<1x128xf32> to vector<2048x128xf32>
    %add3A_13 = arith.addf %add3A, %add3A_12 : vector<2048x128xf32>
    %get3A_14 = arith.constant 0 : index
    %get3A_15 = arith.constant 0 : index
    %get3A_16 = arith.constant 0 : index
    %get3A_17 = vector.load %arg2[%get3A_14, %get3A_15, %get3A_16] : memref<2x2048x128xf32, #tpu.memory_space<vmem>>, vector<1x2048x128xf32>
    %get3A_18 = vector.shape_cast %get3A_17 : vector<1x2048x128xf32> to vector<2048x128xf32>
    %get3A_19 = arith.constant 1 : index
    %get3A_20 = arith.constant 0 : index
    %get3A_21 = arith.constant 0 : index
    %get3A_22 = vector.load %arg2[%get3A_19, %get3A_20, %get3A_21] : memref<2x2048x128xf32, #tpu.memory_space<vmem>>, vector<1x2048x128xf32>
    %get3A_23 = vector.shape_cast %get3A_22 : vector<1x2048x128xf32> to vector<2048x128xf32>
    %add3A_24 = arith.addf %get3A_18, %get3A_23 : vector<2048x128xf32>
    %get3A_25 = arith.constant 0 : index
    %get3A_26 = arith.constant 0 : index
    %get3A_27 = vector.load %arg4[%get3A_25, %get3A_26] : memref<1x128xf32, #tpu.memory_space<vmem>>, vector<1x128xf32>
    %add3A_28 = vector.broadcast %get3A_27 : vector<1x128xf32> to vector<2048x128xf32>
    %add3A_29 = arith.addf %add3A_24, %add3A_28 : vector<2048x128xf32>
    %gt3A = arith.constant 0.000000e+00 : f32
    %gt3A_30 = vector.broadcast %gt3A : f32 to vector<2048x128xf32>
    %gt3A_31 = arith.cmpf ogt, %add3A_13, %gt3A_30 : vector<2048x128xf32>
    %exp3A = math.exp %add3A_13 : vector<2048x128xf32>
    %sub3A = arith.constant 1.000000e+00 : f32
    %sub3A_32 = vector.broadcast %sub3A : f32 to vector<2048x128xf32>
    %sub3A_33 = arith.subf %exp3A, %sub3A_32 : vector<2048x128xf32>
    %select_n3A = arith.select %gt3A_31, %add3A_13, %sub3A_33 : vector<2048x128xi1>, vector<2048x128xf32>
    %gt3A_34 = arith.constant 0.000000e+00 : f32
    %gt3A_35 = vector.broadcast %gt3A_34 : f32 to vector<2048x128xf32>
    %gt3A_36 = arith.cmpf ogt, %add3A_29, %gt3A_35 : vector<2048x128xf32>
    %exp3A_37 = math.exp %add3A_29 : vector<2048x128xf32>
    %sub3A_38 = arith.constant 1.000000e+00 : f32
    %sub3A_39 = vector.broadcast %sub3A_38 : f32 to vector<2048x128xf32>
    %sub3A_40 = arith.subf %exp3A_37, %sub3A_39 : vector<2048x128xf32>
    %select_n3A_41 = arith.select %gt3A_36, %add3A_29, %sub3A_40 : vector<2048x128xi1>, vector<2048x128xf32>
    %get3A_42 = arith.constant 0 : index
    %get3A_43 = arith.constant 0 : index
    %get3A_44 = vector.load %arg5[%get3A_42, %get3A_43] : memref<128x128xf32, #tpu.memory_space<vmem>>, vector<128x128xf32>
    %dot_general3A = arith.constant dense<0.000000e+00> : vector<2048x128xf32>
    %dot_general3A_45 = tpu.matmul %select_n3A, %get3A_44, %dot_general3A {dimension_numbers = #tpu.dot_dimension_numbers<[1], [0], [0], [1], [0, 0, 1, 1], [], []>, transpose_lhs_hint = false} : vector<2048x128xf32>, vector<128x128xf32>, vector<2048x128xf32> -> vector<2048x128xf32>
    %get3A_46 = arith.constant 0 : index
    %get3A_47 = arith.constant 0 : index
    %get3A_48 = vector.load %arg6[%get3A_46, %get3A_47] : memref<128x128xf32, #tpu.memory_space<vmem>>, vector<128x128xf32>
    %dot_general3A_49 = arith.constant dense<0.000000e+00> : vector<2048x128xf32>
    %dot_general3A_50 = tpu.matmul %select_n3A_41, %get3A_48, %dot_general3A_49 {dimension_numbers = #tpu.dot_dimension_numbers<[1], [0], [0], [1], [0, 0, 1, 1], [], []>, transpose_lhs_hint = false} : vector<2048x128xf32>, vector<128x128xf32>, vector<2048x128xf32> -> vector<2048x128xf32>
    %add3A_51 = arith.addf %dot_general3A_45, %dot_general3A_50 : vector<2048x128xf32>
    %swap3A = arith.constant 0 : index
    %swap3A_52 = arith.constant 0 : index
    %swap3A_53 = vector.load %arg9[%swap3A, %swap3A_52] : memref<2048x128xf32, #tpu.memory_space<vmem>>, vector<2048x128xf32>
    tpu.vector_store %arg9[%swap3A, %swap3A_52], %add3A_51 {strides = array<i32>} : memref<2048x128xf32, #tpu.memory_space<vmem>>, vector<2048x128xf32>,
    %get3A_54 = arith.constant 0 : index
    %get3A_55 = arith.constant 0 : index
    %get3A_56 = vector.load %arg7[%get3A_54, %get3A_55] : memref<128x8xf32, #tpu.memory_space<vmem>>, vector<128x8xf32>
    %dot_general3A_57 = arith.constant dense<0.000000e+00> : vector<2048x8xf32>
    %dot_general3A_58 = tpu.matmul %add3A_51, %get3A_56, %dot_general3A_57 {dimension_numbers = #tpu.dot_dimension_numbers<[1], [0], [0], [1], [0, 0, 1, 1], [], []>, transpose_lhs_hint = false} : vector<2048x128xf32>, vector<128x8xf32>, vector<2048x8xf32> -> vector<2048x8xf32>
    %get3A_59 = arith.constant 0 : index
    %get3A_60 = arith.constant 0 : index
    %get3A_61 = vector.load %arg8[%get3A_59, %get3A_60] : memref<128x8xf32, #tpu.memory_space<vmem>>, vector<128x8xf32>
    %dot_general3A_62 = arith.constant dense<0.000000e+00> : vector<2048x8xf32>
    %dot_general3A_63 = tpu.matmul %add3A_51, %get3A_61, %dot_general3A_62 {dimension_numbers = #tpu.dot_dimension_numbers<[1], [0], [0], [1], [0, 0, 1, 1], [], []>, transpose_lhs_hint = false} : vector<2048x128xf32>, vector<128x8xf32>, vector<2048x8xf32> -> vector<2048x8xf32>
    %concatenate3A = tpu.concatenate %dot_general3A_58, %dot_general3A_58 in 1 : vector<2048x8xf32>, vector<2048x8xf32> -> vector<2048x16xf32>
    %swap3A_64 = arith.constant 0 : index
    %swap3A_65 = arith.constant 0 : index
    %swap3A_66 = vector.load %arg10[%swap3A_64, %swap3A_65] : memref<2048x16xf32, #tpu.memory_space<vmem>>, vector<2048x16xf32>
    tpu.vector_store %arg10[%swap3A_64, %swap3A_65], %concatenate3A {strides = array<i32>} : memref<2048x16xf32, #tpu.memory_space<vmem>>, vector<2048x16xf32>,
    %concatenate3A_67 = tpu.concatenate %dot_general3A_63, %dot_general3A_63 in 1 : vector<2048x8xf32>, vector<2048x8xf32> -> vector<2048x16xf32>
    %swap3A_68 = arith.constant 0 : index
    %swap3A_69 = arith.constant 0 : index
    %swap3A_70 = vector.load %arg11[%swap3A_68, %swap3A_69] : memref<2048x16xf32, #tpu.memory_space<vmem>>, vector<2048x16xf32>
    tpu.vector_store %arg11[%swap3A_68, %swap3A_69], %concatenate3A_67 {strides = array<i32>} : memref<2048x16xf32, #tpu.memory_space<vmem>>, vector<2048x16xf32>,
    return
  }
  func.func @transform_0(%arg0: i32) -> (i32, i32, i32) {
    %c0_i32 = arith.constant 0 : i32
    %c0_i32_0 = arith.constant 0 : i32
    %c0_i32_1 = arith.constant 0 : i32
    return %c0_i32, %arg0, %c0_i32_0 : i32, i32, i32
  }
  func.func @transform_1(%arg0: i32) -> (i32, i32, i32) {
    %c0_i32 = arith.constant 0 : i32
    %c0_i32_0 = arith.constant 0 : i32
    %c0_i32_1 = arith.constant 0 : i32
    return %c0_i32, %arg0, %c0_i32_0 : i32, i32, i32
  }
  func.func @transform_2(%arg0: i32) -> (i32, i32) {
    %c0_i32 = arith.constant 0 : i32
    %c0_i32_0 = arith.constant 0 : i32
    %c0_i32_1 = arith.constant 0 : i32
    return %c0_i32, %c0_i32_0 : i32, i32
  }
  func.func @transform_3(%arg0: i32) -> (i32, i32) {
    %c0_i32 = arith.constant 0 : i32
    %c0_i32_0 = arith.constant 0 : i32
    %c0_i32_1 = arith.constant 0 : i32
    return %c0_i32, %c0_i32_0 : i32, i32
  }
  func.func @transform_4(%arg0: i32) -> (i32, i32) {
    %c0_i32 = arith.constant 0 : i32
    %c0_i32_0 = arith.constant 0 : i32
    %c0_i32_1 = arith.constant 0 : i32
    return %c0_i32, %c0_i32_0 : i32, i32
  }
  func.func @transform_5(%arg0: i32) -> (i32, i32) {
    %c0_i32 = arith.constant 0 : i32
    %c0_i32_0 = arith.constant 0 : i32
    %c0_i32_1 = arith.constant 0 : i32
    return %c0_i32, %c0_i32_0 : i32, i32
  }
  func.func @transform_6(%arg0: i32) -> (i32, i32) {
    %c0_i32 = arith.constant 0 : i32
    %c0_i32_0 = arith.constant 0 : i32
    %c0_i32_1 = arith.constant 0 : i32
    return %c0_i32, %c0_i32_0 : i32, i32
  }
  func.func @transform_7(%arg0: i32) -> (i32, i32) {
    %c0_i32 = arith.constant 0 : i32
    %c0_i32_0 = arith.constant 0 : i32
    %c0_i32_1 = arith.constant 0 : i32
    return %c0_i32, %c0_i32_0 : i32, i32
  }
  func.func @transform_8(%arg0: i32) -> (i32, i32) {
    %c0_i32 = arith.constant 0 : i32
    %c0_i32_0 = arith.constant 0 : i32
    return %arg0, %c0_i32 : i32, i32
  }
  func.func @transform_9(%arg0: i32) -> (i32, i32) {
    %c0_i32 = arith.constant 0 : i32
    %c0_i32_0 = arith.constant 0 : i32
    return %arg0, %c0_i32 : i32, i32
  }
  func.func @transform_10(%arg0: i32) -> (i32, i32) {
    %c0_i32 = arith.constant 0 : i32
    %c0_i32_0 = arith.constant 0 : i32
    return %arg0, %c0_i32 : i32, i32
  }
}

module attributes {stable_mosaic.version = 14 : i64} {
  func.func @_dense3_body(%arg0: i32, %arg1: memref<2x2048x128xf32, #tpu.memory_space<vmem>>, %arg2: memref<1x128xf32, #tpu.memory_space<vmem>>, %arg3: memref<2048x128xf32, #tpu.memory_space<vmem>>) attributes {dimension_semantics = [#tpu.dimension_semantics<arbitrary>], iteration_bounds = array<i64: 5>, scalar_prefetch = 0 : i64, scratch_operands = 0 : i64, tpu.core_type = #tpu.core_type<tc>, window_params = [{transform_indices = @transform_0, window_bounds = array<i64: 2, 2048, 128>}, {pipeline_mode = #tpu.pipeline_mode<synchronous>, transform_indices = @transform_1, window_bounds = array<i64: 1, 128>}, {transform_indices = @transform_2, window_bounds = array<i64: 2048, 128>}]} {
    %get3A = arith.constant 0 : index
    %get3A_0 = arith.constant 0 : index
    %get3A_1 = arith.constant 0 : index
    %get3A_2 = vector.load %arg1[%get3A, %get3A_0, %get3A_1] : memref<2x2048x128xf32, #tpu.memory_space<vmem>>, vector<1x2048x128xf32>
    %get3A_3 = vector.shape_cast %get3A_2 : vector<1x2048x128xf32> to vector<2048x128xf32>
    %get3A_4 = arith.constant 1 : index
    %get3A_5 = arith.constant 0 : index
    %get3A_6 = arith.constant 0 : index
    %get3A_7 = vector.load %arg1[%get3A_4, %get3A_5, %get3A_6] : memref<2x2048x128xf32, #tpu.memory_space<vmem>>, vector<1x2048x128xf32>
    %get3A_8 = vector.shape_cast %get3A_7 : vector<1x2048x128xf32> to vector<2048x128xf32>
    %add3A = arith.addf %get3A_3, %get3A_8 : vector<2048x128xf32>
    %get3A_9 = arith.constant 0 : index
    %get3A_10 = arith.constant 0 : index
    %get3A_11 = vector.load %arg2[%get3A_9, %get3A_10] : memref<1x128xf32, #tpu.memory_space<vmem>>, vector<1x128xf32>
    %add3A_12 = vector.broadcast %get3A_11 : vector<1x128xf32> to vector<2048x128xf32>
    %add3A_13 = arith.addf %add3A, %add3A_12 : vector<2048x128xf32>
    %swap3A = arith.constant 0 : index
    %swap3A_14 = arith.constant 0 : index
    %swap3A_15 = vector.load %arg3[%swap3A, %swap3A_14] : memref<2048x128xf32, #tpu.memory_space<vmem>>, vector<2048x128xf32>
    tpu.vector_store %arg3[%swap3A, %swap3A_14], %add3A_13 {strides = array<i32>} : memref<2048x128xf32, #tpu.memory_space<vmem>>, vector<2048x128xf32>,
    return
  }
  func.func @transform_0(%arg0: i32) -> (i32, i32, i32) {
    %c0_i32 = arith.constant 0 : i32
    %c0_i32_0 = arith.constant 0 : i32
    %c0_i32_1 = arith.constant 0 : i32
    return %c0_i32, %arg0, %c0_i32_0 : i32, i32, i32
  }
  func.func @transform_1(%arg0: i32) -> (i32, i32) {
    %c0_i32 = arith.constant 0 : i32
    %c0_i32_0 = arith.constant 0 : i32
    %c0_i32_1 = arith.constant 0 : i32
    return %c0_i32, %c0_i32_0 : i32, i32
  }
  func.func @transform_2(%arg0: i32) -> (i32, i32) {
    %c0_i32 = arith.constant 0 : i32
    %c0_i32_0 = arith.constant 0 : i32
    return %arg0, %c0_i32 : i32, i32
  }
}

</mosaic_0001>

<sc_bundles>
// kernel: kernel.12.cloned.1.call-start
scs
__scs_entry_jumppad:
0x0: {  	(pc) =	sbr.rel $0x88, $3  }
0x1: {  	(tag) =	ssettag $0x0;
	lr =	simm.s32 $0x1  }
0x2: {  	[smem:$0x3F97] =	sst lr;
	_ =	strace $0xD0000000  }
0x3: {  	_ = 	snop  }
0x4: {  	_ = 	snop  }
0x5: {  	_ = 	snop  }
0x6: {  	_ = 	snop  }
0x7: {  	_ = 	snop  }
__scs_overlays_trampoline_lowered:
0x8: {  	[smem:$0x3FA6] =	sst s0  }
0x9: {  	[smem:$0x3FA7] =	sst s1  }
0xa: {  	[smem:$0x3FA8] =	sst s2  }
0xb: {  	[smem:$0x3FA9] =	sst s3  }
0xc: {  	[smem:$0x3FAA] =	sst s4  }
0xd: {  	[smem:$0x3FAB] =	sst s5  }
0xe: {  	[smem:$0x3FAC] =	sst s6  }
0xf: {  	[smem:$0x3FAD] =	sst s7  }
0x10: {  	[smem:$0x3FAE] =	sst s8  }
0x11: {  	[smem:$0x3FAF] =	sst s9;
	s0 =	simm.s32 @!p0 $0x0  }
0x12: {  	s1 =	sld [smem:$0x3F95];
	s0 =	simm.s32 @p0 $0x1  }
0x13: {  	[smem:$0x3FB0] =	sst s0;
	s0 =	simm.s32 @!p1 $0x0  }
0x14: {  	s2 =	sld [smem:$0x3F94];
	s0 =	simm.s32 @p1 $0x1  }
0x15: {  	[smem:$0x3FB1] =	sst s0;
	s0 =	simm.s32 @!p2 $0x0  }
0x16: {  	s3 =	sld [smem:$0x3FDB];
	s0 =	simm.s32 @p2 $0x1  }
0x17: {  	s4 =	simm.s32 $0x1BF5;
	[smem:$0x3FB3] =	sst s0  }
0x18: {  	s0 =	sld [smem:$0x3F96];
	_ =	swait.ge [sflag:s4], $0x0  }
0x19: {  	s7 =	sld [smem:$0x3F97]  }
0x1a: {  	s8 =	sadd.s32 $0xFFFFE003, lr  }
0x1b: {  	s9 =	sadd.s32 $0xFFFFFEF7, lr;
	s5 =	simm.s32 $0xFFFFFFFF;
	p2 =	slt.u32 s8, $0xFFFFF086  }
0x1c: {  	p1 =	slt.u32 s9, $0xF7A;
	s5 =	simm.s32 @!p2 $0x0  }
0x1d: {  	s5 =	simm.s32 @p1 $0x1;
	p0 =	seq.s32 s7, s2  }
0x1e: {  	s7 =	smul.u32 @!p0 $0xF7A, s2;
	p2 =	seq.s32 @!p0 s5, $0x0  }
0x1f: {  	s9 =	smul.u32 $0xF7A, s1;
	s8 =	simm.s32 @!p0 $0x1BF5;
	p2 =	por !p2, p0  }
0x20: {  	[sflag:s8] =	ssyncset.s32 @!p0 $0xFFFFF086;
	s6 =	sadd.s32 @!p0 s3, s7;
	s7 =	simm.s32 @!p0 $0x108  }
0x21: {  	s3 =	sadd.s32 s3, s9;
	s6 =	sadd.s32 @!p0 $0x88, s6;
	s7 =	simm.s32 @p2 $0x1082  }
0x22: {  	[simem:s7], [sflag:s8] =	dma.local @!p0 [hbm:s6], $0xF7A  }
0x23: {  	s9 =	sor.u32 $0xD0000000, s2;
	s6 =	simm.s32 $0x108;
	_ =	swait.ge @!p0 [sflag:s8], $0x0  }
0x24: {  	s3 =	sadd.s32 $0x88, s3;
	s6 =	simm.s32 @!p1 $0x1082;
	[sflag:s4] =	ssyncset.s32 $0xFFFFF086  }
0x25: {  	[simem:s6], [sflag:s4] =	dma.local [hbm:s3], $0xF7A  }
0x26: {  	[smem:$0x3F97] =	sst s1;
	(tag) =	ssettag s2;
	_ =	strace s9  }
0x27: {  	s1 =	sld [smem:$0x3FA7]  }
0x28: {  	s2 =	sld [smem:$0x3FA8]  }
0x29: {  	s4 =	sld [smem:$0x3FAA]  }
0x2a: {  	p0 =	seq.s32 s5, $0x0;
	s5 =	sld [smem:$0x3FAB]  }
0x2b: {  	s6 =	sld [smem:$0x3FAC]  }
0x2c: {  	s7 =	sld [smem:$0x3FAD]  }
0x2d: {  	s3 =	simm.s32 $0x108;
	s8 =	sld [smem:$0x3FAE]  }
0x2e: {  	s3 =	simm.s32 @!p0 $0x1082;
	s9 =	sld [smem:$0x3FAF]  }
0x2f: {  	lr =	sadd.s32 s0, s3;
	s0 =	sld [smem:$0x3FA6]  }
0x30: {  	s3 =	sld [smem:$0x3FA9]  }
0x31: {  	[smem:$0x3FB2] =	sst s10  }
0x32: {  	s10 =	sld [smem:$0x3FB0];
	_ =	sdelay $0x3  }
0x33: {  	p0 =	seq.s32 s10, $0x1;
	s10 =	sld [smem:$0x3FB2];
	_ =	sdelay $0x3  }
0x34: {  	[smem:$0x3FB2] =	sst s10  }
0x35: {  	s10 =	sld [smem:$0x3FB1];
	_ =	sdelay $0x3  }
0x36: {  	p1 =	seq.s32 s10, $0x1;
	s10 =	sld [smem:$0x3FB2];
	_ =	sdelay $0x3  }
0x37: {  	[smem:$0x3FB2] =	sst s10  }
0x38: {  	s10 =	sld [smem:$0x3FB3]  }
0x39: {  	_ = 	snop;
	(pc) =	sbr.ind lr, $3  }
0x3a: {  	_ = 	snop  }
0x3b: {  	_ = 	snop  }
0x3c: {  	p2 =	seq.s32 s10, $0x1;
	s10 =	sld [smem:$0x3FB2]  }
0x3d: {  	_ =	shalt  }
0x3e: {  	_ =	shalt  }
0x3f: {  	_ =	shalt  }
0x40: {  	_ =	shalt  }
0x41: {  	_ =	shalt  }
0x42: {  	_ =	shalt  }
0x43: {  	_ =	shalt  }
0x44: {  	_ =	shalt  }
0x45: {  	_ =	shalt  }
0x46: {  	_ =	shalt  }
0x47: {  	_ =	shalt  }
0x48: {  	_ =	shalt  }
0x49: {  	_ =	shalt  }
0x4a: {  	_ =	shalt  }
0x4b: {  	_ =	shalt  }
0x4c: {  	_ =	shalt  }
0x4d: {  	_ =	shalt  }
0x4e: {  	_ =	shalt  }
0x4f: {  	_ =	shalt  }
0x50: {  	_ =	shalt  }
0x51: {  	_ =	shalt  }
0x52: {  	_ =	shalt  }
0x53: {  	_ =	shalt  }
0x54: {  	_ =	shalt  }
0x55: {  	_ =	shalt  }
0x56: {  	_ =	shalt  }
0x57: {  	_ =	shalt  }
0x58: {  	_ =	shalt  }
0x59: {  	_ =	shalt  }
0x5a: {  	_ =	shalt  }
0x5b: {  	_ =	shalt  }
0x5c: {  	_ =	shalt  }
0x5d: {  	_ =	shalt  }
0x5e: {  	_ =	shalt  }
0x5f: {  	_ =	shalt  }
0x60: {  	_ =	shalt  }
0x61: {  	_ =	shalt  }
0x62: {  	_ =	shalt  }
0x63: {  	_ =	shalt  }
0x64: {  	_ =	shalt  }
0x65: {  	_ =	shalt  }
0x66: {  	_ =	shalt  }
0x67: {  	_ =	shalt  }
0x68: {  	_ =	shalt  }
0x69: {  	_ =	shalt  }
0x6a: {  	_ =	shalt  }
0x6b: {  	_ =	shalt  }
0x6c: {  	_ =	shalt  }
0x6d: {  	_ =	shalt  }
0x6e: {  	_ =	shalt  }
0x6f: {  	_ =	shalt  }
0x70: {  	_ =	shalt  }
0x71: {  	_ =	shalt  }
0x72: {  	_ =	shalt  }
0x73: {  	_ =	shalt  }
0x74: {  	_ =	shalt  }
0x75: {  	_ =	shalt  }
0x76: {  	_ =	shalt  }
0x77: {  	_ =	shalt  }
0x78: {  	_ =	shalt  }
0x79: {  	_ =	shalt  }
0x7a: {  	_ =	shalt  }
0x7b: {  	_ =	shalt  }
0x7c: {  	_ =	shalt  }
0x7d: {  	_ =	shalt  }
0x7e: {  	_ =	shalt  }
0x7f: {  	_ =	shalt  }
0x80: {  	_ =	shalt  }
0x81: {  	_ =	shalt  }
0x82: {  	_ =	shalt  }
0x83: {  	_ =	shalt  }
0x84: {  	_ =	shalt  }
0x85: {  	_ =	shalt  }
0x86: {  	_ =	shalt  }
0x87: {  	_ =	shalt  }
.Lfunc_end0:
.L_simem_size_0:
called_computation_lowered:
.L_overlay_start_0:
0x88: {  	s2 =	sld [smem:$0x3FD9]  }
0x89: {  	s3 =	sld [smem:$0x3FFE];
	_ =	sdelay $0x1  }
0x8a: {  	s1 =	srdreg.scid  }
0x8b: {  	s0 =	sand.u32 $0x1, s1  }
0x8c: {  	s14 =	sshll.u32 s0, $0xA;
	s2 =	sadd.s32 s3, s2  }
0x8d: {  	s2 =	sadd.s32 s2, s14  }
0x8e: {  	[smem:$0x3FBE] =	sst s2  }
0x8f: {  	_ = 	snop  }
0x90: {  	s2 =	sld [smem:$0x3FD0];
	_ =	sdelay $0x2  }
0x91: {  	s15 =	simm.s32 $0xB;
	s4 =	simm.s32 $0x10  }
0x92: {  	[smem:s4], [sflag:s15] =	dma.local [hbm:s2], $0x1  }
0x93: {  	_ =	swait.eq [sflag:s15], $0x1  }
0x94: {  	[sflag:s15] =	ssyncset.done $0x0  }
0x95: {  	[sflag:s15] =	ssyncadd.s32 $0xFFFFFFFF  }
0x96: {  	s16 =	sld [smem:$0x11];
	(tm) =	ssettm $0x1  }
0x97: {  	s17 =	sld [smem:$0x3FFB];
	_ =	sdelay $0x3  }
0x98: {  	_ =	strace s17  }
0x99: {  	s3 =	sld [smem:$0x3FFC];
	_ =	sdelay $0x3  }
0x9a: {  	_ =	strace s3  }
0x9b: {  	s3 =	sld [smem:$0x3FFD];
	_ =	sdelay $0x3  }
0x9c: {  	_ =	strace s3  }
0x9d: {  	_ =	strace $0x8FFFFFFF  }
0x9e: {  	s18 =	sld [smem:$0x3FDB];
	_ =	sdelay $0x1  }
0x9f: {  	s19 =	simm.s32 $_scs_section_size  }
0xa0: {  	s5 =	simm.s32 $_size__tile_overlayer_lowered;
	s6 =	simm.s32 $_tile_overlayer_lowered  }
0xa1: {  	s22 =	simm.s32 $0x1BFF;
	s21 =	sshll.u32 s6, $0x1;
	s3 =	sadd.s32 s19, s18  }
0xa2: {  	s7 =	simm.s32 $0x0;
	s20 =	sshll.u32 s5, $0x1;
	s5 =	sadd.s32 s21, s3  }
0xa3: {  	[timem:s7], [sflag:s22] =	dma.local [hbm:s5], s20  }
0xa4: {  	_ =	swait.ge [sflag:s22], s20  }
0xa5: {  	s4 =	ssub.s32 $0x0, s20;
	[sflag:s22] =	ssyncset.done $0x0  }
0xa6: {  	[sflag:s22] =	ssyncadd.s32 s4;
	_ =	sdelay $0x1  }
0xa7: {  	s23 =	simm.s32 $0x1B8B  }
0xa8: {  	_ =	swait.ge [sflag:s23], $0x1  }
0xa9: {  	[sflag:s23] =	ssyncset.done $0x0  }
0xaa: {  	s25 =	simm.s32 $0x1B8E;
	s24 =	sld [smem:$0x3FFE];
	[sflag:s23] =	ssyncadd.s32 $0xFFFFFFFF  }
0xab: {  	s26 =	simm.s32 $execute0_lowered;
	[smem:$0x3FD2] =	sst s25  }
0xac: {  	s5 =	sshll.u32 s26, $0x1;
	_ =	strace $0x80000046;
	[dreg:$0x1] =	wrdreg $0xFFFFFFFF  }
0xad: {  	s28 =	simm.s32 $_size_execute0_lowered;
	s3 =	sadd.s32 s3, s5;
	[dreg:$0x0] =	wrdreg $0x0  }
0xae: {  	s5 =	sshll.u32 s28, $0x1;
	[dreg:$0x2] =	wrdreg s3  }
0xaf: {  	[dreg:$0x3] =	wrdreg s5  }
0xb0: {  	[dreg:$0x4] =	wrdreg $0xC0  }
0xb1: {  	_ =	task [dreg:s7], $0x5FFFF  }
0xb2: {  	[dreg:$0x1] =	wrdreg $0xFFFFFFFF  }
0xb3: {  	[dreg:$0x0] =	wrdreg $0x60  }
0xb4: {  	[dreg:$0x2] =	wrdreg s24  }
0xb5: {  	[dreg:$0x3] =	wrdreg s16  }
0xb6: {  	[dreg:$0x4] =	wrdreg $0x32000  }
0xb7: {  	[dreg:$0x5] =	wrdreg $0x9  }
0xb8: {  	_ =	task.clear_ibuf [dreg:s7], $0x6FFFF;
	_ =	strace $0x90000046  }
0xb9: {  	s29 =	simm.s32 $0x9;
	_ =	strace $0x80000048  }
0xba: {  	_ =	swait.ge [sflag:s29], $0x1  }
0xbb: {  	[sflag:s29] =	ssyncadd.s32 $0xFFFFFFFF  }
0xbc: {  	_ =	strace $0x90000048  }
0xbd: {  	_ =	sfence  }
0xbe: {  	s30 =	sld [smem:$0x0];
	_ =	sdelay $0x2  }
0xbf: {  	s31 =	sshll.u32 s1, $0xD;
	s1 =	sshrl.u32 s1, $0x2  }
0xc0: {  	s3 =	sand.u32 $0x4000, s31;
	s1 =	sadd.s32 s1, s30  }
0xc1: {  	s0 =	sor.u32 s3, s0;
	s1 =	sshll.u32 s1, $0x11  }
0xc2: {  	s0 =	sor.u32 s1, s0  }
0xc3: {  	s0 =	sadd.s32 $0x8F2B, s0  }
0xc4: {  	[sflag:s0] =	ssyncadd.remote.s32 $0x1  }
0xc5: {  	_ =	sfence.sel $0xFFFF  }
0xc6: {  	[dreg:$0x0] =	wrdreg $0xFFFFFFFF;
	(pc) =	sbr.abs _section_cstart, $3  }
0xc7: {  	[dreg:$0x1] =	wrdreg $0xFFFFFFFF  }
0xc8: {  	_ =	task.clear_ibuf [dreg:s7], $0x2FFFF;
	_ =	strace $0x9FFFFFFF  }
0xc9: {  	(tm) =	ssettm $0x7FFFFFFF  }
tec
execute0_lowered:
.L_overlay_start_1:
0x0: {  	(tag) =	ssettag $0x1  }
0x1: {  	s0 =	rddreg [dreg:$0x0]  }
0x2: {  	s7 =	rddreg [dreg:$0x1]  }
0x3: {  	s1 =	rddreg [dreg:$0x2];
	s2 =	simm.s32 $0x0  }
0x4: {  	s8 =	srdreg.scid;
	s11 =	stileid.u32;
	s18 =	simm.s32 $0x3  }
0x5: {  	s19 =	simm.s32 $0x80;
	s22 =	simm.s32 $0x1900;
	s28 =	simm.s32 $0x1100  }
0x6: {  	s29 =	simm.s32 $0x2;
	s30 =	simm.s32 $0x2A00;
	s31 =	simm.s32 $0x0  }
0x7: {  	[smem:$0x7FF] =	sst s2;
	s3 =	sadd.s32 $0x2AA00, s0;
	s4 =	sadd.s32 $0x2FA00, s0  }
0x8: {  	s5 =	sadd.s32 $0x3EE00, s0;
	s6 =	sadd.s32 $0x34A00, s0;
	s12 =	sand.u32 $0x1, s8  }
0x9: {  	s23 =	sadd.s32 $0x49200, s0;
	s10 =	smul.u32 $0xA000, s11;
	s8 =	sadd.s32 $0x49800, s0  }
0xa: {  	s25 =	sshll.u32 s11, $0x6;
	p0 =	sne.s32 s11, $0x0;
	_ =	strace $0x80000047  }
0xb: {  	[dreg:$0x4] =	wrdreg s23;
	s9 =	sshll.u32 s12, $0x4;
	s24 =	ssub.s32 $0x2, s12  }
0xc: {  	s12 =	smul.u32 $0x5000, s12;
	s23 =	simm.s32 $0x1980;
	s13 =	sor.u32 s11, s9  }
0xd: {  	s14 =	sshrl.u32 s24, $0x1;
	s10 =	sshrl.u32 s10, $0x2;
	s9 =	smul.u32 $0x2900, s13  }
0xe: {  	s0 =	ssub.s32 s24, s14;
	s15 =	sadd.s32 s10, s1;
	s10 =	sor.u32 $0x1C03, s25  }
0xf: {  	s13 =	smul.u32 $0x29000, s13;
	s7 =	sadd.s32 s7, s12;
	s24 =	simm.s32 $0x1A00  }
0x10: {  	[dreg:$0x7] =	wrdreg s7;
	s0 =	smax.u32 s0, $0x1;
	s26 =	sshrl.u32 s9, $0x3  }
0x11: {  	s25 =	simm.s32 $0x2200;
	[dreg:$0x8] =	wrdreg s0;
	s16 =	sadd.s32 s5, s26  }
0x12: {  	s17 =	sshrl.u32 s15, $0x3;
	s14 =	sadd.s32 s6, s26;
	[dreg:$0x5] =	wrdreg s16  }
0x13: {  	s26 =	simm.s32 $0x1;
	[dreg:$0x6] =	wrdreg s14;
	s14 =	sadd.s32 $0x100, s9  }
.LBB2_1:
0x14: {  	s0 =	rddreg [dreg:$0x4]  }
0x15: {  	[spmem:s17], [sflag:s10] =	dma.local [hbm:s0], $0x500  }
0x16: {  	_ =	swait.ge [sflag:s18], $0x500  }
0x17: {  	[sflag:s18] =	ssyncset.done $0x0  }
0x18: {  	[sflag:s18] =	ssyncadd.s32 $0xFFFFFB00  }
0x19: {  	[bflag:$0x0] =	sbarrier.arrive $0xFFFF  }
0x1a: {  	s15 =	rddreg [dreg:$0x5]  }
0x1b: {  	[tilespmem:s2], [sflag:$0x3] =	stream.linear.gather [hbm4b:s15+s2], $0x80, $0x38;
	[tilespmem:$0x5A00] =	vst v63  }
0x1c: {  	_ =	swait.ge [sflag:s18], $0x80  }
0x1d: {  	[sflag:s18] =	ssyncset.done $0x0  }
0x1e: {  	s16 =	rddreg [dreg:$0x6];
	[sflag:s18] =	ssyncadd.s32 $0xFFFFFF80  }
0x1f: {  	[tilespmem:s19], [sflag:$0x3] =	stream.linear.gather [hbm4b:s16+s2], $0x80, $0x38;
	[tilespmem:$0x5A00] =	vst v63  }
0x20: {  	_ =	swait.ge [sflag:s18], $0x80  }
0x21: {  	[sflag:s18] =	ssyncset.done $0x0  }
0x22: {  	s20 =	simm.s32 $0x100;
	[sflag:s18] =	ssyncadd.s32 $0xFFFFFF80  }
0x23: {  	[tilespmem:s20], [sflag:$0x1] =	stream.indirect.gather [hbm4b:s3+s19], $0x10, s2, s19, $0xb8;
	[tilespmem:$0x5A00] =	vst v63  }
0x24: {  	s21 =	simm.s32 $0x900;
	s0 =	simm.s32 $0x0  }
0x25: {  	[tilespmem:s21], [sflag:$0x1] =	stream.indirect.gather [hbm4b:s4+s19], $0x10, s19, s19, $0xb8;
	[tilespmem:$0x5A00] =	vst v63  }
.LBB2_2:
0x26: {  	s21 =	sshll.u32 s0, $0x8  }
0x27: {  	s7 =	sadd.s32 s21, s9  }
0x28: {  	s20 =	sadd.s32 $0x80, s7  }
0x29: {  	s7 =	sshrl.u32 s20, $0x3  }
0x2a: {  	s11 =	sadd.s32 s5, s7  }
0x2b: {  	[tilespmem:s22], [sflag:$0x3] =	stream.linear.gather [hbm4b:s11+s2], $0x80, $0x38;
	[tilespmem:$0x5A00] =	vst v63  }
0x2c: {  	_ =	swait.ge [sflag:s18], $0x80  }
0x2d: {  	[sflag:s18] =	ssyncset.done $0x0  }
0x2e: {  	s7 =	sadd.s32 s6, s7;
	[sflag:s18] =	ssyncadd.s32 $0xFFFFFF80  }
0x2f: {  	[tilespmem:s23], [sflag:$0x3] =	stream.linear.gather [hbm4b:s7+s2], $0x80, $0x38;
	[tilespmem:$0x5A00] =	vst v63  }
0x30: {  	_ =	swait.ge [sflag:s18], $0x80  }
0x31: {  	[sflag:s18] =	ssyncset.done $0x0  }
0x32: {  	[sflag:s18] =	ssyncadd.s32 $0xFFFFFF80  }
0x33: {  	[tilespmem:s24], [sflag:$0x2] =	stream.indirect.gather [hbm4b:s3+s19], $0x10, s22, s19, $0xb8;
	[tilespmem:$0x5A00] =	vst v63  }
0x34: {  	_ = 	snop  }
0x35: {  	[tilespmem:s25], [sflag:$0x2] =	stream.indirect.gather [hbm4b:s4+s19], $0x10, s23, s19, $0xb8;
	[tilespmem:$0x5A00] =	vst v63  }
0x36: {  	_ =	swait.ge [sflag:s26], $0x800  }
0x37: {  	[sflag:s26] =	ssyncset.done $0x0  }
0x38: {  	[sflag:s26] =	ssyncadd.s32 $0xFFFFF800  }
0x39: {  	_ =	swait.ge [sflag:s26], $0x800  }
0x3a: {  	[sflag:s26] =	ssyncset.done $0x0  }
0x3b: {  	s12 =	simm.s32 $0x120;
	[sflag:s26] =	ssyncadd.s32 $0xFFFFF800  }
0x3c: {  	s15 =	simm.s32 $0x920;
	v0 =	vld [tilespmem:s12+$0x10]  }
0x3d: {  	v1 =	vld [tilespmem:s15+$0x10]  }
0x3e: {  	v2 =	vld [tilespmem:s15+$0xFFFFFFE0]  }
0x3f: {  	v3 =	vld [tilespmem:s12+$0xFFFFFFF0]  }
0x40: {  	v5 =	vld [tilespmem:s12+$0x0]  }
0x41: {  	v6 =	vld [tilespmem:s15+$0x0]  }
0x42: {  	s16 =	simm.s32 $0x160;
	v4 =	vld [tilespmem:s15+$0xFFFFFFF0]  }
0x43: {  	v7 =	vld [tilespmem:s16+$0x10]  }
0x44: {  	v0 =	vadd.f32 v1, v0;
	v1 =	vld [tilespmem:s12+$0xFFFFFFE0]  }
0x45: {  	v12 =	vld [tilespmem:s16+$0xFFFFFFE0];
	s12 =	simm.s32 $0x960  }
0x46: {  	v5 =	vadd.f32 v6, v5;
	v9 =	vld [tilespmem:s12+$0x10];
	v8 =	vmul.f32 $2.000000030e-01, v0  }
0x47: {  	v3 =	vadd.f32 v4, v3;
	v4 =	vld [tilespmem:s12+$0xFFFFFFE0];
	vm0 =	vgt.f32 v0, $0.0e+00  }
0x48: {  	v10 =	vld [tilespmem:s12+$0xFFFFFFF0];
	v11 =	vmul.f32 $2.000000030e-01, v5;
	v0 =	vsel vm0, v0, v8  }
0x49: {  	vm1 =	vgt.f32 v5, $0.0e+00;
	v8 =	vld [tilespmem:s16+$0xFFFFFFF0];
	v0 =	vmul.f32 $1.442695020e+00, v0;
	v1 =	vadd.f32 v2, v1  }
0x4a: {  	v6 =	vmul.f32 $2.000000030e-01, v3;
	vm0 =	vgt.f32 v3, $0.0e+00;
	v5 =	vsel vm1, v5, v11;
	v2 =	vld [tilespmem:s16+$0x0]  }
0x4b: {  	s15 =	simm.s32 $0x1A0;
	v7 =	vadd.f32 v9, v7;
	(erf) = vpow2.f32 v0;
	v0 =	vld [tilespmem:s12+$0x0];
	v9 =	vmul.f32 $2.000000030e-01, v1  }
0x4c: {  	v3 =	vsel vm0, v3, v6;
	v6 =	vld [tilespmem:s15+$0x10];
	s16 =	simm.s32 $0x9A0;
	v5 =	vmul.f32 $1.442695020e+00, v5;
	vm2 =	vgt.f32 v1, $0.0e+00  }
0x4d: {  	v3 =	vmul.f32 $1.442695020e+00, v3;
	v4 =	vadd.f32 v4, v12;
	v1 =	vsel vm2, v1, v9;
	v9 =	vld [tilespmem:s16+$0x10]  }
0x4e: {  	v11 =	vmul.f32 $2.000000030e-01, v7;
	vm0 =	vgt.f32 v7, $0.0e+00;
	v8 =	vadd.f32 v10, v8  }
0x4f: {  	v62 =	vld [tilespmem:s15+$0x0];
	(erf) = vpow2.f32 v3;
	vm2 =	vgt.f32 v4, $0.0e+00;
	v1 =	vmul.f32 $1.442695020e+00, v1  }
0x50: {  	v3 =	vld [tilespmem:s15+$0xFFFFFFF0];
	v7 =	vsel vm0, v7, v11;
	v11 =	vmul.f32 $2.000000030e-01, v8;
	v0 =	vadd.f32 v0, v2  }
0x51: {  	vm0 =	vgt.f32 v8, $0.0e+00;
	v2 =	vmul.f32 $1.442695020e+00, v7;
	v7 =	vld [tilespmem:s16+$0xFFFFFFF0];
	(erf) = vpow2.f32 v1  }
0x52: {  	v13 =	vld [tilespmem:s15+$0xFFFFFFE0];
	v8 =	vsel vm0, v8, v11;
	v1 =	vmul.f32 $2.000000030e-01, v0;
	v6 =	vadd.f32 v9, v6  }
0x53: {  	v10 =	vld [tilespmem:s16+$0xFFFFFFE0];
	vm1 =	vgt.f32 v0, $0.0e+00;
	(erf) = vpow2.f32 v2;
	v9 =	vmul.f32 $2.000000030e-01, v4  }
0x54: {  	v2 =	vld [tilespmem:s16+$0x0];
	(erf) = vpow2.f32 v5;
	v1 =	vsel vm1, v0, v1;
	v5 =	vmul.f32 $2.000000030e-01, v6  }
0x55: {  	s16 =	simm.s32 $0x1E0;
	v0 =	vsel vm2, v4, v9;
	v4 =	vmul.f32 $1.442695020e+00, v8;
	vm0 =	vgt.f32 v6, $0.0e+00  }
0x56: {  	s12 =	simm.s32 $0x9E0;
	v11 =	vld [tilespmem:s16+$0x10];
	v14 =	vadd.f32 v7, v3;
	v3 =	vsel vm0, v6, v5  }
0x57: {  	v8 =	vld [tilespmem:s12+$0x10];
	v6 =	vmul.f32 $1.442695020e+00, v3  }
0x58: {  	v7 =	vmul.f32 $1.442695020e+00, v0;
	v0 =	vld [tilespmem:s12+$0xFFFFFFE0];
	(erf) = vpow2.f32 v4;
	v5 =	vadd.f32 v10, v13  }
0x59: {  	s7 =	simm.s32 $0x1120;
	v15 =	vmul.f32 $1.442695020e+00, v1;
	v1 =	vld [tilespmem:s16+$0xFFFFFFF0];
	v16 =	vmul.f32 $2.000000030e-01, v14;
	v12 =	vadd.f32 v2, v62;
	v4 =	vpop (erf)  }
0x5a: {  	v3 =	vld [tilespmem:s12+$0xFFFFFFF0];
	(erf) = vpow2.f32 v7;
	v9 =	vmul.f32 $2.000000030e-01, v5;
	[tilespmem:s7+$0x10] =	vst v4;
	v2 =	vpop (erf)  }
0x5b: {  	vm1 =	vgt.f32 v14, $0.0e+00;
	v63 =	vmul.f32 $2.000000030e-01, v12;
	(erf) = vpow2.f32 v6;
	v4 =	vld [tilespmem:s12+$0x0];
	[tilespmem:s7+$0xFFFFFFF0] =	vst v2;
	v6 =	vpop (erf)  }
0x5c: {  	s11 =	simm.s32 $0x1160;
	vm2 =	vgt.f32 v12, $0.0e+00;
	v7 =	vadd.f32 v8, v11;
	v2 =	vld [tilespmem:s16+$0x0];
	(erf) = vpow2.f32 v15;
	v11 =	vpop (erf);
	[tilespmem:s7+$0xFFFFFFE0] =	vst v6  }
0x5d: {  	s15 =	simm.s32 $0xC;
	vm0 =	vgt.f32 v5, $0.0e+00;
	v10 =	vsel vm1, v14, v16;
	v8 =	vsel vm2, v12, v63;
	v6 =	vld [tilespmem:s16+$0xFFFFFFE0];
	s16 =	simm.s32 $0x220;
	[tilespmem:s11+$0x10] =	vst v11  }
.LBB2_3:
0x5e: {  	v11 =	vld [tilespmem:s16+$0x10];
	v12 =	vmul.f32 $2.000000030e-01, v7;
	s12 =	sadd.s32 $0x40, s12;
	v5 =	vsel vm0, v5, v9;
	v9 =	vmul.f32 $1.442695020e+00, v10;
	v10 =	vpop (erf)  }
0x5f: {  	s15 =	sadd.s32 $0x4, s15;
	vm0 =	vgt.f32 v7, $0.0e+00;
	v13 =	vld [tilespmem:s12+$0x10];
	v14 =	vadd.f32 v3, v1;
	v15 =	vmul.f32 $1.442695020e+00, v5;
	[tilespmem:s7+$0x0] =	vst v10;
	s7 =	smov.u32 s11  }
0x60: {  	p1 =	slt.u32 s15, $0x7C;
	v16 =	vld [tilespmem:s12+$0xFFFFFFE0];
	v3 =	vsel vm0, v7, v12;
	v12 =	vmul.f32 $1.442695020e+00, v8;
	(erf) = vpow2.f32 v9  }
.Ltmp0:
0x61: {  	v1 =	vld [tilespmem:s16+$0xFFFFFFF0];
	v8 =	vmul.f32 $2.000000030e-01, v14;
	v17 =	vadd.f32 v4, v2;
	v4 =	vmul.f32 $1.442695020e+00, v3;
	v2 =	vpop (erf);
	(pc) =	sbr.rel @p1 .LBB2_3-.Ltmp0, $4  }
0x62: {  	vm1 =	vgt.f32 v14, $0.0e+00;
	v3 =	vld [tilespmem:s12+$0xFFFFFFF0];
	v5 =	vadd.f32 v0, v6;
	(erf) = vpow2.f32 v15;
	[tilespmem:s11+$0xFFFFFFF0] =	vst v2  }
0x63: {  	v2 =	vld [tilespmem:s16+$0x0];
	vm2 =	vgt.f32 v17, $0.0e+00;
	v15 =	vmul.f32 $2.000000030e-01, v17;
	(erf) = vpow2.f32 v4;
	v6 =	vpop (erf)  }
0x64: {  	s11 =	sadd.s32 $0x40, s11;
	v4 =	vld [tilespmem:s12+$0x0];
	v7 =	vadd.f32 v13, v11;
	vm0 =	vgt.f32 v5, $0.0e+00;
	v9 =	vmul.f32 $2.000000030e-01, v5;
	v11 =	vpop (erf);
	[tilespmem:s7+$0xFFFFFFE0] =	vst v6  }
0x65: {  	v10 =	vsel vm1, v14, v8;
	v6 =	vld [tilespmem:s16+$0xFFFFFFE0];
	s16 =	sadd.s32 $0x40, s16;
	v8 =	vsel vm2, v17, v15;
	[tilespmem:s11+$0x10] =	vst v11;
	(erf) = vpow2.f32 v12;
	v0 =	vmovc v16  }
0x66: {  	_ =	sdelay $0x1  }
0x67: {  	v11 =	vmul.f32 $2.000000030e-01, v7;
	v5 =	vsel vm0, v5, v9;
	v9 =	vmul.f32 $1.442695020e+00, v10  }
0x68: {  	vm0 =	vgt.f32 v7, $0.0e+00;
	v1 =	vadd.f32 v3, v1;
	v3 =	vmul.f32 $1.442695020e+00, v5  }
0x69: {  	v5 =	vsel vm0, v7, v11;
	v7 =	vmul.f32 $1.442695020e+00, v8;
	v0 =	vadd.f32 v0, v6  }
0x6a: {  	(erf) = vpow2.f32 v9;
	v2 =	vadd.f32 v4, v2;
	v4 =	vmul.f32 $2.000000030e-01, v1  }
0x6b: {  	vm0 =	vgt.f32 v1, $0.0e+00;
	(erf) = vpow2.f32 v3;
	v3 =	vmul.f32 $2.000000030e-01, v0  }
0x6c: {  	v5 =	vmul.f32 $1.442695020e+00, v5;
	v1 =	vsel vm0, v1, v4;
	vm2 =	vgt.f32 v0, $0.0e+00  }
0x6d: {  	v6 =	vmul.f32 $2.000000030e-01, v2;
	v1 =	vmul.f32 $1.442695020e+00, v1;
	v0 =	vsel vm2, v0, v3  }
0x6e: {  	vm1 =	vgt.f32 v2, $0.0e+00;
	(erf) = vpow2.f32 v5;
	v0 =	vmul.f32 $1.442695020e+00, v0  }
0x6f: {  	(erf) = vpow2.f32 v7;
	v2 =	vsel vm1, v2, v6  }
0x70: {  	v2 =	vmul.f32 $1.442695020e+00, v2;
	v3 =	vpop (erf);
	(erf) = vpow2.f32 v1  }
0x71: {  	[tilespmem:s7+$0x0] =	vst v3;
	v1 =	vpop (erf);
	(erf) = vpow2.f32 v0  }
0x72: {  	[tilespmem:s11+$0xFFFFFFF0] =	vst v1;
	v0 =	vpop (erf);
	(erf) = vpow2.f32 v2  }
0x73: {  	s16 =	sadd.s32 $0x40, s11;
	v1 =	vpop (erf);
	[tilespmem:s11+$0xFFFFFFE0] =	vst v0  }
0x74: {  	v0 =	vpop (erf);
	[tilespmem:s16+$0x10] =	vst v1  }
0x75: {  	v1 =	vpop (erf);
	[tilespmem:s11+$0x0] =	vst v0  }
0x76: {  	[tilespmem:s16+$0xFFFFFFF0] =	vst v1;
	v0 =	vpop (erf)  }
0x77: {  	s12 =	sadd.s32 $0x40, s16;
	v1 =	vpop (erf);
	[tilespmem:s16+$0xFFFFFFE0] =	vst v0  }
0x78: {  	[tilespmem:s12+$0x10] =	vst v1;
	v0 =	vpop (erf)  }
0x79: {  	s15 =	sshll.u32 s0, $0xC;
	[tilespmem:s16+$0x0] =	vst v0;
	v0 =	vpop (erf)  }
0x7a: {  	s7 =	sadd.s32 s13, s15;
	[tilespmem:s12+$0xFFFFFFF0] =	vst v0;
	v0 =	vpop (erf)  }
0x7b: {  	s7 =	sshrl.u32 s7, $0x3;
	[tilespmem:s12+$0xFFFFFFE0] =	vst v0;
	v0 =	vpop (erf)  }
0x7c: {  	s7 =	sadd.s32 s8, s7;
	[tilespmem:s12+$0x0] =	vst v0  }
0x7d: {  	[hbm4b:s7+s2] =	stream.linear.scatter [tilespmem:s28], [sflag:$0x3], $0x800, $0x38;
	[tilespmem:$0x5A00] =	vst v63  }
0x7e: {  	_ =	swait.ge [sflag:s18], $0x800  }
0x7f: {  	[sflag:s18] =	ssyncset.done $0x0  }
0x80: {  	p1 =	seq.s32 s0, $0x28;
	[sflag:s18] =	ssyncadd.s32 $0xFFFFF800  }
0x81: {  	[spmem:s1] =	stream.indirect.scatter.add.f32 [tilespmem:s28], [sflag:$0x3], $0x10, s19, s19, $0xb8;
	[tilespmem:$0x5A00] =	vst v63  }
0x82: {  	s7 =	sadd.s32 @!p1 s21, s14;
	_ =	swait.ge [sflag:s18], $0x800  }
0x83: {  	s7 =	sshrl.u32 @!p1 s7, $0x3;
	[sflag:s18] =	ssyncset.done $0x0  }
0x84: {  	s12 =	simm.s32 @!p1 $0x0;
	s11 =	sadd.s32 @!p1 s5, s7;
	[sflag:s18] =	ssyncadd.s32 $0xFFFFF800  }
0x85: {  	[tilespmem:s12], [sflag:$0x3] =	stream.linear.gather @!p1 [hbm4b:s11+s12], $0x80, $0x38;
	[tilespmem:$0x5A00] =	vst v63  }
0x86: {  	s11 =	simm.s32 @!p1 $0x3  }
0x87: {  	_ =	swait.ge @!p1 [sflag:s11], $0x80  }
0x88: {  	[sflag:s11] =	ssyncset.done @!p1 $0x0  }
0x89: {  	s15 =	simm.s32 @!p1 $0x80;
	s7 =	sadd.s32 @!p1 s6, s7;
	[sflag:s11] =	ssyncadd.s32 @!p1 $0xFFFFFF80  }
0x8a: {  	[tilespmem:s15], [sflag:$0x3] =	stream.linear.gather @!p1 [hbm4b:s7+s12], $0x80, $0x38;
	[tilespmem:$0x5A00] =	vst v63  }
0x8b: {  	_ =	swait.ge @!p1 [sflag:s11], $0x80  }
0x8c: {  	[sflag:s11] =	ssyncset.done @!p1 $0x0  }
0x8d: {  	s7 =	simm.s32 @!p1 $0x100;
	[sflag:s11] =	ssyncadd.s32 @!p1 $0xFFFFFF80  }
0x8e: {  	[tilespmem:s7], [sflag:$0x1] =	stream.indirect.gather @!p1 [hbm4b:s3+s15], $0x10, s12, s15, $0xb8;
	[tilespmem:$0x5A00] =	vst v63  }
0x8f: {  	s7 =	simm.s32 @!p1 $0x900  }
0x90: {  	[tilespmem:s7], [sflag:$0x1] =	stream.indirect.gather @!p1 [hbm4b:s4+s15], $0x10, s15, s15, $0xb8;
	[tilespmem:$0x5A00] =	vst v63  }
0x91: {  	_ =	swait.ge [sflag:s29], $0x800  }
0x92: {  	[sflag:s29] =	ssyncset.done $0x0  }
0x93: {  	[sflag:s29] =	ssyncadd.s32 $0xFFFFF800  }
0x94: {  	_ =	swait.ge [sflag:s29], $0x800  }
0x95: {  	[sflag:s29] =	ssyncset.done $0x0  }
0x96: {  	s16 =	simm.s32 $0x1A20;
	[sflag:s29] =	ssyncadd.s32 $0xFFFFF800  }
0x97: {  	s21 =	simm.s32 $0x2220;
	v0 =	vld [tilespmem:s16+$0x10]  }
0x98: {  	v1 =	vld [tilespmem:s21+$0x10]  }
0x99: {  	v2 =	vld [tilespmem:s21+$0xFFFFFFE0]  }
0x9a: {  	v3 =	vld [tilespmem:s16+$0xFFFFFFF0]  }
0x9b: {  	v4 =	vld [tilespmem:s21+$0xFFFFFFF0]  }
0x9c: {  	v5 =	vld [tilespmem:s16+$0x0]  }
0x9d: {  	s12 =	simm.s32 $0x1A60;
	v6 =	vld [tilespmem:s21+$0x0]  }
0x9e: {  	s15 =	simm.s32 $0x2260;
	v7 =	vld [tilespmem:s12+$0x10]  }
0x9f: {  	v9 =	vld [tilespmem:s15+$0x10]  }
0xa0: {  	v0 =	vadd.f32 v1, v0;
	v1 =	vld [tilespmem:s16+$0xFFFFFFE0];
	_ =	sdelay $0x1  }
0xa1: {  	v10 =	vld [tilespmem:s15+$0xFFFFFFF0];
	v8 =	vmul.f32 $2.000000030e-01, v0  }
0xa2: {  	v12 =	vld [tilespmem:s12+$0xFFFFFFE0];
	v5 =	vadd.f32 v6, v5;
	vm0 =	vgt.f32 v0, $0.0e+00  }
0xa3: {  	v3 =	vadd.f32 v4, v3;
	v4 =	vld [tilespmem:s15+$0xFFFFFFE0];
	v7 =	vadd.f32 v9, v7;
	v0 =	vsel vm0, v0, v8  }
0xa4: {  	v11 =	vmul.f32 $2.000000030e-01, v5;
	v8 =	vld [tilespmem:s12+$0xFFFFFFF0];
	v0 =	vmul.f32 $1.442695020e+00, v0;
	v1 =	vadd.f32 v2, v1  }
0xa5: {  	v6 =	vmul.f32 $2.000000030e-01, v3;
	vm1 =	vgt.f32 v5, $0.0e+00;
	vm0 =	vgt.f32 v3, $0.0e+00;
	v2 =	vld [tilespmem:s12+$0x0]  }
0xa6: {  	s16 =	simm.s32 $0x1AA0;
	v5 =	vsel vm1, v5, v11;
	(erf) = vpow2.f32 v0;
	v0 =	vld [tilespmem:s15+$0x0];
	v9 =	vmul.f32 $2.000000030e-01, v1  }
0xa7: {  	s21 =	simm.s32 $0x22A0;
	v11 =	vmul.f32 $2.000000030e-01, v7;
	v3 =	vsel vm0, v3, v6;
	v6 =	vld [tilespmem:s16+$0x10];
	vm2 =	vgt.f32 v1, $0.0e+00  }
0xa8: {  	vm0 =	vgt.f32 v7, $0.0e+00;
	v3 =	vmul.f32 $1.442695020e+00, v3;
	v1 =	vsel vm2, v1, v9;
	v9 =	vld [tilespmem:s21+$0x10]  }
0xa9: {  	v5 =	vmul.f32 $1.442695020e+00, v5;
	v4 =	vadd.f32 v4, v12;
	v8 =	vadd.f32 v10, v8  }
0xaa: {  	v62 =	vld [tilespmem:s16+$0x0];
	v7 =	vsel vm0, v7, v11;
	(erf) = vpow2.f32 v3;
	v1 =	vmul.f32 $1.442695020e+00, v1  }
0xab: {  	v3 =	vld [tilespmem:s16+$0xFFFFFFF0];
	vm2 =	vgt.f32 v4, $0.0e+00;
	v11 =	vmul.f32 $2.000000030e-01, v8;
	v0 =	vadd.f32 v0, v2  }
0xac: {  	vm0 =	vgt.f32 v8, $0.0e+00;
	v2 =	vmul.f32 $1.442695020e+00, v7;
	v7 =	vld [tilespmem:s21+$0xFFFFFFF0];
	(erf) = vpow2.f32 v1  }
0xad: {  	v13 =	vld [tilespmem:s16+$0xFFFFFFE0];
	v8 =	vsel vm0, v8, v11;
	v1 =	vmul.f32 $2.000000030e-01, v0;
	v6 =	vadd.f32 v9, v6  }
0xae: {  	v10 =	vld [tilespmem:s21+$0xFFFFFFE0];
	vm1 =	vgt.f32 v0, $0.0e+00;
	(erf) = vpow2.f32 v2;
	v9 =	vmul.f32 $2.000000030e-01, v4  }
0xaf: {  	v2 =	vld [tilespmem:s21+$0x0];
	(erf) = vpow2.f32 v5;
	v1 =	vsel vm1, v0, v1;
	v5 =	vmul.f32 $2.000000030e-01, v6  }
0xb0: {  	s16 =	simm.s32 $0x1AE0;
	v0 =	vsel vm2, v4, v9;
	v4 =	vmul.f32 $1.442695020e+00, v8;
	vm0 =	vgt.f32 v6, $0.0e+00  }
0xb1: {  	s12 =	simm.s32 $0x22E0;
	v11 =	vld [tilespmem:s16+$0x10];
	v14 =	vadd.f32 v7, v3;
	v3 =	vsel vm0, v6, v5  }
0xb2: {  	v8 =	vld [tilespmem:s12+$0x10];
	v6 =	vmul.f32 $1.442695020e+00, v3  }
0xb3: {  	v7 =	vmul.f32 $1.442695020e+00, v0;
	v0 =	vld [tilespmem:s12+$0xFFFFFFE0];
	(erf) = vpow2.f32 v4;
	v5 =	vadd.f32 v10, v13  }
0xb4: {  	s7 =	simm.s32 $0x2A20;
	v15 =	vmul.f32 $1.442695020e+00, v1;
	v1 =	vld [tilespmem:s16+$0xFFFFFFF0];
	v16 =	vmul.f32 $2.000000030e-01, v14;
	v12 =	vadd.f32 v2, v62;
	v4 =	vpop (erf)  }
0xb5: {  	v3 =	vld [tilespmem:s12+$0xFFFFFFF0];
	(erf) = vpow2.f32 v7;
	v9 =	vmul.f32 $2.000000030e-01, v5;
	[tilespmem:s7+$0x10] =	vst v4;
	v2 =	vpop (erf)  }
0xb6: {  	vm1 =	vgt.f32 v14, $0.0e+00;
	v63 =	vmul.f32 $2.000000030e-01, v12;
	(erf) = vpow2.f32 v6;
	v4 =	vld [tilespmem:s12+$0x0];
	[tilespmem:s7+$0xFFFFFFF0] =	vst v2;
	v6 =	vpop (erf)  }
0xb7: {  	s11 =	simm.s32 $0x2A60;
	vm2 =	vgt.f32 v12, $0.0e+00;
	v7 =	vadd.f32 v8, v11;
	v2 =	vld [tilespmem:s16+$0x0];
	(erf) = vpow2.f32 v15;
	v11 =	vpop (erf);
	[tilespmem:s7+$0xFFFFFFE0] =	vst v6  }
0xb8: {  	s15 =	simm.s32 $0xC;
	vm0 =	vgt.f32 v5, $0.0e+00;
	v10 =	vsel vm1, v14, v16;
	v8 =	vsel vm2, v12, v63;
	v6 =	vld [tilespmem:s16+$0xFFFFFFE0];
	s16 =	simm.s32 $0x1B20;
	[tilespmem:s11+$0x10] =	vst v11  }
.LBB2_5:
0xb9: {  	v11 =	vld [tilespmem:s16+$0x10];
	v12 =	vmul.f32 $2.000000030e-01, v7;
	s12 =	sadd.s32 $0x40, s12;
	v5 =	vsel vm0, v5, v9;
	v9 =	vmul.f32 $1.442695020e+00, v10;
	v10 =	vpop (erf)  }
0xba: {  	s15 =	sadd.s32 $0x4, s15;
	vm0 =	vgt.f32 v7, $0.0e+00;
	v13 =	vld [tilespmem:s12+$0x10];
	v14 =	vadd.f32 v3, v1;
	v15 =	vmul.f32 $1.442695020e+00, v5;
	[tilespmem:s7+$0x0] =	vst v10;
	s7 =	smov.u32 s11  }
0xbb: {  	p1 =	slt.u32 s15, $0x7C;
	v16 =	vld [tilespmem:s12+$0xFFFFFFE0];
	v3 =	vsel vm0, v7, v12;
	v12 =	vmul.f32 $1.442695020e+00, v8;
	(erf) = vpow2.f32 v9  }
.Ltmp1:
0xbc: {  	v1 =	vld [tilespmem:s16+$0xFFFFFFF0];
	v8 =	vmul.f32 $2.000000030e-01, v14;
	v17 =	vadd.f32 v4, v2;
	v4 =	vmul.f32 $1.442695020e+00, v3;
	v2 =	vpop (erf);
	(pc) =	sbr.rel @p1 .LBB2_5-.Ltmp1, $4  }
0xbd: {  	vm1 =	vgt.f32 v14, $0.0e+00;
	v3 =	vld [tilespmem:s12+$0xFFFFFFF0];
	v5 =	vadd.f32 v0, v6;
	(erf) = vpow2.f32 v15;
	[tilespmem:s11+$0xFFFFFFF0] =	vst v2  }
0xbe: {  	v2 =	vld [tilespmem:s16+$0x0];
	vm2 =	vgt.f32 v17, $0.0e+00;
	v15 =	vmul.f32 $2.000000030e-01, v17;
	(erf) = vpow2.f32 v4;
	v6 =	vpop (erf)  }
0xbf: {  	s11 =	sadd.s32 $0x40, s11;
	v4 =	vld [tilespmem:s12+$0x0];
	v7 =	vadd.f32 v13, v11;
	vm0 =	vgt.f32 v5, $0.0e+00;
	v9 =	vmul.f32 $2.000000030e-01, v5;
	v11 =	vpop (erf);
	[tilespmem:s7+$0xFFFFFFE0] =	vst v6  }
0xc0: {  	v10 =	vsel vm1, v14, v8;
	v6 =	vld [tilespmem:s16+$0xFFFFFFE0];
	s16 =	sadd.s32 $0x40, s16;
	v8 =	vsel vm2, v17, v15;
	[tilespmem:s11+$0x10] =	vst v11;
	(erf) = vpow2.f32 v12;
	v0 =	vmovc v16  }
0xc1: {  	_ = 	snop  }
0xc2: {  	v11 =	vmul.f32 $2.000000030e-01, v7;
	v5 =	vsel vm0, v5, v9  }
0xc3: {  	v45 =	vmul.f32 $1.442695020e+00, v10;
	vm14 =	vgt.f32 v7, $0.0e+00;
	v48 =	vmul.f32 $1.442695020e+00, v8  }
0xc4: {  	v1 =	vadd.f32 v3, v1;
	v46 =	vmul.f32 $1.442695020e+00, v5;
	v47 =	vsel vm14, v7, v11  }
0xc5: {  	(erf) = vpow2.f32 v45;
	v2 =	vadd.f32 v4, v2;
	v0 =	vadd.f32 v0, v6  }
0xc6: {  	v49 =	vmul.f32 $2.000000030e-01, v1;
	v5 =	vmul.f32 $1.442695020e+00, v47;
	vm15 =	vgt.f32 v1, $0.0e+00  }
0xc7: {  	(erf) = vpow2.f32 v46;
	vm1 =	vgt.f32 v2, $0.0e+00;
	v50 =	vmul.f32 $2.000000030e-01, v0  }
0xc8: {  	v51 =	vmul.f32 $2.000000030e-01, v2;
	v1 =	vsel vm15, v1, v49;
	vm2 =	vgt.f32 v0, $0.0e+00  }
0xc9: {  	(erf) = vpow2.f32 v5;
	v1 =	vmul.f32 $1.442695020e+00, v1;
	v0 =	vsel vm2, v0, v50  }
0xca: {  	(erf) = vpow2.f32 v48;
	v2 =	vsel vm1, v2, v51;
	v0 =	vmul.f32 $1.442695020e+00, v0  }
0xcb: {  	v52 =	vpop (erf);
	v2 =	vmul.f32 $1.442695020e+00, v2;
	(erf) = vpow2.f32 v1  }
0xcc: {  	[tilespmem:s7+$0x0] =	vst v52;
	v53 =	vpop (erf);
	(erf) = vpow2.f32 v0  }
0xcd: {  	[tilespmem:s11+$0xFFFFFFF0] =	vst v53;
	v54 =	vpop (erf);
	(erf) = vpow2.f32 v2  }
0xce: {  	s15 =	sadd.s32 $0x40, s11;
	v55 =	vpop (erf);
	[tilespmem:s11+$0xFFFFFFE0] =	vst v54  }
0xcf: {  	[tilespmem:s15+$0x10] =	vst v55;
	v56 =	vpop (erf)  }
0xd0: {  	[tilespmem:s11+$0x0] =	vst v56;
	v57 =	vpop (erf)  }
0xd1: {  	[tilespmem:s15+$0xFFFFFFF0] =	vst v57;
	v58 =	vpop (erf)  }
0xd2: {  	s16 =	sadd.s32 $0x40, s15;
	[tilespmem:s15+$0xFFFFFFE0] =	vst v58;
	v59 =	vpop (erf)  }
0xd3: {  	[tilespmem:s16+$0x10] =	vst v59;
	v60 =	vpop (erf)  }
0xd4: {  	[tilespmem:s15+$0x0] =	vst v60;
	v61 =	vpop (erf)  }
0xd5: {  	s21 =	sshll.u32 s20, $0x1;
	[tilespmem:s16+$0xFFFFFFF0] =	vst v61;
	v62 =	vpop (erf)  }
0xd6: {  	s7 =	sand.u32 $0x1FFFFF00, s21;
	[tilespmem:s16+$0xFFFFFFE0] =	vst v62;
	v63 =	vpop (erf)  }
0xd7: {  	s7 =	sadd.s32 s8, s7;
	[tilespmem:s16+$0x0] =	vst v63  }
0xd8: {  	[hbm4b:s7+s2] =	stream.linear.scatter [tilespmem:s30], [sflag:$0x3], $0x800, $0x38;
	[tilespmem:$0x5A00] =	vst v63  }
0xd9: {  	s0 =	sadd.s32 $0x1, s0;
	_ =	swait.ge [sflag:s18], $0x800  }
0xda: {  	p1 =	sne.s32 s0, $0x29;
	[sflag:s18] =	ssyncset.done $0x0  }
.Ltmp2:
0xdb: {  	[sflag:s18] =	ssyncadd.s32 $0xFFFFF800;
	(pc) =	sbr.rel @p1 .LBB2_2-.Ltmp2, $4  }
0xdc: {  	[spmem:s1] =	stream.indirect.scatter.add.f32 [tilespmem:s30], [sflag:$0x3], $0x10, s23, s19, $0xb8;
	[tilespmem:$0x5A00] =	vst v63  }
0xdd: {  	_ =	swait.ge [sflag:s18], $0x800  }
0xde: {  	[sflag:s18] =	ssyncset.done $0x0  }
0xdf: {  	[sflag:s18] =	ssyncadd.s32 $0xFFFFF800  }
0xe0: {  	[bflag:$0x0] =	sbarrier.arrive $0xFFFF  }
0xe1: {  	s0 =	sshrl.u32 @!p0 s1, $0x3;
	s7 =	rddreg [dreg:$0x7]  }
0xe2: {  	[hbm:s7], [sflag:s10] =	dma.local @!p0 [spmem:s0], $0x5000  }
0xe3: {  	s0 =	simm.s32 @!p0 $0x3  }
0xe4: {  	_ =	swait.ge @!p0 [sflag:s0], $0x5000  }
0xe5: {  	s31 =	sadd.s32 $0x1, s31;
	s21 =	rddreg [dreg:$0x8]  }
0xe6: {  	p1 =	sne.s32 s31, s21  }
.Ltmp3:
0xe7: {  	_ = 	snop;
	(pc) =	sbr.rel @p1 .LBB2_1-.Ltmp3, $3  }
0xe8: {  	_ =	sdelay $0x1  }
0xe9: {  	[sflag:s0] =	ssyncset.done @!p0 $0x0  }
0xea: {  	[sflag:s0] =	ssyncadd.s32 @!p0 $0xFFFFB000  }
0xeb: {  	_ =	sfence.sel $0x180000  }
0xec: {  	[bflag:$0x0] =	sbarrier.arrive $0xFFFF  }
0xed: {  	_ =	strace $0x90000047  }
0xee: {  	[bflag:$0x2] =	sbarrier.arrive $0xFFFF  }
0xef: {  	s0 =	rddreg [dreg:$0x3]  }
0xf0: {  	s0 =	sadd.s32 @!p0 $0x100000, s0  }
0xf1: {  	[sflag:s0] =	ssyncadd.tile.s32 @!p0 $0x1;
	_ =	shalt  }
.Lfunc_end2:
_tile_overlayer_lowered:
.L_overlay_start_2:
0xf2: {  	(tag) =	ssettag $0x2  }
0xf3: {  	s0 =	rddreg [dreg:$0x0];
	s2 =	stileid.u32  }
0xf4: {  	s1 =	rddreg [dreg:$0x1];
	p0 =	sne.s32 s2, $0x0  }
0xf5: {  	s3 =	rddreg [dreg:$0x2];
	[bflag:$0x3] =	sbarrier.arrive $0xFFFF;
	s2 =	simm.s32 @!p0 $0x1C03  }
0xf6: {  	[timem:s3], [sflag:s2] =	dma.local @!p0 [hbm:s0], s1  }
0xf7: {  	s0 =	simm.s32 @!p0 $0x3  }
0xf8: {  	_ =	swait.ge @!p0 [sflag:s0], s1  }
0xf9: {  	s1 =	ssub.s32 @!p0 $0x0, s1;
	[sflag:s0] =	ssyncset.done @!p0 $0x0  }
0xfa: {  	[sflag:s0] =	ssyncadd.s32 @!p0 s1  }
0xfb: {  	[bflag:$0x3] =	sbarrier.arrive $0xFFFF  }
0xfc: {  	_ =	shalt  }

// kernel: kernel.15.cloned.1.call-start
scs
__scs_entry_jumppad:
0x0: {  	(pc) =	sbr.rel $0x88, $3  }
0x1: {  	(tag) =	ssettag $0x0;
	lr =	simm.s32 $0x1  }
0x2: {  	[smem:$0x3F97] =	sst lr;
	_ =	strace $0xD0000000  }
0x3: {  	_ = 	snop  }
0x4: {  	_ = 	snop  }
0x5: {  	_ = 	snop  }
0x6: {  	_ = 	snop  }
0x7: {  	_ = 	snop  }
__scs_overlays_trampoline_lowered:
0x8: {  	[smem:$0x3FA6] =	sst s0  }
0x9: {  	[smem:$0x3FA7] =	sst s1  }
0xa: {  	[smem:$0x3FA8] =	sst s2  }
0xb: {  	[smem:$0x3FA9] =	sst s3  }
0xc: {  	[smem:$0x3FAA] =	sst s4  }
0xd: {  	[smem:$0x3FAB] =	sst s5  }
0xe: {  	[smem:$0x3FAC] =	sst s6  }
0xf: {  	[smem:$0x3FAD] =	sst s7  }
0x10: {  	[smem:$0x3FAE] =	sst s8  }
0x11: {  	[smem:$0x3FAF] =	sst s9;
	s0 =	simm.s32 @!p0 $0x0  }
0x12: {  	s1 =	sld [smem:$0x3F95];
	s0 =	simm.s32 @p0 $0x1  }
0x13: {  	[smem:$0x3FB0] =	sst s0;
	s0 =	simm.s32 @!p1 $0x0  }
0x14: {  	s2 =	sld [smem:$0x3F94];
	s0 =	simm.s32 @p1 $0x1  }
0x15: {  	[smem:$0x3FB1] =	sst s0;
	s0 =	simm.s32 @!p2 $0x0  }
0x16: {  	s3 =	sld [smem:$0x3FDB];
	s0 =	simm.s32 @p2 $0x1  }
0x17: {  	s4 =	simm.s32 $0x1BF5;
	[smem:$0x3FB3] =	sst s0  }
0x18: {  	s0 =	sld [smem:$0x3F96];
	_ =	swait.ge [sflag:s4], $0x0  }
0x19: {  	s7 =	sld [smem:$0x3F97]  }
0x1a: {  	s8 =	sadd.s32 $0xFFFFE003, lr  }
0x1b: {  	s9 =	sadd.s32 $0xFFFFFEF7, lr;
	s5 =	simm.s32 $0xFFFFFFFF;
	p2 =	slt.u32 s8, $0xFFFFF086  }
0x1c: {  	p1 =	slt.u32 s9, $0xF7A;
	s5 =	simm.s32 @!p2 $0x0  }
0x1d: {  	s5 =	simm.s32 @p1 $0x1;
	p0 =	seq.s32 s7, s2  }
0x1e: {  	s7 =	smul.u32 @!p0 $0xF7A, s2;
	p2 =	seq.s32 @!p0 s5, $0x0  }
0x1f: {  	s9 =	smul.u32 $0xF7A, s1;
	s8 =	simm.s32 @!p0 $0x1BF5;
	p2 =	por !p2, p0  }
0x20: {  	[sflag:s8] =	ssyncset.s32 @!p0 $0xFFFFF086;
	s6 =	sadd.s32 @!p0 s3, s7;
	s7 =	simm.s32 @!p0 $0x108  }
0x21: {  	s3 =	sadd.s32 s3, s9;
	s6 =	sadd.s32 @!p0 $0x88, s6;
	s7 =	simm.s32 @p2 $0x1082  }
0x22: {  	[simem:s7], [sflag:s8] =	dma.local @!p0 [hbm:s6], $0xF7A  }
0x23: {  	s9 =	sor.u32 $0xD0000000, s2;
	s6 =	simm.s32 $0x108;
	_ =	swait.ge @!p0 [sflag:s8], $0x0  }
0x24: {  	s3 =	sadd.s32 $0x88, s3;
	s6 =	simm.s32 @!p1 $0x1082;
	[sflag:s4] =	ssyncset.s32 $0xFFFFF086  }
0x25: {  	[simem:s6], [sflag:s4] =	dma.local [hbm:s3], $0xF7A  }
0x26: {  	[smem:$0x3F97] =	sst s1;
	(tag) =	ssettag s2;
	_ =	strace s9  }
0x27: {  	s1 =	sld [smem:$0x3FA7]  }
0x28: {  	s2 =	sld [smem:$0x3FA8]  }
0x29: {  	s4 =	sld [smem:$0x3FAA]  }
0x2a: {  	p0 =	seq.s32 s5, $0x0;
	s5 =	sld [smem:$0x3FAB]  }
0x2b: {  	s6 =	sld [smem:$0x3FAC]  }
0x2c: {  	s7 =	sld [smem:$0x3FAD]  }
0x2d: {  	s3 =	simm.s32 $0x108;
	s8 =	sld [smem:$0x3FAE]  }
0x2e: {  	s3 =	simm.s32 @!p0 $0x1082;
	s9 =	sld [smem:$0x3FAF]  }
0x2f: {  	lr =	sadd.s32 s0, s3;
	s0 =	sld [smem:$0x3FA6]  }
0x30: {  	s3 =	sld [smem:$0x3FA9]  }
0x31: {  	[smem:$0x3FB2] =	sst s10  }
0x32: {  	s10 =	sld [smem:$0x3FB0];
	_ =	sdelay $0x3  }
0x33: {  	p0 =	seq.s32 s10, $0x1;
	s10 =	sld [smem:$0x3FB2];
	_ =	sdelay $0x3  }
0x34: {  	[smem:$0x3FB2] =	sst s10  }
0x35: {  	s10 =	sld [smem:$0x3FB1];
	_ =	sdelay $0x3  }
0x36: {  	p1 =	seq.s32 s10, $0x1;
	s10 =	sld [smem:$0x3FB2];
	_ =	sdelay $0x3  }
0x37: {  	[smem:$0x3FB2] =	sst s10  }
0x38: {  	s10 =	sld [smem:$0x3FB3]  }
0x39: {  	_ = 	snop;
	(pc) =	sbr.ind lr, $3  }
0x3a: {  	_ = 	snop  }
0x3b: {  	_ = 	snop  }
0x3c: {  	p2 =	seq.s32 s10, $0x1;
	s10 =	sld [smem:$0x3FB2]  }
0x3d: {  	_ =	shalt  }
0x3e: {  	_ =	shalt  }
0x3f: {  	_ =	shalt  }
0x40: {  	_ =	shalt  }
0x41: {  	_ =	shalt  }
0x42: {  	_ =	shalt  }
0x43: {  	_ =	shalt  }
0x44: {  	_ =	shalt  }
0x45: {  	_ =	shalt  }
0x46: {  	_ =	shalt  }
0x47: {  	_ =	shalt  }
0x48: {  	_ =	shalt  }
0x49: {  	_ =	shalt  }
0x4a: {  	_ =	shalt  }
0x4b: {  	_ =	shalt  }
0x4c: {  	_ =	shalt  }
0x4d: {  	_ =	shalt  }
0x4e: {  	_ =	shalt  }
0x4f: {  	_ =	shalt  }
0x50: {  	_ =	shalt  }
0x51: {  	_ =	shalt  }
0x52: {  	_ =	shalt  }
0x53: {  	_ =	shalt  }
0x54: {  	_ =	shalt  }
0x55: {  	_ =	shalt  }
0x56: {  	_ =	shalt  }
0x57: {  	_ =	shalt  }
0x58: {  	_ =	shalt  }
0x59: {  	_ =	shalt  }
0x5a: {  	_ =	shalt  }
0x5b: {  	_ =	shalt  }
0x5c: {  	_ =	shalt  }
0x5d: {  	_ =	shalt  }
0x5e: {  	_ =	shalt  }
0x5f: {  	_ =	shalt  }
0x60: {  	_ =	shalt  }
0x61: {  	_ =	shalt  }
0x62: {  	_ =	shalt  }
0x63: {  	_ =	shalt  }
0x64: {  	_ =	shalt  }
0x65: {  	_ =	shalt  }
0x66: {  	_ =	shalt  }
0x67: {  	_ =	shalt  }
0x68: {  	_ =	shalt  }
0x69: {  	_ =	shalt  }
0x6a: {  	_ =	shalt  }
0x6b: {  	_ =	shalt  }
0x6c: {  	_ =	shalt  }
0x6d: {  	_ =	shalt  }
0x6e: {  	_ =	shalt  }
0x6f: {  	_ =	shalt  }
0x70: {  	_ =	shalt  }
0x71: {  	_ =	shalt  }
0x72: {  	_ =	shalt  }
0x73: {  	_ =	shalt  }
0x74: {  	_ =	shalt  }
0x75: {  	_ =	shalt  }
0x76: {  	_ =	shalt  }
0x77: {  	_ =	shalt  }
0x78: {  	_ =	shalt  }
0x79: {  	_ =	shalt  }
0x7a: {  	_ =	shalt  }
0x7b: {  	_ =	shalt  }
0x7c: {  	_ =	shalt  }
0x7d: {  	_ =	shalt  }
0x7e: {  	_ =	shalt  }
0x7f: {  	_ =	shalt  }
0x80: {  	_ =	shalt  }
0x81: {  	_ =	shalt  }
0x82: {  	_ =	shalt  }
0x83: {  	_ =	shalt  }
0x84: {  	_ =	shalt  }
0x85: {  	_ =	shalt  }
0x86: {  	_ =	shalt  }
0x87: {  	_ =	shalt  }
.Lfunc_end0:
.L_simem_size_0:
called_computation.1_lowered:
.L_overlay_start_0:
0x88: {  	s2 =	sld [smem:$0x3FD9]  }
0x89: {  	s3 =	sld [smem:$0x3FFE];
	_ =	sdelay $0x1  }
0x8a: {  	s1 =	srdreg.scid  }
0x8b: {  	s0 =	sand.u32 $0x1, s1  }
0x8c: {  	s15 =	sshll.u32 s0, $0xA;
	s2 =	sadd.s32 s3, s2  }
0x8d: {  	s2 =	sadd.s32 s2, s15  }
0x8e: {  	[smem:$0x3FBE] =	sst s2  }
0x8f: {  	_ = 	snop  }
0x90: {  	s2 =	sld [smem:$0x3FD0];
	_ =	sdelay $0x2  }
0x91: {  	s16 =	simm.s32 $0xB;
	s4 =	simm.s32 $0x10  }
0x92: {  	[smem:s4], [sflag:s16] =	dma.local [hbm:s2], $0x1  }
0x93: {  	_ =	swait.eq [sflag:s16], $0x1  }
0x94: {  	[sflag:s16] =	ssyncset.done $0x0  }
0x95: {  	s17 =	sld [smem:$0x10];
	[sflag:s16] =	ssyncadd.s32 $0xFFFFFFFF  }
0x96: {  	s18 =	sld [smem:$0x11];
	(tm) =	ssettm $0x1  }
0x97: {  	s19 =	sld [smem:$0x3FFB];
	_ =	sdelay $0x3  }
0x98: {  	_ =	strace s19  }
0x99: {  	s2 =	sld [smem:$0x3FFC];
	_ =	sdelay $0x3  }
0x9a: {  	_ =	strace s2  }
0x9b: {  	s2 =	sld [smem:$0x3FFD];
	_ =	sdelay $0x3  }
0x9c: {  	_ =	strace s2  }
0x9d: {  	_ =	strace $0x8FFFFFFF  }
0x9e: {  	s20 =	sld [smem:$0x3FDB];
	_ =	sdelay $0x1  }
0x9f: {  	s5 =	simm.s32 $_scs_section_size  }
0xa0: {  	s6 =	simm.s32 $_size__tile_overlayer_lowered;
	s7 =	simm.s32 $_tile_overlayer_lowered  }
0xa1: {  	s8 =	simm.s32 $0x1BFF;
	s21 =	sshll.u32 s7, $0x1;
	s5 =	sadd.s32 s5, s20  }
0xa2: {  	s22 =	simm.s32 $0x0;
	s6 =	sshll.u32 s6, $0x1;
	s7 =	sadd.s32 s21, s5  }
0xa3: {  	[timem:s22], [sflag:s8] =	dma.local [hbm:s7], s6  }
0xa4: {  	_ =	swait.ge [sflag:s8], s6  }
0xa5: {  	s6 =	ssub.s32 $0x0, s6;
	[sflag:s8] =	ssyncset.done $0x0  }
0xa6: {  	[sflag:s8] =	ssyncadd.s32 s6;
	_ =	sdelay $0x1  }
0xa7: {  	s23 =	simm.s32 $0x1B8B  }
0xa8: {  	_ =	swait.ge [sflag:s23], $0x1  }
0xa9: {  	[sflag:s23] =	ssyncset.done $0x0  }
0xaa: {  	[sflag:s23] =	ssyncadd.s32 $0xFFFFFFFF  }
0xab: {  	s6 =	sld [smem:$0x0]  }
0xac: {  	s7 =	sand.u32 $0xFFFFFFFE, s1  }
0xad: {  	p0 =	sne.s32 s1, s7  }
0xae: {  	s7 =	sshll.u32 @p0 s7, $0xE  }
0xaf: {  	s7 =	sadd.s32 @p0 $0x11B8D, s7;
	s8 =	sshll.u32 @p0 s6, $0x11  }
0xb0: {  	s7 =	sor.u32 @p0 s8, s7  }
0xb1: {  	[sflag:s7] =	ssyncadd.remote.s32 @p0 $0x1;
	_ =	sdelay $0x1  }
0xb2: {  	s7 =	simm.s32 @p0 $0x1B8D  }
0xb3: {  	_ =	swait.eq @p0 [sflag:s7], $0x1  }
0xb4: {  	[sflag:s7] =	ssyncadd.s32 @p0 $0xFFFFFFFF  }
0xb5: {  	s8 =	sshll.u32 @!p0 s1, $0xE  }
0xb6: {  	s8 =	sor.u32 @!p0 $0x4000, s8;
	s7 =	simm.s32 @!p0 $0x1B8D  }
0xb7: {  	s6 =	sshll.u32 @!p0 s6, $0x11;
	s8 =	sadd.s32 @!p0 $0x11B8D, s8;
	_ =	swait.eq @!p0 [sflag:s7], $0x1  }
0xb8: {  	s6 =	sor.u32 @!p0 s6, s8;
	[sflag:s7] =	ssyncadd.s32 @!p0 $0xFFFFFFFF  }
0xb9: {  	s25 =	simm.s32 $0x1B8E;
	s24 =	sld [smem:$0x3FFE];
	[sflag:s6] =	ssyncadd.remote.s32 @!p0 $0x1  }
0xba: {  	s26 =	simm.s32 $execute0_lowered;
	[smem:$0x3FD2] =	sst s25  }
0xbb: {  	s7 =	sshll.u32 s26, $0x1;
	_ =	strace $0x8000004C;
	[dreg:$0x1] =	wrdreg $0xFFFFFFFF  }
0xbc: {  	s28 =	simm.s32 $_size_execute0_lowered;
	s5 =	sadd.s32 s5, s7;
	[dreg:$0x0] =	wrdreg $0x0  }
0xbd: {  	s7 =	sshll.u32 s28, $0x1;
	[dreg:$0x2] =	wrdreg s5  }
0xbe: {  	[dreg:$0x3] =	wrdreg s7  }
0xbf: {  	[dreg:$0x4] =	wrdreg $0xC0  }
0xc0: {  	_ =	task [dreg:s22], $0x5FFFF  }
0xc1: {  	[dreg:$0x1] =	wrdreg $0xFFFFFFFF  }
0xc2: {  	[dreg:$0x0] =	wrdreg $0x60  }
0xc3: {  	[dreg:$0x2] =	wrdreg s17  }
0xc4: {  	[dreg:$0x3] =	wrdreg s24  }
0xc5: {  	[dreg:$0x4] =	wrdreg s18  }
0xc6: {  	[dreg:$0x5] =	wrdreg $0xA2000  }
0xc7: {  	[dreg:$0x6] =	wrdreg $0x9  }
0xc8: {  	_ =	task.clear_ibuf [dreg:s22], $0x7FFFF;
	_ =	strace $0x9000004C  }
0xc9: {  	s29 =	simm.s32 $0x9;
	_ =	strace $0x8000004E  }
0xca: {  	_ =	swait.ge [sflag:s29], $0x1  }
0xcb: {  	[sflag:s29] =	ssyncadd.s32 $0xFFFFFFFF  }
0xcc: {  	_ =	strace $0x9000004E  }
0xcd: {  	_ =	sfence  }
0xce: {  	s30 =	sld [smem:$0x0];
	_ =	sdelay $0x2  }
0xcf: {  	s31 =	sshll.u32 s1, $0xD;
	s1 =	sshrl.u32 s1, $0x2  }
0xd0: {  	s4 =	sand.u32 $0x4000, s31;
	s1 =	sadd.s32 s1, s30  }
0xd1: {  	s0 =	sor.u32 s4, s0;
	s1 =	sshll.u32 s1, $0x11  }
0xd2: {  	s0 =	sor.u32 s1, s0  }
0xd3: {  	s0 =	sadd.s32 $0x8F2B, s0  }
0xd4: {  	[sflag:s0] =	ssyncadd.remote.s32 $0x1  }
0xd5: {  	_ =	sfence.sel $0xFFFF  }
0xd6: {  	[dreg:$0x0] =	wrdreg $0xFFFFFFFF;
	(pc) =	sbr.abs _section_cstart, $3  }
0xd7: {  	[dreg:$0x1] =	wrdreg $0xFFFFFFFF  }
0xd8: {  	_ =	task.clear_ibuf [dreg:s22], $0x2FFFF;
	_ =	strace $0x9FFFFFFF  }
0xd9: {  	(tm) =	ssettm $0x7FFFFFFF  }
tec
execute0_lowered:
.L_overlay_start_1:
0x0: {  	(tag) =	ssettag $0x1  }
0x1: {  	s1 =	rddreg [dreg:$0x0]  }
0x2: {  	s0 =	rddreg [dreg:$0x1]  }
0x3: {  	s8 =	rddreg [dreg:$0x2]  }
0x4: {  	s2 =	rddreg [dreg:$0x3]  }
0x5: {  	s3 =	simm.s32 $0x0;
	s9 =	srdreg.scid;
	s11 =	stileid.u32  }
0x6: {  	s18 =	simm.s32 $0x3;
	s20 =	simm.s32 $0x80;
	s22 =	simm.s32 $0x1100  }
0x7: {  	s23 =	simm.s32 $0x5200;
	s28 =	simm.s32 $0x6200;
	s29 =	simm.s32 $0x1  }
0x8: {  	s30 =	simm.s32 $0x2;
	s31 =	simm.s32 $0x0;
	[smem:$0x7FF] =	sst s3  }
0x9: {  	s4 =	sadd.s32 $0x3EE00, s0;
	s5 =	sadd.s32 $0x34A00, s0;
	s6 =	sadd.s32 $0x49800, s0  }
0xa: {  	s7 =	sadd.s32 $0x2AA00, s0;
	s12 =	sand.u32 $0x1, s9;
	s13 =	smul.u32 $0x50000, s11  }
0xb: {  	s0 =	sadd.s32 $0x2FA00, s0;
	s14 =	sshll.u32 s11, $0x6;
	_ =	strace $0x8000004D  }
0xc: {  	s9 =	ssub.s32 $0x2, s12;
	s10 =	sshll.u32 s12, $0x4;
	[dreg:$0x5] =	wrdreg s0  }
0xd: {  	s12 =	smul.u32 $0x28000, s12;
	s24 =	sshrl.u32 s9, $0x1;
	s10 =	sor.u32 s11, s10  }
0xe: {  	s13 =	sshrl.u32 s13, $0x2;
	s0 =	ssub.s32 s9, s24;
	s9 =	smul.u32 $0x2900, s10  }
0xf: {  	p0 =	sne.s32 s11, $0x0;
	s13 =	sadd.s32 s13, s2;
	s15 =	smul.u32 $0x5200, s10  }
0x10: {  	s10 =	sor.u32 $0x1C03, s14;
	s24 =	simm.s32 $0x5100;
	s16 =	smax.u32 s0, $0x1  }
0x11: {  	s17 =	sshrl.u32 s13, $0x3;
	s25 =	sshrl.u32 s9, $0x3;
	s15 =	sadd.s32 s6, s15  }
0x12: {  	[dreg:$0x6] =	wrdreg s15;
	s26 =	sadd.s32 s4, s25;
	s14 =	sadd.s32 s5, s25  }
0x13: {  	s15 =	sadd.s32 s8, s12;
	s25 =	simm.s32 $0x5180;
	[dreg:$0x7] =	wrdreg s26  }
0x14: {  	[dreg:$0x8] =	wrdreg s14;
	s14 =	sadd.s32 $0x100, s9;
	s26 =	simm.s32 $0x5A00  }
.LBB2_1:
0x15: {  	s0 =	rddreg [dreg:$0x5]  }
0x16: {  	[spmem:s17], [sflag:s10] =	dma.local [hbm:s0], $0x2800  }
0x17: {  	_ =	swait.ge [sflag:s18], $0x2800  }
0x18: {  	[sflag:s18] =	ssyncset.done $0x0  }
0x19: {  	[sflag:s18] =	ssyncadd.s32 $0xFFFFD800  }
0x1a: {  	[bflag:$0x0] =	sbarrier.arrive $0xFFFF  }
0x1b: {  	s8 =	simm.s32 $0x100;
	s12 =	rddreg [dreg:$0x6]  }
0x1c: {  	[tilespmem:s8], [sflag:$0x1] =	stream.linear.gather [hbm4b:s12+s3], $0x800, $0x38;
	[tilespmem:$0x1E200] =	vst v63  }
0x1d: {  	s13 =	rddreg [dreg:$0x7]  }
0x1e: {  	[tilespmem:s3], [sflag:$0x3] =	stream.linear.gather [hbm4b:s13+s3], $0x80, $0x38;
	[tilespmem:$0x1E200] =	vst v63  }
0x1f: {  	_ =	swait.ge [sflag:s18], $0x80  }
0x20: {  	[sflag:s18] =	ssyncset.done $0x0  }
0x21: {  	s19 =	rddreg [dreg:$0x8];
	[sflag:s18] =	ssyncadd.s32 $0xFFFFFF80  }
0x22: {  	[tilespmem:s20], [sflag:$0x3] =	stream.linear.gather [hbm4b:s19+s3], $0x80, $0x38;
	[tilespmem:$0x1E200] =	vst v63  }
0x23: {  	_ =	swait.ge [sflag:s18], $0x80  }
0x24: {  	[sflag:s18] =	ssyncset.done $0x0  }
0x25: {  	s21 =	simm.s32 $0x900;
	[sflag:s18] =	ssyncadd.s32 $0xFFFFFF80  }
0x26: {  	[tilespmem:s21], [sflag:$0x1] =	stream.indirect.gather [hbm4b:s7+s20], $0x10, s20, s20, $0xb8;
	[tilespmem:$0x1E200] =	vst v63  }
0x27: {  	s0 =	simm.s32 $0x0  }
0x28: {  	[tilespmem:s22], [sflag:$0x1] =	stream.indirect.gather [hbm4b:s1+s20], $0x80, s3, s20, $0xb8;
	[tilespmem:$0x1E200] =	vst v63  }
.LBB2_2:
0x29: {  	s19 =	sshll.u32 s0, $0x8  }
0x2a: {  	s8 =	sadd.s32 s19, s9  }
0x2b: {  	s8 =	sadd.s32 $0x80, s8  }
0x2c: {  	s11 =	sshll.u32 s8, $0x1  }
0x2d: {  	s11 =	sand.u32 $0x1FFFFF00, s11  }
0x2e: {  	s8 =	sshrl.u32 s8, $0x3;
	s11 =	sadd.s32 s6, s11  }
0x2f: {  	[tilespmem:s23], [sflag:$0x2] =	stream.linear.gather [hbm4b:s11+s3], $0x800, $0x38;
	[tilespmem:$0x1E200] =	vst v63  }
0x30: {  	s13 =	sadd.s32 s4, s8  }
0x31: {  	[tilespmem:s24], [sflag:$0x3] =	stream.linear.gather [hbm4b:s13+s3], $0x80, $0x38;
	[tilespmem:$0x1E200] =	vst v63  }
0x32: {  	_ =	swait.ge [sflag:s18], $0x80  }
0x33: {  	[sflag:s18] =	ssyncset.done $0x0  }
0x34: {  	s8 =	sadd.s32 s5, s8;
	[sflag:s18] =	ssyncadd.s32 $0xFFFFFF80  }
0x35: {  	[tilespmem:s25], [sflag:$0x3] =	stream.linear.gather [hbm4b:s8+s3], $0x80, $0x38;
	[tilespmem:$0x1E200] =	vst v63  }
0x36: {  	_ =	swait.ge [sflag:s18], $0x80  }
0x37: {  	[sflag:s18] =	ssyncset.done $0x0  }
0x38: {  	[sflag:s18] =	ssyncadd.s32 $0xFFFFFF80  }
0x39: {  	[tilespmem:s26], [sflag:$0x2] =	stream.indirect.gather [hbm4b:s7+s20], $0x10, s25, s20, $0xb8;
	[tilespmem:$0x1E200] =	vst v63  }
0x3a: {  	_ = 	snop  }
0x3b: {  	[tilespmem:s28], [sflag:$0x2] =	stream.indirect.gather [hbm4b:s1+s20], $0x80, s24, s20, $0xb8;
	[tilespmem:$0x1E200] =	vst v63  }
0x3c: {  	_ =	swait.ge [sflag:s29], $0x800  }
0x3d: {  	[sflag:s29] =	ssyncset.done $0x0  }
0x3e: {  	[sflag:s29] =	ssyncadd.s32 $0xFFFFF800  }
0x3f: {  	_ =	swait.ge [sflag:s29], $0x800  }
0x40: {  	[sflag:s29] =	ssyncset.done $0x0  }
0x41: {  	[sflag:s29] =	ssyncadd.s32 $0xFFFFF800  }
0x42: {  	_ =	swait.ge [sflag:s29], $0x4000  }
0x43: {  	[sflag:s29] =	ssyncset.done $0x0  }
0x44: {  	s21 =	simm.s32 $0x920;
	[sflag:s29] =	ssyncadd.s32 $0xFFFFC000  }
0x45: {  	v0 =	vld [tilespmem:s21+$0x10]  }
0x46: {  	v1 =	vld [tilespmem:s21+$0xFFFFFFE0]  }
0x47: {  	v2 =	vld [tilespmem:s21+$0xFFFFFFF0]  }
0x48: {  	v3 =	vld [tilespmem:s21+$0x0];
	_ =	sdelay $0x1  }
0x49: {  	(erf) = vrcp.f32 v0  }
0x4a: {  	s21 =	simm.s32 $0x1200;
	(erf) = vrcp.f32 v1  }
0x4b: {  	v4 =	vld [tilespmem:s21+$0xF0];
	(erf) = vrcp.f32 v2  }
0x4c: {  	v5 =	vld [tilespmem:s21+$0xFFFFFF00];
	(erf) = vrcp.f32 v3  }
0x4d: {  	s8 =	simm.s32 $0x120;
	v6 =	vld [tilespmem:s21+$0xFFFFFF10]  }
0x4e: {  	v0 =	vld [tilespmem:s8+$0x10]  }
0x4f: {  	v3 =	vld [tilespmem:s8+$0xFFFFFFE0]  }
0x50: {  	v1 =	vld [tilespmem:s8+$0xFFFFFFF0]  }
0x51: {  	v2 =	vld [tilespmem:s8+$0x0]  }
0x52: {  	v8 =	vld [tilespmem:s21+$0xFFFFFF20];
	v7 =	vpop (erf)  }
0x53: {  	v10 =	vld [tilespmem:s21+$0xFFFFFF30];
	v7 =	vmul.f32 v7, v0;
	v9 =	vpop (erf)  }
0x54: {  	v11 =	vld [tilespmem:s21+$0xFFFFFF40];
	v0 =	vpop (erf);
	v3 =	vmul.f32 v9, v3  }
0x55: {  	v13 =	vld [tilespmem:s21+$0xFFFFFF50];
	v1 =	vmul.f32 v0, v1;
	v0 =	vbroadcast v7, $0x3;
	v12 =	vpop (erf)  }
0x56: {  	v14 =	vld [tilespmem:s21+$0xFFFFFF70];
	v2 =	vmul.f32 v12, v2;
	v15 =	vbroadcast v3, $0x0  }
0x57: {  	v17 =	vld [tilespmem:s21+$0xFFFFFF80];
	v16 =	vbroadcast v3, $0x1;
	v18 =	vbroadcast v3, $0x2  }
0x58: {  	v20 =	vld [tilespmem:s21+$0xFFFFFF90];
	v19 =	vbroadcast v3, $0x3;
	v3 =	vbroadcast v7, $0x0  }
0x59: {  	v23 =	vld [tilespmem:s21+$0xFFFFFFA0];
	v12 =	vbroadcast v1, $0x0;
	v4 =	vmul.f32 v4, v0  }
0x5a: {  	v26 =	vld [tilespmem:s21+$0xFFFFFFB0];
	v21 =	vbroadcast v1, $0x1;
	v22 =	vbroadcast v1, $0x2  }
0x5b: {  	v28 =	vld [tilespmem:s21+$0xFFFFFFC0];
	v24 =	vbroadcast v1, $0x3;
	v25 =	vbroadcast v2, $0x0  }
0x5c: {  	v29 =	vld [tilespmem:s21+$0xFFFFFFD0];
	v27 =	vbroadcast v2, $0x1;
	v1 =	vmul.f32 v15, v5  }
0x5d: {  	v30 =	vld [tilespmem:s21+$0xFFFFFFE0];
	v5 =	vbroadcast v2, $0x2;
	v6 =	vmul.f32 v15, v6;
	[tilespmem:s21+$0xF0] =	vst v4  }
0x5e: {  	v9 =	vld [tilespmem:s21+$0xFFFFFF60];
	v8 =	vmul.f32 v8, v16;
	v10 =	vmul.f32 v10, v16;
	[tilespmem:s21+$0xFFFFFF00] =	vst v1  }
0x5f: {  	v31 =	vld [tilespmem:s21+$0xFFFFFFF0];
	v4 =	vbroadcast v2, $0x3;
	v2 =	vbroadcast v7, $0x1;
	[tilespmem:s21+$0xFFFFFF10] =	vst v6  }
0x60: {  	v17 =	vmul.f32 v12, v17;
	v6 =	vmul.f32 v11, v18;
	[tilespmem:s21+$0xFFFFFF20] =	vst v8;
	v11 =	vld [tilespmem:s21+$0x0]  }
0x61: {  	v1 =	vbroadcast v7, $0x2;
	v7 =	vmul.f32 v13, v18;
	[tilespmem:s21+$0xFFFFFF30] =	vst v10;
	v13 =	vld [tilespmem:s21+$0x10]  }
0x62: {  	v10 =	vmul.f32 v14, v19;
	v14 =	vld [tilespmem:s21+$0x20];
	[tilespmem:s21+$0xFFFFFF80] =	vst v17  }
0x63: {  	v8 =	vmul.f32 v9, v19;
	v18 =	vmul.f32 v12, v20;
	v19 =	vld [tilespmem:s21+$0x30];
	[tilespmem:s21+$0xFFFFFF40] =	vst v6  }
0x64: {  	v15 =	vld [tilespmem:s21+$0x40];
	v20 =	vmul.f32 v23, v21;
	v9 =	vmul.f32 v28, v22;
	[tilespmem:s21+$0xFFFFFF50] =	vst v7  }
0x65: {  	v16 =	vld [tilespmem:s21+$0x50];
	v7 =	vmul.f32 v26, v21;
	[tilespmem:s21+$0xFFFFFF60] =	vst v8;
	v6 =	vmul.f32 v29, v22  }
0x66: {  	v17 =	vld [tilespmem:s21+$0x60];
	[tilespmem:s21+$0xFFFFFF70] =	vst v10;
	v8 =	vmul.f32 v30, v24;
	v10 =	vmul.f32 v31, v24  }
0x67: {  	[tilespmem:s21+$0xFFFFFF90] =	vst v18;
	v18 =	vld [tilespmem:s21+$0x70];
	v11 =	vmul.f32 v25, v11;
	v12 =	vmul.f32 v25, v13  }
0x68: {  	s12 =	simm.s32 $0x0;
	s11 =	simm.s32 $0x1200;
	s13 =	simm.s32 $0x960;
	[tilespmem:s21+$0xFFFFFFA0] =	vst v20;
	v14 =	vmul.f32 v14, v27;
	v13 =	vmul.f32 v19, v27;
	v19 =	vld [tilespmem:s21+$0x80]  }
.LBB2_3:
0x69: {  	v20 =	vld [tilespmem:s13+$0x10];
	s12 =	sadd.s32 $0x4, s12;
	[tilespmem:s21+$0xFFFFFFB0] =	vst v7;
	v7 =	vmul.f32 v15, v5  }
0x6a: {  	v15 =	vld [tilespmem:s13+$0xFFFFFFE0];
	p1 =	slt.u32 s12, $0x7C;
	[tilespmem:s21+$0xFFFFFFC0] =	vst v9;
	v5 =	vmul.f32 v16, v5  }
0x6b: {  	v9 =	vld [tilespmem:s13+$0xFFFFFFF0];
	[tilespmem:s21+$0xFFFFFFD0] =	vst v6;
	v6 =	vmul.f32 v17, v4  }
0x6c: {  	v16 =	vld [tilespmem:s13+$0x0];
	[tilespmem:s21+$0xFFFFFFE0] =	vst v8;
	v4 =	vmul.f32 v18, v4  }
0x6d: {  	[tilespmem:s21+$0xFFFFFFF0] =	vst v10;
	v8 =	vmul.f32 v3, v19;
	v10 =	vld [tilespmem:s21+$0x90]  }
0x6e: {  	(erf) = vrcp.f32 v20;
	[tilespmem:s21+$0x0] =	vst v11;
	v11 =	vld [tilespmem:s21+$0xA0]  }
0x6f: {  	(erf) = vrcp.f32 v15;
	[tilespmem:s21+$0x10] =	vst v12;
	v12 =	vld [tilespmem:s21+$0xB0]  }
0x70: {  	(erf) = vrcp.f32 v9;
	[tilespmem:s21+$0x20] =	vst v14;
	v9 =	vld [tilespmem:s21+$0xC0]  }
0x71: {  	(erf) = vrcp.f32 v16;
	[tilespmem:s21+$0x30] =	vst v13;
	v13 =	vld [tilespmem:s21+$0xD0]  }
0x72: {  	s8 =	sadd.s32 $0x40, s8;
	[tilespmem:s21+$0x40] =	vst v7;
	v3 =	vmul.f32 v3, v10;
	v7 =	vld [tilespmem:s21+$0xE0]  }
0x73: {  	v10 =	vld [tilespmem:s8+$0x10];
	[tilespmem:s21+$0x50] =	vst v5;
	v5 =	vmul.f32 v11, v2  }
0x74: {  	v11 =	vld [tilespmem:s8+$0xFFFFFFF0];
	[tilespmem:s21+$0x60] =	vst v6;
	v2 =	vmul.f32 v12, v2  }
0x75: {  	v6 =	vld [tilespmem:s8+$0x0];
	[tilespmem:s21+$0x70] =	vst v4;
	v4 =	vmul.f32 v9, v1  }
0x76: {  	s21 =	sadd.s32 $0x200, s21;
	v9 =	vld [tilespmem:s8+$0xFFFFFFE0];
	[tilespmem:s11+$0x80] =	vst v8;
	v1 =	vmul.f32 v13, v1  }
0x77: {  	v8 =	vld [tilespmem:s21+$0xF0];
	v12 =	vpop (erf);
	[tilespmem:s11+$0x90] =	vst v3;
	v3 =	vmul.f32 v7, v0  }
0x78: {  	v7 =	vld [tilespmem:s21+$0xFFFFFF00];
	v10 =	vmul.f32 v12, v10;
	v12 =	vpop (erf);
	[tilespmem:s11+$0xA0] =	vst v5  }
0x79: {  	v13 =	vld [tilespmem:s21+$0xFFFFFF10];
	v0 =	vpop (erf);
	[tilespmem:s11+$0xB0] =	vst v2  }
0x7a: {  	v14 =	vld [tilespmem:s21+$0xFFFFFF20];
	v2 =	vmul.f32 v0, v11;
	v0 =	vbroadcast v10, $0x3;
	v5 =	vpop (erf);
	[tilespmem:s11+$0xC0] =	vst v4  }
0x7b: {  	v4 =	vmul.f32 v12, v9;
	v9 =	vld [tilespmem:s21+$0xFFFFFF30];
	v6 =	vmul.f32 v5, v6;
	[tilespmem:s11+$0xD0] =	vst v1  }
0x7c: {  	v11 =	vld [tilespmem:s21+$0xFFFFFF40];
	v12 =	vbroadcast v2, $0x0;
	v1 =	vmul.f32 v8, v0;
	[tilespmem:s11+$0xE0] =	vst v3;
	s11 =	smov.u32 s21  }
0x7d: {  	v8 =	vbroadcast v4, $0x0;
	v15 =	vbroadcast v4, $0x1;
	v16 =	vld [tilespmem:s21+$0xFFFFFF50]  }
0x7e: {  	v17 =	vbroadcast v4, $0x2;
	v19 =	vbroadcast v4, $0x3;
	v18 =	vld [tilespmem:s21+$0xFFFFFF60];
	[tilespmem:s21+$0xF0] =	vst v1  }
0x7f: {  	v21 =	vbroadcast v2, $0x1;
	v22 =	vbroadcast v2, $0x2;
	v20 =	vld [tilespmem:s21+$0xFFFFFF70]  }
0x80: {  	v24 =	vbroadcast v2, $0x3;
	v25 =	vbroadcast v6, $0x0;
	v23 =	vld [tilespmem:s21+$0xFFFFFF80]  }
0x81: {  	v27 =	vbroadcast v6, $0x1;
	v5 =	vbroadcast v6, $0x2;
	v26 =	vld [tilespmem:s21+$0xFFFFFF90]  }
0x82: {  	v3 =	vbroadcast v10, $0x0;
	v4 =	vbroadcast v6, $0x3;
	v28 =	vld [tilespmem:s21+$0xFFFFFFA0]  }
0x83: {  	v2 =	vbroadcast v10, $0x1;
	v1 =	vbroadcast v10, $0x2;
	v6 =	vld [tilespmem:s21+$0xFFFFFFB0]  }
0x84: {  	v7 =	vmul.f32 v8, v7;
	v8 =	vmul.f32 v8, v13;
	v10 =	vld [tilespmem:s21+$0xFFFFFFC0]  }
0x85: {  	v13 =	vmul.f32 v14, v15;
	v9 =	vmul.f32 v9, v15;
	v14 =	vld [tilespmem:s21+$0xFFFFFFD0]  }
0x86: {  	v11 =	vmul.f32 v11, v17;
	v15 =	vmul.f32 v16, v17;
	[tilespmem:s21+$0xFFFFFF00] =	vst v7;
	v16 =	vld [tilespmem:s21+$0xFFFFFFE0]  }
0x87: {  	v17 =	vmul.f32 v18, v19;
	v18 =	vmul.f32 v20, v19;
	[tilespmem:s21+$0xFFFFFF10] =	vst v8;
	v19 =	vld [tilespmem:s21+$0xFFFFFFF0]  }
0x88: {  	v20 =	vmul.f32 v12, v26;
	[tilespmem:s21+$0xFFFFFF20] =	vst v13;
	v13 =	vmul.f32 v12, v23;
	v12 =	vld [tilespmem:s21+$0x0]  }
0x89: {  	v23 =	vmul.f32 v28, v21;
	v7 =	vmul.f32 v6, v21;
	[tilespmem:s21+$0xFFFFFF30] =	vst v9;
	v21 =	vld [tilespmem:s21+$0x10]  }
0x8a: {  	v9 =	vmul.f32 v10, v22;
	[tilespmem:s21+$0xFFFFFF40] =	vst v11;
	v6 =	vmul.f32 v14, v22;
	v14 =	vld [tilespmem:s21+$0x20]  }
0x8b: {  	[tilespmem:s21+$0xFFFFFF50] =	vst v15;
	v8 =	vmul.f32 v16, v24;
	v22 =	vld [tilespmem:s21+$0x30]  }
.Ltmp0:
0x8c: {  	[tilespmem:s21+$0xFFFFFF60] =	vst v17;
	v10 =	vmul.f32 v19, v24;
	v15 =	vld [tilespmem:s21+$0x40];
	(pc) =	sbr.rel @p1 .LBB2_3-.Ltmp0, $4  }
0x8d: {  	[tilespmem:s21+$0xFFFFFF70] =	vst v18;
	v11 =	vmul.f32 v25, v12;
	v16 =	vld [tilespmem:s21+$0x50]  }
0x8e: {  	[tilespmem:s21+$0xFFFFFF80] =	vst v13;
	v12 =	vmul.f32 v25, v21;
	v17 =	vld [tilespmem:s21+$0x60]  }
0x8f: {  	[tilespmem:s21+$0xFFFFFF90] =	vst v20;
	v14 =	vmul.f32 v14, v27;
	v18 =	vld [tilespmem:s21+$0x70]  }
0x90: {  	s13 =	sadd.s32 $0x40, s13;
	[tilespmem:s21+$0xFFFFFFA0] =	vst v23;
	v13 =	vmul.f32 v22, v27;
	v19 =	vld [tilespmem:s21+$0x80]  }
0x91: {  	[tilespmem:s21+$0xFFFFFFB0] =	vst v7  }
0x92: {  	[tilespmem:s21+$0xFFFFFFC0] =	vst v9  }
0x93: {  	[tilespmem:s21+$0xFFFFFFD0] =	vst v6  }
0x94: {  	[tilespmem:s21+$0xFFFFFFE0] =	vst v8  }
0x95: {  	[tilespmem:s21+$0xFFFFFFF0] =	vst v10  }
0x96: {  	[tilespmem:s21+$0x0] =	vst v11  }
0x97: {  	[tilespmem:s21+$0x10] =	vst v12  }
0x98: {  	v6 =	vmul.f32 v15, v5;
	v7 =	vld [tilespmem:s21+$0x90];
	[tilespmem:s21+$0x20] =	vst v14  }
0x99: {  	v8 =	vld [tilespmem:s21+$0xA0];
	v5 =	vmul.f32 v16, v5;
	[tilespmem:s21+$0x30] =	vst v13  }
0x9a: {  	v10 =	vld [tilespmem:s21+$0xB0];
	v9 =	vmul.f32 v17, v4;
	[tilespmem:s21+$0x40] =	vst v6  }
0x9b: {  	v6 =	vld [tilespmem:s21+$0xC0];
	v4 =	vmul.f32 v18, v4;
	[tilespmem:s21+$0x50] =	vst v5  }
0x9c: {  	v11 =	vld [tilespmem:s21+$0xD0];
	v5 =	vmul.f32 v3, v19;
	[tilespmem:s21+$0x60] =	vst v9  }
0x9d: {  	v3 =	vmul.f32 v3, v7;
	v7 =	vld [tilespmem:s21+$0xE0];
	[tilespmem:s21+$0x70] =	vst v4  }
0x9e: {  	v4 =	vmul.f32 v8, v2;
	[tilespmem:s11+$0x80] =	vst v5  }
0x9f: {  	v2 =	vmul.f32 v10, v2;
	[tilespmem:s11+$0x90] =	vst v3  }
0xa0: {  	v3 =	vmul.f32 v6, v1;
	[tilespmem:s11+$0xA0] =	vst v4  }
0xa1: {  	v1 =	vmul.f32 v11, v1;
	[tilespmem:s11+$0xB0] =	vst v2  }
0xa2: {  	[tilespmem:s11+$0xC0] =	vst v3;
	v0 =	vmul.f32 v7, v0  }
0xa3: {  	p1 =	seq.s32 s0, $0x28;
	[tilespmem:s11+$0xD0] =	vst v1  }
0xa4: {  	s8 =	sadd.s32 @!p1 s19, s14;
	[tilespmem:s11+$0xE0] =	vst v0  }
0xa5: {  	[spmem:s2] =	stream.indirect.scatter.add.f32 [tilespmem:s22], [sflag:$0x3], $0x80, s20, s20, $0xb8;
	[tilespmem:$0x1E200] =	vst v63  }
0xa6: {  	s12 =	simm.s32 @!p1 $0x0;
	s11 =	sshll.u32 @!p1 s8, $0x1;
	_ =	swait.ge [sflag:s18], $0x4000  }
0xa7: {  	s13 =	simm.s32 @!p1 $0x100;
	s11 =	sand.u32 @!p1 $0x1FFFFE00, s11;
	[sflag:s18] =	ssyncset.done $0x0  }
0xa8: {  	s8 =	sshrl.u32 @!p1 s8, $0x3;
	s11 =	sadd.s32 @!p1 s6, s11;
	[sflag:s18] =	ssyncadd.s32 $0xFFFFC000  }
0xa9: {  	[tilespmem:s13], [sflag:$0x1] =	stream.linear.gather @!p1 [hbm4b:s11+s12], $0x800, $0x38;
	[tilespmem:$0x1E200] =	vst v63  }
0xaa: {  	s11 =	sadd.s32 @!p1 s4, s8  }
0xab: {  	[tilespmem:s12], [sflag:$0x3] =	stream.linear.gather @!p1 [hbm4b:s11+s12], $0x80, $0x38;
	[tilespmem:$0x1E200] =	vst v63  }
0xac: {  	s11 =	simm.s32 @!p1 $0x3  }
0xad: {  	_ =	swait.ge @!p1 [sflag:s11], $0x80  }
0xae: {  	[sflag:s11] =	ssyncset.done @!p1 $0x0  }
0xaf: {  	s8 =	sadd.s32 @!p1 s5, s8;
	s13 =	simm.s32 @!p1 $0x80;
	[sflag:s11] =	ssyncadd.s32 @!p1 $0xFFFFFF80  }
0xb0: {  	[tilespmem:s13], [sflag:$0x3] =	stream.linear.gather @!p1 [hbm4b:s8+s12], $0x80, $0x38;
	[tilespmem:$0x1E200] =	vst v63  }
0xb1: {  	_ =	swait.ge @!p1 [sflag:s11], $0x80  }
0xb2: {  	[sflag:s11] =	ssyncset.done @!p1 $0x0  }
0xb3: {  	s8 =	simm.s32 @!p1 $0x900;
	[sflag:s11] =	ssyncadd.s32 @!p1 $0xFFFFFF80  }
0xb4: {  	[tilespmem:s8], [sflag:$0x1] =	stream.indirect.gather @!p1 [hbm4b:s7+s13], $0x10, s13, s13, $0xb8;
	[tilespmem:$0x1E200] =	vst v63  }
0xb5: {  	s8 =	simm.s32 @!p1 $0x1100  }
0xb6: {  	[tilespmem:s8], [sflag:$0x1] =	stream.indirect.gather @!p1 [hbm4b:s1+s13], $0x80, s12, s13, $0xb8;
	[tilespmem:$0x1E200] =	vst v63  }
0xb7: {  	_ =	swait.ge [sflag:s30], $0x800  }
0xb8: {  	[sflag:s30] =	ssyncset.done $0x0  }
0xb9: {  	[sflag:s30] =	ssyncadd.s32 $0xFFFFF800  }
0xba: {  	_ =	swait.ge [sflag:s30], $0x800  }
0xbb: {  	[sflag:s30] =	ssyncset.done $0x0  }
0xbc: {  	[sflag:s30] =	ssyncadd.s32 $0xFFFFF800  }
0xbd: {  	_ =	swait.ge [sflag:s30], $0x4000  }
0xbe: {  	[sflag:s30] =	ssyncset.done $0x0  }
0xbf: {  	s21 =	simm.s32 $0x5A20;
	[sflag:s30] =	ssyncadd.s32 $0xFFFFC000  }
0xc0: {  	v0 =	vld [tilespmem:s21+$0x10]  }
0xc1: {  	v1 =	vld [tilespmem:s21+$0xFFFFFFE0]  }
0xc2: {  	v2 =	vld [tilespmem:s21+$0xFFFFFFF0]  }
0xc3: {  	v3 =	vld [tilespmem:s21+$0x0];
	_ =	sdelay $0x1  }
0xc4: {  	(erf) = vrcp.f32 v0  }
0xc5: {  	s19 =	simm.s32 $0x6300;
	(erf) = vrcp.f32 v1  }
0xc6: {  	v4 =	vld [tilespmem:s19+$0xF0];
	(erf) = vrcp.f32 v2  }
0xc7: {  	v5 =	vld [tilespmem:s19+$0xFFFFFF00];
	(erf) = vrcp.f32 v3  }
0xc8: {  	s8 =	simm.s32 $0x5220;
	v6 =	vld [tilespmem:s19+$0xFFFFFF10]  }
0xc9: {  	v0 =	vld [tilespmem:s8+$0x10]  }
0xca: {  	v3 =	vld [tilespmem:s8+$0xFFFFFFE0]  }
0xcb: {  	v1 =	vld [tilespmem:s8+$0xFFFFFFF0]  }
0xcc: {  	v2 =	vld [tilespmem:s8+$0x0]  }
0xcd: {  	v8 =	vld [tilespmem:s19+$0xFFFFFF20];
	v7 =	vpop (erf)  }
0xce: {  	v10 =	vld [tilespmem:s19+$0xFFFFFF30];
	v7 =	vmul.f32 v7, v0;
	v9 =	vpop (erf)  }
0xcf: {  	v11 =	vld [tilespmem:s19+$0xFFFFFF40];
	v0 =	vpop (erf);
	v3 =	vmul.f32 v9, v3  }
0xd0: {  	v13 =	vld [tilespmem:s19+$0xFFFFFF50];
	v1 =	vmul.f32 v0, v1;
	v0 =	vbroadcast v7, $0x3;
	v12 =	vpop (erf)  }
0xd1: {  	v14 =	vld [tilespmem:s19+$0xFFFFFF70];
	v2 =	vmul.f32 v12, v2;
	v15 =	vbroadcast v3, $0x0  }
0xd2: {  	v17 =	vld [tilespmem:s19+$0xFFFFFF80];
	v16 =	vbroadcast v3, $0x1;
	v18 =	vbroadcast v3, $0x2  }
0xd3: {  	v20 =	vld [tilespmem:s19+$0xFFFFFF90];
	v19 =	vbroadcast v3, $0x3;
	v3 =	vbroadcast v7, $0x0  }
0xd4: {  	v23 =	vld [tilespmem:s19+$0xFFFFFFA0];
	v12 =	vbroadcast v1, $0x0;
	v4 =	vmul.f32 v4, v0  }
0xd5: {  	v26 =	vld [tilespmem:s19+$0xFFFFFFB0];
	v21 =	vbroadcast v1, $0x1;
	v22 =	vbroadcast v1, $0x2  }
0xd6: {  	v28 =	vld [tilespmem:s19+$0xFFFFFFC0];
	v24 =	vbroadcast v1, $0x3;
	v25 =	vbroadcast v2, $0x0  }
0xd7: {  	v29 =	vld [tilespmem:s19+$0xFFFFFFD0];
	v27 =	vbroadcast v2, $0x1;
	v1 =	vmul.f32 v15, v5  }
0xd8: {  	v30 =	vld [tilespmem:s19+$0xFFFFFFE0];
	v5 =	vbroadcast v2, $0x2;
	v6 =	vmul.f32 v15, v6;
	[tilespmem:s19+$0xF0] =	vst v4  }
0xd9: {  	v9 =	vld [tilespmem:s19+$0xFFFFFF60];
	v8 =	vmul.f32 v8, v16;
	v10 =	vmul.f32 v10, v16;
	[tilespmem:s19+$0xFFFFFF00] =	vst v1  }
0xda: {  	v31 =	vld [tilespmem:s19+$0xFFFFFFF0];
	v4 =	vbroadcast v2, $0x3;
	v2 =	vbroadcast v7, $0x1;
	[tilespmem:s19+$0xFFFFFF10] =	vst v6  }
0xdb: {  	v17 =	vmul.f32 v12, v17;
	v6 =	vmul.f32 v11, v18;
	[tilespmem:s19+$0xFFFFFF20] =	vst v8;
	v11 =	vld [tilespmem:s19+$0x0]  }
0xdc: {  	v1 =	vbroadcast v7, $0x2;
	v7 =	vmul.f32 v13, v18;
	[tilespmem:s19+$0xFFFFFF30] =	vst v10;
	v13 =	vld [tilespmem:s19+$0x10]  }
0xdd: {  	v10 =	vmul.f32 v14, v19;
	v14 =	vld [tilespmem:s19+$0x20];
	[tilespmem:s19+$0xFFFFFF80] =	vst v17  }
0xde: {  	v8 =	vmul.f32 v9, v19;
	v18 =	vmul.f32 v12, v20;
	v19 =	vld [tilespmem:s19+$0x30];
	[tilespmem:s19+$0xFFFFFF40] =	vst v6  }
0xdf: {  	v15 =	vld [tilespmem:s19+$0x40];
	v20 =	vmul.f32 v23, v21;
	v9 =	vmul.f32 v28, v22;
	[tilespmem:s19+$0xFFFFFF50] =	vst v7  }
0xe0: {  	v16 =	vld [tilespmem:s19+$0x50];
	v7 =	vmul.f32 v26, v21;
	[tilespmem:s19+$0xFFFFFF60] =	vst v8;
	v6 =	vmul.f32 v29, v22  }
0xe1: {  	v17 =	vld [tilespmem:s19+$0x60];
	[tilespmem:s19+$0xFFFFFF70] =	vst v10;
	v8 =	vmul.f32 v30, v24;
	v10 =	vmul.f32 v31, v24  }
0xe2: {  	[tilespmem:s19+$0xFFFFFF90] =	vst v18;
	v18 =	vld [tilespmem:s19+$0x70];
	v11 =	vmul.f32 v25, v11;
	v12 =	vmul.f32 v25, v13  }
0xe3: {  	s11 =	simm.s32 $0x6300;
	s12 =	simm.s32 $0x0;
	s13 =	simm.s32 $0x5A60;
	[tilespmem:s19+$0xFFFFFFA0] =	vst v20;
	v14 =	vmul.f32 v14, v27;
	v13 =	vmul.f32 v19, v27;
	v19 =	vld [tilespmem:s19+$0x80]  }
.LBB2_5:
0xe4: {  	v20 =	vld [tilespmem:s13+$0x10];
	s12 =	sadd.s32 $0x4, s12;
	[tilespmem:s19+$0xFFFFFFB0] =	vst v7;
	v7 =	vmul.f32 v15, v5  }
0xe5: {  	v15 =	vld [tilespmem:s13+$0xFFFFFFE0];
	p1 =	slt.u32 s12, $0x7C;
	[tilespmem:s19+$0xFFFFFFC0] =	vst v9;
	v5 =	vmul.f32 v16, v5  }
0xe6: {  	v9 =	vld [tilespmem:s13+$0xFFFFFFF0];
	[tilespmem:s19+$0xFFFFFFD0] =	vst v6;
	v6 =	vmul.f32 v17, v4  }
0xe7: {  	v16 =	vld [tilespmem:s13+$0x0];
	[tilespmem:s19+$0xFFFFFFE0] =	vst v8;
	v4 =	vmul.f32 v18, v4  }
0xe8: {  	[tilespmem:s19+$0xFFFFFFF0] =	vst v10;
	v8 =	vmul.f32 v3, v19;
	v10 =	vld [tilespmem:s19+$0x90]  }
0xe9: {  	(erf) = vrcp.f32 v20;
	[tilespmem:s19+$0x0] =	vst v11;
	v11 =	vld [tilespmem:s19+$0xA0]  }
0xea: {  	(erf) = vrcp.f32 v15;
	[tilespmem:s19+$0x10] =	vst v12;
	v12 =	vld [tilespmem:s19+$0xB0]  }
0xeb: {  	(erf) = vrcp.f32 v9;
	[tilespmem:s19+$0x20] =	vst v14;
	v9 =	vld [tilespmem:s19+$0xC0]  }
0xec: {  	(erf) = vrcp.f32 v16;
	[tilespmem:s19+$0x30] =	vst v13;
	v13 =	vld [tilespmem:s19+$0xD0]  }
0xed: {  	s8 =	sadd.s32 $0x40, s8;
	[tilespmem:s19+$0x40] =	vst v7;
	v3 =	vmul.f32 v3, v10;
	v7 =	vld [tilespmem:s19+$0xE0]  }
0xee: {  	v10 =	vld [tilespmem:s8+$0x10];
	[tilespmem:s19+$0x50] =	vst v5;
	v5 =	vmul.f32 v11, v2  }
0xef: {  	v11 =	vld [tilespmem:s8+$0xFFFFFFF0];
	[tilespmem:s19+$0x60] =	vst v6;
	v2 =	vmul.f32 v12, v2  }
0xf0: {  	v6 =	vld [tilespmem:s8+$0x0];
	[tilespmem:s19+$0x70] =	vst v4;
	v4 =	vmul.f32 v9, v1  }
0xf1: {  	s19 =	sadd.s32 $0x200, s19;
	v9 =	vld [tilespmem:s8+$0xFFFFFFE0];
	[tilespmem:s11+$0x80] =	vst v8;
	v1 =	vmul.f32 v13, v1  }
0xf2: {  	v8 =	vld [tilespmem:s19+$0xF0];
	v12 =	vpop (erf);
	[tilespmem:s11+$0x90] =	vst v3;
	v3 =	vmul.f32 v7, v0  }
0xf3: {  	v7 =	vld [tilespmem:s19+$0xFFFFFF00];
	v10 =	vmul.f32 v12, v10;
	v12 =	vpop (erf);
	[tilespmem:s11+$0xA0] =	vst v5  }
0xf4: {  	v13 =	vld [tilespmem:s19+$0xFFFFFF10];
	v0 =	vpop (erf);
	[tilespmem:s11+$0xB0] =	vst v2  }
0xf5: {  	v14 =	vld [tilespmem:s19+$0xFFFFFF20];
	v2 =	vmul.f32 v0, v11;
	v0 =	vbroadcast v10, $0x3;
	v5 =	vpop (erf);
	[tilespmem:s11+$0xC0] =	vst v4  }
0xf6: {  	v4 =	vmul.f32 v12, v9;
	v9 =	vld [tilespmem:s19+$0xFFFFFF30];
	v6 =	vmul.f32 v5, v6;
	[tilespmem:s11+$0xD0] =	vst v1  }
0xf7: {  	v11 =	vld [tilespmem:s19+$0xFFFFFF40];
	v12 =	vbroadcast v2, $0x0;
	v1 =	vmul.f32 v8, v0;
	[tilespmem:s11+$0xE0] =	vst v3;
	s11 =	smov.u32 s19  }
0xf8: {  	v8 =	vbroadcast v4, $0x0;
	v15 =	vbroadcast v4, $0x1;
	v16 =	vld [tilespmem:s19+$0xFFFFFF50]  }
0xf9: {  	v17 =	vbroadcast v4, $0x2;
	v19 =	vbroadcast v4, $0x3;
	v18 =	vld [tilespmem:s19+$0xFFFFFF60];
	[tilespmem:s19+$0xF0] =	vst v1  }
0xfa: {  	v21 =	vbroadcast v2, $0x1;
	v22 =	vbroadcast v2, $0x2;
	v20 =	vld [tilespmem:s19+$0xFFFFFF70]  }
0xfb: {  	v24 =	vbroadcast v2, $0x3;
	v25 =	vbroadcast v6, $0x0;
	v23 =	vld [tilespmem:s19+$0xFFFFFF80]  }
0xfc: {  	v27 =	vbroadcast v6, $0x1;
	v5 =	vbroadcast v6, $0x2;
	v26 =	vld [tilespmem:s19+$0xFFFFFF90]  }
0xfd: {  	v3 =	vbroadcast v10, $0x0;
	v4 =	vbroadcast v6, $0x3;
	v28 =	vld [tilespmem:s19+$0xFFFFFFA0]  }
0xfe: {  	v2 =	vbroadcast v10, $0x1;
	v1 =	vbroadcast v10, $0x2;
	v6 =	vld [tilespmem:s19+$0xFFFFFFB0]  }
0xff: {  	v7 =	vmul.f32 v8, v7;
	v8 =	vmul.f32 v8, v13;
	v10 =	vld [tilespmem:s19+$0xFFFFFFC0]  }
0x100: {  	v13 =	vmul.f32 v14, v15;
	v9 =	vmul.f32 v9, v15;
	v14 =	vld [tilespmem:s19+$0xFFFFFFD0]  }
0x101: {  	v11 =	vmul.f32 v11, v17;
	v15 =	vmul.f32 v16, v17;
	[tilespmem:s19+$0xFFFFFF00] =	vst v7;
	v16 =	vld [tilespmem:s19+$0xFFFFFFE0]  }
0x102: {  	v17 =	vmul.f32 v18, v19;
	v18 =	vmul.f32 v20, v19;
	[tilespmem:s19+$0xFFFFFF10] =	vst v8;
	v19 =	vld [tilespmem:s19+$0xFFFFFFF0]  }
0x103: {  	v20 =	vmul.f32 v12, v26;
	[tilespmem:s19+$0xFFFFFF20] =	vst v13;
	v13 =	vmul.f32 v12, v23;
	v12 =	vld [tilespmem:s19+$0x0]  }
0x104: {  	v23 =	vmul.f32 v28, v21;
	v7 =	vmul.f32 v6, v21;
	[tilespmem:s19+$0xFFFFFF30] =	vst v9;
	v21 =	vld [tilespmem:s19+$0x10]  }
0x105: {  	v9 =	vmul.f32 v10, v22;
	[tilespmem:s19+$0xFFFFFF40] =	vst v11;
	v6 =	vmul.f32 v14, v22;
	v14 =	vld [tilespmem:s19+$0x20]  }
0x106: {  	[tilespmem:s19+$0xFFFFFF50] =	vst v15;
	v8 =	vmul.f32 v16, v24;
	v22 =	vld [tilespmem:s19+$0x30]  }
.Ltmp1:
0x107: {  	[tilespmem:s19+$0xFFFFFF60] =	vst v17;
	v10 =	vmul.f32 v19, v24;
	v15 =	vld [tilespmem:s19+$0x40];
	(pc) =	sbr.rel @p1 .LBB2_5-.Ltmp1, $4  }
0x108: {  	[tilespmem:s19+$0xFFFFFF70] =	vst v18;
	v11 =	vmul.f32 v25, v12;
	v16 =	vld [tilespmem:s19+$0x50]  }
0x109: {  	[tilespmem:s19+$0xFFFFFF80] =	vst v13;
	v12 =	vmul.f32 v25, v21;
	v17 =	vld [tilespmem:s19+$0x60]  }
0x10a: {  	[tilespmem:s19+$0xFFFFFF90] =	vst v20;
	v14 =	vmul.f32 v14, v27;
	v18 =	vld [tilespmem:s19+$0x70]  }
0x10b: {  	s13 =	sadd.s32 $0x40, s13;
	[tilespmem:s19+$0xFFFFFFA0] =	vst v23;
	v13 =	vmul.f32 v22, v27;
	v19 =	vld [tilespmem:s19+$0x80]  }
0x10c: {  	[tilespmem:s19+$0xFFFFFFB0] =	vst v7  }
0x10d: {  	[tilespmem:s19+$0xFFFFFFC0] =	vst v9  }
0x10e: {  	[tilespmem:s19+$0xFFFFFFD0] =	vst v6  }
0x10f: {  	[tilespmem:s19+$0xFFFFFFE0] =	vst v8  }
0x110: {  	[tilespmem:s19+$0xFFFFFFF0] =	vst v10  }
0x111: {  	[tilespmem:s19+$0x0] =	vst v11  }
0x112: {  	[tilespmem:s19+$0x10] =	vst v12  }
0x113: {  	v48 =	vmul.f32 v15, v5;
	v49 =	vld [tilespmem:s19+$0x90];
	[tilespmem:s19+$0x20] =	vst v14  }
0x114: {  	v51 =	vld [tilespmem:s19+$0xA0];
	v50 =	vmul.f32 v16, v5;
	[tilespmem:s19+$0x30] =	vst v13  }
0x115: {  	v53 =	vld [tilespmem:s19+$0xB0];
	v52 =	vmul.f32 v17, v4;
	[tilespmem:s19+$0x40] =	vst v48  }
0x116: {  	v55 =	vld [tilespmem:s19+$0xC0];
	v54 =	vmul.f32 v18, v4;
	[tilespmem:s19+$0x50] =	vst v50  }
0x117: {  	v57 =	vld [tilespmem:s19+$0xD0];
	v56 =	vmul.f32 v3, v19;
	[tilespmem:s19+$0x60] =	vst v52  }
0x118: {  	v59 =	vld [tilespmem:s19+$0xE0];
	v58 =	vmul.f32 v3, v49;
	[tilespmem:s19+$0x70] =	vst v54  }
0x119: {  	v60 =	vmul.f32 v51, v2;
	[tilespmem:s11+$0x80] =	vst v56  }
0x11a: {  	v61 =	vmul.f32 v53, v2;
	[tilespmem:s11+$0x90] =	vst v58  }
0x11b: {  	v62 =	vmul.f32 v55, v1;
	[tilespmem:s11+$0xA0] =	vst v60  }
0x11c: {  	v63 =	vmul.f32 v57, v1;
	[tilespmem:s11+$0xB0] =	vst v61  }
0x11d: {  	s0 =	sadd.s32 $0x1, s0;
	v0 =	vmul.f32 v59, v0;
	[tilespmem:s11+$0xC0] =	vst v62  }
0x11e: {  	p1 =	sne.s32 s0, $0x29;
	[tilespmem:s11+$0xD0] =	vst v63  }
.Ltmp2:
0x11f: {  	[tilespmem:s11+$0xE0] =	vst v0;
	(pc) =	sbr.rel @p1 .LBB2_2-.Ltmp2, $4  }
0x120: {  	[spmem:s2] =	stream.indirect.scatter.add.f32 [tilespmem:s28], [sflag:$0x3], $0x80, s25, s20, $0xb8;
	[tilespmem:$0x1E200] =	vst v63  }
0x121: {  	_ =	swait.ge [sflag:s18], $0x4000  }
0x122: {  	[sflag:s18] =	ssyncset.done $0x0  }
0x123: {  	[sflag:s18] =	ssyncadd.s32 $0xFFFFC000  }
0x124: {  	[bflag:$0x0] =	sbarrier.arrive $0xFFFF;
	s0 =	sshrl.u32 @!p0 s2, $0x3;
	s31 =	sadd.s32 $0x1, s31  }
0x125: {  	[hbm:s15], [sflag:s10] =	dma.local @!p0 [spmem:s0], $0x28000  }
0x126: {  	p1 =	sne.s32 s31, s16  }
.Ltmp3:
0x127: {  	_ = 	snop;
	(pc) =	sbr.rel @p1 .LBB2_1-.Ltmp3, $4  }
0x128: {  	s0 =	simm.s32 @!p0 $0x3  }
0x129: {  	_ =	swait.ge @!p0 [sflag:s0], $0x28000  }
0x12a: {  	[sflag:s0] =	ssyncset.done @!p0 $0x0  }
0x12b: {  	[sflag:s0] =	ssyncadd.s32 @!p0 $0xFFFD8000  }
0x12c: {  	_ =	sfence.sel $0x180000  }
0x12d: {  	[bflag:$0x0] =	sbarrier.arrive $0xFFFF  }
0x12e: {  	_ =	strace $0x9000004D  }
0x12f: {  	[bflag:$0x2] =	sbarrier.arrive $0xFFFF  }
0x130: {  	s0 =	rddreg [dreg:$0x4]  }
0x131: {  	s0 =	sadd.s32 @!p0 $0x100000, s0  }
0x132: {  	[sflag:s0] =	ssyncadd.tile.s32 @!p0 $0x1;
	_ =	shalt  }
.Lfunc_end2:
_tile_overlayer_lowered:
.L_overlay_start_2:
0x133: {  	(tag) =	ssettag $0x2  }
0x134: {  	s0 =	rddreg [dreg:$0x0];
	s2 =	stileid.u32  }
0x135: {  	s1 =	rddreg [dreg:$0x1];
	p0 =	sne.s32 s2, $0x0  }
0x136: {  	s3 =	rddreg [dreg:$0x2];
	[bflag:$0x3] =	sbarrier.arrive $0xFFFF;
	s2 =	simm.s32 @!p0 $0x1C03  }
0x137: {  	[timem:s3], [sflag:s2] =	dma.local @!p0 [hbm:s0], s1  }
0x138: {  	s0 =	simm.s32 @!p0 $0x3  }
0x139: {  	_ =	swait.ge @!p0 [sflag:s0], s1  }
0x13a: {  	s1 =	ssub.s32 @!p0 $0x0, s1;
	[sflag:s0] =	ssyncset.done @!p0 $0x0  }
0x13b: {  	[sflag:s0] =	ssyncadd.s32 @!p0 s1  }
0x13c: {  	[bflag:$0x3] =	sbarrier.arrive $0xFFFF  }
0x13d: {  	_ =	shalt  }

// kernel: kernel.18.cloned.1.call-start
scs
__scs_entry_jumppad:
0x0: {  	(pc) =	sbr.rel $0x88, $3  }
0x1: {  	(tag) =	ssettag $0x0;
	lr =	simm.s32 $0x1  }
0x2: {  	[smem:$0x3F97] =	sst lr;
	_ =	strace $0xD0000000  }
0x3: {  	_ = 	snop  }
0x4: {  	_ = 	snop  }
0x5: {  	_ = 	snop  }
0x6: {  	_ = 	snop  }
0x7: {  	_ = 	snop  }
__scs_overlays_trampoline_lowered:
0x8: {  	[smem:$0x3FA6] =	sst s0  }
0x9: {  	[smem:$0x3FA7] =	sst s1  }
0xa: {  	[smem:$0x3FA8] =	sst s2  }
0xb: {  	[smem:$0x3FA9] =	sst s3  }
0xc: {  	[smem:$0x3FAA] =	sst s4  }
0xd: {  	[smem:$0x3FAB] =	sst s5  }
0xe: {  	[smem:$0x3FAC] =	sst s6  }
0xf: {  	[smem:$0x3FAD] =	sst s7  }
0x10: {  	[smem:$0x3FAE] =	sst s8  }
0x11: {  	[smem:$0x3FAF] =	sst s9;
	s0 =	simm.s32 @!p0 $0x0  }
0x12: {  	s1 =	sld [smem:$0x3F95];
	s0 =	simm.s32 @p0 $0x1  }
0x13: {  	[smem:$0x3FB0] =	sst s0;
	s0 =	simm.s32 @!p1 $0x0  }
0x14: {  	s2 =	sld [smem:$0x3F94];
	s0 =	simm.s32 @p1 $0x1  }
0x15: {  	[smem:$0x3FB1] =	sst s0;
	s0 =	simm.s32 @!p2 $0x0  }
0x16: {  	s3 =	sld [smem:$0x3FDB];
	s0 =	simm.s32 @p2 $0x1  }
0x17: {  	s4 =	simm.s32 $0x1BF5;
	[smem:$0x3FB3] =	sst s0  }
0x18: {  	s0 =	sld [smem:$0x3F96];
	_ =	swait.ge [sflag:s4], $0x0  }
0x19: {  	s7 =	sld [smem:$0x3F97]  }
0x1a: {  	s8 =	sadd.s32 $0xFFFFE003, lr  }
0x1b: {  	s9 =	sadd.s32 $0xFFFFFEF7, lr;
	s5 =	simm.s32 $0xFFFFFFFF;
	p2 =	slt.u32 s8, $0xFFFFF086  }
0x1c: {  	p1 =	slt.u32 s9, $0xF7A;
	s5 =	simm.s32 @!p2 $0x0  }
0x1d: {  	s5 =	simm.s32 @p1 $0x1;
	p0 =	seq.s32 s7, s2  }
0x1e: {  	s7 =	smul.u32 @!p0 $0xF7A, s2;
	p2 =	seq.s32 @!p0 s5, $0x0  }
0x1f: {  	s9 =	smul.u32 $0xF7A, s1;
	s8 =	simm.s32 @!p0 $0x1BF5;
	p2 =	por !p2, p0  }
0x20: {  	[sflag:s8] =	ssyncset.s32 @!p0 $0xFFFFF086;
	s6 =	sadd.s32 @!p0 s3, s7;
	s7 =	simm.s32 @!p0 $0x108  }
0x21: {  	s3 =	sadd.s32 s3, s9;
	s6 =	sadd.s32 @!p0 $0x88, s6;
	s7 =	simm.s32 @p2 $0x1082  }
0x22: {  	[simem:s7], [sflag:s8] =	dma.local @!p0 [hbm:s6], $0xF7A  }
0x23: {  	s9 =	sor.u32 $0xD0000000, s2;
	s6 =	simm.s32 $0x108;
	_ =	swait.ge @!p0 [sflag:s8], $0x0  }
0x24: {  	s3 =	sadd.s32 $0x88, s3;
	s6 =	simm.s32 @!p1 $0x1082;
	[sflag:s4] =	ssyncset.s32 $0xFFFFF086  }
0x25: {  	[simem:s6], [sflag:s4] =	dma.local [hbm:s3], $0xF7A  }
0x26: {  	[smem:$0x3F97] =	sst s1;
	(tag) =	ssettag s2;
	_ =	strace s9  }
0x27: {  	s1 =	sld [smem:$0x3FA7]  }
0x28: {  	s2 =	sld [smem:$0x3FA8]  }
0x29: {  	s4 =	sld [smem:$0x3FAA]  }
0x2a: {  	p0 =	seq.s32 s5, $0x0;
	s5 =	sld [smem:$0x3FAB]  }
0x2b: {  	s6 =	sld [smem:$0x3FAC]  }
0x2c: {  	s7 =	sld [smem:$0x3FAD]  }
0x2d: {  	s3 =	simm.s32 $0x108;
	s8 =	sld [smem:$0x3FAE]  }
0x2e: {  	s3 =	simm.s32 @!p0 $0x1082;
	s9 =	sld [smem:$0x3FAF]  }
0x2f: {  	lr =	sadd.s32 s0, s3;
	s0 =	sld [smem:$0x3FA6]  }
0x30: {  	s3 =	sld [smem:$0x3FA9]  }
0x31: {  	[smem:$0x3FB2] =	sst s10  }
0x32: {  	s10 =	sld [smem:$0x3FB0];
	_ =	sdelay $0x3  }
0x33: {  	p0 =	seq.s32 s10, $0x1;
	s10 =	sld [smem:$0x3FB2];
	_ =	sdelay $0x3  }
0x34: {  	[smem:$0x3FB2] =	sst s10  }
0x35: {  	s10 =	sld [smem:$0x3FB1];
	_ =	sdelay $0x3  }
0x36: {  	p1 =	seq.s32 s10, $0x1;
	s10 =	sld [smem:$0x3FB2];
	_ =	sdelay $0x3  }
0x37: {  	[smem:$0x3FB2] =	sst s10  }
0x38: {  	s10 =	sld [smem:$0x3FB3]  }
0x39: {  	_ = 	snop;
	(pc) =	sbr.ind lr, $3  }
0x3a: {  	_ = 	snop  }
0x3b: {  	_ = 	snop  }
0x3c: {  	p2 =	seq.s32 s10, $0x1;
	s10 =	sld [smem:$0x3FB2]  }
0x3d: {  	_ =	shalt  }
0x3e: {  	_ =	shalt  }
0x3f: {  	_ =	shalt  }
0x40: {  	_ =	shalt  }
0x41: {  	_ =	shalt  }
0x42: {  	_ =	shalt  }
0x43: {  	_ =	shalt  }
0x44: {  	_ =	shalt  }
0x45: {  	_ =	shalt  }
0x46: {  	_ =	shalt  }
0x47: {  	_ =	shalt  }
0x48: {  	_ =	shalt  }
0x49: {  	_ =	shalt  }
0x4a: {  	_ =	shalt  }
0x4b: {  	_ =	shalt  }
0x4c: {  	_ =	shalt  }
0x4d: {  	_ =	shalt  }
0x4e: {  	_ =	shalt  }
0x4f: {  	_ =	shalt  }
0x50: {  	_ =	shalt  }
0x51: {  	_ =	shalt  }
0x52: {  	_ =	shalt  }
0x53: {  	_ =	shalt  }
0x54: {  	_ =	shalt  }
0x55: {  	_ =	shalt  }
0x56: {  	_ =	shalt  }
0x57: {  	_ =	shalt  }
0x58: {  	_ =	shalt  }
0x59: {  	_ =	shalt  }
0x5a: {  	_ =	shalt  }
0x5b: {  	_ =	shalt  }
0x5c: {  	_ =	shalt  }
0x5d: {  	_ =	shalt  }
0x5e: {  	_ =	shalt  }
0x5f: {  	_ =	shalt  }
0x60: {  	_ =	shalt  }
0x61: {  	_ =	shalt  }
0x62: {  	_ =	shalt  }
0x63: {  	_ =	shalt  }
0x64: {  	_ =	shalt  }
0x65: {  	_ =	shalt  }
0x66: {  	_ =	shalt  }
0x67: {  	_ =	shalt  }
0x68: {  	_ =	shalt  }
0x69: {  	_ =	shalt  }
0x6a: {  	_ =	shalt  }
0x6b: {  	_ =	shalt  }
0x6c: {  	_ =	shalt  }
0x6d: {  	_ =	shalt  }
0x6e: {  	_ =	shalt  }
0x6f: {  	_ =	shalt  }
0x70: {  	_ =	shalt  }
0x71: {  	_ =	shalt  }
0x72: {  	_ =	shalt  }
0x73: {  	_ =	shalt  }
0x74: {  	_ =	shalt  }
0x75: {  	_ =	shalt  }
0x76: {  	_ =	shalt  }
0x77: {  	_ =	shalt  }
0x78: {  	_ =	shalt  }
0x79: {  	_ =	shalt  }
0x7a: {  	_ =	shalt  }
0x7b: {  	_ =	shalt  }
0x7c: {  	_ =	shalt  }
0x7d: {  	_ =	shalt  }
0x7e: {  	_ =	shalt  }
0x7f: {  	_ =	shalt  }
0x80: {  	_ =	shalt  }
0x81: {  	_ =	shalt  }
0x82: {  	_ =	shalt  }
0x83: {  	_ =	shalt  }
0x84: {  	_ =	shalt  }
0x85: {  	_ =	shalt  }
0x86: {  	_ =	shalt  }
0x87: {  	_ =	shalt  }
.Lfunc_end0:
.L_simem_size_0:
called_computation.2_lowered:
.L_overlay_start_0:
0x88: {  	s2 =	sld [smem:$0x3FD9]  }
0x89: {  	s3 =	sld [smem:$0x3FFE];
	_ =	sdelay $0x1  }
0x8a: {  	s1 =	srdreg.scid  }
0x8b: {  	s0 =	sand.u32 $0x1, s1  }
0x8c: {  	s16 =	sshll.u32 s0, $0xA;
	s2 =	sadd.s32 s3, s2  }
0x8d: {  	s2 =	sadd.s32 s2, s16  }
0x8e: {  	[smem:$0x3FBE] =	sst s2  }
0x8f: {  	_ = 	snop  }
0x90: {  	(tm) =	ssettm $0x1  }
0x91: {  	s17 =	sld [smem:$0x3FFB];
	_ =	sdelay $0x3  }
0x92: {  	_ =	strace s17  }
0x93: {  	s2 =	sld [smem:$0x3FFC];
	_ =	sdelay $0x3  }
0x94: {  	_ =	strace s2  }
0x95: {  	s2 =	sld [smem:$0x3FFD];
	_ =	sdelay $0x3  }
0x96: {  	_ =	strace s2  }
0x97: {  	_ =	strace $0x8FFFFFFF  }
0x98: {  	s18 =	sld [smem:$0x3FDB];
	_ =	sdelay $0x1  }
0x99: {  	s19 =	simm.s32 $_scs_section_size  }
0x9a: {  	s4 =	simm.s32 $_size__tile_overlayer_lowered;
	s5 =	simm.s32 $_tile_overlayer_lowered  }
0x9b: {  	s22 =	simm.s32 $0x1BFF;
	s21 =	sshll.u32 s5, $0x1;
	s2 =	sadd.s32 s19, s18  }
0x9c: {  	s6 =	simm.s32 $0x0;
	s20 =	sshll.u32 s4, $0x1;
	s4 =	sadd.s32 s21, s2  }
0x9d: {  	[timem:s6], [sflag:s22] =	dma.local [hbm:s4], s20  }
0x9e: {  	_ =	swait.ge [sflag:s22], s20  }
0x9f: {  	s3 =	ssub.s32 $0x0, s20;
	[sflag:s22] =	ssyncset.done $0x0  }
0xa0: {  	[sflag:s22] =	ssyncadd.s32 s3;
	_ =	sdelay $0x1  }
0xa1: {  	s23 =	simm.s32 $0x1B8B  }
0xa2: {  	_ =	swait.ge [sflag:s23], $0x1  }
0xa3: {  	[sflag:s23] =	ssyncset.done $0x0  }
0xa4: {  	s25 =	simm.s32 $0x1B8E;
	s24 =	sld [smem:$0x3FFE];
	[sflag:s23] =	ssyncadd.s32 $0xFFFFFFFF  }
0xa5: {  	s26 =	simm.s32 $execute0_lowered;
	[smem:$0x3FD2] =	sst s25  }
0xa6: {  	s4 =	sshll.u32 s26, $0x1;
	_ =	strace $0x80000049;
	[dreg:$0x1] =	wrdreg $0xFFFFFFFF  }
0xa7: {  	s28 =	simm.s32 $_size_execute0_lowered;
	s2 =	sadd.s32 s2, s4;
	[dreg:$0x0] =	wrdreg $0x0  }
0xa8: {  	s4 =	sshll.u32 s28, $0x1;
	[dreg:$0x2] =	wrdreg s2  }
0xa9: {  	[dreg:$0x3] =	wrdreg s4  }
0xaa: {  	[dreg:$0x4] =	wrdreg $0xC0  }
0xab: {  	_ =	task [dreg:s6], $0x5FFFF  }
0xac: {  	[dreg:$0x1] =	wrdreg $0xFFFFFFFF  }
0xad: {  	[dreg:$0x0] =	wrdreg $0x60  }
0xae: {  	[dreg:$0x2] =	wrdreg s24  }
0xaf: {  	[dreg:$0x3] =	wrdreg $0xA2000  }
0xb0: {  	[dreg:$0x4] =	wrdreg $0xA  }
0xb1: {  	_ =	task.clear_ibuf [dreg:s6], $0x5FFFF;
	_ =	strace $0x90000049  }
0xb2: {  	s29 =	simm.s32 $0xA;
	_ =	strace $0x8000004B  }
0xb3: {  	_ =	swait.ge [sflag:s29], $0x1  }
0xb4: {  	[sflag:s29] =	ssyncadd.s32 $0xFFFFFFFF  }
0xb5: {  	_ =	strace $0x9000004B  }
0xb6: {  	_ =	sfence  }
0xb7: {  	s30 =	sld [smem:$0x0];
	_ =	sdelay $0x2  }
0xb8: {  	s31 =	sshll.u32 s1, $0xD;
	s1 =	sshrl.u32 s1, $0x2  }
0xb9: {  	s3 =	sand.u32 $0x4000, s31;
	s1 =	sadd.s32 s1, s30  }
0xba: {  	s0 =	sor.u32 s3, s0;
	s1 =	sshll.u32 s1, $0x11  }
0xbb: {  	s0 =	sor.u32 s1, s0  }
0xbc: {  	s0 =	sadd.s32 $0x8F2B, s0  }
0xbd: {  	[sflag:s0] =	ssyncadd.remote.s32 $0x1  }
0xbe: {  	_ =	sfence.sel $0xFFFF  }
0xbf: {  	[dreg:$0x0] =	wrdreg $0xFFFFFFFF;
	(pc) =	sbr.abs _section_cstart, $3  }
0xc0: {  	[dreg:$0x1] =	wrdreg $0xFFFFFFFF  }
0xc1: {  	_ =	task.clear_ibuf [dreg:s6], $0x2FFFF;
	_ =	strace $0x9FFFFFFF  }
0xc2: {  	(tm) =	ssettm $0x7FFFFFFF  }
0xc3: {  	_ =	shalt  }
tec
execute0_lowered:
.L_overlay_start_1:
0x0: {  	(tag) =	ssettag $0x1  }
0x1: {  	s0 =	rddreg [dreg:$0x0]  }
0x2: {  	s1 =	rddreg [dreg:$0x1];
	s2 =	simm.s32 $0x0;
	s7 =	srdreg.scid  }
0x3: {  	s11 =	stileid.u32;
	s18 =	simm.s32 $0x3;
	s20 =	simm.s32 $0x80  }
0x4: {  	s28 =	simm.s32 $0x6200;
	s29 =	simm.s32 $0x1;
	s30 =	simm.s32 $0x2  }
0x5: {  	s31 =	simm.s32 $0x0;
	[smem:$0x7FF] =	sst s2;
	s3 =	sadd.s32 $0x3800, s0  }
0x6: {  	s4 =	sadd.s32 $0x3EE00, s0;
	s5 =	sadd.s32 $0x34A00, s0;
	s6 =	sadd.s32 $0x49800, s0  }
0x7: {  	s8 =	sand.u32 $0x1, s7;
	s7 =	sadd.s32 $0x2AA00, s0;
	s9 =	sadd.s32 $0x2FA00, s0  }
0x8: {  	s13 =	smul.u32 $0x50000, s11;
	s23 =	sshll.u32 s11, $0x6;
	p0 =	sne.s32 s11, $0x0  }
0x9: {  	s21 =	smul.u32 $0x28000, s8;
	s10 =	ssub.s32 $0x2, s8;
	s8 =	sshll.u32 s8, $0x4  }
0xa: {  	_ =	strace $0x8000004A;
	[dreg:$0x3] =	wrdreg s9;
	s8 =	sor.u32 s11, s8  }
0xb: {  	s12 =	sshrl.u32 s10, $0x1;
	s22 =	sshrl.u32 s13, $0x2;
	s9 =	smul.u32 $0x2900, s8  }
0xc: {  	s0 =	sadd.s32 s21, s0;
	s12 =	ssub.s32 s10, s12;
	s8 =	smul.u32 $0x5200, s8  }
0xd: {  	s17 =	sadd.s32 s22, s1;
	s10 =	sor.u32 $0x1C03, s23;
	s22 =	simm.s32 $0x1100  }
0xe: {  	s23 =	simm.s32 $0x5200;
	s15 =	sadd.s32 $0xED800, s0;
	s16 =	smax.u32 s12, $0x1  }
0xf: {  	s17 =	sshrl.u32 s17, $0x3;
	s24 =	sshrl.u32 s9, $0x3;
	s8 =	sadd.s32 s6, s8  }
0x10: {  	s14 =	sadd.s32 $0x100, s9;
	[dreg:$0x4] =	wrdreg s8;
	s25 =	sadd.s32 s4, s24  }
0x11: {  	s26 =	sadd.s32 s5, s24;
	s24 =	simm.s32 $0x5100;
	[dreg:$0x5] =	wrdreg s25  }
0x12: {  	[dreg:$0x6] =	wrdreg s26;
	s25 =	simm.s32 $0x5180;
	s26 =	simm.s32 $0x5A00  }
.LBB2_1:
0x13: {  	s0 =	rddreg [dreg:$0x3]  }
0x14: {  	[spmem:s17], [sflag:s10] =	dma.local [hbm:s0], $0x2800  }
0x15: {  	_ =	swait.ge [sflag:s18], $0x2800  }
0x16: {  	[sflag:s18] =	ssyncset.done $0x0  }
0x17: {  	[sflag:s18] =	ssyncadd.s32 $0xFFFFD800  }
0x18: {  	[bflag:$0x0] =	sbarrier.arrive $0xFFFF  }
0x19: {  	s8 =	simm.s32 $0x100;
	s12 =	rddreg [dreg:$0x4]  }
0x1a: {  	[tilespmem:s8], [sflag:$0x1] =	stream.linear.gather [hbm4b:s12+s2], $0x800, $0x38;
	[tilespmem:$0x1E200] =	vst v63  }
0x1b: {  	s13 =	rddreg [dreg:$0x5]  }
0x1c: {  	[tilespmem:s2], [sflag:$0x3] =	stream.linear.gather [hbm4b:s13+s2], $0x80, $0x38;
	[tilespmem:$0x1E200] =	vst v63  }
0x1d: {  	_ =	swait.ge [sflag:s18], $0x80  }
0x1e: {  	[sflag:s18] =	ssyncset.done $0x0  }
0x1f: {  	s19 =	rddreg [dreg:$0x6];
	[sflag:s18] =	ssyncadd.s32 $0xFFFFFF80  }
0x20: {  	[tilespmem:s20], [sflag:$0x3] =	stream.linear.gather [hbm4b:s19+s2], $0x80, $0x38;
	[tilespmem:$0x1E200] =	vst v63  }
0x21: {  	_ =	swait.ge [sflag:s18], $0x80  }
0x22: {  	[sflag:s18] =	ssyncset.done $0x0  }
0x23: {  	s21 =	simm.s32 $0x900;
	[sflag:s18] =	ssyncadd.s32 $0xFFFFFF80  }
0x24: {  	[tilespmem:s21], [sflag:$0x1] =	stream.indirect.gather [hbm4b:s7+s20], $0x10, s20, s20, $0xb8;
	[tilespmem:$0x1E200] =	vst v63  }
0x25: {  	s0 =	simm.s32 $0x0  }
0x26: {  	[tilespmem:s22], [sflag:$0x1] =	stream.indirect.gather [hbm4b:s3+s20], $0x80, s2, s20, $0xb8;
	[tilespmem:$0x1E200] =	vst v63  }
.LBB2_2:
0x27: {  	s19 =	sshll.u32 s0, $0x8  }
0x28: {  	s8 =	sadd.s32 s19, s9  }
0x29: {  	s8 =	sadd.s32 $0x80, s8  }
0x2a: {  	s11 =	sshll.u32 s8, $0x1  }
0x2b: {  	s11 =	sand.u32 $0x1FFFFF00, s11  }
0x2c: {  	s8 =	sshrl.u32 s8, $0x3;
	s11 =	sadd.s32 s6, s11  }
0x2d: {  	[tilespmem:s23], [sflag:$0x2] =	stream.linear.gather [hbm4b:s11+s2], $0x800, $0x38;
	[tilespmem:$0x1E200] =	vst v63  }
0x2e: {  	s13 =	sadd.s32 s4, s8  }
0x2f: {  	[tilespmem:s24], [sflag:$0x3] =	stream.linear.gather [hbm4b:s13+s2], $0x80, $0x38;
	[tilespmem:$0x1E200] =	vst v63  }
0x30: {  	_ =	swait.ge [sflag:s18], $0x80  }
0x31: {  	[sflag:s18] =	ssyncset.done $0x0  }
0x32: {  	s8 =	sadd.s32 s5, s8;
	[sflag:s18] =	ssyncadd.s32 $0xFFFFFF80  }
0x33: {  	[tilespmem:s25], [sflag:$0x3] =	stream.linear.gather [hbm4b:s8+s2], $0x80, $0x38;
	[tilespmem:$0x1E200] =	vst v63  }
0x34: {  	_ =	swait.ge [sflag:s18], $0x80  }
0x35: {  	[sflag:s18] =	ssyncset.done $0x0  }
0x36: {  	[sflag:s18] =	ssyncadd.s32 $0xFFFFFF80  }
0x37: {  	[tilespmem:s26], [sflag:$0x2] =	stream.indirect.gather [hbm4b:s7+s20], $0x10, s25, s20, $0xb8;
	[tilespmem:$0x1E200] =	vst v63  }
0x38: {  	_ = 	snop  }
0x39: {  	[tilespmem:s28], [sflag:$0x2] =	stream.indirect.gather [hbm4b:s3+s20], $0x80, s24, s20, $0xb8;
	[tilespmem:$0x1E200] =	vst v63  }
0x3a: {  	_ =	swait.ge [sflag:s29], $0x800  }
0x3b: {  	[sflag:s29] =	ssyncset.done $0x0  }
0x3c: {  	[sflag:s29] =	ssyncadd.s32 $0xFFFFF800  }
0x3d: {  	_ =	swait.ge [sflag:s29], $0x800  }
0x3e: {  	[sflag:s29] =	ssyncset.done $0x0  }
0x3f: {  	[sflag:s29] =	ssyncadd.s32 $0xFFFFF800  }
0x40: {  	_ =	swait.ge [sflag:s29], $0x4000  }
0x41: {  	[sflag:s29] =	ssyncset.done $0x0  }
0x42: {  	s21 =	simm.s32 $0x920;
	[sflag:s29] =	ssyncadd.s32 $0xFFFFC000  }
0x43: {  	v0 =	vld [tilespmem:s21+$0x10]  }
0x44: {  	v1 =	vld [tilespmem:s21+$0xFFFFFFE0]  }
0x45: {  	v2 =	vld [tilespmem:s21+$0xFFFFFFF0]  }
0x46: {  	v3 =	vld [tilespmem:s21+$0x0];
	_ =	sdelay $0x1  }
0x47: {  	(erf) = vrcp.f32 v0  }
0x48: {  	s21 =	simm.s32 $0x1200;
	(erf) = vrcp.f32 v1  }
0x49: {  	v4 =	vld [tilespmem:s21+$0xF0];
	(erf) = vrcp.f32 v2  }
0x4a: {  	v5 =	vld [tilespmem:s21+$0xFFFFFF00];
	(erf) = vrcp.f32 v3  }
0x4b: {  	s8 =	simm.s32 $0x120;
	v6 =	vld [tilespmem:s21+$0xFFFFFF10]  }
0x4c: {  	v0 =	vld [tilespmem:s8+$0x10]  }
0x4d: {  	v3 =	vld [tilespmem:s8+$0xFFFFFFE0]  }
0x4e: {  	v1 =	vld [tilespmem:s8+$0xFFFFFFF0]  }
0x4f: {  	v2 =	vld [tilespmem:s8+$0x0]  }
0x50: {  	v8 =	vld [tilespmem:s21+$0xFFFFFF20];
	v7 =	vpop (erf)  }
0x51: {  	v10 =	vld [tilespmem:s21+$0xFFFFFF30];
	v7 =	vmul.f32 v7, v0;
	v9 =	vpop (erf)  }
0x52: {  	v11 =	vld [tilespmem:s21+$0xFFFFFF40];
	v0 =	vpop (erf);
	v3 =	vmul.f32 v9, v3  }
0x53: {  	v13 =	vld [tilespmem:s21+$0xFFFFFF50];
	v1 =	vmul.f32 v0, v1;
	v0 =	vbroadcast v7, $0x7;
	v12 =	vpop (erf)  }
0x54: {  	v14 =	vld [tilespmem:s21+$0xFFFFFF70];
	v2 =	vmul.f32 v12, v2;
	v15 =	vbroadcast v3, $0x4  }
0x55: {  	v17 =	vld [tilespmem:s21+$0xFFFFFF80];
	v16 =	vbroadcast v3, $0x5;
	v18 =	vbroadcast v3, $0x6  }
0x56: {  	v20 =	vld [tilespmem:s21+$0xFFFFFF90];
	v19 =	vbroadcast v3, $0x7;
	v3 =	vbroadcast v7, $0x4  }
0x57: {  	v23 =	vld [tilespmem:s21+$0xFFFFFFA0];
	v12 =	vbroadcast v1, $0x4;
	v4 =	vmul.f32 v4, v0  }
0x58: {  	v26 =	vld [tilespmem:s21+$0xFFFFFFB0];
	v21 =	vbroadcast v1, $0x5;
	v22 =	vbroadcast v1, $0x6  }
0x59: {  	v28 =	vld [tilespmem:s21+$0xFFFFFFC0];
	v24 =	vbroadcast v1, $0x7;
	v25 =	vbroadcast v2, $0x4  }
0x5a: {  	v29 =	vld [tilespmem:s21+$0xFFFFFFD0];
	v27 =	vbroadcast v2, $0x5;
	v1 =	vmul.f32 v15, v5  }
0x5b: {  	v30 =	vld [tilespmem:s21+$0xFFFFFFE0];
	v5 =	vbroadcast v2, $0x6;
	v6 =	vmul.f32 v15, v6;
	[tilespmem:s21+$0xF0] =	vst v4  }
0x5c: {  	v9 =	vld [tilespmem:s21+$0xFFFFFF60];
	v8 =	vmul.f32 v8, v16;
	v10 =	vmul.f32 v10, v16;
	[tilespmem:s21+$0xFFFFFF00] =	vst v1  }
0x5d: {  	v31 =	vld [tilespmem:s21+$0xFFFFFFF0];
	v4 =	vbroadcast v2, $0x7;
	v2 =	vbroadcast v7, $0x5;
	[tilespmem:s21+$0xFFFFFF10] =	vst v6  }
0x5e: {  	v17 =	vmul.f32 v12, v17;
	v6 =	vmul.f32 v11, v18;
	[tilespmem:s21+$0xFFFFFF20] =	vst v8;
	v11 =	vld [tilespmem:s21+$0x0]  }
0x5f: {  	v1 =	vbroadcast v7, $0x6;
	v7 =	vmul.f32 v13, v18;
	[tilespmem:s21+$0xFFFFFF30] =	vst v10;
	v13 =	vld [tilespmem:s21+$0x10]  }
0x60: {  	v10 =	vmul.f32 v14, v19;
	v14 =	vld [tilespmem:s21+$0x20];
	[tilespmem:s21+$0xFFFFFF80] =	vst v17  }
0x61: {  	v8 =	vmul.f32 v9, v19;
	v18 =	vmul.f32 v12, v20;
	v19 =	vld [tilespmem:s21+$0x30];
	[tilespmem:s21+$0xFFFFFF40] =	vst v6  }
0x62: {  	v15 =	vld [tilespmem:s21+$0x40];
	v20 =	vmul.f32 v23, v21;
	v9 =	vmul.f32 v28, v22;
	[tilespmem:s21+$0xFFFFFF50] =	vst v7  }
0x63: {  	v16 =	vld [tilespmem:s21+$0x50];
	v7 =	vmul.f32 v26, v21;
	[tilespmem:s21+$0xFFFFFF60] =	vst v8;
	v6 =	vmul.f32 v29, v22  }
0x64: {  	v17 =	vld [tilespmem:s21+$0x60];
	[tilespmem:s21+$0xFFFFFF70] =	vst v10;
	v8 =	vmul.f32 v30, v24;
	v10 =	vmul.f32 v31, v24  }
0x65: {  	[tilespmem:s21+$0xFFFFFF90] =	vst v18;
	v18 =	vld [tilespmem:s21+$0x70];
	v11 =	vmul.f32 v25, v11;
	v12 =	vmul.f32 v25, v13  }
0x66: {  	s12 =	simm.s32 $0x0;
	s11 =	simm.s32 $0x1200;
	s13 =	simm.s32 $0x960;
	[tilespmem:s21+$0xFFFFFFA0] =	vst v20;
	v14 =	vmul.f32 v14, v27;
	v13 =	vmul.f32 v19, v27;
	v19 =	vld [tilespmem:s21+$0x80]  }
.LBB2_3:
0x67: {  	v20 =	vld [tilespmem:s13+$0x10];
	s12 =	sadd.s32 $0x4, s12;
	[tilespmem:s21+$0xFFFFFFB0] =	vst v7;
	v7 =	vmul.f32 v15, v5  }
0x68: {  	v15 =	vld [tilespmem:s13+$0xFFFFFFE0];
	p1 =	slt.u32 s12, $0x7C;
	[tilespmem:s21+$0xFFFFFFC0] =	vst v9;
	v5 =	vmul.f32 v16, v5  }
0x69: {  	v9 =	vld [tilespmem:s13+$0xFFFFFFF0];
	[tilespmem:s21+$0xFFFFFFD0] =	vst v6;
	v6 =	vmul.f32 v17, v4  }
0x6a: {  	v16 =	vld [tilespmem:s13+$0x0];
	[tilespmem:s21+$0xFFFFFFE0] =	vst v8;
	v4 =	vmul.f32 v18, v4  }
0x6b: {  	[tilespmem:s21+$0xFFFFFFF0] =	vst v10;
	v8 =	vmul.f32 v3, v19;
	v10 =	vld [tilespmem:s21+$0x90]  }
0x6c: {  	(erf) = vrcp.f32 v20;
	[tilespmem:s21+$0x0] =	vst v11;
	v11 =	vld [tilespmem:s21+$0xA0]  }
0x6d: {  	(erf) = vrcp.f32 v15;
	[tilespmem:s21+$0x10] =	vst v12;
	v12 =	vld [tilespmem:s21+$0xB0]  }
0x6e: {  	(erf) = vrcp.f32 v9;
	[tilespmem:s21+$0x20] =	vst v14;
	v9 =	vld [tilespmem:s21+$0xC0]  }
0x6f: {  	(erf) = vrcp.f32 v16;
	[tilespmem:s21+$0x30] =	vst v13;
	v13 =	vld [tilespmem:s21+$0xD0]  }
0x70: {  	s8 =	sadd.s32 $0x40, s8;
	[tilespmem:s21+$0x40] =	vst v7;
	v3 =	vmul.f32 v3, v10;
	v7 =	vld [tilespmem:s21+$0xE0]  }
0x71: {  	v10 =	vld [tilespmem:s8+$0x10];
	[tilespmem:s21+$0x50] =	vst v5;
	v5 =	vmul.f32 v11, v2  }
0x72: {  	v11 =	vld [tilespmem:s8+$0xFFFFFFF0];
	[tilespmem:s21+$0x60] =	vst v6;
	v2 =	vmul.f32 v12, v2  }
0x73: {  	v6 =	vld [tilespmem:s8+$0x0];
	[tilespmem:s21+$0x70] =	vst v4;
	v4 =	vmul.f32 v9, v1  }
0x74: {  	s21 =	sadd.s32 $0x200, s21;
	v9 =	vld [tilespmem:s8+$0xFFFFFFE0];
	[tilespmem:s11+$0x80] =	vst v8;
	v1 =	vmul.f32 v13, v1  }
0x75: {  	v8 =	vld [tilespmem:s21+$0xF0];
	v12 =	vpop (erf);
	[tilespmem:s11+$0x90] =	vst v3;
	v3 =	vmul.f32 v7, v0  }
0x76: {  	v7 =	vld [tilespmem:s21+$0xFFFFFF00];
	v10 =	vmul.f32 v12, v10;
	v12 =	vpop (erf);
	[tilespmem:s11+$0xA0] =	vst v5  }
0x77: {  	v13 =	vld [tilespmem:s21+$0xFFFFFF10];
	v0 =	vpop (erf);
	[tilespmem:s11+$0xB0] =	vst v2  }
0x78: {  	v14 =	vld [tilespmem:s21+$0xFFFFFF20];
	v2 =	vmul.f32 v0, v11;
	v0 =	vbroadcast v10, $0x7;
	v5 =	vpop (erf);
	[tilespmem:s11+$0xC0] =	vst v4  }
0x79: {  	v4 =	vmul.f32 v12, v9;
	v9 =	vld [tilespmem:s21+$0xFFFFFF30];
	v6 =	vmul.f32 v5, v6;
	[tilespmem:s11+$0xD0] =	vst v1  }
0x7a: {  	v11 =	vld [tilespmem:s21+$0xFFFFFF40];
	v12 =	vbroadcast v2, $0x4;
	v1 =	vmul.f32 v8, v0;
	[tilespmem:s11+$0xE0] =	vst v3;
	s11 =	smov.u32 s21  }
0x7b: {  	v8 =	vbroadcast v4, $0x4;
	v15 =	vbroadcast v4, $0x5;
	v16 =	vld [tilespmem:s21+$0xFFFFFF50]  }
0x7c: {  	v17 =	vbroadcast v4, $0x6;
	v19 =	vbroadcast v4, $0x7;
	v18 =	vld [tilespmem:s21+$0xFFFFFF60];
	[tilespmem:s21+$0xF0] =	vst v1  }
0x7d: {  	v21 =	vbroadcast v2, $0x5;
	v22 =	vbroadcast v2, $0x6;
	v20 =	vld [tilespmem:s21+$0xFFFFFF70]  }
0x7e: {  	v24 =	vbroadcast v2, $0x7;
	v25 =	vbroadcast v6, $0x4;
	v23 =	vld [tilespmem:s21+$0xFFFFFF80]  }
0x7f: {  	v27 =	vbroadcast v6, $0x5;
	v5 =	vbroadcast v6, $0x6;
	v26 =	vld [tilespmem:s21+$0xFFFFFF90]  }
0x80: {  	v3 =	vbroadcast v10, $0x4;
	v4 =	vbroadcast v6, $0x7;
	v28 =	vld [tilespmem:s21+$0xFFFFFFA0]  }
0x81: {  	v2 =	vbroadcast v10, $0x5;
	v1 =	vbroadcast v10, $0x6;
	v6 =	vld [tilespmem:s21+$0xFFFFFFB0]  }
0x82: {  	v7 =	vmul.f32 v8, v7;
	v8 =	vmul.f32 v8, v13;
	v10 =	vld [tilespmem:s21+$0xFFFFFFC0]  }
0x83: {  	v13 =	vmul.f32 v14, v15;
	v9 =	vmul.f32 v9, v15;
	v14 =	vld [tilespmem:s21+$0xFFFFFFD0]  }
0x84: {  	v11 =	vmul.f32 v11, v17;
	v15 =	vmul.f32 v16, v17;
	[tilespmem:s21+$0xFFFFFF00] =	vst v7;
	v16 =	vld [tilespmem:s21+$0xFFFFFFE0]  }
0x85: {  	v17 =	vmul.f32 v18, v19;
	v18 =	vmul.f32 v20, v19;
	[tilespmem:s21+$0xFFFFFF10] =	vst v8;
	v19 =	vld [tilespmem:s21+$0xFFFFFFF0]  }
0x86: {  	v20 =	vmul.f32 v12, v26;
	[tilespmem:s21+$0xFFFFFF20] =	vst v13;
	v13 =	vmul.f32 v12, v23;
	v12 =	vld [tilespmem:s21+$0x0]  }
0x87: {  	v23 =	vmul.f32 v28, v21;
	v7 =	vmul.f32 v6, v21;
	[tilespmem:s21+$0xFFFFFF30] =	vst v9;
	v21 =	vld [tilespmem:s21+$0x10]  }
0x88: {  	v9 =	vmul.f32 v10, v22;
	[tilespmem:s21+$0xFFFFFF40] =	vst v11;
	v6 =	vmul.f32 v14, v22;
	v14 =	vld [tilespmem:s21+$0x20]  }
0x89: {  	[tilespmem:s21+$0xFFFFFF50] =	vst v15;
	v8 =	vmul.f32 v16, v24;
	v22 =	vld [tilespmem:s21+$0x30]  }
.Ltmp0:
0x8a: {  	[tilespmem:s21+$0xFFFFFF60] =	vst v17;
	v10 =	vmul.f32 v19, v24;
	v15 =	vld [tilespmem:s21+$0x40];
	(pc) =	sbr.rel @p1 .LBB2_3-.Ltmp0, $4  }
0x8b: {  	[tilespmem:s21+$0xFFFFFF70] =	vst v18;
	v11 =	vmul.f32 v25, v12;
	v16 =	vld [tilespmem:s21+$0x50]  }
0x8c: {  	[tilespmem:s21+$0xFFFFFF80] =	vst v13;
	v12 =	vmul.f32 v25, v21;
	v17 =	vld [tilespmem:s21+$0x60]  }
0x8d: {  	[tilespmem:s21+$0xFFFFFF90] =	vst v20;
	v14 =	vmul.f32 v14, v27;
	v18 =	vld [tilespmem:s21+$0x70]  }
0x8e: {  	s13 =	sadd.s32 $0x40, s13;
	[tilespmem:s21+$0xFFFFFFA0] =	vst v23;
	v13 =	vmul.f32 v22, v27;
	v19 =	vld [tilespmem:s21+$0x80]  }
0x8f: {  	[tilespmem:s21+$0xFFFFFFB0] =	vst v7  }
0x90: {  	[tilespmem:s21+$0xFFFFFFC0] =	vst v9  }
0x91: {  	[tilespmem:s21+$0xFFFFFFD0] =	vst v6  }
0x92: {  	[tilespmem:s21+$0xFFFFFFE0] =	vst v8  }
0x93: {  	[tilespmem:s21+$0xFFFFFFF0] =	vst v10  }
0x94: {  	[tilespmem:s21+$0x0] =	vst v11  }
0x95: {  	[tilespmem:s21+$0x10] =	vst v12  }
0x96: {  	v6 =	vmul.f32 v15, v5;
	v7 =	vld [tilespmem:s21+$0x90];
	[tilespmem:s21+$0x20] =	vst v14  }
0x97: {  	v8 =	vld [tilespmem:s21+$0xA0];
	v5 =	vmul.f32 v16, v5;
	[tilespmem:s21+$0x30] =	vst v13  }
0x98: {  	v10 =	vld [tilespmem:s21+$0xB0];
	v9 =	vmul.f32 v17, v4;
	[tilespmem:s21+$0x40] =	vst v6  }
0x99: {  	v6 =	vld [tilespmem:s21+$0xC0];
	v4 =	vmul.f32 v18, v4;
	[tilespmem:s21+$0x50] =	vst v5  }
0x9a: {  	v11 =	vld [tilespmem:s21+$0xD0];
	v5 =	vmul.f32 v3, v19;
	[tilespmem:s21+$0x60] =	vst v9  }
0x9b: {  	v3 =	vmul.f32 v3, v7;
	v7 =	vld [tilespmem:s21+$0xE0];
	[tilespmem:s21+$0x70] =	vst v4  }
0x9c: {  	v4 =	vmul.f32 v8, v2;
	[tilespmem:s11+$0x80] =	vst v5  }
0x9d: {  	v2 =	vmul.f32 v10, v2;
	[tilespmem:s11+$0x90] =	vst v3  }
0x9e: {  	v3 =	vmul.f32 v6, v1;
	[tilespmem:s11+$0xA0] =	vst v4  }
0x9f: {  	v1 =	vmul.f32 v11, v1;
	[tilespmem:s11+$0xB0] =	vst v2  }
0xa0: {  	[tilespmem:s11+$0xC0] =	vst v3;
	v0 =	vmul.f32 v7, v0  }
0xa1: {  	p1 =	seq.s32 s0, $0x28;
	[tilespmem:s11+$0xD0] =	vst v1  }
0xa2: {  	s8 =	sadd.s32 @!p1 s19, s14;
	[tilespmem:s11+$0xE0] =	vst v0  }
0xa3: {  	[spmem:s1] =	stream.indirect.scatter.add.f32 [tilespmem:s22], [sflag:$0x3], $0x80, s20, s20, $0xb8;
	[tilespmem:$0x1E200] =	vst v63  }
0xa4: {  	s12 =	simm.s32 @!p1 $0x0;
	s11 =	sshll.u32 @!p1 s8, $0x1;
	_ =	swait.ge [sflag:s18], $0x4000  }
0xa5: {  	s13 =	simm.s32 @!p1 $0x100;
	s11 =	sand.u32 @!p1 $0x1FFFFE00, s11;
	[sflag:s18] =	ssyncset.done $0x0  }
0xa6: {  	s8 =	sshrl.u32 @!p1 s8, $0x3;
	s11 =	sadd.s32 @!p1 s6, s11;
	[sflag:s18] =	ssyncadd.s32 $0xFFFFC000  }
0xa7: {  	[tilespmem:s13], [sflag:$0x1] =	stream.linear.gather @!p1 [hbm4b:s11+s12], $0x800, $0x38;
	[tilespmem:$0x1E200] =	vst v63  }
0xa8: {  	s11 =	sadd.s32 @!p1 s4, s8  }
0xa9: {  	[tilespmem:s12], [sflag:$0x3] =	stream.linear.gather @!p1 [hbm4b:s11+s12], $0x80, $0x38;
	[tilespmem:$0x1E200] =	vst v63  }
0xaa: {  	s11 =	simm.s32 @!p1 $0x3  }
0xab: {  	_ =	swait.ge @!p1 [sflag:s11], $0x80  }
0xac: {  	[sflag:s11] =	ssyncset.done @!p1 $0x0  }
0xad: {  	s8 =	sadd.s32 @!p1 s5, s8;
	s13 =	simm.s32 @!p1 $0x80;
	[sflag:s11] =	ssyncadd.s32 @!p1 $0xFFFFFF80  }
0xae: {  	[tilespmem:s13], [sflag:$0x3] =	stream.linear.gather @!p1 [hbm4b:s8+s12], $0x80, $0x38;
	[tilespmem:$0x1E200] =	vst v63  }
0xaf: {  	_ =	swait.ge @!p1 [sflag:s11], $0x80  }
0xb0: {  	[sflag:s11] =	ssyncset.done @!p1 $0x0  }
0xb1: {  	s8 =	simm.s32 @!p1 $0x900;
	[sflag:s11] =	ssyncadd.s32 @!p1 $0xFFFFFF80  }
0xb2: {  	[tilespmem:s8], [sflag:$0x1] =	stream.indirect.gather @!p1 [hbm4b:s7+s13], $0x10, s13, s13, $0xb8;
	[tilespmem:$0x1E200] =	vst v63  }
0xb3: {  	s8 =	simm.s32 @!p1 $0x1100  }
0xb4: {  	[tilespmem:s8], [sflag:$0x1] =	stream.indirect.gather @!p1 [hbm4b:s3+s13], $0x80, s12, s13, $0xb8;
	[tilespmem:$0x1E200] =	vst v63  }
0xb5: {  	_ =	swait.ge [sflag:s30], $0x800  }
0xb6: {  	[sflag:s30] =	ssyncset.done $0x0  }
0xb7: {  	[sflag:s30] =	ssyncadd.s32 $0xFFFFF800  }
0xb8: {  	_ =	swait.ge [sflag:s30], $0x800  }
0xb9: {  	[sflag:s30] =	ssyncset.done $0x0  }
0xba: {  	[sflag:s30] =	ssyncadd.s32 $0xFFFFF800  }
0xbb: {  	_ =	swait.ge [sflag:s30], $0x4000  }
0xbc: {  	[sflag:s30] =	ssyncset.done $0x0  }
0xbd: {  	s21 =	simm.s32 $0x5A20;
	[sflag:s30] =	ssyncadd.s32 $0xFFFFC000  }
0xbe: {  	v0 =	vld [tilespmem:s21+$0x10]  }
0xbf: {  	v1 =	vld [tilespmem:s21+$0xFFFFFFE0]  }
0xc0: {  	v2 =	vld [tilespmem:s21+$0xFFFFFFF0]  }
0xc1: {  	v3 =	vld [tilespmem:s21+$0x0];
	_ =	sdelay $0x1  }
0xc2: {  	(erf) = vrcp.f32 v0  }
0xc3: {  	s19 =	simm.s32 $0x6300;
	(erf) = vrcp.f32 v1  }
0xc4: {  	v4 =	vld [tilespmem:s19+$0xF0];
	(erf) = vrcp.f32 v2  }
0xc5: {  	v5 =	vld [tilespmem:s19+$0xFFFFFF00];
	(erf) = vrcp.f32 v3  }
0xc6: {  	s8 =	simm.s32 $0x5220;
	v6 =	vld [tilespmem:s19+$0xFFFFFF10]  }
0xc7: {  	v0 =	vld [tilespmem:s8+$0x10]  }
0xc8: {  	v3 =	vld [tilespmem:s8+$0xFFFFFFE0]  }
0xc9: {  	v1 =	vld [tilespmem:s8+$0xFFFFFFF0]  }
0xca: {  	v2 =	vld [tilespmem:s8+$0x0]  }
0xcb: {  	v8 =	vld [tilespmem:s19+$0xFFFFFF20];
	v7 =	vpop (erf)  }
0xcc: {  	v10 =	vld [tilespmem:s19+$0xFFFFFF30];
	v7 =	vmul.f32 v7, v0;
	v9 =	vpop (erf)  }
0xcd: {  	v11 =	vld [tilespmem:s19+$0xFFFFFF40];
	v0 =	vpop (erf);
	v3 =	vmul.f32 v9, v3  }
0xce: {  	v13 =	vld [tilespmem:s19+$0xFFFFFF50];
	v1 =	vmul.f32 v0, v1;
	v0 =	vbroadcast v7, $0x7;
	v12 =	vpop (erf)  }
0xcf: {  	v14 =	vld [tilespmem:s19+$0xFFFFFF70];
	v2 =	vmul.f32 v12, v2;
	v15 =	vbroadcast v3, $0x4  }
0xd0: {  	v17 =	vld [tilespmem:s19+$0xFFFFFF80];
	v16 =	vbroadcast v3, $0x5;
	v18 =	vbroadcast v3, $0x6  }
0xd1: {  	v20 =	vld [tilespmem:s19+$0xFFFFFF90];
	v19 =	vbroadcast v3, $0x7;
	v3 =	vbroadcast v7, $0x4  }
0xd2: {  	v23 =	vld [tilespmem:s19+$0xFFFFFFA0];
	v12 =	vbroadcast v1, $0x4;
	v4 =	vmul.f32 v4, v0  }
0xd3: {  	v26 =	vld [tilespmem:s19+$0xFFFFFFB0];
	v21 =	vbroadcast v1, $0x5;
	v22 =	vbroadcast v1, $0x6  }
0xd4: {  	v28 =	vld [tilespmem:s19+$0xFFFFFFC0];
	v24 =	vbroadcast v1, $0x7;
	v25 =	vbroadcast v2, $0x4  }
0xd5: {  	v29 =	vld [tilespmem:s19+$0xFFFFFFD0];
	v27 =	vbroadcast v2, $0x5;
	v1 =	vmul.f32 v15, v5  }
0xd6: {  	v30 =	vld [tilespmem:s19+$0xFFFFFFE0];
	v5 =	vbroadcast v2, $0x6;
	v6 =	vmul.f32 v15, v6;
	[tilespmem:s19+$0xF0] =	vst v4  }
0xd7: {  	v9 =	vld [tilespmem:s19+$0xFFFFFF60];
	v8 =	vmul.f32 v8, v16;
	v10 =	vmul.f32 v10, v16;
	[tilespmem:s19+$0xFFFFFF00] =	vst v1  }
0xd8: {  	v31 =	vld [tilespmem:s19+$0xFFFFFFF0];
	v4 =	vbroadcast v2, $0x7;
	v2 =	vbroadcast v7, $0x5;
	[tilespmem:s19+$0xFFFFFF10] =	vst v6  }
0xd9: {  	v17 =	vmul.f32 v12, v17;
	v6 =	vmul.f32 v11, v18;
	[tilespmem:s19+$0xFFFFFF20] =	vst v8;
	v11 =	vld [tilespmem:s19+$0x0]  }
0xda: {  	v1 =	vbroadcast v7, $0x6;
	v7 =	vmul.f32 v13, v18;
	[tilespmem:s19+$0xFFFFFF30] =	vst v10;
	v13 =	vld [tilespmem:s19+$0x10]  }
0xdb: {  	v10 =	vmul.f32 v14, v19;
	v14 =	vld [tilespmem:s19+$0x20];
	[tilespmem:s19+$0xFFFFFF80] =	vst v17  }
0xdc: {  	v8 =	vmul.f32 v9, v19;
	v18 =	vmul.f32 v12, v20;
	v19 =	vld [tilespmem:s19+$0x30];
	[tilespmem:s19+$0xFFFFFF40] =	vst v6  }
0xdd: {  	v15 =	vld [tilespmem:s19+$0x40];
	v20 =	vmul.f32 v23, v21;
	v9 =	vmul.f32 v28, v22;
	[tilespmem:s19+$0xFFFFFF50] =	vst v7  }
0xde: {  	v16 =	vld [tilespmem:s19+$0x50];
	v7 =	vmul.f32 v26, v21;
	[tilespmem:s19+$0xFFFFFF60] =	vst v8;
	v6 =	vmul.f32 v29, v22  }
0xdf: {  	v17 =	vld [tilespmem:s19+$0x60];
	[tilespmem:s19+$0xFFFFFF70] =	vst v10;
	v8 =	vmul.f32 v30, v24;
	v10 =	vmul.f32 v31, v24  }
0xe0: {  	[tilespmem:s19+$0xFFFFFF90] =	vst v18;
	v18 =	vld [tilespmem:s19+$0x70];
	v11 =	vmul.f32 v25, v11;
	v12 =	vmul.f32 v25, v13  }
0xe1: {  	s11 =	simm.s32 $0x6300;
	s12 =	simm.s32 $0x0;
	s13 =	simm.s32 $0x5A60;
	[tilespmem:s19+$0xFFFFFFA0] =	vst v20;
	v14 =	vmul.f32 v14, v27;
	v13 =	vmul.f32 v19, v27;
	v19 =	vld [tilespmem:s19+$0x80]  }
.LBB2_5:
0xe2: {  	v20 =	vld [tilespmem:s13+$0x10];
	s12 =	sadd.s32 $0x4, s12;
	[tilespmem:s19+$0xFFFFFFB0] =	vst v7;
	v7 =	vmul.f32 v15, v5  }
0xe3: {  	v15 =	vld [tilespmem:s13+$0xFFFFFFE0];
	p1 =	slt.u32 s12, $0x7C;
	[tilespmem:s19+$0xFFFFFFC0] =	vst v9;
	v5 =	vmul.f32 v16, v5  }
0xe4: {  	v9 =	vld [tilespmem:s13+$0xFFFFFFF0];
	[tilespmem:s19+$0xFFFFFFD0] =	vst v6;
	v6 =	vmul.f32 v17, v4  }
0xe5: {  	v16 =	vld [tilespmem:s13+$0x0];
	[tilespmem:s19+$0xFFFFFFE0] =	vst v8;
	v4 =	vmul.f32 v18, v4  }
0xe6: {  	[tilespmem:s19+$0xFFFFFFF0] =	vst v10;
	v8 =	vmul.f32 v3, v19;
	v10 =	vld [tilespmem:s19+$0x90]  }
0xe7: {  	(erf) = vrcp.f32 v20;
	[tilespmem:s19+$0x0] =	vst v11;
	v11 =	vld [tilespmem:s19+$0xA0]  }
0xe8: {  	(erf) = vrcp.f32 v15;
	[tilespmem:s19+$0x10] =	vst v12;
	v12 =	vld [tilespmem:s19+$0xB0]  }
0xe9: {  	(erf) = vrcp.f32 v9;
	[tilespmem:s19+$0x20] =	vst v14;
	v9 =	vld [tilespmem:s19+$0xC0]  }
0xea: {  	(erf) = vrcp.f32 v16;
	[tilespmem:s19+$0x30] =	vst v13;
	v13 =	vld [tilespmem:s19+$0xD0]  }
0xeb: {  	s8 =	sadd.s32 $0x40, s8;
	[tilespmem:s19+$0x40] =	vst v7;
	v3 =	vmul.f32 v3, v10;
	v7 =	vld [tilespmem:s19+$0xE0]  }
0xec: {  	v10 =	vld [tilespmem:s8+$0x10];
	[tilespmem:s19+$0x50] =	vst v5;
	v5 =	vmul.f32 v11, v2  }
0xed: {  	v11 =	vld [tilespmem:s8+$0xFFFFFFF0];
	[tilespmem:s19+$0x60] =	vst v6;
	v2 =	vmul.f32 v12, v2  }
0xee: {  	v6 =	vld [tilespmem:s8+$0x0];
	[tilespmem:s19+$0x70] =	vst v4;
	v4 =	vmul.f32 v9, v1  }
0xef: {  	s19 =	sadd.s32 $0x200, s19;
	v9 =	vld [tilespmem:s8+$0xFFFFFFE0];
	[tilespmem:s11+$0x80] =	vst v8;
	v1 =	vmul.f32 v13, v1  }
0xf0: {  	v8 =	vld [tilespmem:s19+$0xF0];
	v12 =	vpop (erf);
	[tilespmem:s11+$0x90] =	vst v3;
	v3 =	vmul.f32 v7, v0  }
0xf1: {  	v7 =	vld [tilespmem:s19+$0xFFFFFF00];
	v10 =	vmul.f32 v12, v10;
	v12 =	vpop (erf);
	[tilespmem:s11+$0xA0] =	vst v5  }
0xf2: {  	v13 =	vld [tilespmem:s19+$0xFFFFFF10];
	v0 =	vpop (erf);
	[tilespmem:s11+$0xB0] =	vst v2  }
0xf3: {  	v14 =	vld [tilespmem:s19+$0xFFFFFF20];
	v2 =	vmul.f32 v0, v11;
	v0 =	vbroadcast v10, $0x7;
	v5 =	vpop (erf);
	[tilespmem:s11+$0xC0] =	vst v4  }
0xf4: {  	v4 =	vmul.f32 v12, v9;
	v9 =	vld [tilespmem:s19+$0xFFFFFF30];
	v6 =	vmul.f32 v5, v6;
	[tilespmem:s11+$0xD0] =	vst v1  }
0xf5: {  	v11 =	vld [tilespmem:s19+$0xFFFFFF40];
	v12 =	vbroadcast v2, $0x4;
	v1 =	vmul.f32 v8, v0;
	[tilespmem:s11+$0xE0] =	vst v3;
	s11 =	smov.u32 s19  }
0xf6: {  	v8 =	vbroadcast v4, $0x4;
	v15 =	vbroadcast v4, $0x5;
	v16 =	vld [tilespmem:s19+$0xFFFFFF50]  }
0xf7: {  	v17 =	vbroadcast v4, $0x6;
	v19 =	vbroadcast v4, $0x7;
	v18 =	vld [tilespmem:s19+$0xFFFFFF60];
	[tilespmem:s19+$0xF0] =	vst v1  }
0xf8: {  	v21 =	vbroadcast v2, $0x5;
	v22 =	vbroadcast v2, $0x6;
	v20 =	vld [tilespmem:s19+$0xFFFFFF70]  }
0xf9: {  	v24 =	vbroadcast v2, $0x7;
	v25 =	vbroadcast v6, $0x4;
	v23 =	vld [tilespmem:s19+$0xFFFFFF80]  }
0xfa: {  	v27 =	vbroadcast v6, $0x5;
	v5 =	vbroadcast v6, $0x6;
	v26 =	vld [tilespmem:s19+$0xFFFFFF90]  }
0xfb: {  	v3 =	vbroadcast v10, $0x4;
	v4 =	vbroadcast v6, $0x7;
	v28 =	vld [tilespmem:s19+$0xFFFFFFA0]  }
0xfc: {  	v2 =	vbroadcast v10, $0x5;
	v1 =	vbroadcast v10, $0x6;
	v6 =	vld [tilespmem:s19+$0xFFFFFFB0]  }
0xfd: {  	v7 =	vmul.f32 v8, v7;
	v8 =	vmul.f32 v8, v13;
	v10 =	vld [tilespmem:s19+$0xFFFFFFC0]  }
0xfe: {  	v13 =	vmul.f32 v14, v15;
	v9 =	vmul.f32 v9, v15;
	v14 =	vld [tilespmem:s19+$0xFFFFFFD0]  }
0xff: {  	v11 =	vmul.f32 v11, v17;
	v15 =	vmul.f32 v16, v17;
	[tilespmem:s19+$0xFFFFFF00] =	vst v7;
	v16 =	vld [tilespmem:s19+$0xFFFFFFE0]  }
0x100: {  	v17 =	vmul.f32 v18, v19;
	v18 =	vmul.f32 v20, v19;
	[tilespmem:s19+$0xFFFFFF10] =	vst v8;
	v19 =	vld [tilespmem:s19+$0xFFFFFFF0]  }
0x101: {  	v20 =	vmul.f32 v12, v26;
	[tilespmem:s19+$0xFFFFFF20] =	vst v13;
	v13 =	vmul.f32 v12, v23;
	v12 =	vld [tilespmem:s19+$0x0]  }
0x102: {  	v23 =	vmul.f32 v28, v21;
	v7 =	vmul.f32 v6, v21;
	[tilespmem:s19+$0xFFFFFF30] =	vst v9;
	v21 =	vld [tilespmem:s19+$0x10]  }
0x103: {  	v9 =	vmul.f32 v10, v22;
	[tilespmem:s19+$0xFFFFFF40] =	vst v11;
	v6 =	vmul.f32 v14, v22;
	v14 =	vld [tilespmem:s19+$0x20]  }
0x104: {  	[tilespmem:s19+$0xFFFFFF50] =	vst v15;
	v8 =	vmul.f32 v16, v24;
	v22 =	vld [tilespmem:s19+$0x30]  }
.Ltmp1:
0x105: {  	[tilespmem:s19+$0xFFFFFF60] =	vst v17;
	v10 =	vmul.f32 v19, v24;
	v15 =	vld [tilespmem:s19+$0x40];
	(pc) =	sbr.rel @p1 .LBB2_5-.Ltmp1, $4  }
0x106: {  	[tilespmem:s19+$0xFFFFFF70] =	vst v18;
	v11 =	vmul.f32 v25, v12;
	v16 =	vld [tilespmem:s19+$0x50]  }
0x107: {  	[tilespmem:s19+$0xFFFFFF80] =	vst v13;
	v12 =	vmul.f32 v25, v21;
	v17 =	vld [tilespmem:s19+$0x60]  }
0x108: {  	[tilespmem:s19+$0xFFFFFF90] =	vst v20;
	v14 =	vmul.f32 v14, v27;
	v18 =	vld [tilespmem:s19+$0x70]  }
0x109: {  	s13 =	sadd.s32 $0x40, s13;
	[tilespmem:s19+$0xFFFFFFA0] =	vst v23;
	v13 =	vmul.f32 v22, v27;
	v19 =	vld [tilespmem:s19+$0x80]  }
0x10a: {  	[tilespmem:s19+$0xFFFFFFB0] =	vst v7  }
0x10b: {  	[tilespmem:s19+$0xFFFFFFC0] =	vst v9  }
0x10c: {  	[tilespmem:s19+$0xFFFFFFD0] =	vst v6  }
0x10d: {  	[tilespmem:s19+$0xFFFFFFE0] =	vst v8  }
0x10e: {  	[tilespmem:s19+$0xFFFFFFF0] =	vst v10  }
0x10f: {  	[tilespmem:s19+$0x0] =	vst v11  }
0x110: {  	[tilespmem:s19+$0x10] =	vst v12  }
0x111: {  	v48 =	vmul.f32 v15, v5;
	v49 =	vld [tilespmem:s19+$0x90];
	[tilespmem:s19+$0x20] =	vst v14  }
0x112: {  	v51 =	vld [tilespmem:s19+$0xA0];
	v50 =	vmul.f32 v16, v5;
	[tilespmem:s19+$0x30] =	vst v13  }
0x113: {  	v53 =	vld [tilespmem:s19+$0xB0];
	v52 =	vmul.f32 v17, v4;
	[tilespmem:s19+$0x40] =	vst v48  }
0x114: {  	v55 =	vld [tilespmem:s19+$0xC0];
	v54 =	vmul.f32 v18, v4;
	[tilespmem:s19+$0x50] =	vst v50  }
0x115: {  	v57 =	vld [tilespmem:s19+$0xD0];
	v56 =	vmul.f32 v3, v19;
	[tilespmem:s19+$0x60] =	vst v52  }
0x116: {  	v59 =	vld [tilespmem:s19+$0xE0];
	v58 =	vmul.f32 v3, v49;
	[tilespmem:s19+$0x70] =	vst v54  }
0x117: {  	v60 =	vmul.f32 v51, v2;
	[tilespmem:s11+$0x80] =	vst v56  }
0x118: {  	v61 =	vmul.f32 v53, v2;
	[tilespmem:s11+$0x90] =	vst v58  }
0x119: {  	v62 =	vmul.f32 v55, v1;
	[tilespmem:s11+$0xA0] =	vst v60  }
0x11a: {  	v63 =	vmul.f32 v57, v1;
	[tilespmem:s11+$0xB0] =	vst v61  }
0x11b: {  	s0 =	sadd.s32 $0x1, s0;
	v0 =	vmul.f32 v59, v0;
	[tilespmem:s11+$0xC0] =	vst v62  }
0x11c: {  	p1 =	sne.s32 s0, $0x29;
	[tilespmem:s11+$0xD0] =	vst v63  }
.Ltmp2:
0x11d: {  	[tilespmem:s11+$0xE0] =	vst v0;
	(pc) =	sbr.rel @p1 .LBB2_2-.Ltmp2, $4  }
0x11e: {  	[spmem:s1] =	stream.indirect.scatter.add.f32 [tilespmem:s28], [sflag:$0x3], $0x80, s25, s20, $0xb8;
	[tilespmem:$0x1E200] =	vst v63  }
0x11f: {  	_ =	swait.ge [sflag:s18], $0x4000  }
0x120: {  	[sflag:s18] =	ssyncset.done $0x0  }
0x121: {  	[sflag:s18] =	ssyncadd.s32 $0xFFFFC000  }
0x122: {  	[bflag:$0x0] =	sbarrier.arrive $0xFFFF;
	s0 =	sshrl.u32 @!p0 s1, $0x3;
	s31 =	sadd.s32 $0x1, s31  }
0x123: {  	[hbm:s15], [sflag:s10] =	dma.local @!p0 [spmem:s0], $0x28000  }
0x124: {  	p1 =	sne.s32 s31, s16  }
.Ltmp3:
0x125: {  	_ = 	snop;
	(pc) =	sbr.rel @p1 .LBB2_1-.Ltmp3, $4  }
0x126: {  	s0 =	simm.s32 @!p0 $0x3  }
0x127: {  	_ =	swait.ge @!p0 [sflag:s0], $0x28000  }
0x128: {  	[sflag:s0] =	ssyncset.done @!p0 $0x0  }
0x129: {  	[sflag:s0] =	ssyncadd.s32 @!p0 $0xFFFD8000  }
0x12a: {  	_ =	sfence.sel $0x180000  }
0x12b: {  	[bflag:$0x0] =	sbarrier.arrive $0xFFFF  }
0x12c: {  	_ =	strace $0x9000004A  }
0x12d: {  	[bflag:$0x2] =	sbarrier.arrive $0xFFFF  }
0x12e: {  	s0 =	rddreg [dreg:$0x2]  }
0x12f: {  	s0 =	sadd.s32 @!p0 $0x100000, s0  }
0x130: {  	[sflag:s0] =	ssyncadd.tile.s32 @!p0 $0x1;
	_ =	shalt  }
.Lfunc_end2:
_tile_overlayer_lowered:
.L_overlay_start_2:
0x131: {  	(tag) =	ssettag $0x2  }
0x132: {  	s0 =	rddreg [dreg:$0x0];
	s2 =	stileid.u32  }
0x133: {  	s1 =	rddreg [dreg:$0x1];
	p0 =	sne.s32 s2, $0x0  }
0x134: {  	s3 =	rddreg [dreg:$0x2];
	[bflag:$0x3] =	sbarrier.arrive $0xFFFF;
	s2 =	simm.s32 @!p0 $0x1C03  }
0x135: {  	[timem:s3], [sflag:s2] =	dma.local @!p0 [hbm:s0], s1  }
0x136: {  	s0 =	simm.s32 @!p0 $0x3  }
0x137: {  	_ =	swait.ge @!p0 [sflag:s0], s1  }
0x138: {  	s1 =	ssub.s32 @!p0 $0x0, s1;
	[sflag:s0] =	ssyncset.done @!p0 $0x0  }
0x139: {  	[sflag:s0] =	ssyncadd.s32 @!p0 s1  }
0x13a: {  	[bflag:$0x3] =	sbarrier.arrive $0xFFFF  }
0x13b: {  	_ =	shalt  }

// kernel: kernel.21.cloned.1.call-start
scs
__scs_entry_jumppad:
0x0: {  	(pc) =	sbr.rel $0x88, $3  }
0x1: {  	(tag) =	ssettag $0x0;
	lr =	simm.s32 $0x1  }
0x2: {  	[smem:$0x3F97] =	sst lr;
	_ =	strace $0xD0000000  }
0x3: {  	_ = 	snop  }
0x4: {  	_ = 	snop  }
0x5: {  	_ = 	snop  }
0x6: {  	_ = 	snop  }
0x7: {  	_ = 	snop  }
__scs_overlays_trampoline_lowered:
0x8: {  	[smem:$0x3FA6] =	sst s0  }
0x9: {  	[smem:$0x3FA7] =	sst s1  }
0xa: {  	[smem:$0x3FA8] =	sst s2  }
0xb: {  	[smem:$0x3FA9] =	sst s3  }
0xc: {  	[smem:$0x3FAA] =	sst s4  }
0xd: {  	[smem:$0x3FAB] =	sst s5  }
0xe: {  	[smem:$0x3FAC] =	sst s6  }
0xf: {  	[smem:$0x3FAD] =	sst s7  }
0x10: {  	[smem:$0x3FAE] =	sst s8  }
0x11: {  	[smem:$0x3FAF] =	sst s9;
	s0 =	simm.s32 @!p0 $0x0  }
0x12: {  	s1 =	sld [smem:$0x3F95];
	s0 =	simm.s32 @p0 $0x1  }
0x13: {  	[smem:$0x3FB0] =	sst s0;
	s0 =	simm.s32 @!p1 $0x0  }
0x14: {  	s2 =	sld [smem:$0x3F94];
	s0 =	simm.s32 @p1 $0x1  }
0x15: {  	[smem:$0x3FB1] =	sst s0;
	s0 =	simm.s32 @!p2 $0x0  }
0x16: {  	s3 =	sld [smem:$0x3FDB];
	s0 =	simm.s32 @p2 $0x1  }
0x17: {  	s4 =	simm.s32 $0x1BF5;
	[smem:$0x3FB3] =	sst s0  }
0x18: {  	s0 =	sld [smem:$0x3F96];
	_ =	swait.ge [sflag:s4], $0x0  }
0x19: {  	s7 =	sld [smem:$0x3F97]  }
0x1a: {  	s8 =	sadd.s32 $0xFFFFE003, lr  }
0x1b: {  	s9 =	sadd.s32 $0xFFFFFEF7, lr;
	s5 =	simm.s32 $0xFFFFFFFF;
	p2 =	slt.u32 s8, $0xFFFFF086  }
0x1c: {  	p1 =	slt.u32 s9, $0xF7A;
	s5 =	simm.s32 @!p2 $0x0  }
0x1d: {  	s5 =	simm.s32 @p1 $0x1;
	p0 =	seq.s32 s7, s2  }
0x1e: {  	s7 =	smul.u32 @!p0 $0xF7A, s2;
	p2 =	seq.s32 @!p0 s5, $0x0  }
0x1f: {  	s9 =	smul.u32 $0xF7A, s1;
	s8 =	simm.s32 @!p0 $0x1BF5;
	p2 =	por !p2, p0  }
0x20: {  	[sflag:s8] =	ssyncset.s32 @!p0 $0xFFFFF086;
	s6 =	sadd.s32 @!p0 s3, s7;
	s7 =	simm.s32 @!p0 $0x108  }
0x21: {  	s3 =	sadd.s32 s3, s9;
	s6 =	sadd.s32 @!p0 $0x88, s6;
	s7 =	simm.s32 @p2 $0x1082  }
0x22: {  	[simem:s7], [sflag:s8] =	dma.local @!p0 [hbm:s6], $0xF7A  }
0x23: {  	s9 =	sor.u32 $0xD0000000, s2;
	s6 =	simm.s32 $0x108;
	_ =	swait.ge @!p0 [sflag:s8], $0x0  }
0x24: {  	s3 =	sadd.s32 $0x88, s3;
	s6 =	simm.s32 @!p1 $0x1082;
	[sflag:s4] =	ssyncset.s32 $0xFFFFF086  }
0x25: {  	[simem:s6], [sflag:s4] =	dma.local [hbm:s3], $0xF7A  }
0x26: {  	[smem:$0x3F97] =	sst s1;
	(tag) =	ssettag s2;
	_ =	strace s9  }
0x27: {  	s1 =	sld [smem:$0x3FA7]  }
0x28: {  	s2 =	sld [smem:$0x3FA8]  }
0x29: {  	s4 =	sld [smem:$0x3FAA]  }
0x2a: {  	p0 =	seq.s32 s5, $0x0;
	s5 =	sld [smem:$0x3FAB]  }
0x2b: {  	s6 =	sld [smem:$0x3FAC]  }
0x2c: {  	s7 =	sld [smem:$0x3FAD]  }
0x2d: {  	s3 =	simm.s32 $0x108;
	s8 =	sld [smem:$0x3FAE]  }
0x2e: {  	s3 =	simm.s32 @!p0 $0x1082;
	s9 =	sld [smem:$0x3FAF]  }
0x2f: {  	lr =	sadd.s32 s0, s3;
	s0 =	sld [smem:$0x3FA6]  }
0x30: {  	s3 =	sld [smem:$0x3FA9]  }
0x31: {  	[smem:$0x3FB2] =	sst s10  }
0x32: {  	s10 =	sld [smem:$0x3FB0];
	_ =	sdelay $0x3  }
0x33: {  	p0 =	seq.s32 s10, $0x1;
	s10 =	sld [smem:$0x3FB2];
	_ =	sdelay $0x3  }
0x34: {  	[smem:$0x3FB2] =	sst s10  }
0x35: {  	s10 =	sld [smem:$0x3FB1];
	_ =	sdelay $0x3  }
0x36: {  	p1 =	seq.s32 s10, $0x1;
	s10 =	sld [smem:$0x3FB2];
	_ =	sdelay $0x3  }
0x37: {  	[smem:$0x3FB2] =	sst s10  }
0x38: {  	s10 =	sld [smem:$0x3FB3]  }
0x39: {  	_ = 	snop;
	(pc) =	sbr.ind lr, $3  }
0x3a: {  	_ = 	snop  }
0x3b: {  	_ = 	snop  }
0x3c: {  	p2 =	seq.s32 s10, $0x1;
	s10 =	sld [smem:$0x3FB2]  }
0x3d: {  	_ =	shalt  }
0x3e: {  	_ =	shalt  }
0x3f: {  	_ =	shalt  }
0x40: {  	_ =	shalt  }
0x41: {  	_ =	shalt  }
0x42: {  	_ =	shalt  }
0x43: {  	_ =	shalt  }
0x44: {  	_ =	shalt  }
0x45: {  	_ =	shalt  }
0x46: {  	_ =	shalt  }
0x47: {  	_ =	shalt  }
0x48: {  	_ =	shalt  }
0x49: {  	_ =	shalt  }
0x4a: {  	_ =	shalt  }
0x4b: {  	_ =	shalt  }
0x4c: {  	_ =	shalt  }
0x4d: {  	_ =	shalt  }
0x4e: {  	_ =	shalt  }
0x4f: {  	_ =	shalt  }
0x50: {  	_ =	shalt  }
0x51: {  	_ =	shalt  }
0x52: {  	_ =	shalt  }
0x53: {  	_ =	shalt  }
0x54: {  	_ =	shalt  }
0x55: {  	_ =	shalt  }
0x56: {  	_ =	shalt  }
0x57: {  	_ =	shalt  }
0x58: {  	_ =	shalt  }
0x59: {  	_ =	shalt  }
0x5a: {  	_ =	shalt  }
0x5b: {  	_ =	shalt  }
0x5c: {  	_ =	shalt  }
0x5d: {  	_ =	shalt  }
0x5e: {  	_ =	shalt  }
0x5f: {  	_ =	shalt  }
0x60: {  	_ =	shalt  }
0x61: {  	_ =	shalt  }
0x62: {  	_ =	shalt  }
0x63: {  	_ =	shalt  }
0x64: {  	_ =	shalt  }
0x65: {  	_ =	shalt  }
0x66: {  	_ =	shalt  }
0x67: {  	_ =	shalt  }
0x68: {  	_ =	shalt  }
0x69: {  	_ =	shalt  }
0x6a: {  	_ =	shalt  }
0x6b: {  	_ =	shalt  }
0x6c: {  	_ =	shalt  }
0x6d: {  	_ =	shalt  }
0x6e: {  	_ =	shalt  }
0x6f: {  	_ =	shalt  }
0x70: {  	_ =	shalt  }
0x71: {  	_ =	shalt  }
0x72: {  	_ =	shalt  }
0x73: {  	_ =	shalt  }
0x74: {  	_ =	shalt  }
0x75: {  	_ =	shalt  }
0x76: {  	_ =	shalt  }
0x77: {  	_ =	shalt  }
0x78: {  	_ =	shalt  }
0x79: {  	_ =	shalt  }
0x7a: {  	_ =	shalt  }
0x7b: {  	_ =	shalt  }
0x7c: {  	_ =	shalt  }
0x7d: {  	_ =	shalt  }
0x7e: {  	_ =	shalt  }
0x7f: {  	_ =	shalt  }
0x80: {  	_ =	shalt  }
0x81: {  	_ =	shalt  }
0x82: {  	_ =	shalt  }
0x83: {  	_ =	shalt  }
0x84: {  	_ =	shalt  }
0x85: {  	_ =	shalt  }
0x86: {  	_ =	shalt  }
0x87: {  	_ =	shalt  }
.Lfunc_end0:
.L_simem_size_0:
called_computation.3_lowered:
.L_overlay_start_0:
0x88: {  	s2 =	sld [smem:$0x3FD9]  }
0x89: {  	s3 =	sld [smem:$0x3FFE];
	_ =	sdelay $0x1  }
0x8a: {  	s1 =	srdreg.scid  }
0x8b: {  	s0 =	sand.u32 $0x1, s1  }
0x8c: {  	s14 =	sshll.u32 s0, $0xA;
	s2 =	sadd.s32 s3, s2  }
0x8d: {  	s2 =	sadd.s32 s2, s14  }
0x8e: {  	[smem:$0x3FBE] =	sst s2  }
0x8f: {  	_ = 	snop  }
0x90: {  	s2 =	sld [smem:$0x3FD0];
	_ =	sdelay $0x2  }
0x91: {  	s15 =	simm.s32 $0xB;
	s4 =	simm.s32 $0x10  }
0x92: {  	[smem:s4], [sflag:s15] =	dma.local [hbm:s2], $0x1  }
0x93: {  	_ =	swait.eq [sflag:s15], $0x1  }
0x94: {  	[sflag:s15] =	ssyncset.done $0x0  }
0x95: {  	s16 =	sld [smem:$0x10];
	[sflag:s15] =	ssyncadd.s32 $0xFFFFFFFF  }
0x96: {  	s17 =	sld [smem:$0x11];
	(tm) =	ssettm $0x1  }
0x97: {  	s18 =	sld [smem:$0x3FFB];
	_ =	sdelay $0x3  }
0x98: {  	_ =	strace s18  }
0x99: {  	s4 =	sld [smem:$0x3FFC];
	_ =	sdelay $0x3  }
0x9a: {  	_ =	strace s4  }
0x9b: {  	s4 =	sld [smem:$0x3FFD];
	_ =	sdelay $0x3  }
0x9c: {  	_ =	strace s4  }
0x9d: {  	_ =	strace $0x8FFFFFFF  }
0x9e: {  	s19 =	sld [smem:$0x3FDB];
	_ =	sdelay $0x1  }
0x9f: {  	s5 =	simm.s32 $_scs_section_size  }
0xa0: {  	s6 =	simm.s32 $_size__tile_overlayer_lowered;
	s7 =	simm.s32 $_tile_overlayer_lowered  }
0xa1: {  	s22 =	simm.s32 $0x1BFF;
	s21 =	sshll.u32 s7, $0x1;
	s4 =	sadd.s32 s5, s19  }
0xa2: {  	s8 =	simm.s32 $0x0;
	s20 =	sshll.u32 s6, $0x1;
	s6 =	sadd.s32 s21, s4  }
0xa3: {  	[timem:s8], [sflag:s22] =	dma.local [hbm:s6], s20  }
0xa4: {  	_ =	swait.ge [sflag:s22], s20  }
0xa5: {  	s5 =	ssub.s32 $0x0, s20;
	[sflag:s22] =	ssyncset.done $0x0  }
0xa6: {  	[sflag:s22] =	ssyncadd.s32 s5;
	_ =	sdelay $0x1  }
0xa7: {  	s23 =	simm.s32 $0x1B8B  }
0xa8: {  	_ =	swait.ge [sflag:s23], $0x1  }
0xa9: {  	[sflag:s23] =	ssyncset.done $0x0  }
0xaa: {  	s25 =	simm.s32 $0x1B8E;
	s24 =	sld [smem:$0x3FFE];
	[sflag:s23] =	ssyncadd.s32 $0xFFFFFFFF  }
0xab: {  	s26 =	simm.s32 $execute0_lowered;
	[smem:$0x3FD2] =	sst s25  }
0xac: {  	s6 =	sshll.u32 s26, $0x1;
	_ =	strace $0x8000004F;
	[dreg:$0x1] =	wrdreg $0xFFFFFFFF  }
0xad: {  	s28 =	simm.s32 $_size_execute0_lowered;
	s4 =	sadd.s32 s4, s6;
	[dreg:$0x0] =	wrdreg $0x0  }
0xae: {  	s6 =	sshll.u32 s28, $0x1;
	[dreg:$0x2] =	wrdreg s4  }
0xaf: {  	[dreg:$0x3] =	wrdreg s6  }
0xb0: {  	[dreg:$0x4] =	wrdreg $0xC0  }
0xb1: {  	_ =	task [dreg:s8], $0x5FFFF  }
0xb2: {  	[dreg:$0x1] =	wrdreg $0xFFFFFFFF  }
0xb3: {  	[dreg:$0x0] =	wrdreg $0x60  }
0xb4: {  	[dreg:$0x2] =	wrdreg s17  }
0xb5: {  	[dreg:$0x3] =	wrdreg s24  }
0xb6: {  	[dreg:$0x4] =	wrdreg s16  }
0xb7: {  	[dreg:$0x5] =	wrdreg $0x32000  }
0xb8: {  	[dreg:$0x6] =	wrdreg $0x9  }
0xb9: {  	_ =	task.clear_ibuf [dreg:s8], $0x7FFFF;
	_ =	strace $0x9000004F  }
0xba: {  	s29 =	simm.s32 $0x9;
	_ =	strace $0x80000051  }
0xbb: {  	_ =	swait.ge [sflag:s29], $0x1  }
0xbc: {  	[sflag:s29] =	ssyncadd.s32 $0xFFFFFFFF  }
0xbd: {  	_ =	strace $0x90000051  }
0xbe: {  	_ =	sfence  }
0xbf: {  	s30 =	sld [smem:$0x0];
	_ =	sdelay $0x2  }
0xc0: {  	s31 =	sshll.u32 s1, $0xD;
	s1 =	sshrl.u32 s1, $0x2  }
0xc1: {  	s3 =	sand.u32 $0x4000, s31;
	s1 =	sadd.s32 s1, s30  }
0xc2: {  	s0 =	sor.u32 s3, s0;
	s1 =	sshll.u32 s1, $0x11  }
0xc3: {  	s0 =	sor.u32 s1, s0  }
0xc4: {  	s0 =	sadd.s32 $0x8F2B, s0  }
0xc5: {  	[sflag:s0] =	ssyncadd.remote.s32 $0x1  }
0xc6: {  	_ =	sfence.sel $0xFFFF  }
0xc7: {  	[dreg:$0x0] =	wrdreg $0xFFFFFFFF;
	(pc) =	sbr.abs _section_cstart, $3  }
0xc8: {  	[dreg:$0x1] =	wrdreg $0xFFFFFFFF  }
0xc9: {  	_ =	task.clear_ibuf [dreg:s8], $0x2FFFF;
	_ =	strace $0x9FFFFFFF  }
0xca: {  	(tm) =	ssettm $0x7FFFFFFF  }
0xcb: {  	_ =	shalt  }
tec
execute0_lowered:
.L_overlay_start_1:
0x0: {  	(tag) =	ssettag $0x1  }
0x1: {  	s1 =	rddreg [dreg:$0x0]  }
0x2: {  	s0 =	rddreg [dreg:$0x1]  }
0x3: {  	s7 =	rddreg [dreg:$0x2]  }
0x4: {  	s2 =	rddreg [dreg:$0x3]  }
0x5: {  	s3 =	simm.s32 $0x0;
	s8 =	srdreg.scid;
	s11 =	stileid.u32  }
0x6: {  	s18 =	simm.s32 $0x3;
	s19 =	simm.s32 $0x80;
	s22 =	simm.s32 $0x1900  }
0x7: {  	s28 =	simm.s32 $0x1100;
	s29 =	simm.s32 $0x2;
	s30 =	simm.s32 $0x2A00  }
0x8: {  	s31 =	simm.s32 $0x0;
	[smem:$0x7FF] =	sst s3;
	s4 =	sadd.s32 $0x49800, s0  }
0x9: {  	s5 =	sadd.s32 $0x3EE00, s0;
	s6 =	sadd.s32 $0x34A00, s0;
	s12 =	sand.u32 $0x1, s8  }
0xa: {  	s23 =	sadd.s32 $0x49200, s0;
	s10 =	smul.u32 $0xA000, s11;
	s8 =	sadd.s32 $0x4E800, s0  }
0xb: {  	s25 =	sshll.u32 s11, $0x6;
	p0 =	sne.s32 s11, $0x0;
	_ =	strace $0x80000050  }
0xc: {  	[dreg:$0x5] =	wrdreg s23;
	s9 =	sshll.u32 s12, $0x4;
	s24 =	ssub.s32 $0x2, s12  }
0xd: {  	s12 =	smul.u32 $0x5000, s12;
	s23 =	simm.s32 $0x1980;
	s13 =	sor.u32 s11, s9  }
0xe: {  	s14 =	sshrl.u32 s24, $0x1;
	s10 =	sshrl.u32 s10, $0x2;
	s9 =	smul.u32 $0x2900, s13  }
0xf: {  	s0 =	ssub.s32 s24, s14;
	s15 =	sadd.s32 s10, s2;
	s10 =	sor.u32 $0x1C03, s25  }
0x10: {  	s13 =	smul.u32 $0x29000, s13;
	s7 =	sadd.s32 s7, s12;
	s24 =	simm.s32 $0x1A00  }
0x11: {  	[dreg:$0x8] =	wrdreg s7;
	s0 =	smax.u32 s0, $0x1;
	s26 =	sshrl.u32 s9, $0x3  }
0x12: {  	s25 =	simm.s32 $0x2200;
	[dreg:$0x9] =	wrdreg s0;
	s16 =	sadd.s32 s5, s26  }
0x13: {  	s17 =	sshrl.u32 s15, $0x3;
	s14 =	sadd.s32 s6, s26;
	[dreg:$0x6] =	wrdreg s16  }
0x14: {  	s26 =	simm.s32 $0x1;
	[dreg:$0x7] =	wrdreg s14;
	s14 =	sadd.s32 $0x100, s9  }
.LBB2_1:
0x15: {  	s0 =	rddreg [dreg:$0x5]  }
0x16: {  	[spmem:s17], [sflag:s10] =	dma.local [hbm:s0], $0x500  }
0x17: {  	_ =	swait.ge [sflag:s18], $0x500  }
0x18: {  	[sflag:s18] =	ssyncset.done $0x0  }
0x19: {  	[sflag:s18] =	ssyncadd.s32 $0xFFFFFB00  }
0x1a: {  	[bflag:$0x0] =	sbarrier.arrive $0xFFFF  }
0x1b: {  	s15 =	rddreg [dreg:$0x6]  }
0x1c: {  	[tilespmem:s3], [sflag:$0x3] =	stream.linear.gather [hbm4b:s15+s3], $0x80, $0x38;
	[tilespmem:$0x5A00] =	vst v63  }
0x1d: {  	_ =	swait.ge [sflag:s18], $0x80  }
0x1e: {  	[sflag:s18] =	ssyncset.done $0x0  }
0x1f: {  	s16 =	rddreg [dreg:$0x7];
	[sflag:s18] =	ssyncadd.s32 $0xFFFFFF80  }
0x20: {  	[tilespmem:s19], [sflag:$0x3] =	stream.linear.gather [hbm4b:s16+s3], $0x80, $0x38;
	[tilespmem:$0x5A00] =	vst v63  }
0x21: {  	_ =	swait.ge [sflag:s18], $0x80  }
0x22: {  	[sflag:s18] =	ssyncset.done $0x0  }
0x23: {  	s20 =	simm.s32 $0x100;
	[sflag:s18] =	ssyncadd.s32 $0xFFFFFF80  }
0x24: {  	[tilespmem:s20], [sflag:$0x1] =	stream.indirect.gather [hbm4b:s1+s19], $0x10, s3, s19, $0xb8;
	[tilespmem:$0x5A00] =	vst v63  }
0x25: {  	s21 =	simm.s32 $0x900;
	s0 =	simm.s32 $0x0  }
0x26: {  	[tilespmem:s21], [sflag:$0x1] =	stream.indirect.gather [hbm4b:s4+s19], $0x10, s19, s19, $0xb8;
	[tilespmem:$0x5A00] =	vst v63  }
.LBB2_2:
0x27: {  	s21 =	sshll.u32 s0, $0x8  }
0x28: {  	s7 =	sadd.s32 s21, s9  }
0x29: {  	s20 =	sadd.s32 $0x80, s7  }
0x2a: {  	s7 =	sshrl.u32 s20, $0x3  }
0x2b: {  	s11 =	sadd.s32 s5, s7  }
0x2c: {  	[tilespmem:s22], [sflag:$0x3] =	stream.linear.gather [hbm4b:s11+s3], $0x80, $0x38;
	[tilespmem:$0x5A00] =	vst v63  }
0x2d: {  	_ =	swait.ge [sflag:s18], $0x80  }
0x2e: {  	[sflag:s18] =	ssyncset.done $0x0  }
0x2f: {  	s7 =	sadd.s32 s6, s7;
	[sflag:s18] =	ssyncadd.s32 $0xFFFFFF80  }
0x30: {  	[tilespmem:s23], [sflag:$0x3] =	stream.linear.gather [hbm4b:s7+s3], $0x80, $0x38;
	[tilespmem:$0x5A00] =	vst v63  }
0x31: {  	_ =	swait.ge [sflag:s18], $0x80  }
0x32: {  	[sflag:s18] =	ssyncset.done $0x0  }
0x33: {  	[sflag:s18] =	ssyncadd.s32 $0xFFFFFF80  }
0x34: {  	[tilespmem:s24], [sflag:$0x2] =	stream.indirect.gather [hbm4b:s1+s19], $0x10, s22, s19, $0xb8;
	[tilespmem:$0x5A00] =	vst v63  }
0x35: {  	_ = 	snop  }
0x36: {  	[tilespmem:s25], [sflag:$0x2] =	stream.indirect.gather [hbm4b:s4+s19], $0x10, s23, s19, $0xb8;
	[tilespmem:$0x5A00] =	vst v63  }
0x37: {  	_ =	swait.ge [sflag:s26], $0x800  }
0x38: {  	[sflag:s26] =	ssyncset.done $0x0  }
0x39: {  	[sflag:s26] =	ssyncadd.s32 $0xFFFFF800  }
0x3a: {  	_ =	swait.ge [sflag:s26], $0x800  }
0x3b: {  	[sflag:s26] =	ssyncset.done $0x0  }
0x3c: {  	s12 =	simm.s32 $0x120;
	[sflag:s26] =	ssyncadd.s32 $0xFFFFF800  }
0x3d: {  	s15 =	simm.s32 $0x920;
	v0 =	vld [tilespmem:s12+$0x10]  }
0x3e: {  	v1 =	vld [tilespmem:s15+$0x10]  }
0x3f: {  	v2 =	vld [tilespmem:s15+$0xFFFFFFE0]  }
0x40: {  	v3 =	vld [tilespmem:s12+$0xFFFFFFF0]  }
0x41: {  	v5 =	vld [tilespmem:s12+$0x0]  }
0x42: {  	v6 =	vld [tilespmem:s15+$0x0]  }
0x43: {  	s16 =	simm.s32 $0x160;
	v4 =	vld [tilespmem:s15+$0xFFFFFFF0]  }
0x44: {  	v7 =	vld [tilespmem:s16+$0x10]  }
0x45: {  	v0 =	vadd.f32 v1, v0;
	v1 =	vld [tilespmem:s12+$0xFFFFFFE0]  }
0x46: {  	v12 =	vld [tilespmem:s16+$0xFFFFFFE0];
	s12 =	simm.s32 $0x960  }
0x47: {  	v5 =	vadd.f32 v6, v5;
	v9 =	vld [tilespmem:s12+$0x10];
	v8 =	vmul.f32 $2.000000030e-01, v0  }
0x48: {  	v3 =	vadd.f32 v4, v3;
	v4 =	vld [tilespmem:s12+$0xFFFFFFE0];
	vm0 =	vgt.f32 v0, $0.0e+00  }
0x49: {  	v10 =	vld [tilespmem:s12+$0xFFFFFFF0];
	v11 =	vmul.f32 $2.000000030e-01, v5;
	v0 =	vsel vm0, v0, v8  }
0x4a: {  	vm1 =	vgt.f32 v5, $0.0e+00;
	v8 =	vld [tilespmem:s16+$0xFFFFFFF0];
	v0 =	vmul.f32 $1.442695020e+00, v0;
	v1 =	vadd.f32 v2, v1  }
0x4b: {  	v6 =	vmul.f32 $2.000000030e-01, v3;
	vm0 =	vgt.f32 v3, $0.0e+00;
	v5 =	vsel vm1, v5, v11;
	v2 =	vld [tilespmem:s16+$0x0]  }
0x4c: {  	s15 =	simm.s32 $0x1A0;
	v7 =	vadd.f32 v9, v7;
	(erf) = vpow2.f32 v0;
	v0 =	vld [tilespmem:s12+$0x0];
	v9 =	vmul.f32 $2.000000030e-01, v1  }
0x4d: {  	v3 =	vsel vm0, v3, v6;
	v6 =	vld [tilespmem:s15+$0x10];
	s16 =	simm.s32 $0x9A0;
	v5 =	vmul.f32 $1.442695020e+00, v5;
	vm2 =	vgt.f32 v1, $0.0e+00  }
0x4e: {  	v3 =	vmul.f32 $1.442695020e+00, v3;
	v4 =	vadd.f32 v4, v12;
	v1 =	vsel vm2, v1, v9;
	v9 =	vld [tilespmem:s16+$0x10]  }
0x4f: {  	v11 =	vmul.f32 $2.000000030e-01, v7;
	vm0 =	vgt.f32 v7, $0.0e+00;
	v8 =	vadd.f32 v10, v8  }
0x50: {  	v62 =	vld [tilespmem:s15+$0x0];
	(erf) = vpow2.f32 v3;
	vm2 =	vgt.f32 v4, $0.0e+00;
	v1 =	vmul.f32 $1.442695020e+00, v1  }
0x51: {  	v3 =	vld [tilespmem:s15+$0xFFFFFFF0];
	v7 =	vsel vm0, v7, v11;
	v11 =	vmul.f32 $2.000000030e-01, v8;
	v0 =	vadd.f32 v0, v2  }
0x52: {  	vm0 =	vgt.f32 v8, $0.0e+00;
	v2 =	vmul.f32 $1.442695020e+00, v7;
	v7 =	vld [tilespmem:s16+$0xFFFFFFF0];
	(erf) = vpow2.f32 v1  }
0x53: {  	v13 =	vld [tilespmem:s15+$0xFFFFFFE0];
	v8 =	vsel vm0, v8, v11;
	v1 =	vmul.f32 $2.000000030e-01, v0;
	v6 =	vadd.f32 v9, v6  }
0x54: {  	v10 =	vld [tilespmem:s16+$0xFFFFFFE0];
	vm1 =	vgt.f32 v0, $0.0e+00;
	(erf) = vpow2.f32 v2;
	v9 =	vmul.f32 $2.000000030e-01, v4  }
0x55: {  	v2 =	vld [tilespmem:s16+$0x0];
	(erf) = vpow2.f32 v5;
	v1 =	vsel vm1, v0, v1;
	v5 =	vmul.f32 $2.000000030e-01, v6  }
0x56: {  	s16 =	simm.s32 $0x1E0;
	v0 =	vsel vm2, v4, v9;
	v4 =	vmul.f32 $1.442695020e+00, v8;
	vm0 =	vgt.f32 v6, $0.0e+00  }
0x57: {  	s12 =	simm.s32 $0x9E0;
	v11 =	vld [tilespmem:s16+$0x10];
	v14 =	vadd.f32 v7, v3;
	v3 =	vsel vm0, v6, v5  }
0x58: {  	v8 =	vld [tilespmem:s12+$0x10];
	v6 =	vmul.f32 $1.442695020e+00, v3  }
0x59: {  	v7 =	vmul.f32 $1.442695020e+00, v0;
	v0 =	vld [tilespmem:s12+$0xFFFFFFE0];
	(erf) = vpow2.f32 v4;
	v5 =	vadd.f32 v10, v13  }
0x5a: {  	s7 =	simm.s32 $0x1120;
	v15 =	vmul.f32 $1.442695020e+00, v1;
	v1 =	vld [tilespmem:s16+$0xFFFFFFF0];
	v16 =	vmul.f32 $2.000000030e-01, v14;
	v12 =	vadd.f32 v2, v62;
	v4 =	vpop (erf)  }
0x5b: {  	v3 =	vld [tilespmem:s12+$0xFFFFFFF0];
	(erf) = vpow2.f32 v7;
	v9 =	vmul.f32 $2.000000030e-01, v5;
	[tilespmem:s7+$0x10] =	vst v4;
	v2 =	vpop (erf)  }
0x5c: {  	vm1 =	vgt.f32 v14, $0.0e+00;
	v63 =	vmul.f32 $2.000000030e-01, v12;
	(erf) = vpow2.f32 v6;
	v4 =	vld [tilespmem:s12+$0x0];
	[tilespmem:s7+$0xFFFFFFF0] =	vst v2;
	v6 =	vpop (erf)  }
0x5d: {  	s11 =	simm.s32 $0x1160;
	vm2 =	vgt.f32 v12, $0.0e+00;
	v7 =	vadd.f32 v8, v11;
	v2 =	vld [tilespmem:s16+$0x0];
	(erf) = vpow2.f32 v15;
	v11 =	vpop (erf);
	[tilespmem:s7+$0xFFFFFFE0] =	vst v6  }
0x5e: {  	s15 =	simm.s32 $0xC;
	vm0 =	vgt.f32 v5, $0.0e+00;
	v10 =	vsel vm1, v14, v16;
	v8 =	vsel vm2, v12, v63;
	v6 =	vld [tilespmem:s16+$0xFFFFFFE0];
	s16 =	simm.s32 $0x220;
	[tilespmem:s11+$0x10] =	vst v11  }
.LBB2_3:
0x5f: {  	v11 =	vld [tilespmem:s16+$0x10];
	v12 =	vmul.f32 $2.000000030e-01, v7;
	s12 =	sadd.s32 $0x40, s12;
	v5 =	vsel vm0, v5, v9;
	v9 =	vmul.f32 $1.442695020e+00, v10;
	v10 =	vpop (erf)  }
0x60: {  	s15 =	sadd.s32 $0x4, s15;
	vm0 =	vgt.f32 v7, $0.0e+00;
	v13 =	vld [tilespmem:s12+$0x10];
	v14 =	vadd.f32 v3, v1;
	v15 =	vmul.f32 $1.442695020e+00, v5;
	[tilespmem:s7+$0x0] =	vst v10;
	s7 =	smov.u32 s11  }
0x61: {  	p1 =	slt.u32 s15, $0x7C;
	v16 =	vld [tilespmem:s12+$0xFFFFFFE0];
	v3 =	vsel vm0, v7, v12;
	v12 =	vmul.f32 $1.442695020e+00, v8;
	(erf) = vpow2.f32 v9  }
.Ltmp0:
0x62: {  	v1 =	vld [tilespmem:s16+$0xFFFFFFF0];
	v8 =	vmul.f32 $2.000000030e-01, v14;
	v17 =	vadd.f32 v4, v2;
	v4 =	vmul.f32 $1.442695020e+00, v3;
	v2 =	vpop (erf);
	(pc) =	sbr.rel @p1 .LBB2_3-.Ltmp0, $4  }
0x63: {  	vm1 =	vgt.f32 v14, $0.0e+00;
	v3 =	vld [tilespmem:s12+$0xFFFFFFF0];
	v5 =	vadd.f32 v0, v6;
	(erf) = vpow2.f32 v15;
	[tilespmem:s11+$0xFFFFFFF0] =	vst v2  }
0x64: {  	v2 =	vld [tilespmem:s16+$0x0];
	vm2 =	vgt.f32 v17, $0.0e+00;
	v15 =	vmul.f32 $2.000000030e-01, v17;
	(erf) = vpow2.f32 v4;
	v6 =	vpop (erf)  }
0x65: {  	s11 =	sadd.s32 $0x40, s11;
	v4 =	vld [tilespmem:s12+$0x0];
	v7 =	vadd.f32 v13, v11;
	vm0 =	vgt.f32 v5, $0.0e+00;
	v9 =	vmul.f32 $2.000000030e-01, v5;
	v11 =	vpop (erf);
	[tilespmem:s7+$0xFFFFFFE0] =	vst v6  }
0x66: {  	v10 =	vsel vm1, v14, v8;
	v6 =	vld [tilespmem:s16+$0xFFFFFFE0];
	s16 =	sadd.s32 $0x40, s16;
	v8 =	vsel vm2, v17, v15;
	[tilespmem:s11+$0x10] =	vst v11;
	(erf) = vpow2.f32 v12;
	v0 =	vmovc v16  }
0x67: {  	_ =	sdelay $0x1  }
0x68: {  	v11 =	vmul.f32 $2.000000030e-01, v7;
	v5 =	vsel vm0, v5, v9;
	v9 =	vmul.f32 $1.442695020e+00, v10  }
0x69: {  	vm0 =	vgt.f32 v7, $0.0e+00;
	v1 =	vadd.f32 v3, v1;
	v3 =	vmul.f32 $1.442695020e+00, v5  }
0x6a: {  	v5 =	vsel vm0, v7, v11;
	v7 =	vmul.f32 $1.442695020e+00, v8;
	v0 =	vadd.f32 v0, v6  }
0x6b: {  	(erf) = vpow2.f32 v9;
	v2 =	vadd.f32 v4, v2;
	v4 =	vmul.f32 $2.000000030e-01, v1  }
0x6c: {  	vm0 =	vgt.f32 v1, $0.0e+00;
	(erf) = vpow2.f32 v3;
	v3 =	vmul.f32 $2.000000030e-01, v0  }
0x6d: {  	v5 =	vmul.f32 $1.442695020e+00, v5;
	v1 =	vsel vm0, v1, v4;
	vm2 =	vgt.f32 v0, $0.0e+00  }
0x6e: {  	v6 =	vmul.f32 $2.000000030e-01, v2;
	v1 =	vmul.f32 $1.442695020e+00, v1;
	v0 =	vsel vm2, v0, v3  }
0x6f: {  	vm1 =	vgt.f32 v2, $0.0e+00;
	(erf) = vpow2.f32 v5;
	v0 =	vmul.f32 $1.442695020e+00, v0  }
0x70: {  	(erf) = vpow2.f32 v7;
	v2 =	vsel vm1, v2, v6  }
0x71: {  	v2 =	vmul.f32 $1.442695020e+00, v2;
	v3 =	vpop (erf);
	(erf) = vpow2.f32 v1  }
0x72: {  	[tilespmem:s7+$0x0] =	vst v3;
	v1 =	vpop (erf);
	(erf) = vpow2.f32 v0  }
0x73: {  	[tilespmem:s11+$0xFFFFFFF0] =	vst v1;
	v0 =	vpop (erf);
	(erf) = vpow2.f32 v2  }
0x74: {  	s16 =	sadd.s32 $0x40, s11;
	v1 =	vpop (erf);
	[tilespmem:s11+$0xFFFFFFE0] =	vst v0  }
0x75: {  	v0 =	vpop (erf);
	[tilespmem:s16+$0x10] =	vst v1  }
0x76: {  	v1 =	vpop (erf);
	[tilespmem:s11+$0x0] =	vst v0  }
0x77: {  	[tilespmem:s16+$0xFFFFFFF0] =	vst v1;
	v0 =	vpop (erf)  }
0x78: {  	s12 =	sadd.s32 $0x40, s16;
	v1 =	vpop (erf);
	[tilespmem:s16+$0xFFFFFFE0] =	vst v0  }
0x79: {  	[tilespmem:s12+$0x10] =	vst v1;
	v0 =	vpop (erf)  }
0x7a: {  	s15 =	sshll.u32 s0, $0xC;
	[tilespmem:s16+$0x0] =	vst v0;
	v0 =	vpop (erf)  }
0x7b: {  	s7 =	sadd.s32 s13, s15;
	[tilespmem:s12+$0xFFFFFFF0] =	vst v0;
	v0 =	vpop (erf)  }
0x7c: {  	s7 =	sshrl.u32 s7, $0x3;
	[tilespmem:s12+$0xFFFFFFE0] =	vst v0;
	v0 =	vpop (erf)  }
0x7d: {  	s7 =	sadd.s32 s8, s7;
	[tilespmem:s12+$0x0] =	vst v0  }
0x7e: {  	[hbm4b:s7+s3] =	stream.linear.scatter [tilespmem:s28], [sflag:$0x3], $0x800, $0x38;
	[tilespmem:$0x5A00] =	vst v63  }
0x7f: {  	_ =	swait.ge [sflag:s18], $0x800  }
0x80: {  	[sflag:s18] =	ssyncset.done $0x0  }
0x81: {  	p1 =	seq.s32 s0, $0x28;
	[sflag:s18] =	ssyncadd.s32 $0xFFFFF800  }
0x82: {  	[spmem:s2] =	stream.indirect.scatter.add.f32 [tilespmem:s28], [sflag:$0x3], $0x10, s19, s19, $0xb8;
	[tilespmem:$0x5A00] =	vst v63  }
0x83: {  	s7 =	sadd.s32 @!p1 s21, s14;
	_ =	swait.ge [sflag:s18], $0x800  }
0x84: {  	s7 =	sshrl.u32 @!p1 s7, $0x3;
	[sflag:s18] =	ssyncset.done $0x0  }
0x85: {  	s12 =	simm.s32 @!p1 $0x0;
	s11 =	sadd.s32 @!p1 s5, s7;
	[sflag:s18] =	ssyncadd.s32 $0xFFFFF800  }
0x86: {  	[tilespmem:s12], [sflag:$0x3] =	stream.linear.gather @!p1 [hbm4b:s11+s12], $0x80, $0x38;
	[tilespmem:$0x5A00] =	vst v63  }
0x87: {  	s11 =	simm.s32 @!p1 $0x3  }
0x88: {  	_ =	swait.ge @!p1 [sflag:s11], $0x80  }
0x89: {  	[sflag:s11] =	ssyncset.done @!p1 $0x0  }
0x8a: {  	s15 =	simm.s32 @!p1 $0x80;
	s7 =	sadd.s32 @!p1 s6, s7;
	[sflag:s11] =	ssyncadd.s32 @!p1 $0xFFFFFF80  }
0x8b: {  	[tilespmem:s15], [sflag:$0x3] =	stream.linear.gather @!p1 [hbm4b:s7+s12], $0x80, $0x38;
	[tilespmem:$0x5A00] =	vst v63  }
0x8c: {  	_ =	swait.ge @!p1 [sflag:s11], $0x80  }
0x8d: {  	[sflag:s11] =	ssyncset.done @!p1 $0x0  }
0x8e: {  	s7 =	simm.s32 @!p1 $0x100;
	[sflag:s11] =	ssyncadd.s32 @!p1 $0xFFFFFF80  }
0x8f: {  	[tilespmem:s7], [sflag:$0x1] =	stream.indirect.gather @!p1 [hbm4b:s1+s15], $0x10, s12, s15, $0xb8;
	[tilespmem:$0x5A00] =	vst v63  }
0x90: {  	s7 =	simm.s32 @!p1 $0x900  }
0x91: {  	[tilespmem:s7], [sflag:$0x1] =	stream.indirect.gather @!p1 [hbm4b:s4+s15], $0x10, s15, s15, $0xb8;
	[tilespmem:$0x5A00] =	vst v63  }
0x92: {  	_ =	swait.ge [sflag:s29], $0x800  }
0x93: {  	[sflag:s29] =	ssyncset.done $0x0  }
0x94: {  	[sflag:s29] =	ssyncadd.s32 $0xFFFFF800  }
0x95: {  	_ =	swait.ge [sflag:s29], $0x800  }
0x96: {  	[sflag:s29] =	ssyncset.done $0x0  }
0x97: {  	s16 =	simm.s32 $0x1A20;
	[sflag:s29] =	ssyncadd.s32 $0xFFFFF800  }
0x98: {  	s21 =	simm.s32 $0x2220;
	v0 =	vld [tilespmem:s16+$0x10]  }
0x99: {  	v1 =	vld [tilespmem:s21+$0x10]  }
0x9a: {  	v2 =	vld [tilespmem:s21+$0xFFFFFFE0]  }
0x9b: {  	v3 =	vld [tilespmem:s16+$0xFFFFFFF0]  }
0x9c: {  	v4 =	vld [tilespmem:s21+$0xFFFFFFF0]  }
0x9d: {  	v5 =	vld [tilespmem:s16+$0x0]  }
0x9e: {  	s12 =	simm.s32 $0x1A60;
	v6 =	vld [tilespmem:s21+$0x0]  }
0x9f: {  	s15 =	simm.s32 $0x2260;
	v7 =	vld [tilespmem:s12+$0x10]  }
0xa0: {  	v9 =	vld [tilespmem:s15+$0x10]  }
0xa1: {  	v0 =	vadd.f32 v1, v0;
	v1 =	vld [tilespmem:s16+$0xFFFFFFE0];
	_ =	sdelay $0x1  }
0xa2: {  	v10 =	vld [tilespmem:s15+$0xFFFFFFF0];
	v8 =	vmul.f32 $2.000000030e-01, v0  }
0xa3: {  	v12 =	vld [tilespmem:s12+$0xFFFFFFE0];
	v5 =	vadd.f32 v6, v5;
	vm0 =	vgt.f32 v0, $0.0e+00  }
0xa4: {  	v3 =	vadd.f32 v4, v3;
	v4 =	vld [tilespmem:s15+$0xFFFFFFE0];
	v7 =	vadd.f32 v9, v7;
	v0 =	vsel vm0, v0, v8  }
0xa5: {  	v11 =	vmul.f32 $2.000000030e-01, v5;
	v8 =	vld [tilespmem:s12+$0xFFFFFFF0];
	v0 =	vmul.f32 $1.442695020e+00, v0;
	v1 =	vadd.f32 v2, v1  }
0xa6: {  	v6 =	vmul.f32 $2.000000030e-01, v3;
	vm1 =	vgt.f32 v5, $0.0e+00;
	vm0 =	vgt.f32 v3, $0.0e+00;
	v2 =	vld [tilespmem:s12+$0x0]  }
0xa7: {  	s16 =	simm.s32 $0x1AA0;
	v5 =	vsel vm1, v5, v11;
	(erf) = vpow2.f32 v0;
	v0 =	vld [tilespmem:s15+$0x0];
	v9 =	vmul.f32 $2.000000030e-01, v1  }
0xa8: {  	s21 =	simm.s32 $0x22A0;
	v11 =	vmul.f32 $2.000000030e-01, v7;
	v3 =	vsel vm0, v3, v6;
	v6 =	vld [tilespmem:s16+$0x10];
	vm2 =	vgt.f32 v1, $0.0e+00  }
0xa9: {  	vm0 =	vgt.f32 v7, $0.0e+00;
	v3 =	vmul.f32 $1.442695020e+00, v3;
	v1 =	vsel vm2, v1, v9;
	v9 =	vld [tilespmem:s21+$0x10]  }
0xaa: {  	v5 =	vmul.f32 $1.442695020e+00, v5;
	v4 =	vadd.f32 v4, v12;
	v8 =	vadd.f32 v10, v8  }
0xab: {  	v62 =	vld [tilespmem:s16+$0x0];
	v7 =	vsel vm0, v7, v11;
	(erf) = vpow2.f32 v3;
	v1 =	vmul.f32 $1.442695020e+00, v1  }
0xac: {  	v3 =	vld [tilespmem:s16+$0xFFFFFFF0];
	vm2 =	vgt.f32 v4, $0.0e+00;
	v11 =	vmul.f32 $2.000000030e-01, v8;
	v0 =	vadd.f32 v0, v2  }
0xad: {  	vm0 =	vgt.f32 v8, $0.0e+00;
	v2 =	vmul.f32 $1.442695020e+00, v7;
	v7 =	vld [tilespmem:s21+$0xFFFFFFF0];
	(erf) = vpow2.f32 v1  }
0xae: {  	v13 =	vld [tilespmem:s16+$0xFFFFFFE0];
	v8 =	vsel vm0, v8, v11;
	v1 =	vmul.f32 $2.000000030e-01, v0;
	v6 =	vadd.f32 v9, v6  }
0xaf: {  	v10 =	vld [tilespmem:s21+$0xFFFFFFE0];
	vm1 =	vgt.f32 v0, $0.0e+00;
	(erf) = vpow2.f32 v2;
	v9 =	vmul.f32 $2.000000030e-01, v4  }
0xb0: {  	v2 =	vld [tilespmem:s21+$0x0];
	(erf) = vpow2.f32 v5;
	v1 =	vsel vm1, v0, v1;
	v5 =	vmul.f32 $2.000000030e-01, v6  }
0xb1: {  	s16 =	simm.s32 $0x1AE0;
	v0 =	vsel vm2, v4, v9;
	v4 =	vmul.f32 $1.442695020e+00, v8;
	vm0 =	vgt.f32 v6, $0.0e+00  }
0xb2: {  	s12 =	simm.s32 $0x22E0;
	v11 =	vld [tilespmem:s16+$0x10];
	v14 =	vadd.f32 v7, v3;
	v3 =	vsel vm0, v6, v5  }
0xb3: {  	v8 =	vld [tilespmem:s12+$0x10];
	v6 =	vmul.f32 $1.442695020e+00, v3  }
0xb4: {  	v7 =	vmul.f32 $1.442695020e+00, v0;
	v0 =	vld [tilespmem:s12+$0xFFFFFFE0];
	(erf) = vpow2.f32 v4;
	v5 =	vadd.f32 v10, v13  }
0xb5: {  	s7 =	simm.s32 $0x2A20;
	v15 =	vmul.f32 $1.442695020e+00, v1;
	v1 =	vld [tilespmem:s16+$0xFFFFFFF0];
	v16 =	vmul.f32 $2.000000030e-01, v14;
	v12 =	vadd.f32 v2, v62;
	v4 =	vpop (erf)  }
0xb6: {  	v3 =	vld [tilespmem:s12+$0xFFFFFFF0];
	(erf) = vpow2.f32 v7;
	v9 =	vmul.f32 $2.000000030e-01, v5;
	[tilespmem:s7+$0x10] =	vst v4;
	v2 =	vpop (erf)  }
0xb7: {  	vm1 =	vgt.f32 v14, $0.0e+00;
	v63 =	vmul.f32 $2.000000030e-01, v12;
	(erf) = vpow2.f32 v6;
	v4 =	vld [tilespmem:s12+$0x0];
	[tilespmem:s7+$0xFFFFFFF0] =	vst v2;
	v6 =	vpop (erf)  }
0xb8: {  	s11 =	simm.s32 $0x2A60;
	vm2 =	vgt.f32 v12, $0.0e+00;
	v7 =	vadd.f32 v8, v11;
	v2 =	vld [tilespmem:s16+$0x0];
	(erf) = vpow2.f32 v15;
	v11 =	vpop (erf);
	[tilespmem:s7+$0xFFFFFFE0] =	vst v6  }
0xb9: {  	s15 =	simm.s32 $0xC;
	vm0 =	vgt.f32 v5, $0.0e+00;
	v10 =	vsel vm1, v14, v16;
	v8 =	vsel vm2, v12, v63;
	v6 =	vld [tilespmem:s16+$0xFFFFFFE0];
	s16 =	simm.s32 $0x1B20;
	[tilespmem:s11+$0x10] =	vst v11  }
.LBB2_5:
0xba: {  	v11 =	vld [tilespmem:s16+$0x10];
	v12 =	vmul.f32 $2.000000030e-01, v7;
	s12 =	sadd.s32 $0x40, s12;
	v5 =	vsel vm0, v5, v9;
	v9 =	vmul.f32 $1.442695020e+00, v10;
	v10 =	vpop (erf)  }
0xbb: {  	s15 =	sadd.s32 $0x4, s15;
	vm0 =	vgt.f32 v7, $0.0e+00;
	v13 =	vld [tilespmem:s12+$0x10];
	v14 =	vadd.f32 v3, v1;
	v15 =	vmul.f32 $1.442695020e+00, v5;
	[tilespmem:s7+$0x0] =	vst v10;
	s7 =	smov.u32 s11  }
0xbc: {  	p1 =	slt.u32 s15, $0x7C;
	v16 =	vld [tilespmem:s12+$0xFFFFFFE0];
	v3 =	vsel vm0, v7, v12;
	v12 =	vmul.f32 $1.442695020e+00, v8;
	(erf) = vpow2.f32 v9  }
.Ltmp1:
0xbd: {  	v1 =	vld [tilespmem:s16+$0xFFFFFFF0];
	v8 =	vmul.f32 $2.000000030e-01, v14;
	v17 =	vadd.f32 v4, v2;
	v4 =	vmul.f32 $1.442695020e+00, v3;
	v2 =	vpop (erf);
	(pc) =	sbr.rel @p1 .LBB2_5-.Ltmp1, $4  }
0xbe: {  	vm1 =	vgt.f32 v14, $0.0e+00;
	v3 =	vld [tilespmem:s12+$0xFFFFFFF0];
	v5 =	vadd.f32 v0, v6;
	(erf) = vpow2.f32 v15;
	[tilespmem:s11+$0xFFFFFFF0] =	vst v2  }
0xbf: {  	v2 =	vld [tilespmem:s16+$0x0];
	vm2 =	vgt.f32 v17, $0.0e+00;
	v15 =	vmul.f32 $2.000000030e-01, v17;
	(erf) = vpow2.f32 v4;
	v6 =	vpop (erf)  }
0xc0: {  	s11 =	sadd.s32 $0x40, s11;
	v4 =	vld [tilespmem:s12+$0x0];
	v7 =	vadd.f32 v13, v11;
	vm0 =	vgt.f32 v5, $0.0e+00;
	v9 =	vmul.f32 $2.000000030e-01, v5;
	v11 =	vpop (erf);
	[tilespmem:s7+$0xFFFFFFE0] =	vst v6  }
0xc1: {  	v10 =	vsel vm1, v14, v8;
	v6 =	vld [tilespmem:s16+$0xFFFFFFE0];
	s16 =	sadd.s32 $0x40, s16;
	v8 =	vsel vm2, v17, v15;
	[tilespmem:s11+$0x10] =	vst v11;
	(erf) = vpow2.f32 v12;
	v0 =	vmovc v16  }
0xc2: {  	_ = 	snop  }
0xc3: {  	v11 =	vmul.f32 $2.000000030e-01, v7;
	v5 =	vsel vm0, v5, v9  }
0xc4: {  	v45 =	vmul.f32 $1.442695020e+00, v10;
	vm14 =	vgt.f32 v7, $0.0e+00;
	v48 =	vmul.f32 $1.442695020e+00, v8  }
0xc5: {  	v1 =	vadd.f32 v3, v1;
	v46 =	vmul.f32 $1.442695020e+00, v5;
	v47 =	vsel vm14, v7, v11  }
0xc6: {  	(erf) = vpow2.f32 v45;
	v2 =	vadd.f32 v4, v2;
	v0 =	vadd.f32 v0, v6  }
0xc7: {  	v49 =	vmul.f32 $2.000000030e-01, v1;
	v5 =	vmul.f32 $1.442695020e+00, v47;
	vm15 =	vgt.f32 v1, $0.0e+00  }
0xc8: {  	(erf) = vpow2.f32 v46;
	vm1 =	vgt.f32 v2, $0.0e+00;
	v50 =	vmul.f32 $2.000000030e-01, v0  }
0xc9: {  	v51 =	vmul.f32 $2.000000030e-01, v2;
	v1 =	vsel vm15, v1, v49;
	vm2 =	vgt.f32 v0, $0.0e+00  }
0xca: {  	(erf) = vpow2.f32 v5;
	v1 =	vmul.f32 $1.442695020e+00, v1;
	v0 =	vsel vm2, v0, v50  }
0xcb: {  	(erf) = vpow2.f32 v48;
	v2 =	vsel vm1, v2, v51;
	v0 =	vmul.f32 $1.442695020e+00, v0  }
0xcc: {  	v52 =	vpop (erf);
	v2 =	vmul.f32 $1.442695020e+00, v2;
	(erf) = vpow2.f32 v1  }
0xcd: {  	[tilespmem:s7+$0x0] =	vst v52;
	v53 =	vpop (erf);
	(erf) = vpow2.f32 v0  }
0xce: {  	[tilespmem:s11+$0xFFFFFFF0] =	vst v53;
	v54 =	vpop (erf);
	(erf) = vpow2.f32 v2  }
0xcf: {  	s15 =	sadd.s32 $0x40, s11;
	v55 =	vpop (erf);
	[tilespmem:s11+$0xFFFFFFE0] =	vst v54  }
0xd0: {  	[tilespmem:s15+$0x10] =	vst v55;
	v56 =	vpop (erf)  }
0xd1: {  	[tilespmem:s11+$0x0] =	vst v56;
	v57 =	vpop (erf)  }
0xd2: {  	[tilespmem:s15+$0xFFFFFFF0] =	vst v57;
	v58 =	vpop (erf)  }
0xd3: {  	s16 =	sadd.s32 $0x40, s15;
	[tilespmem:s15+$0xFFFFFFE0] =	vst v58;
	v59 =	vpop (erf)  }
0xd4: {  	[tilespmem:s16+$0x10] =	vst v59;
	v60 =	vpop (erf)  }
0xd5: {  	[tilespmem:s15+$0x0] =	vst v60;
	v61 =	vpop (erf)  }
0xd6: {  	s21 =	sshll.u32 s20, $0x1;
	[tilespmem:s16+$0xFFFFFFF0] =	vst v61;
	v62 =	vpop (erf)  }
0xd7: {  	s7 =	sand.u32 $0x1FFFFF00, s21;
	[tilespmem:s16+$0xFFFFFFE0] =	vst v62;
	v63 =	vpop (erf)  }
0xd8: {  	s7 =	sadd.s32 s8, s7;
	[tilespmem:s16+$0x0] =	vst v63  }
0xd9: {  	[hbm4b:s7+s3] =	stream.linear.scatter [tilespmem:s30], [sflag:$0x3], $0x800, $0x38;
	[tilespmem:$0x5A00] =	vst v63  }
0xda: {  	s0 =	sadd.s32 $0x1, s0;
	_ =	swait.ge [sflag:s18], $0x800  }
0xdb: {  	p1 =	sne.s32 s0, $0x29;
	[sflag:s18] =	ssyncset.done $0x0  }
.Ltmp2:
0xdc: {  	[sflag:s18] =	ssyncadd.s32 $0xFFFFF800;
	(pc) =	sbr.rel @p1 .LBB2_2-.Ltmp2, $4  }
0xdd: {  	[spmem:s2] =	stream.indirect.scatter.add.f32 [tilespmem:s30], [sflag:$0x3], $0x10, s23, s19, $0xb8;
	[tilespmem:$0x5A00] =	vst v63  }
0xde: {  	_ =	swait.ge [sflag:s18], $0x800  }
0xdf: {  	[sflag:s18] =	ssyncset.done $0x0  }
0xe0: {  	[sflag:s18] =	ssyncadd.s32 $0xFFFFF800  }
0xe1: {  	[bflag:$0x0] =	sbarrier.arrive $0xFFFF  }
0xe2: {  	s0 =	sshrl.u32 @!p0 s2, $0x3;
	s7 =	rddreg [dreg:$0x8]  }
0xe3: {  	[hbm:s7], [sflag:s10] =	dma.local @!p0 [spmem:s0], $0x5000  }
0xe4: {  	s0 =	simm.s32 @!p0 $0x3  }
0xe5: {  	_ =	swait.ge @!p0 [sflag:s0], $0x5000  }
0xe6: {  	s31 =	sadd.s32 $0x1, s31;
	s21 =	rddreg [dreg:$0x9]  }
0xe7: {  	p1 =	sne.s32 s31, s21  }
.Ltmp3:
0xe8: {  	_ = 	snop;
	(pc) =	sbr.rel @p1 .LBB2_1-.Ltmp3, $3  }
0xe9: {  	_ =	sdelay $0x1  }
0xea: {  	[sflag:s0] =	ssyncset.done @!p0 $0x0  }
0xeb: {  	[sflag:s0] =	ssyncadd.s32 @!p0 $0xFFFFB000  }
0xec: {  	_ =	sfence.sel $0x180000  }
0xed: {  	[bflag:$0x0] =	sbarrier.arrive $0xFFFF  }
0xee: {  	_ =	strace $0x90000050  }
0xef: {  	[bflag:$0x2] =	sbarrier.arrive $0xFFFF  }
0xf0: {  	s0 =	rddreg [dreg:$0x4]  }
0xf1: {  	s0 =	sadd.s32 @!p0 $0x100000, s0  }
0xf2: {  	[sflag:s0] =	ssyncadd.tile.s32 @!p0 $0x1;
	_ =	shalt  }
.Lfunc_end2:
_tile_overlayer_lowered:
.L_overlay_start_2:
0xf3: {  	(tag) =	ssettag $0x2  }
0xf4: {  	s0 =	rddreg [dreg:$0x0];
	s2 =	stileid.u32  }
0xf5: {  	s1 =	rddreg [dreg:$0x1];
	p0 =	sne.s32 s2, $0x0  }
0xf6: {  	s3 =	rddreg [dreg:$0x2];
	[bflag:$0x3] =	sbarrier.arrive $0xFFFF;
	s2 =	simm.s32 @!p0 $0x1C03  }
0xf7: {  	[timem:s3], [sflag:s2] =	dma.local @!p0 [hbm:s0], s1  }
0xf8: {  	s0 =	simm.s32 @!p0 $0x3  }
0xf9: {  	_ =	swait.ge @!p0 [sflag:s0], s1  }
0xfa: {  	s1 =	ssub.s32 @!p0 $0x0, s1;
	[sflag:s0] =	ssyncset.done @!p0 $0x0  }
0xfb: {  	[sflag:s0] =	ssyncadd.s32 @!p0 s1  }
0xfc: {  	[bflag:$0x3] =	sbarrier.arrive $0xFFFF  }
0xfd: {  	_ =	shalt  }

// kernel: kernel.24.cloned.1.call-start
scs
__scs_entry_jumppad:
0x0: {  	(pc) =	sbr.rel $0x88, $3  }
0x1: {  	(tag) =	ssettag $0x0;
	lr =	simm.s32 $0x1  }
0x2: {  	[smem:$0x3F97] =	sst lr;
	_ =	strace $0xD0000000  }
0x3: {  	_ = 	snop  }
0x4: {  	_ = 	snop  }
0x5: {  	_ = 	snop  }
0x6: {  	_ = 	snop  }
0x7: {  	_ = 	snop  }
__scs_overlays_trampoline_lowered:
0x8: {  	[smem:$0x3FA6] =	sst s0  }
0x9: {  	[smem:$0x3FA7] =	sst s1  }
0xa: {  	[smem:$0x3FA8] =	sst s2  }
0xb: {  	[smem:$0x3FA9] =	sst s3  }
0xc: {  	[smem:$0x3FAA] =	sst s4  }
0xd: {  	[smem:$0x3FAB] =	sst s5  }
0xe: {  	[smem:$0x3FAC] =	sst s6  }
0xf: {  	[smem:$0x3FAD] =	sst s7  }
0x10: {  	[smem:$0x3FAE] =	sst s8  }
0x11: {  	[smem:$0x3FAF] =	sst s9;
	s0 =	simm.s32 @!p0 $0x0  }
0x12: {  	s1 =	sld [smem:$0x3F95];
	s0 =	simm.s32 @p0 $0x1  }
0x13: {  	[smem:$0x3FB0] =	sst s0;
	s0 =	simm.s32 @!p1 $0x0  }
0x14: {  	s2 =	sld [smem:$0x3F94];
	s0 =	simm.s32 @p1 $0x1  }
0x15: {  	[smem:$0x3FB1] =	sst s0;
	s0 =	simm.s32 @!p2 $0x0  }
0x16: {  	s3 =	sld [smem:$0x3FDB];
	s0 =	simm.s32 @p2 $0x1  }
0x17: {  	s4 =	simm.s32 $0x1BF5;
	[smem:$0x3FB3] =	sst s0  }
0x18: {  	s0 =	sld [smem:$0x3F96];
	_ =	swait.ge [sflag:s4], $0x0  }
0x19: {  	s7 =	sld [smem:$0x3F97]  }
0x1a: {  	s8 =	sadd.s32 $0xFFFFE003, lr  }
0x1b: {  	s9 =	sadd.s32 $0xFFFFFEF7, lr;
	s5 =	simm.s32 $0xFFFFFFFF;
	p2 =	slt.u32 s8, $0xFFFFF086  }
0x1c: {  	p1 =	slt.u32 s9, $0xF7A;
	s5 =	simm.s32 @!p2 $0x0  }
0x1d: {  	s5 =	simm.s32 @p1 $0x1;
	p0 =	seq.s32 s7, s2  }
0x1e: {  	s7 =	smul.u32 @!p0 $0xF7A, s2;
	p2 =	seq.s32 @!p0 s5, $0x0  }
0x1f: {  	s9 =	smul.u32 $0xF7A, s1;
	s8 =	simm.s32 @!p0 $0x1BF5;
	p2 =	por !p2, p0  }
0x20: {  	[sflag:s8] =	ssyncset.s32 @!p0 $0xFFFFF086;
	s6 =	sadd.s32 @!p0 s3, s7;
	s7 =	simm.s32 @!p0 $0x108  }
0x21: {  	s3 =	sadd.s32 s3, s9;
	s6 =	sadd.s32 @!p0 $0x88, s6;
	s7 =	simm.s32 @p2 $0x1082  }
0x22: {  	[simem:s7], [sflag:s8] =	dma.local @!p0 [hbm:s6], $0xF7A  }
0x23: {  	s9 =	sor.u32 $0xD0000000, s2;
	s6 =	simm.s32 $0x108;
	_ =	swait.ge @!p0 [sflag:s8], $0x0  }
0x24: {  	s3 =	sadd.s32 $0x88, s3;
	s6 =	simm.s32 @!p1 $0x1082;
	[sflag:s4] =	ssyncset.s32 $0xFFFFF086  }
0x25: {  	[simem:s6], [sflag:s4] =	dma.local [hbm:s3], $0xF7A  }
0x26: {  	[smem:$0x3F97] =	sst s1;
	(tag) =	ssettag s2;
	_ =	strace s9  }
0x27: {  	s1 =	sld [smem:$0x3FA7]  }
0x28: {  	s2 =	sld [smem:$0x3FA8]  }
0x29: {  	s4 =	sld [smem:$0x3FAA]  }
0x2a: {  	p0 =	seq.s32 s5, $0x0;
	s5 =	sld [smem:$0x3FAB]  }
0x2b: {  	s6 =	sld [smem:$0x3FAC]  }
0x2c: {  	s7 =	sld [smem:$0x3FAD]  }
0x2d: {  	s3 =	simm.s32 $0x108;
	s8 =	sld [smem:$0x3FAE]  }
0x2e: {  	s3 =	simm.s32 @!p0 $0x1082;
	s9 =	sld [smem:$0x3FAF]  }
0x2f: {  	lr =	sadd.s32 s0, s3;
	s0 =	sld [smem:$0x3FA6]  }
0x30: {  	s3 =	sld [smem:$0x3FA9]  }
0x31: {  	[smem:$0x3FB2] =	sst s10  }
0x32: {  	s10 =	sld [smem:$0x3FB0];
	_ =	sdelay $0x3  }
0x33: {  	p0 =	seq.s32 s10, $0x1;
	s10 =	sld [smem:$0x3FB2];
	_ =	sdelay $0x3  }
0x34: {  	[smem:$0x3FB2] =	sst s10  }
0x35: {  	s10 =	sld [smem:$0x3FB1];
	_ =	sdelay $0x3  }
0x36: {  	p1 =	seq.s32 s10, $0x1;
	s10 =	sld [smem:$0x3FB2];
	_ =	sdelay $0x3  }
0x37: {  	[smem:$0x3FB2] =	sst s10  }
0x38: {  	s10 =	sld [smem:$0x3FB3]  }
0x39: {  	_ = 	snop;
	(pc) =	sbr.ind lr, $3  }
0x3a: {  	_ = 	snop  }
0x3b: {  	_ = 	snop  }
0x3c: {  	p2 =	seq.s32 s10, $0x1;
	s10 =	sld [smem:$0x3FB2]  }
0x3d: {  	_ =	shalt  }
0x3e: {  	_ =	shalt  }
0x3f: {  	_ =	shalt  }
0x40: {  	_ =	shalt  }
0x41: {  	_ =	shalt  }
0x42: {  	_ =	shalt  }
0x43: {  	_ =	shalt  }
0x44: {  	_ =	shalt  }
0x45: {  	_ =	shalt  }
0x46: {  	_ =	shalt  }
0x47: {  	_ =	shalt  }
0x48: {  	_ =	shalt  }
0x49: {  	_ =	shalt  }
0x4a: {  	_ =	shalt  }
0x4b: {  	_ =	shalt  }
0x4c: {  	_ =	shalt  }
0x4d: {  	_ =	shalt  }
0x4e: {  	_ =	shalt  }
0x4f: {  	_ =	shalt  }
0x50: {  	_ =	shalt  }
0x51: {  	_ =	shalt  }
0x52: {  	_ =	shalt  }
0x53: {  	_ =	shalt  }
0x54: {  	_ =	shalt  }
0x55: {  	_ =	shalt  }
0x56: {  	_ =	shalt  }
0x57: {  	_ =	shalt  }
0x58: {  	_ =	shalt  }
0x59: {  	_ =	shalt  }
0x5a: {  	_ =	shalt  }
0x5b: {  	_ =	shalt  }
0x5c: {  	_ =	shalt  }
0x5d: {  	_ =	shalt  }
0x5e: {  	_ =	shalt  }
0x5f: {  	_ =	shalt  }
0x60: {  	_ =	shalt  }
0x61: {  	_ =	shalt  }
0x62: {  	_ =	shalt  }
0x63: {  	_ =	shalt  }
0x64: {  	_ =	shalt  }
0x65: {  	_ =	shalt  }
0x66: {  	_ =	shalt  }
0x67: {  	_ =	shalt  }
0x68: {  	_ =	shalt  }
0x69: {  	_ =	shalt  }
0x6a: {  	_ =	shalt  }
0x6b: {  	_ =	shalt  }
0x6c: {  	_ =	shalt  }
0x6d: {  	_ =	shalt  }
0x6e: {  	_ =	shalt  }
0x6f: {  	_ =	shalt  }
0x70: {  	_ =	shalt  }
0x71: {  	_ =	shalt  }
0x72: {  	_ =	shalt  }
0x73: {  	_ =	shalt  }
0x74: {  	_ =	shalt  }
0x75: {  	_ =	shalt  }
0x76: {  	_ =	shalt  }
0x77: {  	_ =	shalt  }
0x78: {  	_ =	shalt  }
0x79: {  	_ =	shalt  }
0x7a: {  	_ =	shalt  }
0x7b: {  	_ =	shalt  }
0x7c: {  	_ =	shalt  }
0x7d: {  	_ =	shalt  }
0x7e: {  	_ =	shalt  }
0x7f: {  	_ =	shalt  }
0x80: {  	_ =	shalt  }
0x81: {  	_ =	shalt  }
0x82: {  	_ =	shalt  }
0x83: {  	_ =	shalt  }
0x84: {  	_ =	shalt  }
0x85: {  	_ =	shalt  }
0x86: {  	_ =	shalt  }
0x87: {  	_ =	shalt  }
.Lfunc_end0:
.L_simem_size_0:
called_computation.4_lowered:
.L_overlay_start_0:
0x88: {  	s2 =	sld [smem:$0x3FD9]  }
0x89: {  	s3 =	sld [smem:$0x3FFE];
	_ =	sdelay $0x1  }
0x8a: {  	s1 =	srdreg.scid  }
0x8b: {  	s0 =	sand.u32 $0x1, s1  }
0x8c: {  	s14 =	sshll.u32 s0, $0xA;
	s2 =	sadd.s32 s3, s2  }
0x8d: {  	s2 =	sadd.s32 s2, s14  }
0x8e: {  	[smem:$0x3FBE] =	sst s2  }
0x8f: {  	_ = 	snop  }
0x90: {  	s2 =	sld [smem:$0x3FD0];
	_ =	sdelay $0x2  }
0x91: {  	s15 =	simm.s32 $0xB;
	s4 =	simm.s32 $0x10  }
0x92: {  	[smem:s4], [sflag:s15] =	dma.local [hbm:s2], $0x1  }
0x93: {  	_ =	swait.eq [sflag:s15], $0x1  }
0x94: {  	[sflag:s15] =	ssyncset.done $0x0  }
0x95: {  	s16 =	sld [smem:$0x10];
	[sflag:s15] =	ssyncadd.s32 $0xFFFFFFFF  }
0x96: {  	s17 =	sld [smem:$0x11];
	(tm) =	ssettm $0x1  }
0x97: {  	s18 =	sld [smem:$0x3FFB];
	_ =	sdelay $0x3  }
0x98: {  	_ =	strace s18  }
0x99: {  	s4 =	sld [smem:$0x3FFC];
	_ =	sdelay $0x3  }
0x9a: {  	_ =	strace s4  }
0x9b: {  	s4 =	sld [smem:$0x3FFD];
	_ =	sdelay $0x3  }
0x9c: {  	_ =	strace s4  }
0x9d: {  	_ =	strace $0x8FFFFFFF  }
0x9e: {  	s19 =	sld [smem:$0x3FDB];
	_ =	sdelay $0x1  }
0x9f: {  	s5 =	simm.s32 $_scs_section_size  }
0xa0: {  	s6 =	simm.s32 $_size__tile_overlayer_lowered;
	s7 =	simm.s32 $_tile_overlayer_lowered  }
0xa1: {  	s22 =	simm.s32 $0x1BFF;
	s21 =	sshll.u32 s7, $0x1;
	s4 =	sadd.s32 s5, s19  }
0xa2: {  	s8 =	simm.s32 $0x0;
	s20 =	sshll.u32 s6, $0x1;
	s6 =	sadd.s32 s21, s4  }
0xa3: {  	[timem:s8], [sflag:s22] =	dma.local [hbm:s6], s20  }
0xa4: {  	_ =	swait.ge [sflag:s22], s20  }
0xa5: {  	s5 =	ssub.s32 $0x0, s20;
	[sflag:s22] =	ssyncset.done $0x0  }
0xa6: {  	[sflag:s22] =	ssyncadd.s32 s5;
	_ =	sdelay $0x1  }
0xa7: {  	s23 =	simm.s32 $0x1B8B  }
0xa8: {  	_ =	swait.ge [sflag:s23], $0x1  }
0xa9: {  	[sflag:s23] =	ssyncset.done $0x0  }
0xaa: {  	s25 =	simm.s32 $0x1B8E;
	s24 =	sld [smem:$0x3FFE];
	[sflag:s23] =	ssyncadd.s32 $0xFFFFFFFF  }
0xab: {  	s26 =	simm.s32 $execute0_lowered;
	[smem:$0x3FD2] =	sst s25  }
0xac: {  	s6 =	sshll.u32 s26, $0x1;
	_ =	strace $0x80000052;
	[dreg:$0x1] =	wrdreg $0xFFFFFFFF  }
0xad: {  	s28 =	simm.s32 $_size_execute0_lowered;
	s4 =	sadd.s32 s4, s6;
	[dreg:$0x0] =	wrdreg $0x0  }
0xae: {  	s6 =	sshll.u32 s28, $0x1;
	[dreg:$0x2] =	wrdreg s4  }
0xaf: {  	[dreg:$0x3] =	wrdreg s6  }
0xb0: {  	[dreg:$0x4] =	wrdreg $0xC0  }
0xb1: {  	_ =	task [dreg:s8], $0x5FFFF  }
0xb2: {  	[dreg:$0x1] =	wrdreg $0xFFFFFFFF  }
0xb3: {  	[dreg:$0x0] =	wrdreg $0x60  }
0xb4: {  	[dreg:$0x2] =	wrdreg s24  }
0xb5: {  	[dreg:$0x3] =	wrdreg s16  }
0xb6: {  	[dreg:$0x4] =	wrdreg s17  }
0xb7: {  	[dreg:$0x5] =	wrdreg $0xAA000  }
0xb8: {  	[dreg:$0x6] =	wrdreg $0x9  }
0xb9: {  	_ =	task.clear_ibuf [dreg:s8], $0x7FFFF;
	_ =	strace $0x90000052  }
0xba: {  	s29 =	simm.s32 $0x9;
	_ =	strace $0x80000054  }
0xbb: {  	_ =	swait.ge [sflag:s29], $0x1  }
0xbc: {  	[sflag:s29] =	ssyncadd.s32 $0xFFFFFFFF  }
0xbd: {  	_ =	strace $0x90000054  }
0xbe: {  	_ =	sfence  }
0xbf: {  	s30 =	sld [smem:$0x0];
	_ =	sdelay $0x2  }
0xc0: {  	s31 =	sshll.u32 s1, $0xD;
	s1 =	sshrl.u32 s1, $0x2  }
0xc1: {  	s3 =	sand.u32 $0x4000, s31;
	s1 =	sadd.s32 s1, s30  }
0xc2: {  	s0 =	sor.u32 s3, s0;
	s1 =	sshll.u32 s1, $0x11  }
0xc3: {  	s0 =	sor.u32 s1, s0  }
0xc4: {  	s0 =	sadd.s32 $0x8F2B, s0  }
0xc5: {  	[sflag:s0] =	ssyncadd.remote.s32 $0x1  }
0xc6: {  	_ =	sfence.sel $0xFFFF  }
0xc7: {  	[dreg:$0x0] =	wrdreg $0xFFFFFFFF;
	(pc) =	sbr.abs _section_cstart, $3  }
0xc8: {  	[dreg:$0x1] =	wrdreg $0xFFFFFFFF  }
0xc9: {  	_ =	task.clear_ibuf [dreg:s8], $0x2FFFF;
	_ =	strace $0x9FFFFFFF  }
0xca: {  	(tm) =	ssettm $0x7FFFFFFF  }
0xcb: {  	_ =	shalt  }
tec
execute0_lowered:
.L_overlay_start_1:
0x0: {  	(tag) =	ssettag $0x1  }
0x1: {  	s0 =	rddreg [dreg:$0x0]  }
0x2: {  	s1 =	rddreg [dreg:$0x1]  }
0x3: {  	s8 =	rddreg [dreg:$0x2]  }
0x4: {  	s2 =	rddreg [dreg:$0x3]  }
0x5: {  	s3 =	simm.s32 $0x0;
	s9 =	srdreg.scid;
	s12 =	stileid.u32  }
0x6: {  	s28 =	simm.s32 $0x5180;
	s29 =	simm.s32 $0x5A00;
	s30 =	simm.s32 $0x6200  }
0x7: {  	s31 =	simm.s32 $0x1;
	[smem:$0x7FF] =	sst s3;
	s4 =	sadd.s32 $0x3800, s0  }
0x8: {  	s5 =	sadd.s32 $0x3EE00, s0;
	s6 =	sadd.s32 $0x34A00, s0;
	s7 =	sadd.s32 $0x4E800, s0  }
0x9: {  	s10 =	sadd.s32 $0x2FA00, s0;
	s11 =	sand.u32 $0x1, s9;
	s15 =	smul.u32 $0x50000, s12  }
0xa: {  	s23 =	sshll.u32 s12, $0x6;
	p0 =	sne.s32 s12, $0x0;
	_ =	strace $0x80000053  }
0xb: {  	[dreg:$0x5] =	wrdreg s10;
	s20 =	ssub.s32 $0x2, s11;
	s9 =	sshll.u32 s11, $0x4  }
0xc: {  	s17 =	sor.u32 $0x1C03, s23;
	s11 =	smul.u32 $0x28000, s11;
	s13 =	sshrl.u32 s20, $0x1  }
0xd: {  	s14 =	sor.u32 s12, s9;
	s9 =	sadd.s32 $0xF2800, s0;
	s22 =	sshrl.u32 s15, $0x2  }
0xe: {  	s12 =	simm.s32 $0x0;
	[dreg:$0x6] =	wrdreg s17;
	s10 =	smul.u32 $0x2900, s14  }
0xf: {  	s21 =	ssub.s32 s20, s13;
	s16 =	smul.u32 $0x5200, s14;
	s13 =	sadd.s32 s22, s2  }
0x10: {  	s8 =	sadd.s32 s8, s11;
	s20 =	simm.s32 $0x3;
	s22 =	simm.s32 $0x80  }
0x11: {  	[dreg:$0xa] =	wrdreg s8;
	s0 =	smax.u32 s21, $0x1;
	s26 =	sshrl.u32 s13, $0x3  }
0x12: {  	s21 =	simm.s32 $0x2;
	s24 =	sshrl.u32 s10, $0x3;
	[dreg:$0xb] =	wrdreg s0  }
0x13: {  	s16 =	sadd.s32 s7, s16;
	[dreg:$0xc] =	wrdreg s26;
	s26 =	simm.s32 $0x5100  }
0x14: {  	s0 =	simm.s32 $0xA200;
	[dreg:$0x7] =	wrdreg s16;
	s25 =	sadd.s32 s5, s24  }
0x15: {  	s15 =	sadd.s32 s6, s24;
	s16 =	sadd.s32 $0x100, s10;
	[dreg:$0x8] =	wrdreg s25  }
0x16: {  	s24 =	simm.s32 $0x1100;
	[dreg:$0x9] =	wrdreg s15;
	s15 =	smul.u32 $0x29000, s14  }
.LBB2_1:
0x17: {  	[dreg:$0xd] =	wrdreg s12  }
0x18: {  	s8 =	rddreg [dreg:$0x5]  }
0x19: {  	s11 =	rddreg [dreg:$0xc]  }
0x1a: {  	[spmem:s11], [sflag:s17] =	dma.local [hbm:s8], $0x2800  }
0x1b: {  	_ =	swait.ge [sflag:s20], $0x2800  }
0x1c: {  	[sflag:s20] =	ssyncset.done $0x0  }
0x1d: {  	[sflag:s20] =	ssyncadd.s32 $0xFFFFD800  }
0x1e: {  	[bflag:$0x0] =	sbarrier.arrive $0xFFFF  }
0x1f: {  	s18 =	simm.s32 $0x100;
	s17 =	rddreg [dreg:$0x7]  }
0x20: {  	[tilespmem:s18], [sflag:$0x1] =	stream.linear.gather [hbm4b:s17+s3], $0x800, $0x38;
	[tilespmem:$0x1EA00] =	vst v63  }
0x21: {  	s19 =	rddreg [dreg:$0x8]  }
0x22: {  	[tilespmem:s3], [sflag:$0x3] =	stream.linear.gather [hbm4b:s19+s3], $0x80, $0x38;
	[tilespmem:$0x1EA00] =	vst v63  }
0x23: {  	_ =	swait.ge [sflag:s20], $0x80  }
0x24: {  	[sflag:s20] =	ssyncset.done $0x0  }
0x25: {  	s23 =	rddreg [dreg:$0x9];
	[sflag:s20] =	ssyncadd.s32 $0xFFFFFF80  }
0x26: {  	[tilespmem:s22], [sflag:$0x3] =	stream.linear.gather [hbm4b:s23+s3], $0x80, $0x38;
	[tilespmem:$0x1EA00] =	vst v63  }
0x27: {  	_ =	swait.ge [sflag:s20], $0x80  }
0x28: {  	[sflag:s20] =	ssyncset.done $0x0  }
0x29: {  	s25 =	simm.s32 $0x900;
	[sflag:s20] =	ssyncadd.s32 $0xFFFFFF80  }
0x2a: {  	[tilespmem:s25], [sflag:$0x1] =	stream.indirect.gather [hbm4b:s1+s22], $0x10, s22, s22, $0xb8;
	[tilespmem:$0x1EA00] =	vst v63  }
0x2b: {  	s8 =	simm.s32 $0x0  }
0x2c: {  	[tilespmem:s24], [sflag:$0x1] =	stream.indirect.gather [hbm4b:s4+s22], $0x80, s3, s22, $0xb8;
	[tilespmem:$0x1EA00] =	vst v63  }
.LBB2_2:
0x2d: {  	s13 =	sshll.u32 s8, $0x8  }
0x2e: {  	s11 =	sadd.s32 s13, s10  }
0x2f: {  	s11 =	sadd.s32 $0x80, s11  }
0x30: {  	s12 =	sshll.u32 s11, $0x1  }
0x31: {  	s12 =	sand.u32 $0x1FFFFF00, s12  }
0x32: {  	s17 =	simm.s32 $0x5200;
	s11 =	sshrl.u32 s11, $0x3;
	s14 =	sadd.s32 s7, s12  }
0x33: {  	[tilespmem:s17], [sflag:$0x2] =	stream.linear.gather [hbm4b:s14+s3], $0x800, $0x38;
	[tilespmem:$0x1EA00] =	vst v63  }
0x34: {  	s17 =	sadd.s32 s5, s11  }
0x35: {  	[tilespmem:s26], [sflag:$0x3] =	stream.linear.gather [hbm4b:s17+s3], $0x80, $0x38;
	[tilespmem:$0x1EA00] =	vst v63  }
0x36: {  	_ =	swait.ge [sflag:s20], $0x80  }
0x37: {  	[sflag:s20] =	ssyncset.done $0x0  }
0x38: {  	s11 =	sadd.s32 s6, s11;
	[sflag:s20] =	ssyncadd.s32 $0xFFFFFF80  }
0x39: {  	[tilespmem:s28], [sflag:$0x3] =	stream.linear.gather [hbm4b:s11+s3], $0x80, $0x38;
	[tilespmem:$0x1EA00] =	vst v63  }
0x3a: {  	_ =	swait.ge [sflag:s20], $0x80  }
0x3b: {  	[sflag:s20] =	ssyncset.done $0x0  }
0x3c: {  	[sflag:s20] =	ssyncadd.s32 $0xFFFFFF80  }
0x3d: {  	[tilespmem:s29], [sflag:$0x2] =	stream.indirect.gather [hbm4b:s1+s22], $0x10, s28, s22, $0xb8;
	[tilespmem:$0x1EA00] =	vst v63  }
0x3e: {  	_ = 	snop  }
0x3f: {  	[tilespmem:s30], [sflag:$0x2] =	stream.indirect.gather [hbm4b:s4+s22], $0x80, s26, s22, $0xb8;
	[tilespmem:$0x1EA00] =	vst v63  }
0x40: {  	_ =	swait.ge [sflag:s31], $0x800  }
0x41: {  	[sflag:s31] =	ssyncset.done $0x0  }
0x42: {  	[sflag:s31] =	ssyncadd.s32 $0xFFFFF800  }
0x43: {  	_ =	swait.ge [sflag:s31], $0x800  }
0x44: {  	[sflag:s31] =	ssyncset.done $0x0  }
0x45: {  	[sflag:s31] =	ssyncadd.s32 $0xFFFFF800  }
0x46: {  	_ =	swait.ge [sflag:s31], $0x4000  }
0x47: {  	[sflag:s31] =	ssyncset.done $0x0  }
0x48: {  	s18 =	simm.s32 $0x920;
	[sflag:s31] =	ssyncadd.s32 $0xFFFFC000  }
0x49: {  	v0 =	vld [tilespmem:s18+$0x10];
	_ =	sdelay $0x1  }
0x4a: {  	v1 =	vld [tilespmem:s18+$0xFFFFFFE0];
	_ =	sdelay $0x1  }
0x4b: {  	v2 =	vld [tilespmem:s18+$0xFFFFFFF0]  }
0x4c: {  	(erf) = vrcp.f32 v0;
	_ =	sdelay $0x1  }
0x4d: {  	(erf) = vrcp.f32 v1;
	_ =	sdelay $0x1  }
0x4e: {  	s19 =	simm.s32 $0x120;
	v0 =	vld [tilespmem:s18+$0x0];
	(erf) = vrcp.f32 v2  }
0x4f: {  	v1 =	vld [tilespmem:s19+$0x10];
	_ =	sdelay $0x1  }
0x50: {  	v3 =	vld [tilespmem:s19+$0xFFFFFFE0];
	_ =	sdelay $0x1  }
0x51: {  	v2 =	vld [tilespmem:s19+$0xFFFFFFF0];
	(erf) = vrcp.f32 v0;
	v0 =	vpop (erf)  }
0x52: {  	v1 =	vmul.f32 v0, v1  }
0x53: {  	s23 =	simm.s32 $0xA220;
	s25 =	simm.s32 $0x960;
	v5 =	vld [tilespmem:s19+$0x0];
	v0 =	vpop (erf)  }
0x54: {  	s14 =	simm.s32 $0x1200;
	v53 =	vld [tilespmem:s25+$0x10];
	v0 =	vmul.f32 v0, v3;
	[tilespmem:s23+$0x10] =	vst v1  }
0x55: {  	v4 =	vpop (erf);
	v3 =	vld [tilespmem:s14+$0xF0]  }
0x56: {  	v2 =	vmul.f32 v4, v2;
	v4 =	vld [tilespmem:s14+$0x80];
	[tilespmem:s23+$0xFFFFFFE0] =	vst v0  }
0x57: {  	v7 =	vld [tilespmem:s14+$0xFFFFFF00]  }
0x58: {  	v8 =	vld [tilespmem:s14+$0xFFFFFF10]  }
0x59: {  	v10 =	vld [tilespmem:s14+$0xFFFFFF20]  }
0x5a: {  	(erf) = vrcp.f32 v53;
	v11 =	vbroadcast v1, $0x0;
	v14 =	vld [tilespmem:s14+$0xFFFFFF40]  }
0x5b: {  	v19 =	vbroadcast v1, $0x7;
	v49 =	vbroadcast v1, $0x1;
	v17 =	vld [tilespmem:s14+$0xFFFFFF50]  }
0x5c: {  	v50 =	vbroadcast v1, $0x2;
	v15 =	vbroadcast v0, $0x0;
	v20 =	vld [tilespmem:s14+$0xFFFFFF60]  }
0x5d: {  	v16 =	vbroadcast v0, $0x1;
	v18 =	vbroadcast v0, $0x2;
	[tilespmem:s23+$0xFFFFFFF0] =	vst v2;
	v23 =	vld [tilespmem:s14+$0xFFFFFF70]  }
0x5e: {  	v21 =	vbroadcast v0, $0x3;
	v22 =	vbroadcast v0, $0x4;
	v9 =	vpop (erf);
	v6 =	vld [tilespmem:s14+$0xFFFFFF80]  }
0x5f: {  	v24 =	vbroadcast v0, $0x5;
	v5 =	vmul.f32 v9, v5;
	v9 =	vld [tilespmem:s14+$0xFFFFFF30]  }
0x60: {  	v26 =	vbroadcast v0, $0x6;
	v27 =	vbroadcast v0, $0x7;
	v25 =	vld [tilespmem:s14+$0xFFFFFF90]  }
0x61: {  	v0 =	vbroadcast v1, $0x4;
	v12 =	vbroadcast v2, $0x0;
	v28 =	vld [tilespmem:s14+$0xFFFFFFA0]  }
0x62: {  	v13 =	vbroadcast v2, $0x1;
	v29 =	vbroadcast v2, $0x2;
	v31 =	vld [tilespmem:s14+$0xFFFFFFB0]  }
0x63: {  	v30 =	vbroadcast v2, $0x3;
	v32 =	vbroadcast v2, $0x4;
	v34 =	vld [tilespmem:s14+$0xFFFFFFC0]  }
0x64: {  	v33 =	vbroadcast v2, $0x5;
	v35 =	vbroadcast v2, $0x6;
	v37 =	vld [tilespmem:s14+$0xFFFFFFD0]  }
0x65: {  	v36 =	vbroadcast v2, $0x7;
	v2 =	vbroadcast v1, $0x3;
	v40 =	vld [tilespmem:s14+$0xFFFFFFE0]  }
0x66: {  	v43 =	vld [tilespmem:s14+$0xFFFFFFF0];
	v38 =	vbroadcast v5, $0x0;
	v39 =	vbroadcast v5, $0x1;
	[tilespmem:s23+$0x0] =	vst v5  }
0x67: {  	v41 =	vbroadcast v5, $0x2;
	v42 =	vbroadcast v5, $0x3;
	v46 =	vld [tilespmem:s14+$0x0]  }
0x68: {  	v44 =	vbroadcast v5, $0x4;
	v45 =	vbroadcast v5, $0x5;
	v48 =	vld [tilespmem:s14+$0x10]  }
0x69: {  	v47 =	vbroadcast v5, $0x6;
	v19 =	vmul.f32 v3, v19;
	v51 =	vld [tilespmem:s14+$0x20]  }
0x6a: {  	v5 =	vbroadcast v5, $0x7;
	v52 =	vld [tilespmem:s14+$0x30];
	v7 =	vmul.f32 v15, v7  }
0x6b: {  	v3 =	vbroadcast v1, $0x5;
	v8 =	vmul.f32 v8, v16;
	v15 =	vld [tilespmem:s25+$0xFFFFFFE0];
	[tilespmem:s14+$0xF0] =	vst v19  }
0x6c: {  	v1 =	vbroadcast v1, $0x6;
	v10 =	vmul.f32 v10, v18;
	v16 =	vld [tilespmem:s25+$0xFFFFFFF0];
	[tilespmem:s14+$0xFFFFFF00] =	vst v7  }
0x6d: {  	v14 =	vmul.f32 v14, v22;
	v17 =	vmul.f32 v17, v24;
	v18 =	vld [tilespmem:s25+$0x0];
	[tilespmem:s14+$0xFFFFFF10] =	vst v8  }
0x6e: {  	v9 =	vmul.f32 v9, v21;
	v19 =	vmul.f32 v20, v26;
	v21 =	vld [tilespmem:s14+$0x40];
	[tilespmem:s14+$0xFFFFFF20] =	vst v10  }
0x6f: {  	s18 =	simm.s32 $0x160;
	v20 =	vmul.f32 v23, v27;
	v6 =	vmul.f32 v12, v6;
	v12 =	vld [tilespmem:s14+$0x60];
	[tilespmem:s14+$0xFFFFFF40] =	vst v14  }
0x70: {  	v22 =	vmul.f32 v43, v36;
	v23 =	vld [tilespmem:s18+$0x10];
	v8 =	vmul.f32 v25, v13;
	[tilespmem:s14+$0xFFFFFF50] =	vst v17  }
0x71: {  	v26 =	vld [tilespmem:s18+$0x0];
	v10 =	vmul.f32 v28, v29;
	[tilespmem:s14+$0xFFFFFF30] =	vst v9;
	(erf) = vrcp.f32 v15  }
0x72: {  	v7 =	vld [tilespmem:s14+$0x50];
	v14 =	vmul.f32 v34, v32;
	[tilespmem:s14+$0xFFFFFF60] =	vst v19;
	(erf) = vrcp.f32 v16  }
0x73: {  	v13 =	vld [tilespmem:s14+$0x70];
	v17 =	vmul.f32 v40, v35;
	[tilespmem:s14+$0xFFFFFF70] =	vst v20;
	(erf) = vrcp.f32 v18  }
0x74: {  	v25 =	vld [tilespmem:s18+$0xFFFFFFF0];
	v34 =	vmul.f32 v11, v4;
	v9 =	vmul.f32 v31, v30;
	[tilespmem:s14+$0xFFFFFF80] =	vst v6  }
0x75: {  	v4 =	vld [tilespmem:s14+$0xB0];
	v19 =	vmul.f32 v38, v46;
	v24 =	vmul.f32 v48, v39;
	[tilespmem:s14+$0xFFFFFF90] =	vst v8  }
0x76: {  	v20 =	vmul.f32 v51, v41;
	[tilespmem:s14+$0xFFFFFFA0] =	vst v10;
	v6 =	vpop (erf);
	v11 =	vmul.f32 v21, v44;
	v21 =	vld [tilespmem:s18+$0xFFFFFFE0]  }
0x77: {  	v28 =	vmul.f32 v52, v42;
	[tilespmem:s14+$0xFFFFFFC0] =	vst v14;
	v15 =	vld [tilespmem:s14+$0x90];
	v35 =	vmul.f32 v6, v23  }
0x78: {  	s19 =	simm.s32 $0xA260;
	[tilespmem:s14+$0xFFFFFFB0] =	vst v9;
	v16 =	vmul.f32 v37, v33;
	v12 =	vmul.f32 v12, v47;
	v18 =	vld [tilespmem:s14+$0xA0]  }
0x79: {  	v6 =	vld [tilespmem:s14+$0xD0];
	v30 =	vmul.f32 v7, v45;
	v10 =	vmul.f32 v13, v5;
	[tilespmem:s19+$0x10] =	vst v35  }
0x7a: {  	s17 =	simm.s32 $0x1400;
	v5 =	vld [tilespmem:s14+$0xC0];
	v8 =	vbroadcast v35, $0x0;
	[tilespmem:s14+$0x40] =	vst v11;
	v11 =	vbroadcast v35, $0x1;
	v13 =	vpop (erf)  }
0x7b: {  	[tilespmem:s14+$0x0] =	vst v19;
	v19 =	vbroadcast v35, $0x3;
	v14 =	vld [tilespmem:s17+$0xF0];
	v7 =	vpop (erf);
	v13 =	vmul.f32 v13, v21  }
0x7c: {  	[tilespmem:s14+$0xFFFFFFD0] =	vst v16;
	v36 =	vmul.f32 v15, v49;
	v15 =	vmul.f32 v7, v25;
	v9 =	vpop (erf);
	v7 =	vld [tilespmem:s14+$0xE0]  }
0x7d: {  	v37 =	vmul.f32 v18, v50;
	v18 =	vmul.f32 v9, v26;
	v9 =	vld [tilespmem:s17+$0x80];
	[tilespmem:s19+$0xFFFFFFE0] =	vst v13  }
0x7e: {  	[tilespmem:s14+$0x70] =	vst v10;
	v10 =	vbroadcast v35, $0x2;
	v21 =	vbroadcast v35, $0x7;
	v16 =	vld [tilespmem:s17+$0xFFFFFF00]  }
0x7f: {  	v38 =	vbroadcast v13, $0x0;
	v41 =	vbroadcast v13, $0x1;
	v44 =	vld [tilespmem:s17+$0xFFFFFF10]  }
0x80: {  	v43 =	vbroadcast v13, $0x2;
	v45 =	vbroadcast v13, $0x3;
	v47 =	vld [tilespmem:s17+$0xFFFFFF20]  }
0x81: {  	v46 =	vbroadcast v13, $0x4;
	v48 =	vbroadcast v13, $0x5;
	v49 =	vld [tilespmem:s17+$0xFFFFFF30]  }
0x82: {  	[tilespmem:s14+$0xFFFFFFE0] =	vst v17;
	v17 =	vmul.f32 v14, v21;
	v60 =	vbroadcast v13, $0x6;
	v62 =	vld [tilespmem:s17+$0xFFFFFF40]  }
0x83: {  	[tilespmem:s14+$0xFFFFFFF0] =	vst v22;
	v61 =	vbroadcast v13, $0x7;
	v39 =	vbroadcast v15, $0x0;
	v63 =	vld [tilespmem:s17+$0xFFFFFF50]  }
0x84: {  	[tilespmem:s14+$0x10] =	vst v24;
	v40 =	vbroadcast v15, $0x1;
	v29 =	vbroadcast v15, $0x2;
	v54 =	vld [tilespmem:s17+$0xFFFFFF60]  }
0x85: {  	[tilespmem:s19+$0xFFFFFFF0] =	vst v15;
	v26 =	vbroadcast v15, $0x3;
	v27 =	vbroadcast v15, $0x4;
	v55 =	vld [tilespmem:s17+$0xFFFFFF70]  }
0x86: {  	[tilespmem:s14+$0x30] =	vst v28;
	v25 =	vbroadcast v15, $0x5;
	v28 =	vbroadcast v15, $0x6;
	v42 =	vld [tilespmem:s17+$0xFFFFFF80]  }
0x87: {  	[tilespmem:s14+$0x20] =	vst v20;
	v23 =	vbroadcast v15, $0x7;
	v24 =	vbroadcast v18, $0x0;
	v56 =	vld [tilespmem:s17+$0xFFFFFF90]  }
0x88: {  	[tilespmem:s14+$0x50] =	vst v30;
	v20 =	vbroadcast v18, $0x1;
	v22 =	vbroadcast v18, $0x2;
	v30 =	vld [tilespmem:s17+$0xFFFFFFA0]  }
0x89: {  	[tilespmem:s14+$0x80] =	vst v34;
	v21 =	vbroadcast v18, $0x3;
	v15 =	vbroadcast v18, $0x4;
	v31 =	vld [tilespmem:s17+$0xFFFFFFB0]  }
0x8a: {  	[tilespmem:s14+$0x60] =	vst v12;
	v13 =	vbroadcast v18, $0x5;
	v14 =	vbroadcast v18, $0x6;
	v32 =	vld [tilespmem:s17+$0xFFFFFFC0]  }
0x8b: {  	v12 =	vbroadcast v18, $0x7;
	[tilespmem:s17+$0xF0] =	vst v17;
	v33 =	vld [tilespmem:s17+$0xFFFFFFD0];
	v17 =	vbroadcast v35, $0x4  }
0x8c: {  	[tilespmem:s19+$0x0] =	vst v18;
	v34 =	vld [tilespmem:s17+$0xFFFFFFE0];
	v18 =	vbroadcast v35, $0x5;
	v38 =	vmul.f32 v38, v16  }
0x8d: {  	[tilespmem:s14+$0x90] =	vst v36;
	v36 =	vld [tilespmem:s17+$0x0];
	v16 =	vbroadcast v35, $0x6;
	v41 =	vmul.f32 v44, v41  }
0x8e: {  	[tilespmem:s14+$0xA0] =	vst v37;
	v37 =	vld [tilespmem:s17+$0x10];
	v47 =	vmul.f32 v47, v43;
	v45 =	vmul.f32 v49, v45  }
0x8f: {  	v35 =	vld [tilespmem:s17+$0xFFFFFFF0];
	v46 =	vmul.f32 v62, v46;
	v43 =	vmul.f32 v63, v48;
	[tilespmem:s17+$0xFFFFFF00] =	vst v38  }
0x90: {  	v44 =	vmul.f32 v54, v60;
	v42 =	vmul.f32 v39, v42;
	v39 =	vld [tilespmem:s17+$0x30];
	[tilespmem:s17+$0xFFFFFF10] =	vst v41  }
0x91: {  	s11 =	simm.s32 $0x1400;
	s23 =	simm.s32 $0x4;
	s25 =	simm.s32 $0x9A0;
	v40 =	vmul.f32 v56, v40;
	v41 =	vmul.f32 v55, v61;
	v38 =	vld [tilespmem:s17+$0x20];
	[tilespmem:s17+$0xFFFFFF20] =	vst v47  }
.LBB2_3:
0x92: {  	v47 =	vld [tilespmem:s25+$0x10];
	s23 =	sadd.s32 $0x4, s23;
	[tilespmem:s17+$0xFFFFFF30] =	vst v45;
	v29 =	vmul.f32 v30, v29;
	v26 =	vmul.f32 v31, v26  }
0x93: {  	v27 =	vmul.f32 v32, v27;
	v25 =	vmul.f32 v33, v25;
	v30 =	vld [tilespmem:s25+$0xFFFFFFE0];
	p1 =	slt.u32 s23, $0x7C;
	[tilespmem:s17+$0xFFFFFF40] =	vst v46  }
0x94: {  	v28 =	vmul.f32 v34, v28;
	v23 =	vmul.f32 v35, v23;
	v31 =	vld [tilespmem:s25+$0xFFFFFFF0];
	[tilespmem:s17+$0xFFFFFF50] =	vst v43  }
0x95: {  	v24 =	vmul.f32 v24, v36;
	v20 =	vmul.f32 v37, v20;
	v32 =	vld [tilespmem:s25+$0x0];
	[tilespmem:s17+$0xFFFFFF60] =	vst v44  }
0x96: {  	v22 =	vmul.f32 v38, v22;
	[tilespmem:s17+$0xFFFFFF70] =	vst v41;
	v21 =	vmul.f32 v39, v21;
	v33 =	vld [tilespmem:s17+$0x40]  }
0x97: {  	v35 =	vmul.f32 v8, v9;
	(erf) = vrcp.f32 v47;
	[tilespmem:s17+$0xFFFFFF80] =	vst v42;
	v34 =	vld [tilespmem:s17+$0x50]  }
0x98: {  	(erf) = vrcp.f32 v30;
	[tilespmem:s17+$0xFFFFFF90] =	vst v40;
	v8 =	vld [tilespmem:s17+$0x60];
	v30 =	vmul.f32 v4, v2;
	v2 =	vmov v19  }
0x99: {  	v19 =	vmul.f32 v5, v0;
	v0 =	vmov v17;
	(erf) = vrcp.f32 v31;
	[tilespmem:s17+$0xFFFFFFA0] =	vst v29;
	v4 =	vld [tilespmem:s17+$0x70]  }
0x9a: {  	v17 =	vmul.f32 v6, v3;
	v3 =	vmov v18;
	(erf) = vrcp.f32 v32;
	[tilespmem:s17+$0xFFFFFFB0] =	vst v26;
	v5 =	vld [tilespmem:s17+$0x90]  }
0x9b: {  	s18 =	sadd.s32 $0x40, s18;
	v18 =	vmul.f32 v7, v1;
	v1 =	vmov v16;
	[tilespmem:s17+$0xFFFFFFC0] =	vst v27;
	v9 =	vmul.f32 v33, v15;
	v6 =	vld [tilespmem:s17+$0xA0]  }
0x9c: {  	v7 =	vld [tilespmem:s18+$0x10];
	[tilespmem:s17+$0xFFFFFFD0] =	vst v25;
	v13 =	vmul.f32 v34, v13  }
0x9d: {  	v15 =	vld [tilespmem:s18+$0xFFFFFFF0];
	[tilespmem:s17+$0xFFFFFFE0] =	vst v28;
	v14 =	vmul.f32 v8, v14  }
0x9e: {  	v16 =	vld [tilespmem:s18+$0x0];
	[tilespmem:s17+$0xFFFFFFF0] =	vst v23;
	v12 =	vmul.f32 v4, v12  }
0x9f: {  	v23 =	vld [tilespmem:s18+$0xFFFFFFE0];
	[tilespmem:s17+$0x0] =	vst v24;
	v11 =	vmul.f32 v5, v11  }
0xa0: {  	v5 =	vpop (erf);
	[tilespmem:s17+$0x10] =	vst v20;
	v10 =	vmul.f32 v6, v10;
	v4 =	vld [tilespmem:s17+$0xB0]  }
0xa1: {  	v36 =	vmul.f32 v5, v7;
	v20 =	vpop (erf);
	[tilespmem:s17+$0x20] =	vst v22;
	v5 =	vld [tilespmem:s17+$0xC0]  }
0xa2: {  	s19 =	sadd.s32 $0x40, s19;
	v7 =	vpop (erf);
	[tilespmem:s17+$0x30] =	vst v21;
	v6 =	vld [tilespmem:s17+$0xD0]  }
0xa3: {  	s17 =	sadd.s32 $0x200, s17;
	v15 =	vmul.f32 v7, v15;
	[tilespmem:s19+$0x10] =	vst v36;
	v8 =	vbroadcast v36, $0x0;
	v21 =	vpop (erf);
	v7 =	vld [tilespmem:s11+$0xE0]  }
0xa4: {  	v20 =	vmul.f32 v20, v23;
	v16 =	vmul.f32 v21, v16;
	v21 =	vld [tilespmem:s17+$0xF0];
	[tilespmem:s11+$0x40] =	vst v9  }
0xa5: {  	[tilespmem:s19+$0xFFFFFFF0] =	vst v15;
	v39 =	vbroadcast v15, $0x0;
	v40 =	vbroadcast v15, $0x1;
	v9 =	vld [tilespmem:s17+$0x80]  }
0xa6: {  	[tilespmem:s19+$0xFFFFFFE0] =	vst v20;
	v37 =	vbroadcast v20, $0x0;
	v38 =	vbroadcast v20, $0x1;
	v42 =	vld [tilespmem:s17+$0xFFFFFF80]  }
0xa7: {  	v22 =	vbroadcast v36, $0x7;
	v43 =	vbroadcast v20, $0x2;
	v41 =	vld [tilespmem:s17+$0xFFFFFF00];
	[tilespmem:s19+$0x0] =	vst v16  }
0xa8: {  	v45 =	vbroadcast v20, $0x3;
	v46 =	vbroadcast v20, $0x4;
	v44 =	vld [tilespmem:s17+$0xFFFFFF10];
	[tilespmem:s11+$0x50] =	vst v13  }
0xa9: {  	v48 =	vbroadcast v20, $0x5;
	v47 =	vld [tilespmem:s17+$0xFFFFFF20];
	v13 =	vmul.f32 v21, v22;
	[tilespmem:s11+$0x60] =	vst v14  }
0xaa: {  	v50 =	vbroadcast v20, $0x6;
	v51 =	vbroadcast v20, $0x7;
	v49 =	vld [tilespmem:s17+$0xFFFFFF30];
	[tilespmem:s11+$0x70] =	vst v12  }
0xab: {  	v29 =	vbroadcast v15, $0x2;
	v26 =	vbroadcast v15, $0x3;
	v52 =	vld [tilespmem:s17+$0xFFFFFF40];
	[tilespmem:s17+$0xF0] =	vst v13  }
0xac: {  	v27 =	vbroadcast v15, $0x4;
	v25 =	vbroadcast v15, $0x5;
	v53 =	vld [tilespmem:s17+$0xFFFFFF50];
	[tilespmem:s11+$0x80] =	vst v35  }
0xad: {  	v28 =	vbroadcast v15, $0x6;
	v23 =	vbroadcast v15, $0x7;
	v54 =	vld [tilespmem:s17+$0xFFFFFF60];
	[tilespmem:s11+$0x90] =	vst v11  }
0xae: {  	v24 =	vbroadcast v16, $0x0;
	v20 =	vbroadcast v16, $0x1;
	v55 =	vld [tilespmem:s17+$0xFFFFFF70];
	[tilespmem:s11+$0xA0] =	vst v10  }
0xaf: {  	v22 =	vbroadcast v16, $0x2;
	v21 =	vbroadcast v16, $0x3;
	v56 =	vld [tilespmem:s17+$0xFFFFFF90];
	[tilespmem:s14+$0xB0] =	vst v30  }
0xb0: {  	v15 =	vbroadcast v16, $0x4;
	v13 =	vbroadcast v16, $0x5;
	v30 =	vld [tilespmem:s17+$0xFFFFFFA0];
	[tilespmem:s14+$0xC0] =	vst v19  }
0xb1: {  	v14 =	vbroadcast v16, $0x6;
	v12 =	vbroadcast v16, $0x7;
	v31 =	vld [tilespmem:s17+$0xFFFFFFB0];
	[tilespmem:s14+$0xD0] =	vst v17  }
0xb2: {  	v11 =	vbroadcast v36, $0x1;
	v10 =	vbroadcast v36, $0x2;
	v32 =	vld [tilespmem:s17+$0xFFFFFFC0];
	[tilespmem:s14+$0xE0] =	vst v18;
	s14 =	smov.u32 s11;
	s11 =	smov.u32 s17  }
0xb3: {  	v19 =	vbroadcast v36, $0x3;
	v17 =	vbroadcast v36, $0x4;
	v33 =	vld [tilespmem:s17+$0xFFFFFFD0]  }
0xb4: {  	v16 =	vbroadcast v36, $0x6;
	v18 =	vbroadcast v36, $0x5;
	v34 =	vld [tilespmem:s17+$0xFFFFFFE0]  }
.Ltmp0:
0xb5: {  	v37 =	vmul.f32 v37, v41;
	v38 =	vmul.f32 v44, v38;
	v35 =	vld [tilespmem:s17+$0xFFFFFFF0];
	(pc) =	sbr.rel @p1 .LBB2_3-.Ltmp0, $4  }
0xb6: {  	v47 =	vmul.f32 v47, v43;
	v45 =	vmul.f32 v49, v45;
	v36 =	vld [tilespmem:s17+$0x0]  }
0xb7: {  	v46 =	vmul.f32 v52, v46;
	v43 =	vmul.f32 v53, v48;
	[tilespmem:s17+$0xFFFFFF00] =	vst v37;
	v37 =	vld [tilespmem:s17+$0x10]  }
0xb8: {  	v44 =	vmul.f32 v54, v50;
	v41 =	vmul.f32 v55, v51;
	[tilespmem:s17+$0xFFFFFF10] =	vst v38;
	v38 =	vld [tilespmem:s17+$0x20]  }
0xb9: {  	s25 =	sadd.s32 $0x40, s25;
	v42 =	vmul.f32 v39, v42;
	v40 =	vmul.f32 v56, v40;
	[tilespmem:s17+$0xFFFFFF20] =	vst v47;
	v39 =	vld [tilespmem:s17+$0x30]  }
0xba: {  	[tilespmem:s17+$0xFFFFFF30] =	vst v45  }
0xbb: {  	[tilespmem:s17+$0xFFFFFF40] =	vst v46  }
0xbc: {  	[tilespmem:s17+$0xFFFFFF50] =	vst v43  }
0xbd: {  	[tilespmem:s17+$0xFFFFFF60] =	vst v44  }
0xbe: {  	[tilespmem:s17+$0xFFFFFF70] =	vst v41  }
0xbf: {  	v29 =	vmul.f32 v30, v29;
	[tilespmem:s17+$0xFFFFFF80] =	vst v42  }
0xc0: {  	v26 =	vmul.f32 v31, v26;
	[tilespmem:s17+$0xFFFFFF90] =	vst v40  }
0xc1: {  	v27 =	vmul.f32 v32, v27;
	[tilespmem:s17+$0xFFFFFFA0] =	vst v29  }
0xc2: {  	v25 =	vmul.f32 v33, v25;
	[tilespmem:s17+$0xFFFFFFB0] =	vst v26  }
0xc3: {  	v23 =	vmul.f32 v35, v23;
	[tilespmem:s17+$0xFFFFFFC0] =	vst v27  }
0xc4: {  	v2 =	vmul.f32 v4, v2;
	[tilespmem:s17+$0xFFFFFFD0] =	vst v25  }
0xc5: {  	v0 =	vmul.f32 v5, v0;
	[tilespmem:s17+$0xFFFFFFF0] =	vst v23  }
0xc6: {  	v3 =	vmul.f32 v6, v3;
	[tilespmem:s14+$0xB0] =	vst v2  }
0xc7: {  	v1 =	vmul.f32 v7, v1;
	[tilespmem:s14+$0xC0] =	vst v0  }
0xc8: {  	v24 =	vmul.f32 v24, v36;
	v26 =	vmul.f32 v34, v28;
	v28 =	vld [tilespmem:s17+$0x40];
	[tilespmem:s14+$0xD0] =	vst v3  }
0xc9: {  	v27 =	vld [tilespmem:s17+$0x50];
	[tilespmem:s14+$0xE0] =	vst v1  }
0xca: {  	v25 =	vld [tilespmem:s17+$0x60];
	v20 =	vmul.f32 v37, v20;
	[tilespmem:s17+$0x0] =	vst v24  }
0xcb: {  	v22 =	vmul.f32 v38, v22;
	[tilespmem:s17+$0xFFFFFFE0] =	vst v26  }
0xcc: {  	v8 =	vmul.f32 v8, v9;
	v9 =	vld [tilespmem:s17+$0xD0];
	v21 =	vmul.f32 v39, v21;
	[tilespmem:s17+$0x10] =	vst v20  }
0xcd: {  	v26 =	vld [tilespmem:s17+$0x70];
	[tilespmem:s17+$0x20] =	vst v22;
	v15 =	vmul.f32 v28, v15  }
0xce: {  	v20 =	vld [tilespmem:s17+$0x90];
	[tilespmem:s17+$0x30] =	vst v21;
	v13 =	vmul.f32 v27, v13  }
0xcf: {  	v22 =	vld [tilespmem:s17+$0xA0];
	v14 =	vmul.f32 v25, v14;
	[tilespmem:s11+$0x40] =	vst v15  }
0xd0: {  	v21 =	vld [tilespmem:s17+$0xB0];
	[tilespmem:s11+$0x50] =	vst v13  }
0xd1: {  	v2 =	vmul.f32 v9, v18;
	v15 =	vld [tilespmem:s17+$0xC0];
	[tilespmem:s11+$0x60] =	vst v14  }
0xd2: {  	v12 =	vmul.f32 v26, v12;
	v13 =	vld [tilespmem:s11+$0xE0];
	[tilespmem:s11+$0x80] =	vst v8  }
0xd3: {  	v11 =	vmul.f32 v20, v11;
	[tilespmem:s11+$0xD0] =	vst v2  }
0xd4: {  	v10 =	vmul.f32 v22, v10;
	[tilespmem:s11+$0x70] =	vst v12  }
0xd5: {  	[tilespmem:s11+$0x90] =	vst v11;
	v0 =	vmul.f32 v21, v19  }
0xd6: {  	s25 =	sshll.u32 s8, $0xC;
	[tilespmem:s11+$0xA0] =	vst v10;
	v1 =	vmul.f32 v15, v17  }
0xd7: {  	s14 =	sadd.s32 s15, s25;
	[tilespmem:s11+$0xB0] =	vst v0;
	v0 =	vmul.f32 v13, v16  }
0xd8: {  	s14 =	sshrl.u32 s14, $0x3;
	[tilespmem:s11+$0xC0] =	vst v1  }
0xd9: {  	s17 =	sadd.s32 s9, s14;
	[tilespmem:s11+$0xE0] =	vst v0  }
0xda: {  	[hbm4b:s17+s3] =	stream.linear.scatter [tilespmem:s0], [sflag:$0x3], $0x800, $0x38;
	[tilespmem:$0x1EA00] =	vst v63  }
0xdb: {  	_ =	swait.ge [sflag:s20], $0x800  }
0xdc: {  	p1 =	seq.s32 s8, $0x28;
	[sflag:s20] =	ssyncset.done $0x0  }
0xdd: {  	s11 =	sadd.s32 @!p1 s13, s16;
	[sflag:s20] =	ssyncadd.s32 $0xFFFFF800  }
0xde: {  	[spmem:s2] =	stream.indirect.scatter.add.f32 [tilespmem:s24], [sflag:$0x3], $0x80, s22, s22, $0xb8;
	[tilespmem:$0x1EA00] =	vst v63  }
0xdf: {  	s14 =	simm.s32 @!p1 $0x0;
	s13 =	sshll.u32 @!p1 s11, $0x1;
	_ =	swait.ge [sflag:s20], $0x4000  }
0xe0: {  	s17 =	simm.s32 @!p1 $0x100;
	s13 =	sand.u32 @!p1 $0x1FFFFE00, s13;
	[sflag:s20] =	ssyncset.done $0x0  }
0xe1: {  	s11 =	sshrl.u32 @!p1 s11, $0x3;
	s13 =	sadd.s32 @!p1 s7, s13;
	[sflag:s20] =	ssyncadd.s32 $0xFFFFC000  }
0xe2: {  	[tilespmem:s17], [sflag:$0x1] =	stream.linear.gather @!p1 [hbm4b:s13+s14], $0x800, $0x38;
	[tilespmem:$0x1EA00] =	vst v63  }
0xe3: {  	s13 =	sadd.s32 @!p1 s5, s11  }
0xe4: {  	[tilespmem:s14], [sflag:$0x3] =	stream.linear.gather @!p1 [hbm4b:s13+s14], $0x80, $0x38;
	[tilespmem:$0x1EA00] =	vst v63  }
0xe5: {  	s13 =	simm.s32 @!p1 $0x3  }
0xe6: {  	_ =	swait.ge @!p1 [sflag:s13], $0x80  }
0xe7: {  	[sflag:s13] =	ssyncset.done @!p1 $0x0  }
0xe8: {  	s11 =	sadd.s32 @!p1 s6, s11;
	s17 =	simm.s32 @!p1 $0x80;
	[sflag:s13] =	ssyncadd.s32 @!p1 $0xFFFFFF80  }
0xe9: {  	[tilespmem:s17], [sflag:$0x3] =	stream.linear.gather @!p1 [hbm4b:s11+s14], $0x80, $0x38;
	[tilespmem:$0x1EA00] =	vst v63  }
0xea: {  	_ =	swait.ge @!p1 [sflag:s13], $0x80  }
0xeb: {  	[sflag:s13] =	ssyncset.done @!p1 $0x0  }
0xec: {  	s11 =	simm.s32 @!p1 $0x900;
	[sflag:s13] =	ssyncadd.s32 @!p1 $0xFFFFFF80  }
0xed: {  	[tilespmem:s11], [sflag:$0x1] =	stream.indirect.gather @!p1 [hbm4b:s1+s17], $0x10, s17, s17, $0xb8;
	[tilespmem:$0x1EA00] =	vst v63  }
0xee: {  	s11 =	simm.s32 @!p1 $0x1100  }
0xef: {  	[tilespmem:s11], [sflag:$0x1] =	stream.indirect.gather @!p1 [hbm4b:s4+s17], $0x80, s14, s17, $0xb8;
	[tilespmem:$0x1EA00] =	vst v63  }
0xf0: {  	_ =	swait.ge [sflag:s21], $0x800  }
0xf1: {  	[sflag:s21] =	ssyncset.done $0x0  }
0xf2: {  	[sflag:s21] =	ssyncadd.s32 $0xFFFFF800  }
0xf3: {  	_ =	swait.ge [sflag:s21], $0x800  }
0xf4: {  	[sflag:s21] =	ssyncset.done $0x0  }
0xf5: {  	[sflag:s21] =	ssyncadd.s32 $0xFFFFF800  }
0xf6: {  	_ =	swait.ge [sflag:s21], $0x4000  }
0xf7: {  	[sflag:s21] =	ssyncset.done $0x0  }
0xf8: {  	s18 =	simm.s32 $0x5A20;
	[sflag:s21] =	ssyncadd.s32 $0xFFFFC000  }
0xf9: {  	v0 =	vld [tilespmem:s18+$0x10];
	_ =	sdelay $0x1  }
0xfa: {  	v1 =	vld [tilespmem:s18+$0xFFFFFFE0];
	_ =	sdelay $0x1  }
0xfb: {  	v2 =	vld [tilespmem:s18+$0xFFFFFFF0]  }
0xfc: {  	(erf) = vrcp.f32 v0;
	_ =	sdelay $0x1  }
0xfd: {  	(erf) = vrcp.f32 v1;
	_ =	sdelay $0x1  }
0xfe: {  	s19 =	simm.s32 $0x5220;
	v0 =	vld [tilespmem:s18+$0x0];
	(erf) = vrcp.f32 v2  }
0xff: {  	v1 =	vld [tilespmem:s19+$0x10];
	_ =	sdelay $0x1  }
0x100: {  	v3 =	vld [tilespmem:s19+$0xFFFFFFE0];
	_ =	sdelay $0x1  }
0x101: {  	v2 =	vld [tilespmem:s19+$0xFFFFFFF0];
	(erf) = vrcp.f32 v0;
	v0 =	vpop (erf)  }
0x102: {  	v1 =	vmul.f32 v0, v1  }
0x103: {  	s23 =	simm.s32 $0xA220;
	s25 =	simm.s32 $0x5A60;
	v5 =	vld [tilespmem:s19+$0x0];
	v0 =	vpop (erf)  }
0x104: {  	s13 =	simm.s32 $0x6300;
	v53 =	vld [tilespmem:s25+$0x10];
	v0 =	vmul.f32 v0, v3;
	[tilespmem:s23+$0x10] =	vst v1  }
0x105: {  	v4 =	vpop (erf);
	v3 =	vld [tilespmem:s13+$0xF0]  }
0x106: {  	v2 =	vmul.f32 v4, v2;
	v4 =	vld [tilespmem:s13+$0x80];
	[tilespmem:s23+$0xFFFFFFE0] =	vst v0  }
0x107: {  	v7 =	vld [tilespmem:s13+$0xFFFFFF00]  }
0x108: {  	v8 =	vld [tilespmem:s13+$0xFFFFFF10]  }
0x109: {  	v10 =	vld [tilespmem:s13+$0xFFFFFF20]  }
0x10a: {  	(erf) = vrcp.f32 v53;
	v11 =	vbroadcast v1, $0x0;
	v14 =	vld [tilespmem:s13+$0xFFFFFF40]  }
0x10b: {  	v19 =	vbroadcast v1, $0x7;
	v49 =	vbroadcast v1, $0x1;
	v17 =	vld [tilespmem:s13+$0xFFFFFF50]  }
0x10c: {  	v50 =	vbroadcast v1, $0x2;
	v15 =	vbroadcast v0, $0x0;
	v20 =	vld [tilespmem:s13+$0xFFFFFF60]  }
0x10d: {  	v16 =	vbroadcast v0, $0x1;
	v18 =	vbroadcast v0, $0x2;
	[tilespmem:s23+$0xFFFFFFF0] =	vst v2;
	v23 =	vld [tilespmem:s13+$0xFFFFFF70]  }
0x10e: {  	v21 =	vbroadcast v0, $0x3;
	v22 =	vbroadcast v0, $0x4;
	v9 =	vpop (erf);
	v6 =	vld [tilespmem:s13+$0xFFFFFF80]  }
0x10f: {  	v24 =	vbroadcast v0, $0x5;
	v5 =	vmul.f32 v9, v5;
	v9 =	vld [tilespmem:s13+$0xFFFFFF30]  }
0x110: {  	v26 =	vbroadcast v0, $0x6;
	v27 =	vbroadcast v0, $0x7;
	v25 =	vld [tilespmem:s13+$0xFFFFFF90]  }
0x111: {  	v0 =	vbroadcast v1, $0x4;
	v12 =	vbroadcast v2, $0x0;
	v28 =	vld [tilespmem:s13+$0xFFFFFFA0]  }
0x112: {  	v13 =	vbroadcast v2, $0x1;
	v29 =	vbroadcast v2, $0x2;
	v31 =	vld [tilespmem:s13+$0xFFFFFFB0]  }
0x113: {  	v30 =	vbroadcast v2, $0x3;
	v32 =	vbroadcast v2, $0x4;
	v34 =	vld [tilespmem:s13+$0xFFFFFFC0]  }
0x114: {  	v33 =	vbroadcast v2, $0x5;
	v35 =	vbroadcast v2, $0x6;
	v37 =	vld [tilespmem:s13+$0xFFFFFFD0]  }
0x115: {  	v36 =	vbroadcast v2, $0x7;
	v2 =	vbroadcast v1, $0x3;
	v61 =	vld [tilespmem:s13+$0xFFFFFFE0]  }
0x116: {  	v56 =	vld [tilespmem:s13+$0xFFFFFFF0];
	v38 =	vbroadcast v5, $0x0;
	v60 =	vbroadcast v5, $0x1;
	[tilespmem:s23+$0x0] =	vst v5  }
0x117: {  	v62 =	vbroadcast v5, $0x2;
	v63 =	vbroadcast v5, $0x3;
	v59 =	vld [tilespmem:s13+$0x0]  }
0x118: {  	v57 =	vbroadcast v5, $0x4;
	v58 =	vbroadcast v5, $0x5;
	v48 =	vld [tilespmem:s13+$0x10]  }
0x119: {  	v47 =	vbroadcast v5, $0x6;
	v19 =	vmul.f32 v3, v19;
	v51 =	vld [tilespmem:s13+$0x20]  }
0x11a: {  	v5 =	vbroadcast v5, $0x7;
	v52 =	vld [tilespmem:s13+$0x30];
	v7 =	vmul.f32 v15, v7  }
0x11b: {  	v3 =	vbroadcast v1, $0x5;
	v8 =	vmul.f32 v8, v16;
	v15 =	vld [tilespmem:s25+$0xFFFFFFE0];
	[tilespmem:s13+$0xF0] =	vst v19  }
0x11c: {  	v1 =	vbroadcast v1, $0x6;
	v10 =	vmul.f32 v10, v18;
	v16 =	vld [tilespmem:s25+$0xFFFFFFF0];
	[tilespmem:s13+$0xFFFFFF00] =	vst v7  }
0x11d: {  	v14 =	vmul.f32 v14, v22;
	v17 =	vmul.f32 v17, v24;
	v18 =	vld [tilespmem:s25+$0x0];
	[tilespmem:s13+$0xFFFFFF10] =	vst v8  }
0x11e: {  	v9 =	vmul.f32 v9, v21;
	v19 =	vmul.f32 v20, v26;
	v21 =	vld [tilespmem:s13+$0x40];
	[tilespmem:s13+$0xFFFFFF20] =	vst v10  }
0x11f: {  	s17 =	simm.s32 $0x5260;
	v20 =	vmul.f32 v23, v27;
	v6 =	vmul.f32 v12, v6;
	v12 =	vld [tilespmem:s13+$0x60];
	[tilespmem:s13+$0xFFFFFF40] =	vst v14  }
0x120: {  	v22 =	vmul.f32 v56, v36;
	v23 =	vld [tilespmem:s17+$0x10];
	v8 =	vmul.f32 v25, v13;
	[tilespmem:s13+$0xFFFFFF50] =	vst v17  }
0x121: {  	v26 =	vld [tilespmem:s17+$0x0];
	v10 =	vmul.f32 v28, v29;
	[tilespmem:s13+$0xFFFFFF30] =	vst v9;
	(erf) = vrcp.f32 v15  }
0x122: {  	v7 =	vld [tilespmem:s13+$0x50];
	v14 =	vmul.f32 v34, v32;
	[tilespmem:s13+$0xFFFFFF60] =	vst v19;
	(erf) = vrcp.f32 v16  }
0x123: {  	v13 =	vld [tilespmem:s13+$0x70];
	v17 =	vmul.f32 v61, v35;
	[tilespmem:s13+$0xFFFFFF70] =	vst v20;
	(erf) = vrcp.f32 v18  }
0x124: {  	v25 =	vld [tilespmem:s17+$0xFFFFFFF0];
	v34 =	vmul.f32 v11, v4;
	v9 =	vmul.f32 v31, v30;
	[tilespmem:s13+$0xFFFFFF80] =	vst v6  }
0x125: {  	v4 =	vld [tilespmem:s13+$0xB0];
	v19 =	vmul.f32 v38, v59;
	v24 =	vmul.f32 v48, v60;
	[tilespmem:s13+$0xFFFFFF90] =	vst v8  }
0x126: {  	v20 =	vmul.f32 v51, v62;
	[tilespmem:s13+$0xFFFFFFA0] =	vst v10;
	v6 =	vpop (erf);
	v11 =	vmul.f32 v21, v57;
	v21 =	vld [tilespmem:s17+$0xFFFFFFE0]  }
0x127: {  	v28 =	vmul.f32 v52, v63;
	[tilespmem:s13+$0xFFFFFFC0] =	vst v14;
	v15 =	vld [tilespmem:s13+$0x90];
	v35 =	vmul.f32 v6, v23  }
0x128: {  	s18 =	simm.s32 $0xA260;
	[tilespmem:s13+$0xFFFFFFB0] =	vst v9;
	v16 =	vmul.f32 v37, v33;
	v12 =	vmul.f32 v12, v47;
	v18 =	vld [tilespmem:s13+$0xA0]  }
0x129: {  	v6 =	vld [tilespmem:s13+$0xD0];
	v30 =	vmul.f32 v7, v58;
	v10 =	vmul.f32 v13, v5;
	[tilespmem:s18+$0x10] =	vst v35  }
0x12a: {  	s14 =	simm.s32 $0x6500;
	v5 =	vld [tilespmem:s13+$0xC0];
	v8 =	vbroadcast v35, $0x0;
	[tilespmem:s13+$0x40] =	vst v11;
	v11 =	vbroadcast v35, $0x1;
	v13 =	vpop (erf)  }
0x12b: {  	[tilespmem:s13+$0x0] =	vst v19;
	v19 =	vbroadcast v35, $0x3;
	v14 =	vld [tilespmem:s14+$0xF0];
	v7 =	vpop (erf);
	v13 =	vmul.f32 v13, v21  }
0x12c: {  	[tilespmem:s13+$0xFFFFFFD0] =	vst v16;
	v36 =	vmul.f32 v15, v49;
	v15 =	vmul.f32 v7, v25;
	v9 =	vpop (erf);
	v7 =	vld [tilespmem:s13+$0xE0]  }
0x12d: {  	v37 =	vmul.f32 v18, v50;
	v18 =	vmul.f32 v9, v26;
	v9 =	vld [tilespmem:s14+$0x80];
	[tilespmem:s18+$0xFFFFFFE0] =	vst v13  }
0x12e: {  	[tilespmem:s13+$0x70] =	vst v10;
	v10 =	vbroadcast v35, $0x2;
	v21 =	vbroadcast v35, $0x7;
	v16 =	vld [tilespmem:s14+$0xFFFFFF00]  }
0x12f: {  	v38 =	vbroadcast v13, $0x0;
	v41 =	vbroadcast v13, $0x1;
	v44 =	vld [tilespmem:s14+$0xFFFFFF10]  }
0x130: {  	v43 =	vbroadcast v13, $0x2;
	v45 =	vbroadcast v13, $0x3;
	v47 =	vld [tilespmem:s14+$0xFFFFFF20]  }
0x131: {  	v46 =	vbroadcast v13, $0x4;
	v48 =	vbroadcast v13, $0x5;
	v49 =	vld [tilespmem:s14+$0xFFFFFF30]  }
0x132: {  	[tilespmem:s13+$0xFFFFFFE0] =	vst v17;
	v17 =	vmul.f32 v14, v21;
	v60 =	vbroadcast v13, $0x6;
	v62 =	vld [tilespmem:s14+$0xFFFFFF40]  }
0x133: {  	[tilespmem:s13+$0xFFFFFFF0] =	vst v22;
	v61 =	vbroadcast v13, $0x7;
	v39 =	vbroadcast v15, $0x0;
	v63 =	vld [tilespmem:s14+$0xFFFFFF50]  }
0x134: {  	[tilespmem:s13+$0x10] =	vst v24;
	v40 =	vbroadcast v15, $0x1;
	v29 =	vbroadcast v15, $0x2;
	v54 =	vld [tilespmem:s14+$0xFFFFFF60]  }
0x135: {  	[tilespmem:s18+$0xFFFFFFF0] =	vst v15;
	v26 =	vbroadcast v15, $0x3;
	v27 =	vbroadcast v15, $0x4;
	v55 =	vld [tilespmem:s14+$0xFFFFFF70]  }
0x136: {  	[tilespmem:s13+$0x30] =	vst v28;
	v25 =	vbroadcast v15, $0x5;
	v28 =	vbroadcast v15, $0x6;
	v42 =	vld [tilespmem:s14+$0xFFFFFF80]  }
0x137: {  	[tilespmem:s13+$0x20] =	vst v20;
	v23 =	vbroadcast v15, $0x7;
	v24 =	vbroadcast v18, $0x0;
	v56 =	vld [tilespmem:s14+$0xFFFFFF90]  }
0x138: {  	[tilespmem:s13+$0x50] =	vst v30;
	v20 =	vbroadcast v18, $0x1;
	v22 =	vbroadcast v18, $0x2;
	v30 =	vld [tilespmem:s14+$0xFFFFFFA0]  }
0x139: {  	[tilespmem:s13+$0x80] =	vst v34;
	v21 =	vbroadcast v18, $0x3;
	v15 =	vbroadcast v18, $0x4;
	v31 =	vld [tilespmem:s14+$0xFFFFFFB0]  }
0x13a: {  	[tilespmem:s13+$0x60] =	vst v12;
	v13 =	vbroadcast v18, $0x5;
	v14 =	vbroadcast v18, $0x6;
	v32 =	vld [tilespmem:s14+$0xFFFFFFC0]  }
0x13b: {  	v12 =	vbroadcast v18, $0x7;
	[tilespmem:s14+$0xF0] =	vst v17;
	v33 =	vld [tilespmem:s14+$0xFFFFFFD0];
	v17 =	vbroadcast v35, $0x4  }
0x13c: {  	[tilespmem:s18+$0x0] =	vst v18;
	v34 =	vld [tilespmem:s14+$0xFFFFFFE0];
	v18 =	vbroadcast v35, $0x5;
	v38 =	vmul.f32 v38, v16  }
0x13d: {  	[tilespmem:s13+$0x90] =	vst v36;
	v36 =	vld [tilespmem:s14+$0x0];
	v16 =	vbroadcast v35, $0x6;
	v41 =	vmul.f32 v44, v41  }
0x13e: {  	[tilespmem:s13+$0xA0] =	vst v37;
	v37 =	vld [tilespmem:s14+$0x10];
	v47 =	vmul.f32 v47, v43;
	v45 =	vmul.f32 v49, v45  }
0x13f: {  	v35 =	vld [tilespmem:s14+$0xFFFFFFF0];
	v46 =	vmul.f32 v62, v46;
	v43 =	vmul.f32 v63, v48;
	[tilespmem:s14+$0xFFFFFF00] =	vst v38  }
0x140: {  	v44 =	vmul.f32 v54, v60;
	v42 =	vmul.f32 v39, v42;
	v39 =	vld [tilespmem:s14+$0x30];
	[tilespmem:s14+$0xFFFFFF10] =	vst v41  }
0x141: {  	s11 =	simm.s32 $0x6500;
	s19 =	simm.s32 $0x4;
	s23 =	simm.s32 $0x5AA0;
	v40 =	vmul.f32 v56, v40;
	v41 =	vmul.f32 v55, v61;
	v38 =	vld [tilespmem:s14+$0x20];
	[tilespmem:s14+$0xFFFFFF20] =	vst v47  }
.LBB2_5:
0x142: {  	v47 =	vld [tilespmem:s23+$0x10];
	s19 =	sadd.s32 $0x4, s19;
	[tilespmem:s14+$0xFFFFFF30] =	vst v45;
	v29 =	vmul.f32 v30, v29;
	v26 =	vmul.f32 v31, v26  }
0x143: {  	v27 =	vmul.f32 v32, v27;
	v25 =	vmul.f32 v33, v25;
	v30 =	vld [tilespmem:s23+$0xFFFFFFE0];
	p1 =	slt.u32 s19, $0x7C;
	[tilespmem:s14+$0xFFFFFF40] =	vst v46  }
0x144: {  	v28 =	vmul.f32 v34, v28;
	v23 =	vmul.f32 v35, v23;
	v31 =	vld [tilespmem:s23+$0xFFFFFFF0];
	[tilespmem:s14+$0xFFFFFF50] =	vst v43  }
0x145: {  	v24 =	vmul.f32 v24, v36;
	v20 =	vmul.f32 v37, v20;
	v32 =	vld [tilespmem:s23+$0x0];
	[tilespmem:s14+$0xFFFFFF60] =	vst v44  }
0x146: {  	v22 =	vmul.f32 v38, v22;
	[tilespmem:s14+$0xFFFFFF70] =	vst v41;
	v21 =	vmul.f32 v39, v21;
	v33 =	vld [tilespmem:s14+$0x40]  }
0x147: {  	v35 =	vmul.f32 v8, v9;
	(erf) = vrcp.f32 v47;
	[tilespmem:s14+$0xFFFFFF80] =	vst v42;
	v34 =	vld [tilespmem:s14+$0x50]  }
0x148: {  	(erf) = vrcp.f32 v30;
	[tilespmem:s14+$0xFFFFFF90] =	vst v40;
	v8 =	vld [tilespmem:s14+$0x60];
	v30 =	vmul.f32 v4, v2;
	v2 =	vmov v19  }
0x149: {  	v19 =	vmul.f32 v5, v0;
	v0 =	vmov v17;
	(erf) = vrcp.f32 v31;
	[tilespmem:s14+$0xFFFFFFA0] =	vst v29;
	v4 =	vld [tilespmem:s14+$0x70]  }
0x14a: {  	v17 =	vmul.f32 v6, v3;
	v3 =	vmov v18;
	(erf) = vrcp.f32 v32;
	[tilespmem:s14+$0xFFFFFFB0] =	vst v26;
	v5 =	vld [tilespmem:s14+$0x90]  }
0x14b: {  	s17 =	sadd.s32 $0x40, s17;
	v18 =	vmul.f32 v7, v1;
	v1 =	vmov v16;
	[tilespmem:s14+$0xFFFFFFC0] =	vst v27;
	v9 =	vmul.f32 v33, v15;
	v6 =	vld [tilespmem:s14+$0xA0]  }
0x14c: {  	v7 =	vld [tilespmem:s17+$0x10];
	[tilespmem:s14+$0xFFFFFFD0] =	vst v25;
	v13 =	vmul.f32 v34, v13  }
0x14d: {  	v15 =	vld [tilespmem:s17+$0xFFFFFFF0];
	[tilespmem:s14+$0xFFFFFFE0] =	vst v28;
	v14 =	vmul.f32 v8, v14  }
0x14e: {  	v16 =	vld [tilespmem:s17+$0x0];
	[tilespmem:s14+$0xFFFFFFF0] =	vst v23;
	v12 =	vmul.f32 v4, v12  }
0x14f: {  	v23 =	vld [tilespmem:s17+$0xFFFFFFE0];
	[tilespmem:s14+$0x0] =	vst v24;
	v11 =	vmul.f32 v5, v11  }
0x150: {  	v5 =	vpop (erf);
	[tilespmem:s14+$0x10] =	vst v20;
	v10 =	vmul.f32 v6, v10;
	v4 =	vld [tilespmem:s14+$0xB0]  }
0x151: {  	v36 =	vmul.f32 v5, v7;
	v20 =	vpop (erf);
	[tilespmem:s14+$0x20] =	vst v22;
	v5 =	vld [tilespmem:s14+$0xC0]  }
0x152: {  	s18 =	sadd.s32 $0x40, s18;
	v7 =	vpop (erf);
	[tilespmem:s14+$0x30] =	vst v21;
	v6 =	vld [tilespmem:s14+$0xD0]  }
0x153: {  	s14 =	sadd.s32 $0x200, s14;
	v15 =	vmul.f32 v7, v15;
	[tilespmem:s18+$0x10] =	vst v36;
	v8 =	vbroadcast v36, $0x0;
	v21 =	vpop (erf);
	v7 =	vld [tilespmem:s11+$0xE0]  }
0x154: {  	v20 =	vmul.f32 v20, v23;
	v16 =	vmul.f32 v21, v16;
	v21 =	vld [tilespmem:s14+$0xF0];
	[tilespmem:s11+$0x40] =	vst v9  }
0x155: {  	[tilespmem:s18+$0xFFFFFFF0] =	vst v15;
	v39 =	vbroadcast v15, $0x0;
	v40 =	vbroadcast v15, $0x1;
	v9 =	vld [tilespmem:s14+$0x80]  }
0x156: {  	[tilespmem:s18+$0xFFFFFFE0] =	vst v20;
	v37 =	vbroadcast v20, $0x0;
	v38 =	vbroadcast v20, $0x1;
	v42 =	vld [tilespmem:s14+$0xFFFFFF80]  }
0x157: {  	v22 =	vbroadcast v36, $0x7;
	v43 =	vbroadcast v20, $0x2;
	v41 =	vld [tilespmem:s14+$0xFFFFFF00];
	[tilespmem:s18+$0x0] =	vst v16  }
0x158: {  	v45 =	vbroadcast v20, $0x3;
	v46 =	vbroadcast v20, $0x4;
	v44 =	vld [tilespmem:s14+$0xFFFFFF10];
	[tilespmem:s11+$0x50] =	vst v13  }
0x159: {  	v48 =	vbroadcast v20, $0x5;
	v47 =	vld [tilespmem:s14+$0xFFFFFF20];
	v13 =	vmul.f32 v21, v22;
	[tilespmem:s11+$0x60] =	vst v14  }
0x15a: {  	v50 =	vbroadcast v20, $0x6;
	v51 =	vbroadcast v20, $0x7;
	v49 =	vld [tilespmem:s14+$0xFFFFFF30];
	[tilespmem:s11+$0x70] =	vst v12  }
0x15b: {  	v29 =	vbroadcast v15, $0x2;
	v26 =	vbroadcast v15, $0x3;
	v52 =	vld [tilespmem:s14+$0xFFFFFF40];
	[tilespmem:s14+$0xF0] =	vst v13  }
0x15c: {  	v27 =	vbroadcast v15, $0x4;
	v25 =	vbroadcast v15, $0x5;
	v53 =	vld [tilespmem:s14+$0xFFFFFF50];
	[tilespmem:s11+$0x80] =	vst v35  }
0x15d: {  	v28 =	vbroadcast v15, $0x6;
	v23 =	vbroadcast v15, $0x7;
	v54 =	vld [tilespmem:s14+$0xFFFFFF60];
	[tilespmem:s11+$0x90] =	vst v11  }
0x15e: {  	v24 =	vbroadcast v16, $0x0;
	v20 =	vbroadcast v16, $0x1;
	v55 =	vld [tilespmem:s14+$0xFFFFFF70];
	[tilespmem:s11+$0xA0] =	vst v10  }
0x15f: {  	v22 =	vbroadcast v16, $0x2;
	v21 =	vbroadcast v16, $0x3;
	v56 =	vld [tilespmem:s14+$0xFFFFFF90];
	[tilespmem:s13+$0xB0] =	vst v30  }
0x160: {  	v15 =	vbroadcast v16, $0x4;
	v13 =	vbroadcast v16, $0x5;
	v30 =	vld [tilespmem:s14+$0xFFFFFFA0];
	[tilespmem:s13+$0xC0] =	vst v19  }
0x161: {  	v14 =	vbroadcast v16, $0x6;
	v12 =	vbroadcast v16, $0x7;
	v31 =	vld [tilespmem:s14+$0xFFFFFFB0];
	[tilespmem:s13+$0xD0] =	vst v17  }
0x162: {  	v11 =	vbroadcast v36, $0x1;
	v10 =	vbroadcast v36, $0x2;
	v32 =	vld [tilespmem:s14+$0xFFFFFFC0];
	[tilespmem:s13+$0xE0] =	vst v18;
	s13 =	smov.u32 s11;
	s11 =	smov.u32 s14  }
0x163: {  	v19 =	vbroadcast v36, $0x3;
	v17 =	vbroadcast v36, $0x4;
	v33 =	vld [tilespmem:s14+$0xFFFFFFD0]  }
0x164: {  	v16 =	vbroadcast v36, $0x6;
	v18 =	vbroadcast v36, $0x5;
	v34 =	vld [tilespmem:s14+$0xFFFFFFE0]  }
.Ltmp1:
0x165: {  	v37 =	vmul.f32 v37, v41;
	v38 =	vmul.f32 v44, v38;
	v35 =	vld [tilespmem:s14+$0xFFFFFFF0];
	(pc) =	sbr.rel @p1 .LBB2_5-.Ltmp1, $4  }
0x166: {  	v47 =	vmul.f32 v47, v43;
	v45 =	vmul.f32 v49, v45;
	v36 =	vld [tilespmem:s14+$0x0]  }
0x167: {  	v46 =	vmul.f32 v52, v46;
	v43 =	vmul.f32 v53, v48;
	[tilespmem:s14+$0xFFFFFF00] =	vst v37;
	v37 =	vld [tilespmem:s14+$0x10]  }
0x168: {  	v44 =	vmul.f32 v54, v50;
	v41 =	vmul.f32 v55, v51;
	[tilespmem:s14+$0xFFFFFF10] =	vst v38;
	v38 =	vld [tilespmem:s14+$0x20]  }
0x169: {  	s23 =	sadd.s32 $0x40, s23;
	v42 =	vmul.f32 v39, v42;
	v40 =	vmul.f32 v56, v40;
	[tilespmem:s14+$0xFFFFFF20] =	vst v47;
	v39 =	vld [tilespmem:s14+$0x30]  }
0x16a: {  	[tilespmem:s14+$0xFFFFFF30] =	vst v45  }
0x16b: {  	[tilespmem:s14+$0xFFFFFF40] =	vst v46  }
0x16c: {  	[tilespmem:s14+$0xFFFFFF50] =	vst v43  }
0x16d: {  	[tilespmem:s14+$0xFFFFFF60] =	vst v44  }
0x16e: {  	[tilespmem:s14+$0xFFFFFF70] =	vst v41  }
0x16f: {  	v29 =	vmul.f32 v30, v29;
	[tilespmem:s14+$0xFFFFFF80] =	vst v42  }
0x170: {  	v26 =	vmul.f32 v31, v26;
	[tilespmem:s14+$0xFFFFFF90] =	vst v40  }
0x171: {  	v27 =	vmul.f32 v32, v27;
	[tilespmem:s14+$0xFFFFFFA0] =	vst v29  }
0x172: {  	v25 =	vmul.f32 v33, v25;
	[tilespmem:s14+$0xFFFFFFB0] =	vst v26  }
0x173: {  	v49 =	vmul.f32 v34, v28;
	v54 =	vld [tilespmem:s14+$0x90];
	[tilespmem:s14+$0xFFFFFFC0] =	vst v27  }
0x174: {  	v23 =	vmul.f32 v35, v23;
	v55 =	vld [tilespmem:s14+$0xA0];
	[tilespmem:s14+$0xFFFFFFD0] =	vst v25  }
0x175: {  	v56 =	vld [tilespmem:s14+$0xB0];
	v8 =	vmul.f32 v8, v9;
	[tilespmem:s14+$0xFFFFFFE0] =	vst v49  }
0x176: {  	v57 =	vld [tilespmem:s14+$0xC0];
	v2 =	vmul.f32 v4, v2;
	[tilespmem:s14+$0xFFFFFFF0] =	vst v23  }
0x177: {  	v58 =	vld [tilespmem:s14+$0xD0];
	v0 =	vmul.f32 v5, v0;
	[tilespmem:s11+$0x80] =	vst v8  }
0x178: {  	v3 =	vmul.f32 v6, v3;
	[tilespmem:s13+$0xB0] =	vst v2  }
0x179: {  	v50 =	vld [tilespmem:s14+$0x40];
	v1 =	vmul.f32 v7, v1;
	[tilespmem:s13+$0xC0] =	vst v0  }
0x17a: {  	v51 =	vld [tilespmem:s14+$0x50];
	v24 =	vmul.f32 v24, v36;
	[tilespmem:s13+$0xD0] =	vst v3  }
0x17b: {  	v52 =	vld [tilespmem:s14+$0x60];
	v20 =	vmul.f32 v37, v20;
	[tilespmem:s13+$0xE0] =	vst v1  }
0x17c: {  	v53 =	vld [tilespmem:s14+$0x70];
	v22 =	vmul.f32 v38, v22;
	[tilespmem:s14+$0x0] =	vst v24  }
0x17d: {  	v21 =	vmul.f32 v39, v21;
	[tilespmem:s14+$0x10] =	vst v20  }
0x17e: {  	v15 =	vmul.f32 v50, v15;
	[tilespmem:s14+$0x20] =	vst v22  }
0x17f: {  	v13 =	vmul.f32 v51, v13;
	[tilespmem:s14+$0x30] =	vst v21  }
0x180: {  	v14 =	vmul.f32 v52, v14;
	[tilespmem:s11+$0x40] =	vst v15  }
0x181: {  	v12 =	vmul.f32 v53, v12;
	[tilespmem:s11+$0x50] =	vst v13  }
0x182: {  	v59 =	vld [tilespmem:s11+$0xE0];
	v11 =	vmul.f32 v54, v11;
	[tilespmem:s11+$0x60] =	vst v14  }
0x183: {  	v10 =	vmul.f32 v55, v10;
	[tilespmem:s11+$0x70] =	vst v12  }
0x184: {  	v60 =	vmul.f32 v56, v19;
	[tilespmem:s11+$0x90] =	vst v11  }
0x185: {  	v61 =	vmul.f32 v57, v17;
	[tilespmem:s11+$0xA0] =	vst v10  }
0x186: {  	v62 =	vmul.f32 v58, v18;
	[tilespmem:s11+$0xB0] =	vst v60  }
0x187: {  	v63 =	vmul.f32 v59, v16;
	[tilespmem:s11+$0xC0] =	vst v61  }
0x188: {  	[tilespmem:s11+$0xD0] =	vst v62  }
0x189: {  	s25 =	sadd.s32 s9, s12;
	[tilespmem:s11+$0xE0] =	vst v63  }
0x18a: {  	[hbm4b:s25+s3] =	stream.linear.scatter [tilespmem:s0], [sflag:$0x3], $0x800, $0x38;
	[tilespmem:$0x1EA00] =	vst v63  }
0x18b: {  	s8 =	sadd.s32 $0x1, s8;
	_ =	swait.ge [sflag:s20], $0x800  }
0x18c: {  	p1 =	sne.s32 s8, $0x29;
	[sflag:s20] =	ssyncset.done $0x0  }
.Ltmp2:
0x18d: {  	[sflag:s20] =	ssyncadd.s32 $0xFFFFF800;
	(pc) =	sbr.rel @p1 .LBB2_2-.Ltmp2, $4  }
0x18e: {  	[spmem:s2] =	stream.indirect.scatter.add.f32 [tilespmem:s30], [sflag:$0x3], $0x80, s28, s22, $0xb8;
	[tilespmem:$0x1EA00] =	vst v63  }
0x18f: {  	_ =	swait.ge [sflag:s20], $0x4000  }
0x190: {  	[sflag:s20] =	ssyncset.done $0x0  }
0x191: {  	[sflag:s20] =	ssyncadd.s32 $0xFFFFC000  }
0x192: {  	[bflag:$0x0] =	sbarrier.arrive $0xFFFF  }
0x193: {  	s17 =	rddreg [dreg:$0x6]  }
0x194: {  	s8 =	sshrl.u32 @!p0 s2, $0x3;
	s11 =	rddreg [dreg:$0xa]  }
0x195: {  	[hbm:s11], [sflag:s17] =	dma.local @!p0 [spmem:s8], $0x28000  }
0x196: {  	s8 =	simm.s32 @!p0 $0x3  }
0x197: {  	_ =	swait.ge @!p0 [sflag:s8], $0x28000  }
0x198: {  	s12 =	rddreg [dreg:$0xd]  }
0x199: {  	s25 =	rddreg [dreg:$0xb];
	s12 =	sadd.s32 $0x1, s12  }
0x19a: {  	p1 =	sne.s32 s12, s25  }
.Ltmp3:
0x19b: {  	_ = 	snop;
	(pc) =	sbr.rel @p1 .LBB2_1-.Ltmp3, $3  }
0x19c: {  	_ =	sdelay $0x1  }
0x19d: {  	[sflag:s8] =	ssyncset.done @!p0 $0x0  }
0x19e: {  	[sflag:s8] =	ssyncadd.s32 @!p0 $0xFFFD8000  }
0x19f: {  	_ =	sfence.sel $0x180000  }
0x1a0: {  	[bflag:$0x0] =	sbarrier.arrive $0xFFFF  }
0x1a1: {  	_ =	strace $0x90000053  }
0x1a2: {  	[bflag:$0x2] =	sbarrier.arrive $0xFFFF  }
0x1a3: {  	s0 =	rddreg [dreg:$0x4]  }
0x1a4: {  	s0 =	sadd.s32 @!p0 $0x100000, s0  }
0x1a5: {  	[sflag:s0] =	ssyncadd.tile.s32 @!p0 $0x1;
	_ =	shalt  }
.Lfunc_end2:
_tile_overlayer_lowered:
.L_overlay_start_2:
0x1a6: {  	(tag) =	ssettag $0x2  }
0x1a7: {  	s0 =	rddreg [dreg:$0x0];
	s2 =	stileid.u32  }
0x1a8: {  	s1 =	rddreg [dreg:$0x1];
	p0 =	sne.s32 s2, $0x0  }
0x1a9: {  	s3 =	rddreg [dreg:$0x2];
	[bflag:$0x3] =	sbarrier.arrive $0xFFFF;
	s2 =	simm.s32 @!p0 $0x1C03  }
0x1aa: {  	[timem:s3], [sflag:s2] =	dma.local @!p0 [hbm:s0], s1  }
0x1ab: {  	s0 =	simm.s32 @!p0 $0x3  }
0x1ac: {  	_ =	swait.ge @!p0 [sflag:s0], s1  }
0x1ad: {  	s1 =	ssub.s32 @!p0 $0x0, s1;
	[sflag:s0] =	ssyncset.done @!p0 $0x0  }
0x1ae: {  	[sflag:s0] =	ssyncadd.s32 @!p0 s1  }
0x1af: {  	[bflag:$0x3] =	sbarrier.arrive $0xFFFF  }
0x1b0: {  	_ =	shalt  }

</sc_bundles>
